<compile_context>
chip_gen: v7x
topology: tpu7x:2x2x1
jax: 0.10.2.dev20260603
libtpu: 0.0.44.dev20260713+nightly
codegen_flags: <defaults>
</compile_context>

<pallas_src>
import functools

import jax
import jax.numpy as jnp
from jax import lax
from jax.experimental import pallas as pl
from jax.experimental.pallas import tpu as pltpu
from jax.experimental.pallas import tpu_sc as plsc

B = 16384
D = 64
L = 16
NC = 2
NS = 16
NW = NC * NS
BPW = B // NW
CHUNK = 128
NCHUNK = BPW // CHUNK

_mesh = plsc.VectorSubcoreMesh(core_axis_name="c", subcore_axis_name="s")


@functools.partial(
    pl.kernel,
    out_type=jax.ShapeDtypeStruct((B,), jnp.float32),
    mesh=_mesh,
    compiler_params=pltpu.CompilerParams(
        needs_layout_passes=False, use_tc_tiling_on_sc=False),
    scratch_types=[
        pltpu.VMEM((BPW,), jnp.int32),
        pltpu.VMEM((BPW,), jnp.int32),
        pltpu.VMEM((CHUNK, D), jnp.float32),
        pltpu.VMEM((CHUNK, D), jnp.float32),
        pltpu.VMEM((BPW,), jnp.float32),
        pltpu.VMEM((L * L,), jnp.float32),
        pltpu.VMEM((D + L,), jnp.float32),
        pltpu.SemaphoreType.DMA,
        pltpu.SemaphoreType.DMA,
    ],
)
def _gmf_sc(uidx_hbm, vidx_hbm, ut_hbm, it_hbm, wb_hbm, out_hbm,
            uidx_v, vidx_v, urows, vrows, outv, mat, wv, sem_u, sem_v):
    wid = lax.axis_index("s") * NC + lax.axis_index("c")
    base = wid * BPW

    pltpu.sync_copy(uidx_hbm.at[pl.ds(base, BPW)], uidx_v)
    pltpu.sync_copy(vidx_hbm.at[pl.ds(base, BPW)], vidx_v)
    pltpu.sync_copy(wb_hbm, wv)

    w = [wv[pl.ds(c * L, L)] for c in range(D // L)]
    bvec = wv[pl.ds(D, L)]
    col_base = lax.iota(jnp.int32, L) * L
    idxcol = [col_base + l for l in range(L)]

    for j in range(NCHUNK):
        cu = pltpu.async_copy(ut_hbm.at[uidx_v.at[pl.ds(j * CHUNK, CHUNK)]],
                              urows, sem_u)
        cv = pltpu.async_copy(it_hbm.at[vidx_v.at[pl.ds(j * CHUNK, CHUNK)]],
                              vrows, sem_v)
        cu.wait()
        cv.wait()

        def group_body(g, carry, j=j):
            i0 = g * L
            for r in range(L):
                acc = (urows[i0 + r, pl.ds(0, L)]
                       * vrows[i0 + r, pl.ds(0, L)]) * w[0]
                for c in range(1, D // L):
                    acc += (urows[i0 + r, pl.ds(c * L, L)]
                            * vrows[i0 + r, pl.ds(c * L, L)]) * w[c]
                mat[pl.ds(r * L, L)] = acc
            cols = [plsc.load_gather(mat, [idxcol[l]]) for l in range(L)]
            while len(cols) > 1:
                cols = [cols[i] + cols[i + 1] for i in range(0, len(cols), 2)]
            colsum = cols[0] + bvec
            outv[pl.ds(j * CHUNK + i0, L)] = 1.0 / (1.0 + jnp.exp(-colsum))
            return carry

        lax.fori_loop(0, CHUNK // L, group_body, 0)

    pltpu.sync_copy(outv, out_hbm.at[pl.ds(base, BPW)])


def kernel(input, user_table, item_table, W, b):
    idx = input.astype(jnp.int32)
    wb = jnp.concatenate([W.reshape(D), jnp.broadcast_to(b, (L,))])
    return _gmf_sc(idx[:, 0], idx[:, 1], user_table, item_table, wb)

# --- scband reference (transcript-rebuilt; emitter-appended) ---
"""Pipeline reference for scband-gmf-11227044512288 (READ-ONLY COPY).

The authoritative reference and input builder live on the scoring server;
editing this copy changes nothing except your own understanding.
"""

import jax, jax.numpy as jnp
import numpy as np

NUM_USERS = 100000
NUM_ITEMS = 100000
EMBED_DIM = 64
BATCH = 16384

def setup_inputs(seed: int = 0) -> dict:
    key = jax.random.key(seed)
    k1, k2, k3, k4, k5 = jax.random.split(key, 5)
    inp = jax.random.randint(k1, (BATCH, 2), 0, NUM_USERS, dtype=jnp.int64)
    user_table = jax.random.normal(k2, (NUM_USERS, EMBED_DIM), dtype=jnp.float32) * 0.02
    item_table = jax.random.normal(k3, (NUM_ITEMS, EMBED_DIM), dtype=jnp.float32) * 0.02
    W = jax.random.normal(k4, (EMBED_DIM, 1), dtype=jnp.float32) * (1.0 / np.sqrt(EMBED_DIM))
    b = jax.random.normal(k5, (1,), dtype=jnp.float32) * 0.01
    return {"input": inp, "user_table": user_table, "item_table": item_table, "W": W, "b": b}

def reference(input, user_table, item_table, W, b):
    idx = input.astype(jnp.int32)
    u = jnp.take(user_table, idx[:, 0], axis=0)
    v = jnp.take(item_table, idx[:, 1], axis=0)
    predict = u * v
    linear = predict @ W + b
    out = jax.nn.sigmoid(linear)
    return jnp.squeeze(out, axis=-1)

if __name__ == "__main__":
    import jax
    _d = setup_inputs()
    print(jax.jit(kernel)(*tuple(_d.values())))

</pallas_src>

<mosaic_0001>
#map = affine_map<(d0, d1) -> (0)>
#map1 = affine_map<(d0, d1) -> (0, 0)>
module attributes {stable_mosaic.version = 14 : i64} {
  func.func @_gmf_sc(%arg0: i32, %arg1: i32, %arg2: memref<16384xi32, #tpu.memory_space<hbm>>, %arg3: memref<16384xi32, #tpu.memory_space<hbm>>, %arg4: memref<100000x64xf32, #tpu.memory_space<hbm>>, %arg5: memref<100000x64xf32, #tpu.memory_space<hbm>>, %arg6: memref<80xf32, #tpu.memory_space<hbm>>, %arg7: memref<16384xf32, #tpu.memory_space<hbm>>, %arg8: memref<512xi32, #tpu.memory_space<vmem>>, %arg9: memref<512xi32, #tpu.memory_space<vmem>>, %arg10: memref<128x64xf32, #tpu.memory_space<vmem>>, %arg11: memref<128x64xf32, #tpu.memory_space<vmem>>, %arg12: memref<512xf32, #tpu.memory_space<vmem>>, %arg13: memref<256xf32, #tpu.memory_space<vmem>>, %arg14: memref<80xf32, #tpu.memory_space<vmem>>, %arg15: memref<!tpu.dma_semaphore, #tpu.memory_space<semaphore_mem>>, %arg16: memref<!tpu.dma_semaphore, #tpu.memory_space<semaphore_mem>>) attributes {dimension_semantics = [#tpu.dimension_semantics<core_parallel>, #tpu.dimension_semantics<subcore_parallel>], iteration_bounds = array<i64: 2, 16>, scalar_prefetch = 0 : i64, scratch_operands = 9 : i64, tpu.core_type = #tpu.core_type<sc_vector_subcore>, window_params = [{transform_indices = #map}, {transform_indices = #map}, {transform_indices = #map1}, {transform_indices = #map1}, {transform_indices = #map}, {transform_indices = #map}]} {
    %mul3A = arith.constant 2 : i32
    %mul3A_0 = arith.muli %arg1, %mul3A : i32
    %add3A = arith.addi %mul3A_0, %arg0 : i32
    %mul3A_1 = arith.constant 512 : i32
    %mul3A_2 = arith.muli %add3A, %mul3A_1 : i32
    "tpu.region"() ({
      %run_scoped3A = tpu.sem_alloc : memref<!tpu.dma_semaphore, #tpu.memory_space<semaphore_mem>>
      %dma_start3A_164 = tpu.memref_slice %arg2[%mul3A_2] : memref<16384xi32, #tpu.memory_space<hbm>> -> memref<512xi32, #tpu.memory_space<hbm>>
      %dma_start3A_165 = tpu.memref_slice %arg2[%mul3A_2] : memref<16384xi32, #tpu.memory_space<hbm>> -> memref<512xi32, #tpu.memory_space<hbm>>
      tpu.enqueue_dma source(%dma_start3A_165 : memref<512xi32, #tpu.memory_space<hbm>>) target(%arg8 : memref<512xi32, #tpu.memory_space<vmem>>) target_semaphore(%run_scoped3A : memref<!tpu.dma_semaphore, #tpu.memory_space<semaphore_mem>>)
      %dma_wait3A_166 = tpu.memref_slice %arg2[%mul3A_2] : memref<16384xi32, #tpu.memory_space<hbm>> -> memref<512xi32, #tpu.memory_space<hbm>>
      %dma_wait3A_167 = tpu.memref_slice %arg2[%mul3A_2] : memref<16384xi32, #tpu.memory_space<hbm>> -> memref<512xi32, #tpu.memory_space<hbm>>
      tpu.wait_dma2 semaphore(%run_scoped3A : memref<!tpu.dma_semaphore, #tpu.memory_space<semaphore_mem>>) src(%dma_wait3A_167 : memref<512xi32, #tpu.memory_space<hbm>>) dst(%arg8 : memref<512xi32, #tpu.memory_space<vmem>>)
      tpu.yield
    }) : () -> ()
    "tpu.region"() ({
      %run_scoped3A = tpu.sem_alloc : memref<!tpu.dma_semaphore, #tpu.memory_space<semaphore_mem>>
      %dma_start3A_164 = tpu.memref_slice %arg3[%mul3A_2] : memref<16384xi32, #tpu.memory_space<hbm>> -> memref<512xi32, #tpu.memory_space<hbm>>
      %dma_start3A_165 = tpu.memref_slice %arg3[%mul3A_2] : memref<16384xi32, #tpu.memory_space<hbm>> -> memref<512xi32, #tpu.memory_space<hbm>>
      tpu.enqueue_dma source(%dma_start3A_165 : memref<512xi32, #tpu.memory_space<hbm>>) target(%arg9 : memref<512xi32, #tpu.memory_space<vmem>>) target_semaphore(%run_scoped3A : memref<!tpu.dma_semaphore, #tpu.memory_space<semaphore_mem>>)
      %dma_wait3A_166 = tpu.memref_slice %arg3[%mul3A_2] : memref<16384xi32, #tpu.memory_space<hbm>> -> memref<512xi32, #tpu.memory_space<hbm>>
      %dma_wait3A_167 = tpu.memref_slice %arg3[%mul3A_2] : memref<16384xi32, #tpu.memory_space<hbm>> -> memref<512xi32, #tpu.memory_space<hbm>>
      tpu.wait_dma2 semaphore(%run_scoped3A : memref<!tpu.dma_semaphore, #tpu.memory_space<semaphore_mem>>) src(%dma_wait3A_167 : memref<512xi32, #tpu.memory_space<hbm>>) dst(%arg9 : memref<512xi32, #tpu.memory_space<vmem>>)
      tpu.yield
    }) : () -> ()
    "tpu.region"() ({
      %run_scoped3A = tpu.sem_alloc : memref<!tpu.dma_semaphore, #tpu.memory_space<semaphore_mem>>
      tpu.enqueue_dma source(%arg6 : memref<80xf32, #tpu.memory_space<hbm>>) target(%arg14 : memref<80xf32, #tpu.memory_space<vmem>>) target_semaphore(%run_scoped3A : memref<!tpu.dma_semaphore, #tpu.memory_space<semaphore_mem>>)
      tpu.wait_dma2 semaphore(%run_scoped3A : memref<!tpu.dma_semaphore, #tpu.memory_space<semaphore_mem>>) src(%arg6 : memref<80xf32, #tpu.memory_space<hbm>>) dst(%arg14 : memref<80xf32, #tpu.memory_space<vmem>>)
      tpu.yield
    }) : () -> ()
    %get3A = arith.constant 0 : index
    %get3A_3 = tpu.vector_load %arg14[%get3A] {strides = array<i32>} : memref<80xf32, #tpu.memory_space<vmem>>, vector<16xf32>,
    %get3A_4 = arith.constant 16 : index
    %get3A_5 = tpu.vector_load %arg14[%get3A_4] {strides = array<i32>} : memref<80xf32, #tpu.memory_space<vmem>>, vector<16xf32>,
    %get3A_6 = arith.constant 32 : index
    %get3A_7 = tpu.vector_load %arg14[%get3A_6] {strides = array<i32>} : memref<80xf32, #tpu.memory_space<vmem>>, vector<16xf32>,
    %get3A_8 = arith.constant 48 : index
    %get3A_9 = tpu.vector_load %arg14[%get3A_8] {strides = array<i32>} : memref<80xf32, #tpu.memory_space<vmem>>, vector<16xf32>,
    %get3A_10 = arith.constant 64 : index
    %get3A_11 = tpu.vector_load %arg14[%get3A_10] {strides = array<i32>} : memref<80xf32, #tpu.memory_space<vmem>>, vector<16xf32>,
    %iota3A = tpu.iota {dimensions = array<i32: 0>} : vector<16xi32>
    %mul3A_12 = arith.constant 16 : i32
    %mul3A_13 = vector.broadcast %mul3A_12 : i32 to vector<16xi32>
    %mul3A_14 = arith.muli %iota3A, %mul3A_13 : vector<16xi32>
    %add3A_15 = arith.constant 0 : i32
    %add3A_16 = vector.broadcast %add3A_15 : i32 to vector<16xi32>
    %add3A_17 = arith.addi %mul3A_14, %add3A_16 : vector<16xi32>
    %add3A_18 = arith.constant 1 : i32
    %add3A_19 = vector.broadcast %add3A_18 : i32 to vector<16xi32>
    %add3A_20 = arith.addi %mul3A_14, %add3A_19 : vector<16xi32>
    %add3A_21 = arith.constant 2 : i32
    %add3A_22 = vector.broadcast %add3A_21 : i32 to vector<16xi32>
    %add3A_23 = arith.addi %mul3A_14, %add3A_22 : vector<16xi32>
    %add3A_24 = arith.constant 3 : i32
    %add3A_25 = vector.broadcast %add3A_24 : i32 to vector<16xi32>
    %add3A_26 = arith.addi %mul3A_14, %add3A_25 : vector<16xi32>
    %add3A_27 = arith.constant 4 : i32
    %add3A_28 = vector.broadcast %add3A_27 : i32 to vector<16xi32>
    %add3A_29 = arith.addi %mul3A_14, %add3A_28 : vector<16xi32>
    %add3A_30 = arith.constant 5 : i32
    %add3A_31 = vector.broadcast %add3A_30 : i32 to vector<16xi32>
    %add3A_32 = arith.addi %mul3A_14, %add3A_31 : vector<16xi32>
    %add3A_33 = arith.constant 6 : i32
    %add3A_34 = vector.broadcast %add3A_33 : i32 to vector<16xi32>
    %add3A_35 = arith.addi %mul3A_14, %add3A_34 : vector<16xi32>
    %add3A_36 = arith.constant 7 : i32
    %add3A_37 = vector.broadcast %add3A_36 : i32 to vector<16xi32>
    %add3A_38 = arith.addi %mul3A_14, %add3A_37 : vector<16xi32>
    %add3A_39 = arith.constant 8 : i32
    %add3A_40 = vector.broadcast %add3A_39 : i32 to vector<16xi32>
    %add3A_41 = arith.addi %mul3A_14, %add3A_40 : vector<16xi32>
    %add3A_42 = arith.constant 9 : i32
    %add3A_43 = vector.broadcast %add3A_42 : i32 to vector<16xi32>
    %add3A_44 = arith.addi %mul3A_14, %add3A_43 : vector<16xi32>
    %add3A_45 = arith.constant 10 : i32
    %add3A_46 = vector.broadcast %add3A_45 : i32 to vector<16xi32>
    %add3A_47 = arith.addi %mul3A_14, %add3A_46 : vector<16xi32>
    %add3A_48 = arith.constant 11 : i32
    %add3A_49 = vector.broadcast %add3A_48 : i32 to vector<16xi32>
    %add3A_50 = arith.addi %mul3A_14, %add3A_49 : vector<16xi32>
    %add3A_51 = arith.constant 12 : i32
    %add3A_52 = vector.broadcast %add3A_51 : i32 to vector<16xi32>
    %add3A_53 = arith.addi %mul3A_14, %add3A_52 : vector<16xi32>
    %add3A_54 = arith.constant 13 : i32
    %add3A_55 = vector.broadcast %add3A_54 : i32 to vector<16xi32>
    %add3A_56 = arith.addi %mul3A_14, %add3A_55 : vector<16xi32>
    %add3A_57 = arith.constant 14 : i32
    %add3A_58 = vector.broadcast %add3A_57 : i32 to vector<16xi32>
    %add3A_59 = arith.addi %mul3A_14, %add3A_58 : vector<16xi32>
    %add3A_60 = arith.constant 15 : i32
    %add3A_61 = vector.broadcast %add3A_60 : i32 to vector<16xi32>
    %add3A_62 = arith.addi %mul3A_14, %add3A_61 : vector<16xi32>
    %dma_start3A = arith.constant 0 : i32
    %dma_start3A_63 = tpu.memref_slice %arg8[%dma_start3A] : memref<512xi32, #tpu.memory_space<vmem>> -> memref<128xi32, #tpu.memory_space<vmem>>
    %dma_start3A_64 = arith.constant 0 : i32
    %dma_start3A_65 = arith.constant 0 : i32
    %dma_start3A_66 = tpu.memref_slice %arg4[%dma_start3A_64, %dma_start3A_65] : memref<100000x64xf32, #tpu.memory_space<hbm>> -> memref<100000x64xf32, #tpu.memory_space<hbm>>
    tpu.enqueue_indirect_dma source(%dma_start3A_66 : memref<100000x64xf32, #tpu.memory_space<hbm>>) target(%arg10 : memref<128x64xf32, #tpu.memory_space<vmem>>) offsets(%dma_start3A_63 : memref<128xi32, #tpu.memory_space<vmem>>) semaphore(%arg15 : memref<!tpu.dma_semaphore, #tpu.memory_space<semaphore_mem>>)
    %dma_start3A_67 = arith.constant 0 : i32
    %dma_start3A_68 = tpu.memref_slice %arg9[%dma_start3A_67] : memref<512xi32, #tpu.memory_space<vmem>> -> memref<128xi32, #tpu.memory_space<vmem>>
    %dma_start3A_69 = arith.constant 0 : i32
    %dma_start3A_70 = arith.constant 0 : i32
    %dma_start3A_71 = tpu.memref_slice %arg5[%dma_start3A_69, %dma_start3A_70] : memref<100000x64xf32, #tpu.memory_space<hbm>> -> memref<100000x64xf32, #tpu.memory_space<hbm>>
    tpu.enqueue_indirect_dma source(%dma_start3A_71 : memref<100000x64xf32, #tpu.memory_space<hbm>>) target(%arg11 : memref<128x64xf32, #tpu.memory_space<vmem>>) offsets(%dma_start3A_68 : memref<128xi32, #tpu.memory_space<vmem>>) semaphore(%arg16 : memref<!tpu.dma_semaphore, #tpu.memory_space<semaphore_mem>>)
    %dma_wait3A = arith.constant 0 : i32
    %dma_wait3A_72 = tpu.memref_slice %arg8[%dma_wait3A] : memref<512xi32, #tpu.memory_space<vmem>> -> memref<128xi32, #tpu.memory_space<vmem>>
    %dma_wait3A_73 = arith.constant 0 : i32
    %dma_wait3A_74 = arith.constant 0 : i32
    %dma_wait3A_75 = tpu.memref_slice %arg4[%dma_wait3A_73, %dma_wait3A_74] : memref<100000x64xf32, #tpu.memory_space<hbm>> -> memref<100000x64xf32, #tpu.memory_space<hbm>>
    tpu.wait_indirect_dma semaphore(%arg15 : memref<!tpu.dma_semaphore, #tpu.memory_space<semaphore_mem>>) src(%dma_wait3A_75 : memref<100000x64xf32, #tpu.memory_space<hbm>>) dst(%arg10 : memref<128x64xf32, #tpu.memory_space<vmem>>)
    %dma_wait3A_76 = arith.constant 0 : i32
    %dma_wait3A_77 = tpu.memref_slice %arg9[%dma_wait3A_76] : memref<512xi32, #tpu.memory_space<vmem>> -> memref<128xi32, #tpu.memory_space<vmem>>
    %dma_wait3A_78 = arith.constant 0 : i32
    %dma_wait3A_79 = arith.constant 0 : i32
    %dma_wait3A_80 = tpu.memref_slice %arg5[%dma_wait3A_78, %dma_wait3A_79] : memref<100000x64xf32, #tpu.memory_space<hbm>> -> memref<100000x64xf32, #tpu.memory_space<hbm>>
    tpu.wait_indirect_dma semaphore(%arg16 : memref<!tpu.dma_semaphore, #tpu.memory_space<semaphore_mem>>) src(%dma_wait3A_80 : memref<100000x64xf32, #tpu.memory_space<hbm>>) dst(%arg11 : memref<128x64xf32, #tpu.memory_space<vmem>>)
    %scan3A = arith.constant 0 : i32
    %scan3A_81 = arith.constant 0 : i32
    %scan3A_82 = arith.constant 8 : i32
    %scan3A_83 = arith.addi %scan3A_81, %scan3A_82 : i32
    %scan3A_84 = arith.constant 1 : i32
    scf.for %scan3A_164 = %scan3A_81 to %scan3A_83 step %scan3A_84  : i32 {
      %mul3A_165 = arith.constant 16 : i32
      %mul3A_166 = arith.muli %scan3A_164, %mul3A_165 : i32
      %add3A_167 = arith.constant 0 : i32
      %add3A_168 = arith.addi %mul3A_166, %add3A_167 : i32
      %get3A_169 = arith.index_cast %add3A_168 : i32 to index
      %get3A_170 = arith.constant 0 : index
      %get3A_171 = tpu.vector_load %arg10[%get3A_169, %get3A_170] {strides = array<i32>} : memref<128x64xf32, #tpu.memory_space<vmem>>, vector<16xf32>,
      %add3A_172 = arith.constant 0 : i32
      %add3A_173 = arith.addi %mul3A_166, %add3A_172 : i32
      %get3A_174 = arith.index_cast %add3A_173 : i32 to index
      %get3A_175 = arith.constant 0 : index
      %get3A_176 = tpu.vector_load %arg11[%get3A_174, %get3A_175] {strides = array<i32>} : memref<128x64xf32, #tpu.memory_space<vmem>>, vector<16xf32>,
      %mul3A_177 = arith.mulf %get3A_171, %get3A_176 : vector<16xf32>
      %mul3A_178 = arith.mulf %mul3A_177, %get3A_3 : vector<16xf32>
      %add3A_179 = arith.constant 0 : i32
      %add3A_180 = arith.addi %mul3A_166, %add3A_179 : i32
      %get3A_181 = arith.index_cast %add3A_180 : i32 to index
      %get3A_182 = arith.constant 16 : index
      %get3A_183 = tpu.vector_load %arg10[%get3A_181, %get3A_182] {strides = array<i32>} : memref<128x64xf32, #tpu.memory_space<vmem>>, vector<16xf32>,
      %add3A_184 = arith.constant 0 : i32
      %add3A_185 = arith.addi %mul3A_166, %add3A_184 : i32
      %get3A_186 = arith.index_cast %add3A_185 : i32 to index
      %get3A_187 = arith.constant 16 : index
      %get3A_188 = tpu.vector_load %arg11[%get3A_186, %get3A_187] {strides = array<i32>} : memref<128x64xf32, #tpu.memory_space<vmem>>, vector<16xf32>,
      %mul3A_189 = arith.mulf %get3A_183, %get3A_188 : vector<16xf32>
      %mul3A_190 = arith.mulf %mul3A_189, %get3A_5 : vector<16xf32>
      %add3A_191 = arith.addf %mul3A_178, %mul3A_190 : vector<16xf32>
      %add3A_192 = arith.constant 0 : i32
      %add3A_193 = arith.addi %mul3A_166, %add3A_192 : i32
      %get3A_194 = arith.index_cast %add3A_193 : i32 to index
      %get3A_195 = arith.constant 32 : index
      %get3A_196 = tpu.vector_load %arg10[%get3A_194, %get3A_195] {strides = array<i32>} : memref<128x64xf32, #tpu.memory_space<vmem>>, vector<16xf32>,
      %add3A_197 = arith.constant 0 : i32
      %add3A_198 = arith.addi %mul3A_166, %add3A_197 : i32
      %get3A_199 = arith.index_cast %add3A_198 : i32 to index
      %get3A_200 = arith.constant 32 : index
      %get3A_201 = tpu.vector_load %arg11[%get3A_199, %get3A_200] {strides = array<i32>} : memref<128x64xf32, #tpu.memory_space<vmem>>, vector<16xf32>,
      %mul3A_202 = arith.mulf %get3A_196, %get3A_201 : vector<16xf32>
      %mul3A_203 = arith.mulf %mul3A_202, %get3A_7 : vector<16xf32>
      %add3A_204 = arith.addf %add3A_191, %mul3A_203 : vector<16xf32>
      %add3A_205 = arith.constant 0 : i32
      %add3A_206 = arith.addi %mul3A_166, %add3A_205 : i32
      %get3A_207 = arith.index_cast %add3A_206 : i32 to index
      %get3A_208 = arith.constant 48 : index
      %get3A_209 = tpu.vector_load %arg10[%get3A_207, %get3A_208] {strides = array<i32>} : memref<128x64xf32, #tpu.memory_space<vmem>>, vector<16xf32>,
      %add3A_210 = arith.constant 0 : i32
      %add3A_211 = arith.addi %mul3A_166, %add3A_210 : i32
      %get3A_212 = arith.index_cast %add3A_211 : i32 to index
      %get3A_213 = arith.constant 48 : index
      %get3A_214 = tpu.vector_load %arg11[%get3A_212, %get3A_213] {strides = array<i32>} : memref<128x64xf32, #tpu.memory_space<vmem>>, vector<16xf32>,
      %mul3A_215 = arith.mulf %get3A_209, %get3A_214 : vector<16xf32>
      %mul3A_216 = arith.mulf %mul3A_215, %get3A_9 : vector<16xf32>
      %add3A_217 = arith.addf %add3A_204, %mul3A_216 : vector<16xf32>
      %swap3A = arith.constant 0 : index
      %swap3A_218 = tpu.vector_load %arg13[%swap3A] {strides = array<i32>} : memref<256xf32, #tpu.memory_space<vmem>>, vector<16xf32>,
      tpu.vector_store %arg13[%swap3A], %add3A_217 {strides = array<i32>} : memref<256xf32, #tpu.memory_space<vmem>>, vector<16xf32>,
      %add3A_219 = arith.constant 1 : i32
      %add3A_220 = arith.addi %mul3A_166, %add3A_219 : i32
      %get3A_221 = arith.index_cast %add3A_220 : i32 to index
      %get3A_222 = arith.constant 0 : index
      %get3A_223 = tpu.vector_load %arg10[%get3A_221, %get3A_222] {strides = array<i32>} : memref<128x64xf32, #tpu.memory_space<vmem>>, vector<16xf32>,
      %add3A_224 = arith.constant 1 : i32
      %add3A_225 = arith.addi %mul3A_166, %add3A_224 : i32
      %get3A_226 = arith.index_cast %add3A_225 : i32 to index
      %get3A_227 = arith.constant 0 : index
      %get3A_228 = tpu.vector_load %arg11[%get3A_226, %get3A_227] {strides = array<i32>} : memref<128x64xf32, #tpu.memory_space<vmem>>, vector<16xf32>,
      %mul3A_229 = arith.mulf %get3A_223, %get3A_228 : vector<16xf32>
      %mul3A_230 = arith.mulf %mul3A_229, %get3A_3 : vector<16xf32>
      %add3A_231 = arith.constant 1 : i32
      %add3A_232 = arith.addi %mul3A_166, %add3A_231 : i32
      %get3A_233 = arith.index_cast %add3A_232 : i32 to index
      %get3A_234 = arith.constant 16 : index
      %get3A_235 = tpu.vector_load %arg10[%get3A_233, %get3A_234] {strides = array<i32>} : memref<128x64xf32, #tpu.memory_space<vmem>>, vector<16xf32>,
      %add3A_236 = arith.constant 1 : i32
      %add3A_237 = arith.addi %mul3A_166, %add3A_236 : i32
      %get3A_238 = arith.index_cast %add3A_237 : i32 to index
      %get3A_239 = arith.constant 16 : index
      %get3A_240 = tpu.vector_load %arg11[%get3A_238, %get3A_239] {strides = array<i32>} : memref<128x64xf32, #tpu.memory_space<vmem>>, vector<16xf32>,
      %mul3A_241 = arith.mulf %get3A_235, %get3A_240 : vector<16xf32>
      %mul3A_242 = arith.mulf %mul3A_241, %get3A_5 : vector<16xf32>
      %add3A_243 = arith.addf %mul3A_230, %mul3A_242 : vector<16xf32>
      %add3A_244 = arith.constant 1 : i32
      %add3A_245 = arith.addi %mul3A_166, %add3A_244 : i32
      %get3A_246 = arith.index_cast %add3A_245 : i32 to index
      %get3A_247 = arith.constant 32 : index
      %get3A_248 = tpu.vector_load %arg10[%get3A_246, %get3A_247] {strides = array<i32>} : memref<128x64xf32, #tpu.memory_space<vmem>>, vector<16xf32>,
      %add3A_249 = arith.constant 1 : i32
      %add3A_250 = arith.addi %mul3A_166, %add3A_249 : i32
      %get3A_251 = arith.index_cast %add3A_250 : i32 to index
      %get3A_252 = arith.constant 32 : index
      %get3A_253 = tpu.vector_load %arg11[%get3A_251, %get3A_252] {strides = array<i32>} : memref<128x64xf32, #tpu.memory_space<vmem>>, vector<16xf32>,
      %mul3A_254 = arith.mulf %get3A_248, %get3A_253 : vector<16xf32>
      %mul3A_255 = arith.mulf %mul3A_254, %get3A_7 : vector<16xf32>
      %add3A_256 = arith.addf %add3A_243, %mul3A_255 : vector<16xf32>
      %add3A_257 = arith.constant 1 : i32
      %add3A_258 = arith.addi %mul3A_166, %add3A_257 : i32
      %get3A_259 = arith.index_cast %add3A_258 : i32 to index
      %get3A_260 = arith.constant 48 : index
      %get3A_261 = tpu.vector_load %arg10[%get3A_259, %get3A_260] {strides = array<i32>} : memref<128x64xf32, #tpu.memory_space<vmem>>, vector<16xf32>,
      %add3A_262 = arith.constant 1 : i32
      %add3A_263 = arith.addi %mul3A_166, %add3A_262 : i32
      %get3A_264 = arith.index_cast %add3A_263 : i32 to index
      %get3A_265 = arith.constant 48 : index
      %get3A_266 = tpu.vector_load %arg11[%get3A_264, %get3A_265] {strides = array<i32>} : memref<128x64xf32, #tpu.memory_space<vmem>>, vector<16xf32>,
      %mul3A_267 = arith.mulf %get3A_261, %get3A_266 : vector<16xf32>
      %mul3A_268 = arith.mulf %mul3A_267, %get3A_9 : vector<16xf32>
      %add3A_269 = arith.addf %add3A_256, %mul3A_268 : vector<16xf32>
      %swap3A_270 = arith.constant 16 : index
      %swap3A_271 = tpu.vector_load %arg13[%swap3A_270] {strides = array<i32>} : memref<256xf32, #tpu.memory_space<vmem>>, vector<16xf32>,
      tpu.vector_store %arg13[%swap3A_270], %add3A_269 {strides = array<i32>} : memref<256xf32, #tpu.memory_space<vmem>>, vector<16xf32>,
      %add3A_272 = arith.constant 2 : i32
      %add3A_273 = arith.addi %mul3A_166, %add3A_272 : i32
      %get3A_274 = arith.index_cast %add3A_273 : i32 to index
      %get3A_275 = arith.constant 0 : index
      %get3A_276 = tpu.vector_load %arg10[%get3A_274, %get3A_275] {strides = array<i32>} : memref<128x64xf32, #tpu.memory_space<vmem>>, vector<16xf32>,
      %add3A_277 = arith.constant 2 : i32
      %add3A_278 = arith.addi %mul3A_166, %add3A_277 : i32
      %get3A_279 = arith.index_cast %add3A_278 : i32 to index
      %get3A_280 = arith.constant 0 : index
      %get3A_281 = tpu.vector_load %arg11[%get3A_279, %get3A_280] {strides = array<i32>} : memref<128x64xf32, #tpu.memory_space<vmem>>, vector<16xf32>,
      %mul3A_282 = arith.mulf %get3A_276, %get3A_281 : vector<16xf32>
      %mul3A_283 = arith.mulf %mul3A_282, %get3A_3 : vector<16xf32>
      %add3A_284 = arith.constant 2 : i32
      %add3A_285 = arith.addi %mul3A_166, %add3A_284 : i32
      %get3A_286 = arith.index_cast %add3A_285 : i32 to index
      %get3A_287 = arith.constant 16 : index
      %get3A_288 = tpu.vector_load %arg10[%get3A_286, %get3A_287] {strides = array<i32>} : memref<128x64xf32, #tpu.memory_space<vmem>>, vector<16xf32>,
      %add3A_289 = arith.constant 2 : i32
      %add3A_290 = arith.addi %mul3A_166, %add3A_289 : i32
      %get3A_291 = arith.index_cast %add3A_290 : i32 to index
      %get3A_292 = arith.constant 16 : index
      %get3A_293 = tpu.vector_load %arg11[%get3A_291, %get3A_292] {strides = array<i32>} : memref<128x64xf32, #tpu.memory_space<vmem>>, vector<16xf32>,
      %mul3A_294 = arith.mulf %get3A_288, %get3A_293 : vector<16xf32>
      %mul3A_295 = arith.mulf %mul3A_294, %get3A_5 : vector<16xf32>
      %add3A_296 = arith.addf %mul3A_283, %mul3A_295 : vector<16xf32>
      %add3A_297 = arith.constant 2 : i32
      %add3A_298 = arith.addi %mul3A_166, %add3A_297 : i32
      %get3A_299 = arith.index_cast %add3A_298 : i32 to index
      %get3A_300 = arith.constant 32 : index
      %get3A_301 = tpu.vector_load %arg10[%get3A_299, %get3A_300] {strides = array<i32>} : memref<128x64xf32, #tpu.memory_space<vmem>>, vector<16xf32>,
      %add3A_302 = arith.constant 2 : i32
      %add3A_303 = arith.addi %mul3A_166, %add3A_302 : i32
      %get3A_304 = arith.index_cast %add3A_303 : i32 to index
      %get3A_305 = arith.constant 32 : index
      %get3A_306 = tpu.vector_load %arg11[%get3A_304, %get3A_305] {strides = array<i32>} : memref<128x64xf32, #tpu.memory_space<vmem>>, vector<16xf32>,
      %mul3A_307 = arith.mulf %get3A_301, %get3A_306 : vector<16xf32>
      %mul3A_308 = arith.mulf %mul3A_307, %get3A_7 : vector<16xf32>
      %add3A_309 = arith.addf %add3A_296, %mul3A_308 : vector<16xf32>
      %add3A_310 = arith.constant 2 : i32
      %add3A_311 = arith.addi %mul3A_166, %add3A_310 : i32
      %get3A_312 = arith.index_cast %add3A_311 : i32 to index
      %get3A_313 = arith.constant 48 : index
      %get3A_314 = tpu.vector_load %arg10[%get3A_312, %get3A_313] {strides = array<i32>} : memref<128x64xf32, #tpu.memory_space<vmem>>, vector<16xf32>,
      %add3A_315 = arith.constant 2 : i32
      %add3A_316 = arith.addi %mul3A_166, %add3A_315 : i32
      %get3A_317 = arith.index_cast %add3A_316 : i32 to index
      %get3A_318 = arith.constant 48 : index
      %get3A_319 = tpu.vector_load %arg11[%get3A_317, %get3A_318] {strides = array<i32>} : memref<128x64xf32, #tpu.memory_space<vmem>>, vector<16xf32>,
      %mul3A_320 = arith.mulf %get3A_314, %get3A_319 : vector<16xf32>
      %mul3A_321 = arith.mulf %mul3A_320, %get3A_9 : vector<16xf32>
      %add3A_322 = arith.addf %add3A_309, %mul3A_321 : vector<16xf32>
      %swap3A_323 = arith.constant 32 : index
      %swap3A_324 = tpu.vector_load %arg13[%swap3A_323] {strides = array<i32>} : memref<256xf32, #tpu.memory_space<vmem>>, vector<16xf32>,
      tpu.vector_store %arg13[%swap3A_323], %add3A_322 {strides = array<i32>} : memref<256xf32, #tpu.memory_space<vmem>>, vector<16xf32>,
      %add3A_325 = arith.constant 3 : i32
      %add3A_326 = arith.addi %mul3A_166, %add3A_325 : i32
      %get3A_327 = arith.index_cast %add3A_326 : i32 to index
      %get3A_328 = arith.constant 0 : index
      %get3A_329 = tpu.vector_load %arg10[%get3A_327, %get3A_328] {strides = array<i32>} : memref<128x64xf32, #tpu.memory_space<vmem>>, vector<16xf32>,
      %add3A_330 = arith.constant 3 : i32
      %add3A_331 = arith.addi %mul3A_166, %add3A_330 : i32
      %get3A_332 = arith.index_cast %add3A_331 : i32 to index
      %get3A_333 = arith.constant 0 : index
      %get3A_334 = tpu.vector_load %arg11[%get3A_332, %get3A_333] {strides = array<i32>} : memref<128x64xf32, #tpu.memory_space<vmem>>, vector<16xf32>,
      %mul3A_335 = arith.mulf %get3A_329, %get3A_334 : vector<16xf32>
      %mul3A_336 = arith.mulf %mul3A_335, %get3A_3 : vector<16xf32>
      %add3A_337 = arith.constant 3 : i32
      %add3A_338 = arith.addi %mul3A_166, %add3A_337 : i32
      %get3A_339 = arith.index_cast %add3A_338 : i32 to index
      %get3A_340 = arith.constant 16 : index
      %get3A_341 = tpu.vector_load %arg10[%get3A_339, %get3A_340] {strides = array<i32>} : memref<128x64xf32, #tpu.memory_space<vmem>>, vector<16xf32>,
      %add3A_342 = arith.constant 3 : i32
      %add3A_343 = arith.addi %mul3A_166, %add3A_342 : i32
      %get3A_344 = arith.index_cast %add3A_343 : i32 to index
      %get3A_345 = arith.constant 16 : index
      %get3A_346 = tpu.vector_load %arg11[%get3A_344, %get3A_345] {strides = array<i32>} : memref<128x64xf32, #tpu.memory_space<vmem>>, vector<16xf32>,
      %mul3A_347 = arith.mulf %get3A_341, %get3A_346 : vector<16xf32>
      %mul3A_348 = arith.mulf %mul3A_347, %get3A_5 : vector<16xf32>
      %add3A_349 = arith.addf %mul3A_336, %mul3A_348 : vector<16xf32>
      %add3A_350 = arith.constant 3 : i32
      %add3A_351 = arith.addi %mul3A_166, %add3A_350 : i32
      %get3A_352 = arith.index_cast %add3A_351 : i32 to index
      %get3A_353 = arith.constant 32 : index
      %get3A_354 = tpu.vector_load %arg10[%get3A_352, %get3A_353] {strides = array<i32>} : memref<128x64xf32, #tpu.memory_space<vmem>>, vector<16xf32>,
      %add3A_355 = arith.constant 3 : i32
      %add3A_356 = arith.addi %mul3A_166, %add3A_355 : i32
      %get3A_357 = arith.index_cast %add3A_356 : i32 to index
      %get3A_358 = arith.constant 32 : index
      %get3A_359 = tpu.vector_load %arg11[%get3A_357, %get3A_358] {strides = array<i32>} : memref<128x64xf32, #tpu.memory_space<vmem>>, vector<16xf32>,
      %mul3A_360 = arith.mulf %get3A_354, %get3A_359 : vector<16xf32>
      %mul3A_361 = arith.mulf %mul3A_360, %get3A_7 : vector<16xf32>
      %add3A_362 = arith.addf %add3A_349, %mul3A_361 : vector<16xf32>
      %add3A_363 = arith.constant 3 : i32
      %add3A_364 = arith.addi %mul3A_166, %add3A_363 : i32
      %get3A_365 = arith.index_cast %add3A_364 : i32 to index
      %get3A_366 = arith.constant 48 : index
      %get3A_367 = tpu.vector_load %arg10[%get3A_365, %get3A_366] {strides = array<i32>} : memref<128x64xf32, #tpu.memory_space<vmem>>, vector<16xf32>,
      %add3A_368 = arith.constant 3 : i32
      %add3A_369 = arith.addi %mul3A_166, %add3A_368 : i32
      %get3A_370 = arith.index_cast %add3A_369 : i32 to index
      %get3A_371 = arith.constant 48 : index
      %get3A_372 = tpu.vector_load %arg11[%get3A_370, %get3A_371] {strides = array<i32>} : memref<128x64xf32, #tpu.memory_space<vmem>>, vector<16xf32>,
      %mul3A_373 = arith.mulf %get3A_367, %get3A_372 : vector<16xf32>
      %mul3A_374 = arith.mulf %mul3A_373, %get3A_9 : vector<16xf32>
      %add3A_375 = arith.addf %add3A_362, %mul3A_374 : vector<16xf32>
      %swap3A_376 = arith.constant 48 : index
      %swap3A_377 = tpu.vector_load %arg13[%swap3A_376] {strides = array<i32>} : memref<256xf32, #tpu.memory_space<vmem>>, vector<16xf32>,
      tpu.vector_store %arg13[%swap3A_376], %add3A_375 {strides = array<i32>} : memref<256xf32, #tpu.memory_space<vmem>>, vector<16xf32>,
      %add3A_378 = arith.constant 4 : i32
      %add3A_379 = arith.addi %mul3A_166, %add3A_378 : i32
      %get3A_380 = arith.index_cast %add3A_379 : i32 to index
      %get3A_381 = arith.constant 0 : index
      %get3A_382 = tpu.vector_load %arg10[%get3A_380, %get3A_381] {strides = array<i32>} : memref<128x64xf32, #tpu.memory_space<vmem>>, vector<16xf32>,
      %add3A_383 = arith.constant 4 : i32
      %add3A_384 = arith.addi %mul3A_166, %add3A_383 : i32
      %get3A_385 = arith.index_cast %add3A_384 : i32 to index
      %get3A_386 = arith.constant 0 : index
      %get3A_387 = tpu.vector_load %arg11[%get3A_385, %get3A_386] {strides = array<i32>} : memref<128x64xf32, #tpu.memory_space<vmem>>, vector<16xf32>,
      %mul3A_388 = arith.mulf %get3A_382, %get3A_387 : vector<16xf32>
      %mul3A_389 = arith.mulf %mul3A_388, %get3A_3 : vector<16xf32>
      %add3A_390 = arith.constant 4 : i32
      %add3A_391 = arith.addi %mul3A_166, %add3A_390 : i32
      %get3A_392 = arith.index_cast %add3A_391 : i32 to index
      %get3A_393 = arith.constant 16 : index
      %get3A_394 = tpu.vector_load %arg10[%get3A_392, %get3A_393] {strides = array<i32>} : memref<128x64xf32, #tpu.memory_space<vmem>>, vector<16xf32>,
      %add3A_395 = arith.constant 4 : i32
      %add3A_396 = arith.addi %mul3A_166, %add3A_395 : i32
      %get3A_397 = arith.index_cast %add3A_396 : i32 to index
      %get3A_398 = arith.constant 16 : index
      %get3A_399 = tpu.vector_load %arg11[%get3A_397, %get3A_398] {strides = array<i32>} : memref<128x64xf32, #tpu.memory_space<vmem>>, vector<16xf32>,
      %mul3A_400 = arith.mulf %get3A_394, %get3A_399 : vector<16xf32>
      %mul3A_401 = arith.mulf %mul3A_400, %get3A_5 : vector<16xf32>
      %add3A_402 = arith.addf %mul3A_389, %mul3A_401 : vector<16xf32>
      %add3A_403 = arith.constant 4 : i32
      %add3A_404 = arith.addi %mul3A_166, %add3A_403 : i32
      %get3A_405 = arith.index_cast %add3A_404 : i32 to index
      %get3A_406 = arith.constant 32 : index
      %get3A_407 = tpu.vector_load %arg10[%get3A_405, %get3A_406] {strides = array<i32>} : memref<128x64xf32, #tpu.memory_space<vmem>>, vector<16xf32>,
      %add3A_408 = arith.constant 4 : i32
      %add3A_409 = arith.addi %mul3A_166, %add3A_408 : i32
      %get3A_410 = arith.index_cast %add3A_409 : i32 to index
      %get3A_411 = arith.constant 32 : index
      %get3A_412 = tpu.vector_load %arg11[%get3A_410, %get3A_411] {strides = array<i32>} : memref<128x64xf32, #tpu.memory_space<vmem>>, vector<16xf32>,
      %mul3A_413 = arith.mulf %get3A_407, %get3A_412 : vector<16xf32>
      %mul3A_414 = arith.mulf %mul3A_413, %get3A_7 : vector<16xf32>
      %add3A_415 = arith.addf %add3A_402, %mul3A_414 : vector<16xf32>
      %add3A_416 = arith.constant 4 : i32
      %add3A_417 = arith.addi %mul3A_166, %add3A_416 : i32
      %get3A_418 = arith.index_cast %add3A_417 : i32 to index
      %get3A_419 = arith.constant 48 : index
      %get3A_420 = tpu.vector_load %arg10[%get3A_418, %get3A_419] {strides = array<i32>} : memref<128x64xf32, #tpu.memory_space<vmem>>, vector<16xf32>,
      %add3A_421 = arith.constant 4 : i32
      %add3A_422 = arith.addi %mul3A_166, %add3A_421 : i32
      %get3A_423 = arith.index_cast %add3A_422 : i32 to index
      %get3A_424 = arith.constant 48 : index
      %get3A_425 = tpu.vector_load %arg11[%get3A_423, %get3A_424] {strides = array<i32>} : memref<128x64xf32, #tpu.memory_space<vmem>>, vector<16xf32>,
      %mul3A_426 = arith.mulf %get3A_420, %get3A_425 : vector<16xf32>
      %mul3A_427 = arith.mulf %mul3A_426, %get3A_9 : vector<16xf32>
      %add3A_428 = arith.addf %add3A_415, %mul3A_427 : vector<16xf32>
      %swap3A_429 = arith.constant 64 : index
      %swap3A_430 = tpu.vector_load %arg13[%swap3A_429] {strides = array<i32>} : memref<256xf32, #tpu.memory_space<vmem>>, vector<16xf32>,
      tpu.vector_store %arg13[%swap3A_429], %add3A_428 {strides = array<i32>} : memref<256xf32, #tpu.memory_space<vmem>>, vector<16xf32>,
      %add3A_431 = arith.constant 5 : i32
      %add3A_432 = arith.addi %mul3A_166, %add3A_431 : i32
      %get3A_433 = arith.index_cast %add3A_432 : i32 to index
      %get3A_434 = arith.constant 0 : index
      %get3A_435 = tpu.vector_load %arg10[%get3A_433, %get3A_434] {strides = array<i32>} : memref<128x64xf32, #tpu.memory_space<vmem>>, vector<16xf32>,
      %add3A_436 = arith.constant 5 : i32
      %add3A_437 = arith.addi %mul3A_166, %add3A_436 : i32
      %get3A_438 = arith.index_cast %add3A_437 : i32 to index
      %get3A_439 = arith.constant 0 : index
      %get3A_440 = tpu.vector_load %arg11[%get3A_438, %get3A_439] {strides = array<i32>} : memref<128x64xf32, #tpu.memory_space<vmem>>, vector<16xf32>,
      %mul3A_441 = arith.mulf %get3A_435, %get3A_440 : vector<16xf32>
      %mul3A_442 = arith.mulf %mul3A_441, %get3A_3 : vector<16xf32>
      %add3A_443 = arith.constant 5 : i32
      %add3A_444 = arith.addi %mul3A_166, %add3A_443 : i32
      %get3A_445 = arith.index_cast %add3A_444 : i32 to index
      %get3A_446 = arith.constant 16 : index
      %get3A_447 = tpu.vector_load %arg10[%get3A_445, %get3A_446] {strides = array<i32>} : memref<128x64xf32, #tpu.memory_space<vmem>>, vector<16xf32>,
      %add3A_448 = arith.constant 5 : i32
      %add3A_449 = arith.addi %mul3A_166, %add3A_448 : i32
      %get3A_450 = arith.index_cast %add3A_449 : i32 to index
      %get3A_451 = arith.constant 16 : index
      %get3A_452 = tpu.vector_load %arg11[%get3A_450, %get3A_451] {strides = array<i32>} : memref<128x64xf32, #tpu.memory_space<vmem>>, vector<16xf32>,
      %mul3A_453 = arith.mulf %get3A_447, %get3A_452 : vector<16xf32>
      %mul3A_454 = arith.mulf %mul3A_453, %get3A_5 : vector<16xf32>
      %add3A_455 = arith.addf %mul3A_442, %mul3A_454 : vector<16xf32>
      %add3A_456 = arith.constant 5 : i32
      %add3A_457 = arith.addi %mul3A_166, %add3A_456 : i32
      %get3A_458 = arith.index_cast %add3A_457 : i32 to index
      %get3A_459 = arith.constant 32 : index
      %get3A_460 = tpu.vector_load %arg10[%get3A_458, %get3A_459] {strides = array<i32>} : memref<128x64xf32, #tpu.memory_space<vmem>>, vector<16xf32>,
      %add3A_461 = arith.constant 5 : i32
      %add3A_462 = arith.addi %mul3A_166, %add3A_461 : i32
      %get3A_463 = arith.index_cast %add3A_462 : i32 to index
      %get3A_464 = arith.constant 32 : index
      %get3A_465 = tpu.vector_load %arg11[%get3A_463, %get3A_464] {strides = array<i32>} : memref<128x64xf32, #tpu.memory_space<vmem>>, vector<16xf32>,
      %mul3A_466 = arith.mulf %get3A_460, %get3A_465 : vector<16xf32>
      %mul3A_467 = arith.mulf %mul3A_466, %get3A_7 : vector<16xf32>
      %add3A_468 = arith.addf %add3A_455, %mul3A_467 : vector<16xf32>
      %add3A_469 = arith.constant 5 : i32
      %add3A_470 = arith.addi %mul3A_166, %add3A_469 : i32
      %get3A_471 = arith.index_cast %add3A_470 : i32 to index
      %get3A_472 = arith.constant 48 : index
      %get3A_473 = tpu.vector_load %arg10[%get3A_471, %get3A_472] {strides = array<i32>} : memref<128x64xf32, #tpu.memory_space<vmem>>, vector<16xf32>,
      %add3A_474 = arith.constant 5 : i32
      %add3A_475 = arith.addi %mul3A_166, %add3A_474 : i32
      %get3A_476 = arith.index_cast %add3A_475 : i32 to index
      %get3A_477 = arith.constant 48 : index
      %get3A_478 = tpu.vector_load %arg11[%get3A_476, %get3A_477] {strides = array<i32>} : memref<128x64xf32, #tpu.memory_space<vmem>>, vector<16xf32>,
      %mul3A_479 = arith.mulf %get3A_473, %get3A_478 : vector<16xf32>
      %mul3A_480 = arith.mulf %mul3A_479, %get3A_9 : vector<16xf32>
      %add3A_481 = arith.addf %add3A_468, %mul3A_480 : vector<16xf32>
      %swap3A_482 = arith.constant 80 : index
      %swap3A_483 = tpu.vector_load %arg13[%swap3A_482] {strides = array<i32>} : memref<256xf32, #tpu.memory_space<vmem>>, vector<16xf32>,
      tpu.vector_store %arg13[%swap3A_482], %add3A_481 {strides = array<i32>} : memref<256xf32, #tpu.memory_space<vmem>>, vector<16xf32>,
      %add3A_484 = arith.constant 6 : i32
      %add3A_485 = arith.addi %mul3A_166, %add3A_484 : i32
      %get3A_486 = arith.index_cast %add3A_485 : i32 to index
      %get3A_487 = arith.constant 0 : index
      %get3A_488 = tpu.vector_load %arg10[%get3A_486, %get3A_487] {strides = array<i32>} : memref<128x64xf32, #tpu.memory_space<vmem>>, vector<16xf32>,
      %add3A_489 = arith.constant 6 : i32
      %add3A_490 = arith.addi %mul3A_166, %add3A_489 : i32
      %get3A_491 = arith.index_cast %add3A_490 : i32 to index
      %get3A_492 = arith.constant 0 : index
      %get3A_493 = tpu.vector_load %arg11[%get3A_491, %get3A_492] {strides = array<i32>} : memref<128x64xf32, #tpu.memory_space<vmem>>, vector<16xf32>,
      %mul3A_494 = arith.mulf %get3A_488, %get3A_493 : vector<16xf32>
      %mul3A_495 = arith.mulf %mul3A_494, %get3A_3 : vector<16xf32>
      %add3A_496 = arith.constant 6 : i32
      %add3A_497 = arith.addi %mul3A_166, %add3A_496 : i32
      %get3A_498 = arith.index_cast %add3A_497 : i32 to index
      %get3A_499 = arith.constant 16 : index
      %get3A_500 = tpu.vector_load %arg10[%get3A_498, %get3A_499] {strides = array<i32>} : memref<128x64xf32, #tpu.memory_space<vmem>>, vector<16xf32>,
      %add3A_501 = arith.constant 6 : i32
      %add3A_502 = arith.addi %mul3A_166, %add3A_501 : i32
      %get3A_503 = arith.index_cast %add3A_502 : i32 to index
      %get3A_504 = arith.constant 16 : index
      %get3A_505 = tpu.vector_load %arg11[%get3A_503, %get3A_504] {strides = array<i32>} : memref<128x64xf32, #tpu.memory_space<vmem>>, vector<16xf32>,
      %mul3A_506 = arith.mulf %get3A_500, %get3A_505 : vector<16xf32>
      %mul3A_507 = arith.mulf %mul3A_506, %get3A_5 : vector<16xf32>
      %add3A_508 = arith.addf %mul3A_495, %mul3A_507 : vector<16xf32>
      %add3A_509 = arith.constant 6 : i32
      %add3A_510 = arith.addi %mul3A_166, %add3A_509 : i32
      %get3A_511 = arith.index_cast %add3A_510 : i32 to index
      %get3A_512 = arith.constant 32 : index
      %get3A_513 = tpu.vector_load %arg10[%get3A_511, %get3A_512] {strides = array<i32>} : memref<128x64xf32, #tpu.memory_space<vmem>>, vector<16xf32>,
      %add3A_514 = arith.constant 6 : i32
      %add3A_515 = arith.addi %mul3A_166, %add3A_514 : i32
      %get3A_516 = arith.index_cast %add3A_515 : i32 to index
      %get3A_517 = arith.constant 32 : index
      %get3A_518 = tpu.vector_load %arg11[%get3A_516, %get3A_517] {strides = array<i32>} : memref<128x64xf32, #tpu.memory_space<vmem>>, vector<16xf32>,
      %mul3A_519 = arith.mulf %get3A_513, %get3A_518 : vector<16xf32>
      %mul3A_520 = arith.mulf %mul3A_519, %get3A_7 : vector<16xf32>
      %add3A_521 = arith.addf %add3A_508, %mul3A_520 : vector<16xf32>
      %add3A_522 = arith.constant 6 : i32
      %add3A_523 = arith.addi %mul3A_166, %add3A_522 : i32
      %get3A_524 = arith.index_cast %add3A_523 : i32 to index
      %get3A_525 = arith.constant 48 : index
      %get3A_526 = tpu.vector_load %arg10[%get3A_524, %get3A_525] {strides = array<i32>} : memref<128x64xf32, #tpu.memory_space<vmem>>, vector<16xf32>,
      %add3A_527 = arith.constant 6 : i32
      %add3A_528 = arith.addi %mul3A_166, %add3A_527 : i32
      %get3A_529 = arith.index_cast %add3A_528 : i32 to index
      %get3A_530 = arith.constant 48 : index
      %get3A_531 = tpu.vector_load %arg11[%get3A_529, %get3A_530] {strides = array<i32>} : memref<128x64xf32, #tpu.memory_space<vmem>>, vector<16xf32>,
      %mul3A_532 = arith.mulf %get3A_526, %get3A_531 : vector<16xf32>
      %mul3A_533 = arith.mulf %mul3A_532, %get3A_9 : vector<16xf32>
      %add3A_534 = arith.addf %add3A_521, %mul3A_533 : vector<16xf32>
      %swap3A_535 = arith.constant 96 : index
      %swap3A_536 = tpu.vector_load %arg13[%swap3A_535] {strides = array<i32>} : memref<256xf32, #tpu.memory_space<vmem>>, vector<16xf32>,
      tpu.vector_store %arg13[%swap3A_535], %add3A_534 {strides = array<i32>} : memref<256xf32, #tpu.memory_space<vmem>>, vector<16xf32>,
      %add3A_537 = arith.constant 7 : i32
      %add3A_538 = arith.addi %mul3A_166, %add3A_537 : i32
      %get3A_539 = arith.index_cast %add3A_538 : i32 to index
      %get3A_540 = arith.constant 0 : index
      %get3A_541 = tpu.vector_load %arg10[%get3A_539, %get3A_540] {strides = array<i32>} : memref<128x64xf32, #tpu.memory_space<vmem>>, vector<16xf32>,
      %add3A_542 = arith.constant 7 : i32
      %add3A_543 = arith.addi %mul3A_166, %add3A_542 : i32
      %get3A_544 = arith.index_cast %add3A_543 : i32 to index
      %get3A_545 = arith.constant 0 : index
      %get3A_546 = tpu.vector_load %arg11[%get3A_544, %get3A_545] {strides = array<i32>} : memref<128x64xf32, #tpu.memory_space<vmem>>, vector<16xf32>,
      %mul3A_547 = arith.mulf %get3A_541, %get3A_546 : vector<16xf32>
      %mul3A_548 = arith.mulf %mul3A_547, %get3A_3 : vector<16xf32>
      %add3A_549 = arith.constant 7 : i32
      %add3A_550 = arith.addi %mul3A_166, %add3A_549 : i32
      %get3A_551 = arith.index_cast %add3A_550 : i32 to index
      %get3A_552 = arith.constant 16 : index
      %get3A_553 = tpu.vector_load %arg10[%get3A_551, %get3A_552] {strides = array<i32>} : memref<128x64xf32, #tpu.memory_space<vmem>>, vector<16xf32>,
      %add3A_554 = arith.constant 7 : i32
      %add3A_555 = arith.addi %mul3A_166, %add3A_554 : i32
      %get3A_556 = arith.index_cast %add3A_555 : i32 to index
      %get3A_557 = arith.constant 16 : index
      %get3A_558 = tpu.vector_load %arg11[%get3A_556, %get3A_557] {strides = array<i32>} : memref<128x64xf32, #tpu.memory_space<vmem>>, vector<16xf32>,
      %mul3A_559 = arith.mulf %get3A_553, %get3A_558 : vector<16xf32>
      %mul3A_560 = arith.mulf %mul3A_559, %get3A_5 : vector<16xf32>
      %add3A_561 = arith.addf %mul3A_548, %mul3A_560 : vector<16xf32>
      %add3A_562 = arith.constant 7 : i32
      %add3A_563 = arith.addi %mul3A_166, %add3A_562 : i32
      %get3A_564 = arith.index_cast %add3A_563 : i32 to index
      %get3A_565 = arith.constant 32 : index
      %get3A_566 = tpu.vector_load %arg10[%get3A_564, %get3A_565] {strides = array<i32>} : memref<128x64xf32, #tpu.memory_space<vmem>>, vector<16xf32>,
      %add3A_567 = arith.constant 7 : i32
      %add3A_568 = arith.addi %mul3A_166, %add3A_567 : i32
      %get3A_569 = arith.index_cast %add3A_568 : i32 to index
      %get3A_570 = arith.constant 32 : index
      %get3A_571 = tpu.vector_load %arg11[%get3A_569, %get3A_570] {strides = array<i32>} : memref<128x64xf32, #tpu.memory_space<vmem>>, vector<16xf32>,
      %mul3A_572 = arith.mulf %get3A_566, %get3A_571 : vector<16xf32>
      %mul3A_573 = arith.mulf %mul3A_572, %get3A_7 : vector<16xf32>
      %add3A_574 = arith.addf %add3A_561, %mul3A_573 : vector<16xf32>
      %add3A_575 = arith.constant 7 : i32
      %add3A_576 = arith.addi %mul3A_166, %add3A_575 : i32
      %get3A_577 = arith.index_cast %add3A_576 : i32 to index
      %get3A_578 = arith.constant 48 : index
      %get3A_579 = tpu.vector_load %arg10[%get3A_577, %get3A_578] {strides = array<i32>} : memref<128x64xf32, #tpu.memory_space<vmem>>, vector<16xf32>,
      %add3A_580 = arith.constant 7 : i32
      %add3A_581 = arith.addi %mul3A_166, %add3A_580 : i32
      %get3A_582 = arith.index_cast %add3A_581 : i32 to index
      %get3A_583 = arith.constant 48 : index
      %get3A_584 = tpu.vector_load %arg11[%get3A_582, %get3A_583] {strides = array<i32>} : memref<128x64xf32, #tpu.memory_space<vmem>>, vector<16xf32>,
      %mul3A_585 = arith.mulf %get3A_579, %get3A_584 : vector<16xf32>
      %mul3A_586 = arith.mulf %mul3A_585, %get3A_9 : vector<16xf32>
      %add3A_587 = arith.addf %add3A_574, %mul3A_586 : vector<16xf32>
      %swap3A_588 = arith.constant 112 : index
      %swap3A_589 = tpu.vector_load %arg13[%swap3A_588] {strides = array<i32>} : memref<256xf32, #tpu.memory_space<vmem>>, vector<16xf32>,
      tpu.vector_store %arg13[%swap3A_588], %add3A_587 {strides = array<i32>} : memref<256xf32, #tpu.memory_space<vmem>>, vector<16xf32>,
      %add3A_590 = arith.constant 8 : i32
      %add3A_591 = arith.addi %mul3A_166, %add3A_590 : i32
      %get3A_592 = arith.index_cast %add3A_591 : i32 to index
      %get3A_593 = arith.constant 0 : index
      %get3A_594 = tpu.vector_load %arg10[%get3A_592, %get3A_593] {strides = array<i32>} : memref<128x64xf32, #tpu.memory_space<vmem>>, vector<16xf32>,
      %add3A_595 = arith.constant 8 : i32
      %add3A_596 = arith.addi %mul3A_166, %add3A_595 : i32
      %get3A_597 = arith.index_cast %add3A_596 : i32 to index
      %get3A_598 = arith.constant 0 : index
      %get3A_599 = tpu.vector_load %arg11[%get3A_597, %get3A_598] {strides = array<i32>} : memref<128x64xf32, #tpu.memory_space<vmem>>, vector<16xf32>,
      %mul3A_600 = arith.mulf %get3A_594, %get3A_599 : vector<16xf32>
      %mul3A_601 = arith.mulf %mul3A_600, %get3A_3 : vector<16xf32>
      %add3A_602 = arith.constant 8 : i32
      %add3A_603 = arith.addi %mul3A_166, %add3A_602 : i32
      %get3A_604 = arith.index_cast %add3A_603 : i32 to index
      %get3A_605 = arith.constant 16 : index
      %get3A_606 = tpu.vector_load %arg10[%get3A_604, %get3A_605] {strides = array<i32>} : memref<128x64xf32, #tpu.memory_space<vmem>>, vector<16xf32>,
      %add3A_607 = arith.constant 8 : i32
      %add3A_608 = arith.addi %mul3A_166, %add3A_607 : i32
      %get3A_609 = arith.index_cast %add3A_608 : i32 to index
      %get3A_610 = arith.constant 16 : index
      %get3A_611 = tpu.vector_load %arg11[%get3A_609, %get3A_610] {strides = array<i32>} : memref<128x64xf32, #tpu.memory_space<vmem>>, vector<16xf32>,
      %mul3A_612 = arith.mulf %get3A_606, %get3A_611 : vector<16xf32>
      %mul3A_613 = arith.mulf %mul3A_612, %get3A_5 : vector<16xf32>
      %add3A_614 = arith.addf %mul3A_601, %mul3A_613 : vector<16xf32>
      %add3A_615 = arith.constant 8 : i32
      %add3A_616 = arith.addi %mul3A_166, %add3A_615 : i32
      %get3A_617 = arith.index_cast %add3A_616 : i32 to index
      %get3A_618 = arith.constant 32 : index
      %get3A_619 = tpu.vector_load %arg10[%get3A_617, %get3A_618] {strides = array<i32>} : memref<128x64xf32, #tpu.memory_space<vmem>>, vector<16xf32>,
      %add3A_620 = arith.constant 8 : i32
      %add3A_621 = arith.addi %mul3A_166, %add3A_620 : i32
      %get3A_622 = arith.index_cast %add3A_621 : i32 to index
      %get3A_623 = arith.constant 32 : index
      %get3A_624 = tpu.vector_load %arg11[%get3A_622, %get3A_623] {strides = array<i32>} : memref<128x64xf32, #tpu.memory_space<vmem>>, vector<16xf32>,
      %mul3A_625 = arith.mulf %get3A_619, %get3A_624 : vector<16xf32>
      %mul3A_626 = arith.mulf %mul3A_625, %get3A_7 : vector<16xf32>
      %add3A_627 = arith.addf %add3A_614, %mul3A_626 : vector<16xf32>
      %add3A_628 = arith.constant 8 : i32
      %add3A_629 = arith.addi %mul3A_166, %add3A_628 : i32
      %get3A_630 = arith.index_cast %add3A_629 : i32 to index
      %get3A_631 = arith.constant 48 : index
      %get3A_632 = tpu.vector_load %arg10[%get3A_630, %get3A_631] {strides = array<i32>} : memref<128x64xf32, #tpu.memory_space<vmem>>, vector<16xf32>,
      %add3A_633 = arith.constant 8 : i32
      %add3A_634 = arith.addi %mul3A_166, %add3A_633 : i32
      %get3A_635 = arith.index_cast %add3A_634 : i32 to index
      %get3A_636 = arith.constant 48 : index
      %get3A_637 = tpu.vector_load %arg11[%get3A_635, %get3A_636] {strides = array<i32>} : memref<128x64xf32, #tpu.memory_space<vmem>>, vector<16xf32>,
      %mul3A_638 = arith.mulf %get3A_632, %get3A_637 : vector<16xf32>
      %mul3A_639 = arith.mulf %mul3A_638, %get3A_9 : vector<16xf32>
      %add3A_640 = arith.addf %add3A_627, %mul3A_639 : vector<16xf32>
      %swap3A_641 = arith.constant 128 : index
      %swap3A_642 = tpu.vector_load %arg13[%swap3A_641] {strides = array<i32>} : memref<256xf32, #tpu.memory_space<vmem>>, vector<16xf32>,
      tpu.vector_store %arg13[%swap3A_641], %add3A_640 {strides = array<i32>} : memref<256xf32, #tpu.memory_space<vmem>>, vector<16xf32>,
      %add3A_643 = arith.constant 9 : i32
      %add3A_644 = arith.addi %mul3A_166, %add3A_643 : i32
      %get3A_645 = arith.index_cast %add3A_644 : i32 to index
      %get3A_646 = arith.constant 0 : index
      %get3A_647 = tpu.vector_load %arg10[%get3A_645, %get3A_646] {strides = array<i32>} : memref<128x64xf32, #tpu.memory_space<vmem>>, vector<16xf32>,
      %add3A_648 = arith.constant 9 : i32
      %add3A_649 = arith.addi %mul3A_166, %add3A_648 : i32
      %get3A_650 = arith.index_cast %add3A_649 : i32 to index
      %get3A_651 = arith.constant 0 : index
      %get3A_652 = tpu.vector_load %arg11[%get3A_650, %get3A_651] {strides = array<i32>} : memref<128x64xf32, #tpu.memory_space<vmem>>, vector<16xf32>,
      %mul3A_653 = arith.mulf %get3A_647, %get3A_652 : vector<16xf32>
      %mul3A_654 = arith.mulf %mul3A_653, %get3A_3 : vector<16xf32>
      %add3A_655 = arith.constant 9 : i32
      %add3A_656 = arith.addi %mul3A_166, %add3A_655 : i32
      %get3A_657 = arith.index_cast %add3A_656 : i32 to index
      %get3A_658 = arith.constant 16 : index
      %get3A_659 = tpu.vector_load %arg10[%get3A_657, %get3A_658] {strides = array<i32>} : memref<128x64xf32, #tpu.memory_space<vmem>>, vector<16xf32>,
      %add3A_660 = arith.constant 9 : i32
      %add3A_661 = arith.addi %mul3A_166, %add3A_660 : i32
      %get3A_662 = arith.index_cast %add3A_661 : i32 to index
      %get3A_663 = arith.constant 16 : index
      %get3A_664 = tpu.vector_load %arg11[%get3A_662, %get3A_663] {strides = array<i32>} : memref<128x64xf32, #tpu.memory_space<vmem>>, vector<16xf32>,
      %mul3A_665 = arith.mulf %get3A_659, %get3A_664 : vector<16xf32>
      %mul3A_666 = arith.mulf %mul3A_665, %get3A_5 : vector<16xf32>
      %add3A_667 = arith.addf %mul3A_654, %mul3A_666 : vector<16xf32>
      %add3A_668 = arith.constant 9 : i32
      %add3A_669 = arith.addi %mul3A_166, %add3A_668 : i32
      %get3A_670 = arith.index_cast %add3A_669 : i32 to index
      %get3A_671 = arith.constant 32 : index
      %get3A_672 = tpu.vector_load %arg10[%get3A_670, %get3A_671] {strides = array<i32>} : memref<128x64xf32, #tpu.memory_space<vmem>>, vector<16xf32>,
      %add3A_673 = arith.constant 9 : i32
      %add3A_674 = arith.addi %mul3A_166, %add3A_673 : i32
      %get3A_675 = arith.index_cast %add3A_674 : i32 to index
      %get3A_676 = arith.constant 32 : index
      %get3A_677 = tpu.vector_load %arg11[%get3A_675, %get3A_676] {strides = array<i32>} : memref<128x64xf32, #tpu.memory_space<vmem>>, vector<16xf32>,
      %mul3A_678 = arith.mulf %get3A_672, %get3A_677 : vector<16xf32>
      %mul3A_679 = arith.mulf %mul3A_678, %get3A_7 : vector<16xf32>
      %add3A_680 = arith.addf %add3A_667, %mul3A_679 : vector<16xf32>
      %add3A_681 = arith.constant 9 : i32
      %add3A_682 = arith.addi %mul3A_166, %add3A_681 : i32
      %get3A_683 = arith.index_cast %add3A_682 : i32 to index
      %get3A_684 = arith.constant 48 : index
      %get3A_685 = tpu.vector_load %arg10[%get3A_683, %get3A_684] {strides = array<i32>} : memref<128x64xf32, #tpu.memory_space<vmem>>, vector<16xf32>,
      %add3A_686 = arith.constant 9 : i32
      %add3A_687 = arith.addi %mul3A_166, %add3A_686 : i32
      %get3A_688 = arith.index_cast %add3A_687 : i32 to index
      %get3A_689 = arith.constant 48 : index
      %get3A_690 = tpu.vector_load %arg11[%get3A_688, %get3A_689] {strides = array<i32>} : memref<128x64xf32, #tpu.memory_space<vmem>>, vector<16xf32>,
      %mul3A_691 = arith.mulf %get3A_685, %get3A_690 : vector<16xf32>
      %mul3A_692 = arith.mulf %mul3A_691, %get3A_9 : vector<16xf32>
      %add3A_693 = arith.addf %add3A_680, %mul3A_692 : vector<16xf32>
      %swap3A_694 = arith.constant 144 : index
      %swap3A_695 = tpu.vector_load %arg13[%swap3A_694] {strides = array<i32>} : memref<256xf32, #tpu.memory_space<vmem>>, vector<16xf32>,
      tpu.vector_store %arg13[%swap3A_694], %add3A_693 {strides = array<i32>} : memref<256xf32, #tpu.memory_space<vmem>>, vector<16xf32>,
      %add3A_696 = arith.constant 10 : i32
      %add3A_697 = arith.addi %mul3A_166, %add3A_696 : i32
      %get3A_698 = arith.index_cast %add3A_697 : i32 to index
      %get3A_699 = arith.constant 0 : index
      %get3A_700 = tpu.vector_load %arg10[%get3A_698, %get3A_699] {strides = array<i32>} : memref<128x64xf32, #tpu.memory_space<vmem>>, vector<16xf32>,
      %add3A_701 = arith.constant 10 : i32
      %add3A_702 = arith.addi %mul3A_166, %add3A_701 : i32
      %get3A_703 = arith.index_cast %add3A_702 : i32 to index
      %get3A_704 = arith.constant 0 : index
      %get3A_705 = tpu.vector_load %arg11[%get3A_703, %get3A_704] {strides = array<i32>} : memref<128x64xf32, #tpu.memory_space<vmem>>, vector<16xf32>,
      %mul3A_706 = arith.mulf %get3A_700, %get3A_705 : vector<16xf32>
      %mul3A_707 = arith.mulf %mul3A_706, %get3A_3 : vector<16xf32>
      %add3A_708 = arith.constant 10 : i32
      %add3A_709 = arith.addi %mul3A_166, %add3A_708 : i32
      %get3A_710 = arith.index_cast %add3A_709 : i32 to index
      %get3A_711 = arith.constant 16 : index
      %get3A_712 = tpu.vector_load %arg10[%get3A_710, %get3A_711] {strides = array<i32>} : memref<128x64xf32, #tpu.memory_space<vmem>>, vector<16xf32>,
      %add3A_713 = arith.constant 10 : i32
      %add3A_714 = arith.addi %mul3A_166, %add3A_713 : i32
      %get3A_715 = arith.index_cast %add3A_714 : i32 to index
      %get3A_716 = arith.constant 16 : index
      %get3A_717 = tpu.vector_load %arg11[%get3A_715, %get3A_716] {strides = array<i32>} : memref<128x64xf32, #tpu.memory_space<vmem>>, vector<16xf32>,
      %mul3A_718 = arith.mulf %get3A_712, %get3A_717 : vector<16xf32>
      %mul3A_719 = arith.mulf %mul3A_718, %get3A_5 : vector<16xf32>
      %add3A_720 = arith.addf %mul3A_707, %mul3A_719 : vector<16xf32>
      %add3A_721 = arith.constant 10 : i32
      %add3A_722 = arith.addi %mul3A_166, %add3A_721 : i32
      %get3A_723 = arith.index_cast %add3A_722 : i32 to index
      %get3A_724 = arith.constant 32 : index
      %get3A_725 = tpu.vector_load %arg10[%get3A_723, %get3A_724] {strides = array<i32>} : memref<128x64xf32, #tpu.memory_space<vmem>>, vector<16xf32>,
      %add3A_726 = arith.constant 10 : i32
      %add3A_727 = arith.addi %mul3A_166, %add3A_726 : i32
      %get3A_728 = arith.index_cast %add3A_727 : i32 to index
      %get3A_729 = arith.constant 32 : index
      %get3A_730 = tpu.vector_load %arg11[%get3A_728, %get3A_729] {strides = array<i32>} : memref<128x64xf32, #tpu.memory_space<vmem>>, vector<16xf32>,
      %mul3A_731 = arith.mulf %get3A_725, %get3A_730 : vector<16xf32>
      %mul3A_732 = arith.mulf %mul3A_731, %get3A_7 : vector<16xf32>
      %add3A_733 = arith.addf %add3A_720, %mul3A_732 : vector<16xf32>
      %add3A_734 = arith.constant 10 : i32
      %add3A_735 = arith.addi %mul3A_166, %add3A_734 : i32
      %get3A_736 = arith.index_cast %add3A_735 : i32 to index
      %get3A_737 = arith.constant 48 : index
      %get3A_738 = tpu.vector_load %arg10[%get3A_736, %get3A_737] {strides = array<i32>} : memref<128x64xf32, #tpu.memory_space<vmem>>, vector<16xf32>,
      %add3A_739 = arith.constant 10 : i32
      %add3A_740 = arith.addi %mul3A_166, %add3A_739 : i32
      %get3A_741 = arith.index_cast %add3A_740 : i32 to index
      %get3A_742 = arith.constant 48 : index
      %get3A_743 = tpu.vector_load %arg11[%get3A_741, %get3A_742] {strides = array<i32>} : memref<128x64xf32, #tpu.memory_space<vmem>>, vector<16xf32>,
      %mul3A_744 = arith.mulf %get3A_738, %get3A_743 : vector<16xf32>
      %mul3A_745 = arith.mulf %mul3A_744, %get3A_9 : vector<16xf32>
      %add3A_746 = arith.addf %add3A_733, %mul3A_745 : vector<16xf32>
      %swap3A_747 = arith.constant 160 : index
      %swap3A_748 = tpu.vector_load %arg13[%swap3A_747] {strides = array<i32>} : memref<256xf32, #tpu.memory_space<vmem>>, vector<16xf32>,
      tpu.vector_store %arg13[%swap3A_747], %add3A_746 {strides = array<i32>} : memref<256xf32, #tpu.memory_space<vmem>>, vector<16xf32>,
      %add3A_749 = arith.constant 11 : i32
      %add3A_750 = arith.addi %mul3A_166, %add3A_749 : i32
      %get3A_751 = arith.index_cast %add3A_750 : i32 to index
      %get3A_752 = arith.constant 0 : index
      %get3A_753 = tpu.vector_load %arg10[%get3A_751, %get3A_752] {strides = array<i32>} : memref<128x64xf32, #tpu.memory_space<vmem>>, vector<16xf32>,
      %add3A_754 = arith.constant 11 : i32
      %add3A_755 = arith.addi %mul3A_166, %add3A_754 : i32
      %get3A_756 = arith.index_cast %add3A_755 : i32 to index
      %get3A_757 = arith.constant 0 : index
      %get3A_758 = tpu.vector_load %arg11[%get3A_756, %get3A_757] {strides = array<i32>} : memref<128x64xf32, #tpu.memory_space<vmem>>, vector<16xf32>,
      %mul3A_759 = arith.mulf %get3A_753, %get3A_758 : vector<16xf32>
      %mul3A_760 = arith.mulf %mul3A_759, %get3A_3 : vector<16xf32>
      %add3A_761 = arith.constant 11 : i32
      %add3A_762 = arith.addi %mul3A_166, %add3A_761 : i32
      %get3A_763 = arith.index_cast %add3A_762 : i32 to index
      %get3A_764 = arith.constant 16 : index
      %get3A_765 = tpu.vector_load %arg10[%get3A_763, %get3A_764] {strides = array<i32>} : memref<128x64xf32, #tpu.memory_space<vmem>>, vector<16xf32>,
      %add3A_766 = arith.constant 11 : i32
      %add3A_767 = arith.addi %mul3A_166, %add3A_766 : i32
      %get3A_768 = arith.index_cast %add3A_767 : i32 to index
      %get3A_769 = arith.constant 16 : index
      %get3A_770 = tpu.vector_load %arg11[%get3A_768, %get3A_769] {strides = array<i32>} : memref<128x64xf32, #tpu.memory_space<vmem>>, vector<16xf32>,
      %mul3A_771 = arith.mulf %get3A_765, %get3A_770 : vector<16xf32>
      %mul3A_772 = arith.mulf %mul3A_771, %get3A_5 : vector<16xf32>
      %add3A_773 = arith.addf %mul3A_760, %mul3A_772 : vector<16xf32>
      %add3A_774 = arith.constant 11 : i32
      %add3A_775 = arith.addi %mul3A_166, %add3A_774 : i32
      %get3A_776 = arith.index_cast %add3A_775 : i32 to index
      %get3A_777 = arith.constant 32 : index
      %get3A_778 = tpu.vector_load %arg10[%get3A_776, %get3A_777] {strides = array<i32>} : memref<128x64xf32, #tpu.memory_space<vmem>>, vector<16xf32>,
      %add3A_779 = arith.constant 11 : i32
      %add3A_780 = arith.addi %mul3A_166, %add3A_779 : i32
      %get3A_781 = arith.index_cast %add3A_780 : i32 to index
      %get3A_782 = arith.constant 32 : index
      %get3A_783 = tpu.vector_load %arg11[%get3A_781, %get3A_782] {strides = array<i32>} : memref<128x64xf32, #tpu.memory_space<vmem>>, vector<16xf32>,
      %mul3A_784 = arith.mulf %get3A_778, %get3A_783 : vector<16xf32>
      %mul3A_785 = arith.mulf %mul3A_784, %get3A_7 : vector<16xf32>
      %add3A_786 = arith.addf %add3A_773, %mul3A_785 : vector<16xf32>
      %add3A_787 = arith.constant 11 : i32
      %add3A_788 = arith.addi %mul3A_166, %add3A_787 : i32
      %get3A_789 = arith.index_cast %add3A_788 : i32 to index
      %get3A_790 = arith.constant 48 : index
      %get3A_791 = tpu.vector_load %arg10[%get3A_789, %get3A_790] {strides = array<i32>} : memref<128x64xf32, #tpu.memory_space<vmem>>, vector<16xf32>,
      %add3A_792 = arith.constant 11 : i32
      %add3A_793 = arith.addi %mul3A_166, %add3A_792 : i32
      %get3A_794 = arith.index_cast %add3A_793 : i32 to index
      %get3A_795 = arith.constant 48 : index
      %get3A_796 = tpu.vector_load %arg11[%get3A_794, %get3A_795] {strides = array<i32>} : memref<128x64xf32, #tpu.memory_space<vmem>>, vector<16xf32>,
      %mul3A_797 = arith.mulf %get3A_791, %get3A_796 : vector<16xf32>
      %mul3A_798 = arith.mulf %mul3A_797, %get3A_9 : vector<16xf32>
      %add3A_799 = arith.addf %add3A_786, %mul3A_798 : vector<16xf32>
      %swap3A_800 = arith.constant 176 : index
      %swap3A_801 = tpu.vector_load %arg13[%swap3A_800] {strides = array<i32>} : memref<256xf32, #tpu.memory_space<vmem>>, vector<16xf32>,
      tpu.vector_store %arg13[%swap3A_800], %add3A_799 {strides = array<i32>} : memref<256xf32, #tpu.memory_space<vmem>>, vector<16xf32>,
      %add3A_802 = arith.constant 12 : i32
      %add3A_803 = arith.addi %mul3A_166, %add3A_802 : i32
      %get3A_804 = arith.index_cast %add3A_803 : i32 to index
      %get3A_805 = arith.constant 0 : index
      %get3A_806 = tpu.vector_load %arg10[%get3A_804, %get3A_805] {strides = array<i32>} : memref<128x64xf32, #tpu.memory_space<vmem>>, vector<16xf32>,
      %add3A_807 = arith.constant 12 : i32
      %add3A_808 = arith.addi %mul3A_166, %add3A_807 : i32
      %get3A_809 = arith.index_cast %add3A_808 : i32 to index
      %get3A_810 = arith.constant 0 : index
      %get3A_811 = tpu.vector_load %arg11[%get3A_809, %get3A_810] {strides = array<i32>} : memref<128x64xf32, #tpu.memory_space<vmem>>, vector<16xf32>,
      %mul3A_812 = arith.mulf %get3A_806, %get3A_811 : vector<16xf32>
      %mul3A_813 = arith.mulf %mul3A_812, %get3A_3 : vector<16xf32>
      %add3A_814 = arith.constant 12 : i32
      %add3A_815 = arith.addi %mul3A_166, %add3A_814 : i32
      %get3A_816 = arith.index_cast %add3A_815 : i32 to index
      %get3A_817 = arith.constant 16 : index
      %get3A_818 = tpu.vector_load %arg10[%get3A_816, %get3A_817] {strides = array<i32>} : memref<128x64xf32, #tpu.memory_space<vmem>>, vector<16xf32>,
      %add3A_819 = arith.constant 12 : i32
      %add3A_820 = arith.addi %mul3A_166, %add3A_819 : i32
      %get3A_821 = arith.index_cast %add3A_820 : i32 to index
      %get3A_822 = arith.constant 16 : index
      %get3A_823 = tpu.vector_load %arg11[%get3A_821, %get3A_822] {strides = array<i32>} : memref<128x64xf32, #tpu.memory_space<vmem>>, vector<16xf32>,
      %mul3A_824 = arith.mulf %get3A_818, %get3A_823 : vector<16xf32>
      %mul3A_825 = arith.mulf %mul3A_824, %get3A_5 : vector<16xf32>
      %add3A_826 = arith.addf %mul3A_813, %mul3A_825 : vector<16xf32>
      %add3A_827 = arith.constant 12 : i32
      %add3A_828 = arith.addi %mul3A_166, %add3A_827 : i32
      %get3A_829 = arith.index_cast %add3A_828 : i32 to index
      %get3A_830 = arith.constant 32 : index
      %get3A_831 = tpu.vector_load %arg10[%get3A_829, %get3A_830] {strides = array<i32>} : memref<128x64xf32, #tpu.memory_space<vmem>>, vector<16xf32>,
      %add3A_832 = arith.constant 12 : i32
      %add3A_833 = arith.addi %mul3A_166, %add3A_832 : i32
      %get3A_834 = arith.index_cast %add3A_833 : i32 to index
      %get3A_835 = arith.constant 32 : index
      %get3A_836 = tpu.vector_load %arg11[%get3A_834, %get3A_835] {strides = array<i32>} : memref<128x64xf32, #tpu.memory_space<vmem>>, vector<16xf32>,
      %mul3A_837 = arith.mulf %get3A_831, %get3A_836 : vector<16xf32>
      %mul3A_838 = arith.mulf %mul3A_837, %get3A_7 : vector<16xf32>
      %add3A_839 = arith.addf %add3A_826, %mul3A_838 : vector<16xf32>
      %add3A_840 = arith.constant 12 : i32
      %add3A_841 = arith.addi %mul3A_166, %add3A_840 : i32
      %get3A_842 = arith.index_cast %add3A_841 : i32 to index
      %get3A_843 = arith.constant 48 : index
      %get3A_844 = tpu.vector_load %arg10[%get3A_842, %get3A_843] {strides = array<i32>} : memref<128x64xf32, #tpu.memory_space<vmem>>, vector<16xf32>,
      %add3A_845 = arith.constant 12 : i32
      %add3A_846 = arith.addi %mul3A_166, %add3A_845 : i32
      %get3A_847 = arith.index_cast %add3A_846 : i32 to index
      %get3A_848 = arith.constant 48 : index
      %get3A_849 = tpu.vector_load %arg11[%get3A_847, %get3A_848] {strides = array<i32>} : memref<128x64xf32, #tpu.memory_space<vmem>>, vector<16xf32>,
      %mul3A_850 = arith.mulf %get3A_844, %get3A_849 : vector<16xf32>
      %mul3A_851 = arith.mulf %mul3A_850, %get3A_9 : vector<16xf32>
      %add3A_852 = arith.addf %add3A_839, %mul3A_851 : vector<16xf32>
      %swap3A_853 = arith.constant 192 : index
      %swap3A_854 = tpu.vector_load %arg13[%swap3A_853] {strides = array<i32>} : memref<256xf32, #tpu.memory_space<vmem>>, vector<16xf32>,
      tpu.vector_store %arg13[%swap3A_853], %add3A_852 {strides = array<i32>} : memref<256xf32, #tpu.memory_space<vmem>>, vector<16xf32>,
      %add3A_855 = arith.constant 13 : i32
      %add3A_856 = arith.addi %mul3A_166, %add3A_855 : i32
      %get3A_857 = arith.index_cast %add3A_856 : i32 to index
      %get3A_858 = arith.constant 0 : index
      %get3A_859 = tpu.vector_load %arg10[%get3A_857, %get3A_858] {strides = array<i32>} : memref<128x64xf32, #tpu.memory_space<vmem>>, vector<16xf32>,
      %add3A_860 = arith.constant 13 : i32
      %add3A_861 = arith.addi %mul3A_166, %add3A_860 : i32
      %get3A_862 = arith.index_cast %add3A_861 : i32 to index
      %get3A_863 = arith.constant 0 : index
      %get3A_864 = tpu.vector_load %arg11[%get3A_862, %get3A_863] {strides = array<i32>} : memref<128x64xf32, #tpu.memory_space<vmem>>, vector<16xf32>,
      %mul3A_865 = arith.mulf %get3A_859, %get3A_864 : vector<16xf32>
      %mul3A_866 = arith.mulf %mul3A_865, %get3A_3 : vector<16xf32>
      %add3A_867 = arith.constant 13 : i32
      %add3A_868 = arith.addi %mul3A_166, %add3A_867 : i32
      %get3A_869 = arith.index_cast %add3A_868 : i32 to index
      %get3A_870 = arith.constant 16 : index
      %get3A_871 = tpu.vector_load %arg10[%get3A_869, %get3A_870] {strides = array<i32>} : memref<128x64xf32, #tpu.memory_space<vmem>>, vector<16xf32>,
      %add3A_872 = arith.constant 13 : i32
      %add3A_873 = arith.addi %mul3A_166, %add3A_872 : i32
      %get3A_874 = arith.index_cast %add3A_873 : i32 to index
      %get3A_875 = arith.constant 16 : index
      %get3A_876 = tpu.vector_load %arg11[%get3A_874, %get3A_875] {strides = array<i32>} : memref<128x64xf32, #tpu.memory_space<vmem>>, vector<16xf32>,
      %mul3A_877 = arith.mulf %get3A_871, %get3A_876 : vector<16xf32>
      %mul3A_878 = arith.mulf %mul3A_877, %get3A_5 : vector<16xf32>
      %add3A_879 = arith.addf %mul3A_866, %mul3A_878 : vector<16xf32>
      %add3A_880 = arith.constant 13 : i32
      %add3A_881 = arith.addi %mul3A_166, %add3A_880 : i32
      %get3A_882 = arith.index_cast %add3A_881 : i32 to index
      %get3A_883 = arith.constant 32 : index
      %get3A_884 = tpu.vector_load %arg10[%get3A_882, %get3A_883] {strides = array<i32>} : memref<128x64xf32, #tpu.memory_space<vmem>>, vector<16xf32>,
      %add3A_885 = arith.constant 13 : i32
      %add3A_886 = arith.addi %mul3A_166, %add3A_885 : i32
      %get3A_887 = arith.index_cast %add3A_886 : i32 to index
      %get3A_888 = arith.constant 32 : index
      %get3A_889 = tpu.vector_load %arg11[%get3A_887, %get3A_888] {strides = array<i32>} : memref<128x64xf32, #tpu.memory_space<vmem>>, vector<16xf32>,
      %mul3A_890 = arith.mulf %get3A_884, %get3A_889 : vector<16xf32>
      %mul3A_891 = arith.mulf %mul3A_890, %get3A_7 : vector<16xf32>
      %add3A_892 = arith.addf %add3A_879, %mul3A_891 : vector<16xf32>
      %add3A_893 = arith.constant 13 : i32
      %add3A_894 = arith.addi %mul3A_166, %add3A_893 : i32
      %get3A_895 = arith.index_cast %add3A_894 : i32 to index
      %get3A_896 = arith.constant 48 : index
      %get3A_897 = tpu.vector_load %arg10[%get3A_895, %get3A_896] {strides = array<i32>} : memref<128x64xf32, #tpu.memory_space<vmem>>, vector<16xf32>,
      %add3A_898 = arith.constant 13 : i32
      %add3A_899 = arith.addi %mul3A_166, %add3A_898 : i32
      %get3A_900 = arith.index_cast %add3A_899 : i32 to index
      %get3A_901 = arith.constant 48 : index
      %get3A_902 = tpu.vector_load %arg11[%get3A_900, %get3A_901] {strides = array<i32>} : memref<128x64xf32, #tpu.memory_space<vmem>>, vector<16xf32>,
      %mul3A_903 = arith.mulf %get3A_897, %get3A_902 : vector<16xf32>
      %mul3A_904 = arith.mulf %mul3A_903, %get3A_9 : vector<16xf32>
      %add3A_905 = arith.addf %add3A_892, %mul3A_904 : vector<16xf32>
      %swap3A_906 = arith.constant 208 : index
      %swap3A_907 = tpu.vector_load %arg13[%swap3A_906] {strides = array<i32>} : memref<256xf32, #tpu.memory_space<vmem>>, vector<16xf32>,
      tpu.vector_store %arg13[%swap3A_906], %add3A_905 {strides = array<i32>} : memref<256xf32, #tpu.memory_space<vmem>>, vector<16xf32>,
      %add3A_908 = arith.constant 14 : i32
      %add3A_909 = arith.addi %mul3A_166, %add3A_908 : i32
      %get3A_910 = arith.index_cast %add3A_909 : i32 to index
      %get3A_911 = arith.constant 0 : index
      %get3A_912 = tpu.vector_load %arg10[%get3A_910, %get3A_911] {strides = array<i32>} : memref<128x64xf32, #tpu.memory_space<vmem>>, vector<16xf32>,
      %add3A_913 = arith.constant 14 : i32
      %add3A_914 = arith.addi %mul3A_166, %add3A_913 : i32
      %get3A_915 = arith.index_cast %add3A_914 : i32 to index
      %get3A_916 = arith.constant 0 : index
      %get3A_917 = tpu.vector_load %arg11[%get3A_915, %get3A_916] {strides = array<i32>} : memref<128x64xf32, #tpu.memory_space<vmem>>, vector<16xf32>,
      %mul3A_918 = arith.mulf %get3A_912, %get3A_917 : vector<16xf32>
      %mul3A_919 = arith.mulf %mul3A_918, %get3A_3 : vector<16xf32>
      %add3A_920 = arith.constant 14 : i32
      %add3A_921 = arith.addi %mul3A_166, %add3A_920 : i32
      %get3A_922 = arith.index_cast %add3A_921 : i32 to index
      %get3A_923 = arith.constant 16 : index
      %get3A_924 = tpu.vector_load %arg10[%get3A_922, %get3A_923] {strides = array<i32>} : memref<128x64xf32, #tpu.memory_space<vmem>>, vector<16xf32>,
      %add3A_925 = arith.constant 14 : i32
      %add3A_926 = arith.addi %mul3A_166, %add3A_925 : i32
      %get3A_927 = arith.index_cast %add3A_926 : i32 to index
      %get3A_928 = arith.constant 16 : index
      %get3A_929 = tpu.vector_load %arg11[%get3A_927, %get3A_928] {strides = array<i32>} : memref<128x64xf32, #tpu.memory_space<vmem>>, vector<16xf32>,
      %mul3A_930 = arith.mulf %get3A_924, %get3A_929 : vector<16xf32>
      %mul3A_931 = arith.mulf %mul3A_930, %get3A_5 : vector<16xf32>
      %add3A_932 = arith.addf %mul3A_919, %mul3A_931 : vector<16xf32>
      %add3A_933 = arith.constant 14 : i32
      %add3A_934 = arith.addi %mul3A_166, %add3A_933 : i32
      %get3A_935 = arith.index_cast %add3A_934 : i32 to index
      %get3A_936 = arith.constant 32 : index
      %get3A_937 = tpu.vector_load %arg10[%get3A_935, %get3A_936] {strides = array<i32>} : memref<128x64xf32, #tpu.memory_space<vmem>>, vector<16xf32>,
      %add3A_938 = arith.constant 14 : i32
      %add3A_939 = arith.addi %mul3A_166, %add3A_938 : i32
      %get3A_940 = arith.index_cast %add3A_939 : i32 to index
      %get3A_941 = arith.constant 32 : index
      %get3A_942 = tpu.vector_load %arg11[%get3A_940, %get3A_941] {strides = array<i32>} : memref<128x64xf32, #tpu.memory_space<vmem>>, vector<16xf32>,
      %mul3A_943 = arith.mulf %get3A_937, %get3A_942 : vector<16xf32>
      %mul3A_944 = arith.mulf %mul3A_943, %get3A_7 : vector<16xf32>
      %add3A_945 = arith.addf %add3A_932, %mul3A_944 : vector<16xf32>
      %add3A_946 = arith.constant 14 : i32
      %add3A_947 = arith.addi %mul3A_166, %add3A_946 : i32
      %get3A_948 = arith.index_cast %add3A_947 : i32 to index
      %get3A_949 = arith.constant 48 : index
      %get3A_950 = tpu.vector_load %arg10[%get3A_948, %get3A_949] {strides = array<i32>} : memref<128x64xf32, #tpu.memory_space<vmem>>, vector<16xf32>,
      %add3A_951 = arith.constant 14 : i32
      %add3A_952 = arith.addi %mul3A_166, %add3A_951 : i32
      %get3A_953 = arith.index_cast %add3A_952 : i32 to index
      %get3A_954 = arith.constant 48 : index
      %get3A_955 = tpu.vector_load %arg11[%get3A_953, %get3A_954] {strides = array<i32>} : memref<128x64xf32, #tpu.memory_space<vmem>>, vector<16xf32>,
      %mul3A_956 = arith.mulf %get3A_950, %get3A_955 : vector<16xf32>
      %mul3A_957 = arith.mulf %mul3A_956, %get3A_9 : vector<16xf32>
      %add3A_958 = arith.addf %add3A_945, %mul3A_957 : vector<16xf32>
      %swap3A_959 = arith.constant 224 : index
      %swap3A_960 = tpu.vector_load %arg13[%swap3A_959] {strides = array<i32>} : memref<256xf32, #tpu.memory_space<vmem>>, vector<16xf32>,
      tpu.vector_store %arg13[%swap3A_959], %add3A_958 {strides = array<i32>} : memref<256xf32, #tpu.memory_space<vmem>>, vector<16xf32>,
      %add3A_961 = arith.constant 15 : i32
      %add3A_962 = arith.addi %mul3A_166, %add3A_961 : i32
      %get3A_963 = arith.index_cast %add3A_962 : i32 to index
      %get3A_964 = arith.constant 0 : index
      %get3A_965 = tpu.vector_load %arg10[%get3A_963, %get3A_964] {strides = array<i32>} : memref<128x64xf32, #tpu.memory_space<vmem>>, vector<16xf32>,
      %add3A_966 = arith.constant 15 : i32
      %add3A_967 = arith.addi %mul3A_166, %add3A_966 : i32
      %get3A_968 = arith.index_cast %add3A_967 : i32 to index
      %get3A_969 = arith.constant 0 : index
      %get3A_970 = tpu.vector_load %arg11[%get3A_968, %get3A_969] {strides = array<i32>} : memref<128x64xf32, #tpu.memory_space<vmem>>, vector<16xf32>,
      %mul3A_971 = arith.mulf %get3A_965, %get3A_970 : vector<16xf32>
      %mul3A_972 = arith.mulf %mul3A_971, %get3A_3 : vector<16xf32>
      %add3A_973 = arith.constant 15 : i32
      %add3A_974 = arith.addi %mul3A_166, %add3A_973 : i32
      %get3A_975 = arith.index_cast %add3A_974 : i32 to index
      %get3A_976 = arith.constant 16 : index
      %get3A_977 = tpu.vector_load %arg10[%get3A_975, %get3A_976] {strides = array<i32>} : memref<128x64xf32, #tpu.memory_space<vmem>>, vector<16xf32>,
      %add3A_978 = arith.constant 15 : i32
      %add3A_979 = arith.addi %mul3A_166, %add3A_978 : i32
      %get3A_980 = arith.index_cast %add3A_979 : i32 to index
      %get3A_981 = arith.constant 16 : index
      %get3A_982 = tpu.vector_load %arg11[%get3A_980, %get3A_981] {strides = array<i32>} : memref<128x64xf32, #tpu.memory_space<vmem>>, vector<16xf32>,
      %mul3A_983 = arith.mulf %get3A_977, %get3A_982 : vector<16xf32>
      %mul3A_984 = arith.mulf %mul3A_983, %get3A_5 : vector<16xf32>
      %add3A_985 = arith.addf %mul3A_972, %mul3A_984 : vector<16xf32>
      %add3A_986 = arith.constant 15 : i32
      %add3A_987 = arith.addi %mul3A_166, %add3A_986 : i32
      %get3A_988 = arith.index_cast %add3A_987 : i32 to index
      %get3A_989 = arith.constant 32 : index
      %get3A_990 = tpu.vector_load %arg10[%get3A_988, %get3A_989] {strides = array<i32>} : memref<128x64xf32, #tpu.memory_space<vmem>>, vector<16xf32>,
      %add3A_991 = arith.constant 15 : i32
      %add3A_992 = arith.addi %mul3A_166, %add3A_991 : i32
      %get3A_993 = arith.index_cast %add3A_992 : i32 to index
      %get3A_994 = arith.constant 32 : index
      %get3A_995 = tpu.vector_load %arg11[%get3A_993, %get3A_994] {strides = array<i32>} : memref<128x64xf32, #tpu.memory_space<vmem>>, vector<16xf32>,
      %mul3A_996 = arith.mulf %get3A_990, %get3A_995 : vector<16xf32>
      %mul3A_997 = arith.mulf %mul3A_996, %get3A_7 : vector<16xf32>
      %add3A_998 = arith.addf %add3A_985, %mul3A_997 : vector<16xf32>
      %add3A_999 = arith.constant 15 : i32
      %add3A_1000 = arith.addi %mul3A_166, %add3A_999 : i32
      %get3A_1001 = arith.index_cast %add3A_1000 : i32 to index
      %get3A_1002 = arith.constant 48 : index
      %get3A_1003 = tpu.vector_load %arg10[%get3A_1001, %get3A_1002] {strides = array<i32>} : memref<128x64xf32, #tpu.memory_space<vmem>>, vector<16xf32>,
      %add3A_1004 = arith.constant 15 : i32
      %add3A_1005 = arith.addi %mul3A_166, %add3A_1004 : i32
      %get3A_1006 = arith.index_cast %add3A_1005 : i32 to index
      %get3A_1007 = arith.constant 48 : index
      %get3A_1008 = tpu.vector_load %arg11[%get3A_1006, %get3A_1007] {strides = array<i32>} : memref<128x64xf32, #tpu.memory_space<vmem>>, vector<16xf32>,
      %mul3A_1009 = arith.mulf %get3A_1003, %get3A_1008 : vector<16xf32>
      %mul3A_1010 = arith.mulf %mul3A_1009, %get3A_9 : vector<16xf32>
      %add3A_1011 = arith.addf %add3A_998, %mul3A_1010 : vector<16xf32>
      %swap3A_1012 = arith.constant 240 : index
      %swap3A_1013 = tpu.vector_load %arg13[%swap3A_1012] {strides = array<i32>} : memref<256xf32, #tpu.memory_space<vmem>>, vector<16xf32>,
      tpu.vector_store %arg13[%swap3A_1012], %add3A_1011 {strides = array<i32>} : memref<256xf32, #tpu.memory_space<vmem>>, vector<16xf32>,
      %gather3A = tpu.vector_load_idx %arg13[%add3A_17] : memref<256xf32, #tpu.memory_space<vmem>>[vector<16xi32>], vector<16xf32>,
      %gather3A_1014 = tpu.vector_load_idx %arg13[%add3A_20] : memref<256xf32, #tpu.memory_space<vmem>>[vector<16xi32>], vector<16xf32>,
      %gather3A_1015 = tpu.vector_load_idx %arg13[%add3A_23] : memref<256xf32, #tpu.memory_space<vmem>>[vector<16xi32>], vector<16xf32>,
      %gather3A_1016 = tpu.vector_load_idx %arg13[%add3A_26] : memref<256xf32, #tpu.memory_space<vmem>>[vector<16xi32>], vector<16xf32>,
      %gather3A_1017 = tpu.vector_load_idx %arg13[%add3A_29] : memref<256xf32, #tpu.memory_space<vmem>>[vector<16xi32>], vector<16xf32>,
      %gather3A_1018 = tpu.vector_load_idx %arg13[%add3A_32] : memref<256xf32, #tpu.memory_space<vmem>>[vector<16xi32>], vector<16xf32>,
      %gather3A_1019 = tpu.vector_load_idx %arg13[%add3A_35] : memref<256xf32, #tpu.memory_space<vmem>>[vector<16xi32>], vector<16xf32>,
      %gather3A_1020 = tpu.vector_load_idx %arg13[%add3A_38] : memref<256xf32, #tpu.memory_space<vmem>>[vector<16xi32>], vector<16xf32>,
      %gather3A_1021 = tpu.vector_load_idx %arg13[%add3A_41] : memref<256xf32, #tpu.memory_space<vmem>>[vector<16xi32>], vector<16xf32>,
      %gather3A_1022 = tpu.vector_load_idx %arg13[%add3A_44] : memref<256xf32, #tpu.memory_space<vmem>>[vector<16xi32>], vector<16xf32>,
      %gather3A_1023 = tpu.vector_load_idx %arg13[%add3A_47] : memref<256xf32, #tpu.memory_space<vmem>>[vector<16xi32>], vector<16xf32>,
      %gather3A_1024 = tpu.vector_load_idx %arg13[%add3A_50] : memref<256xf32, #tpu.memory_space<vmem>>[vector<16xi32>], vector<16xf32>,
      %gather3A_1025 = tpu.vector_load_idx %arg13[%add3A_53] : memref<256xf32, #tpu.memory_space<vmem>>[vector<16xi32>], vector<16xf32>,
      %gather3A_1026 = tpu.vector_load_idx %arg13[%add3A_56] : memref<256xf32, #tpu.memory_space<vmem>>[vector<16xi32>], vector<16xf32>,
      %gather3A_1027 = tpu.vector_load_idx %arg13[%add3A_59] : memref<256xf32, #tpu.memory_space<vmem>>[vector<16xi32>], vector<16xf32>,
      %gather3A_1028 = tpu.vector_load_idx %arg13[%add3A_62] : memref<256xf32, #tpu.memory_space<vmem>>[vector<16xi32>], vector<16xf32>,
      %add3A_1029 = arith.addf %gather3A, %gather3A_1014 : vector<16xf32>
      %add3A_1030 = arith.addf %gather3A_1015, %gather3A_1016 : vector<16xf32>
      %add3A_1031 = arith.addf %gather3A_1017, %gather3A_1018 : vector<16xf32>
      %add3A_1032 = arith.addf %gather3A_1019, %gather3A_1020 : vector<16xf32>
      %add3A_1033 = arith.addf %gather3A_1021, %gather3A_1022 : vector<16xf32>
      %add3A_1034 = arith.addf %gather3A_1023, %gather3A_1024 : vector<16xf32>
      %add3A_1035 = arith.addf %gather3A_1025, %gather3A_1026 : vector<16xf32>
      %add3A_1036 = arith.addf %gather3A_1027, %gather3A_1028 : vector<16xf32>
      %add3A_1037 = arith.addf %add3A_1029, %add3A_1030 : vector<16xf32>
      %add3A_1038 = arith.addf %add3A_1031, %add3A_1032 : vector<16xf32>
      %add3A_1039 = arith.addf %add3A_1033, %add3A_1034 : vector<16xf32>
      %add3A_1040 = arith.addf %add3A_1035, %add3A_1036 : vector<16xf32>
      %add3A_1041 = arith.addf %add3A_1037, %add3A_1038 : vector<16xf32>
      %add3A_1042 = arith.addf %add3A_1039, %add3A_1040 : vector<16xf32>
      %add3A_1043 = arith.addf %add3A_1041, %add3A_1042 : vector<16xf32>
      %add3A_1044 = arith.addf %add3A_1043, %get3A_11 : vector<16xf32>
      %neg3A = arith.constant 0.000000e+00 : f32
      %neg3A_1045 = vector.broadcast %neg3A : f32 to vector<16xf32>
      %neg3A_1046 = arith.subf %neg3A_1045, %add3A_1044 : vector<16xf32>
      %exp3A = math.exp %neg3A_1046 : vector<16xf32>
      %add3A_1047 = arith.constant 1.000000e+00 : f32
      %add3A_1048 = vector.broadcast %add3A_1047 : f32 to vector<16xf32>
      %add3A_1049 = arith.addf %add3A_1048, %exp3A : vector<16xf32>
      %div3A = arith.constant 1.000000e+00 : f32
      %div3A_1050 = vector.broadcast %div3A : f32 to vector<16xf32>
      %div3A_1051 = arith.divf %div3A_1050, %add3A_1049 : vector<16xf32>
      %add3A_1052 = arith.constant 0 : i32
      %add3A_1053 = arith.addi %add3A_1052, %mul3A_166 : i32
      %swap3A_1054 = arith.index_cast %add3A_1053 : i32 to index
      %swap3A_1055 = tpu.vector_load %arg12[%swap3A_1054] {strides = array<i32>} : memref<512xf32, #tpu.memory_space<vmem>>, vector<16xf32>,
      tpu.vector_store %arg12[%swap3A_1054], %div3A_1051 {strides = array<i32>} : memref<512xf32, #tpu.memory_space<vmem>>, vector<16xf32>,
    }
    %scan3A_85 = arith.constant 8 : i32
    %dma_start3A_86 = arith.constant 128 : i32
    %dma_start3A_87 = tpu.memref_slice %arg8[%dma_start3A_86] : memref<512xi32, #tpu.memory_space<vmem>> -> memref<128xi32, #tpu.memory_space<vmem>>
    %dma_start3A_88 = arith.constant 0 : i32
    %dma_start3A_89 = arith.constant 0 : i32
    %dma_start3A_90 = tpu.memref_slice %arg4[%dma_start3A_88, %dma_start3A_89] : memref<100000x64xf32, #tpu.memory_space<hbm>> -> memref<100000x64xf32, #tpu.memory_space<hbm>>
    tpu.enqueue_indirect_dma source(%dma_start3A_90 : memref<100000x64xf32, #tpu.memory_space<hbm>>) target(%arg10 : memref<128x64xf32, #tpu.memory_space<vmem>>) offsets(%dma_start3A_87 : memref<128xi32, #tpu.memory_space<vmem>>) semaphore(%arg15 : memref<!tpu.dma_semaphore, #tpu.memory_space<semaphore_mem>>)
    %dma_start3A_91 = arith.constant 128 : i32
    %dma_start3A_92 = tpu.memref_slice %arg9[%dma_start3A_91] : memref<512xi32, #tpu.memory_space<vmem>> -> memref<128xi32, #tpu.memory_space<vmem>>
    %dma_start3A_93 = arith.constant 0 : i32
    %dma_start3A_94 = arith.constant 0 : i32
    %dma_start3A_95 = tpu.memref_slice %arg5[%dma_start3A_93, %dma_start3A_94] : memref<100000x64xf32, #tpu.memory_space<hbm>> -> memref<100000x64xf32, #tpu.memory_space<hbm>>
    tpu.enqueue_indirect_dma source(%dma_start3A_95 : memref<100000x64xf32, #tpu.memory_space<hbm>>) target(%arg11 : memref<128x64xf32, #tpu.memory_space<vmem>>) offsets(%dma_start3A_92 : memref<128xi32, #tpu.memory_space<vmem>>) semaphore(%arg16 : memref<!tpu.dma_semaphore, #tpu.memory_space<semaphore_mem>>)
    %dma_wait3A_96 = arith.constant 128 : i32
    %dma_wait3A_97 = tpu.memref_slice %arg8[%dma_wait3A_96] : memref<512xi32, #tpu.memory_space<vmem>> -> memref<128xi32, #tpu.memory_space<vmem>>
    %dma_wait3A_98 = arith.constant 0 : i32
    %dma_wait3A_99 = arith.constant 0 : i32
    %dma_wait3A_100 = tpu.memref_slice %arg4[%dma_wait3A_98, %dma_wait3A_99] : memref<100000x64xf32, #tpu.memory_space<hbm>> -> memref<100000x64xf32, #tpu.memory_space<hbm>>
    tpu.wait_indirect_dma semaphore(%arg15 : memref<!tpu.dma_semaphore, #tpu.memory_space<semaphore_mem>>) src(%dma_wait3A_100 : memref<100000x64xf32, #tpu.memory_space<hbm>>) dst(%arg10 : memref<128x64xf32, #tpu.memory_space<vmem>>)
    %dma_wait3A_101 = arith.constant 128 : i32
    %dma_wait3A_102 = tpu.memref_slice %arg9[%dma_wait3A_101] : memref<512xi32, #tpu.memory_space<vmem>> -> memref<128xi32, #tpu.memory_space<vmem>>
    %dma_wait3A_103 = arith.constant 0 : i32
    %dma_wait3A_104 = arith.constant 0 : i32
    %dma_wait3A_105 = tpu.memref_slice %arg5[%dma_wait3A_103, %dma_wait3A_104] : memref<100000x64xf32, #tpu.memory_space<hbm>> -> memref<100000x64xf32, #tpu.memory_space<hbm>>
    tpu.wait_indirect_dma semaphore(%arg16 : memref<!tpu.dma_semaphore, #tpu.memory_space<semaphore_mem>>) src(%dma_wait3A_105 : memref<100000x64xf32, #tpu.memory_space<hbm>>) dst(%arg11 : memref<128x64xf32, #tpu.memory_space<vmem>>)
    %scan3A_106 = arith.constant 0 : i32
    %scan3A_107 = arith.constant 0 : i32
    %scan3A_108 = arith.constant 8 : i32
    %scan3A_109 = arith.addi %scan3A_107, %scan3A_108 : i32
    %scan3A_110 = arith.constant 1 : i32
    scf.for %scan3A_164 = %scan3A_107 to %scan3A_109 step %scan3A_110  : i32 {
      %mul3A_165 = arith.constant 16 : i32
      %mul3A_166 = arith.muli %scan3A_164, %mul3A_165 : i32
      %add3A_167 = arith.constant 0 : i32
      %add3A_168 = arith.addi %mul3A_166, %add3A_167 : i32
      %get3A_169 = arith.index_cast %add3A_168 : i32 to index
      %get3A_170 = arith.constant 0 : index
      %get3A_171 = tpu.vector_load %arg10[%get3A_169, %get3A_170] {strides = array<i32>} : memref<128x64xf32, #tpu.memory_space<vmem>>, vector<16xf32>,
      %add3A_172 = arith.constant 0 : i32
      %add3A_173 = arith.addi %mul3A_166, %add3A_172 : i32
      %get3A_174 = arith.index_cast %add3A_173 : i32 to index
      %get3A_175 = arith.constant 0 : index
      %get3A_176 = tpu.vector_load %arg11[%get3A_174, %get3A_175] {strides = array<i32>} : memref<128x64xf32, #tpu.memory_space<vmem>>, vector<16xf32>,
      %mul3A_177 = arith.mulf %get3A_171, %get3A_176 : vector<16xf32>
      %mul3A_178 = arith.mulf %mul3A_177, %get3A_3 : vector<16xf32>
      %add3A_179 = arith.constant 0 : i32
      %add3A_180 = arith.addi %mul3A_166, %add3A_179 : i32
      %get3A_181 = arith.index_cast %add3A_180 : i32 to index
      %get3A_182 = arith.constant 16 : index
      %get3A_183 = tpu.vector_load %arg10[%get3A_181, %get3A_182] {strides = array<i32>} : memref<128x64xf32, #tpu.memory_space<vmem>>, vector<16xf32>,
      %add3A_184 = arith.constant 0 : i32
      %add3A_185 = arith.addi %mul3A_166, %add3A_184 : i32
      %get3A_186 = arith.index_cast %add3A_185 : i32 to index
      %get3A_187 = arith.constant 16 : index
      %get3A_188 = tpu.vector_load %arg11[%get3A_186, %get3A_187] {strides = array<i32>} : memref<128x64xf32, #tpu.memory_space<vmem>>, vector<16xf32>,
      %mul3A_189 = arith.mulf %get3A_183, %get3A_188 : vector<16xf32>
      %mul3A_190 = arith.mulf %mul3A_189, %get3A_5 : vector<16xf32>
      %add3A_191 = arith.addf %mul3A_178, %mul3A_190 : vector<16xf32>
      %add3A_192 = arith.constant 0 : i32
      %add3A_193 = arith.addi %mul3A_166, %add3A_192 : i32
      %get3A_194 = arith.index_cast %add3A_193 : i32 to index
      %get3A_195 = arith.constant 32 : index
      %get3A_196 = tpu.vector_load %arg10[%get3A_194, %get3A_195] {strides = array<i32>} : memref<128x64xf32, #tpu.memory_space<vmem>>, vector<16xf32>,
      %add3A_197 = arith.constant 0 : i32
      %add3A_198 = arith.addi %mul3A_166, %add3A_197 : i32
      %get3A_199 = arith.index_cast %add3A_198 : i32 to index
      %get3A_200 = arith.constant 32 : index
      %get3A_201 = tpu.vector_load %arg11[%get3A_199, %get3A_200] {strides = array<i32>} : memref<128x64xf32, #tpu.memory_space<vmem>>, vector<16xf32>,
      %mul3A_202 = arith.mulf %get3A_196, %get3A_201 : vector<16xf32>
      %mul3A_203 = arith.mulf %mul3A_202, %get3A_7 : vector<16xf32>
      %add3A_204 = arith.addf %add3A_191, %mul3A_203 : vector<16xf32>
      %add3A_205 = arith.constant 0 : i32
      %add3A_206 = arith.addi %mul3A_166, %add3A_205 : i32
      %get3A_207 = arith.index_cast %add3A_206 : i32 to index
      %get3A_208 = arith.constant 48 : index
      %get3A_209 = tpu.vector_load %arg10[%get3A_207, %get3A_208] {strides = array<i32>} : memref<128x64xf32, #tpu.memory_space<vmem>>, vector<16xf32>,
      %add3A_210 = arith.constant 0 : i32
      %add3A_211 = arith.addi %mul3A_166, %add3A_210 : i32
      %get3A_212 = arith.index_cast %add3A_211 : i32 to index
      %get3A_213 = arith.constant 48 : index
      %get3A_214 = tpu.vector_load %arg11[%get3A_212, %get3A_213] {strides = array<i32>} : memref<128x64xf32, #tpu.memory_space<vmem>>, vector<16xf32>,
      %mul3A_215 = arith.mulf %get3A_209, %get3A_214 : vector<16xf32>
      %mul3A_216 = arith.mulf %mul3A_215, %get3A_9 : vector<16xf32>
      %add3A_217 = arith.addf %add3A_204, %mul3A_216 : vector<16xf32>
      %swap3A = arith.constant 0 : index
      %swap3A_218 = tpu.vector_load %arg13[%swap3A] {strides = array<i32>} : memref<256xf32, #tpu.memory_space<vmem>>, vector<16xf32>,
      tpu.vector_store %arg13[%swap3A], %add3A_217 {strides = array<i32>} : memref<256xf32, #tpu.memory_space<vmem>>, vector<16xf32>,
      %add3A_219 = arith.constant 1 : i32
      %add3A_220 = arith.addi %mul3A_166, %add3A_219 : i32
      %get3A_221 = arith.index_cast %add3A_220 : i32 to index
      %get3A_222 = arith.constant 0 : index
      %get3A_223 = tpu.vector_load %arg10[%get3A_221, %get3A_222] {strides = array<i32>} : memref<128x64xf32, #tpu.memory_space<vmem>>, vector<16xf32>,
      %add3A_224 = arith.constant 1 : i32
      %add3A_225 = arith.addi %mul3A_166, %add3A_224 : i32
      %get3A_226 = arith.index_cast %add3A_225 : i32 to index
      %get3A_227 = arith.constant 0 : index
      %get3A_228 = tpu.vector_load %arg11[%get3A_226, %get3A_227] {strides = array<i32>} : memref<128x64xf32, #tpu.memory_space<vmem>>, vector<16xf32>,
      %mul3A_229 = arith.mulf %get3A_223, %get3A_228 : vector<16xf32>
      %mul3A_230 = arith.mulf %mul3A_229, %get3A_3 : vector<16xf32>
      %add3A_231 = arith.constant 1 : i32
      %add3A_232 = arith.addi %mul3A_166, %add3A_231 : i32
      %get3A_233 = arith.index_cast %add3A_232 : i32 to index
      %get3A_234 = arith.constant 16 : index
      %get3A_235 = tpu.vector_load %arg10[%get3A_233, %get3A_234] {strides = array<i32>} : memref<128x64xf32, #tpu.memory_space<vmem>>, vector<16xf32>,
      %add3A_236 = arith.constant 1 : i32
      %add3A_237 = arith.addi %mul3A_166, %add3A_236 : i32
      %get3A_238 = arith.index_cast %add3A_237 : i32 to index
      %get3A_239 = arith.constant 16 : index
      %get3A_240 = tpu.vector_load %arg11[%get3A_238, %get3A_239] {strides = array<i32>} : memref<128x64xf32, #tpu.memory_space<vmem>>, vector<16xf32>,
      %mul3A_241 = arith.mulf %get3A_235, %get3A_240 : vector<16xf32>
      %mul3A_242 = arith.mulf %mul3A_241, %get3A_5 : vector<16xf32>
      %add3A_243 = arith.addf %mul3A_230, %mul3A_242 : vector<16xf32>
      %add3A_244 = arith.constant 1 : i32
      %add3A_245 = arith.addi %mul3A_166, %add3A_244 : i32
      %get3A_246 = arith.index_cast %add3A_245 : i32 to index
      %get3A_247 = arith.constant 32 : index
      %get3A_248 = tpu.vector_load %arg10[%get3A_246, %get3A_247] {strides = array<i32>} : memref<128x64xf32, #tpu.memory_space<vmem>>, vector<16xf32>,
      %add3A_249 = arith.constant 1 : i32
      %add3A_250 = arith.addi %mul3A_166, %add3A_249 : i32
      %get3A_251 = arith.index_cast %add3A_250 : i32 to index
      %get3A_252 = arith.constant 32 : index
      %get3A_253 = tpu.vector_load %arg11[%get3A_251, %get3A_252] {strides = array<i32>} : memref<128x64xf32, #tpu.memory_space<vmem>>, vector<16xf32>,
      %mul3A_254 = arith.mulf %get3A_248, %get3A_253 : vector<16xf32>
      %mul3A_255 = arith.mulf %mul3A_254, %get3A_7 : vector<16xf32>
      %add3A_256 = arith.addf %add3A_243, %mul3A_255 : vector<16xf32>
      %add3A_257 = arith.constant 1 : i32
      %add3A_258 = arith.addi %mul3A_166, %add3A_257 : i32
      %get3A_259 = arith.index_cast %add3A_258 : i32 to index
      %get3A_260 = arith.constant 48 : index
      %get3A_261 = tpu.vector_load %arg10[%get3A_259, %get3A_260] {strides = array<i32>} : memref<128x64xf32, #tpu.memory_space<vmem>>, vector<16xf32>,
      %add3A_262 = arith.constant 1 : i32
      %add3A_263 = arith.addi %mul3A_166, %add3A_262 : i32
      %get3A_264 = arith.index_cast %add3A_263 : i32 to index
      %get3A_265 = arith.constant 48 : index
      %get3A_266 = tpu.vector_load %arg11[%get3A_264, %get3A_265] {strides = array<i32>} : memref<128x64xf32, #tpu.memory_space<vmem>>, vector<16xf32>,
      %mul3A_267 = arith.mulf %get3A_261, %get3A_266 : vector<16xf32>
      %mul3A_268 = arith.mulf %mul3A_267, %get3A_9 : vector<16xf32>
      %add3A_269 = arith.addf %add3A_256, %mul3A_268 : vector<16xf32>
      %swap3A_270 = arith.constant 16 : index
      %swap3A_271 = tpu.vector_load %arg13[%swap3A_270] {strides = array<i32>} : memref<256xf32, #tpu.memory_space<vmem>>, vector<16xf32>,
      tpu.vector_store %arg13[%swap3A_270], %add3A_269 {strides = array<i32>} : memref<256xf32, #tpu.memory_space<vmem>>, vector<16xf32>,
      %add3A_272 = arith.constant 2 : i32
      %add3A_273 = arith.addi %mul3A_166, %add3A_272 : i32
      %get3A_274 = arith.index_cast %add3A_273 : i32 to index
      %get3A_275 = arith.constant 0 : index
      %get3A_276 = tpu.vector_load %arg10[%get3A_274, %get3A_275] {strides = array<i32>} : memref<128x64xf32, #tpu.memory_space<vmem>>, vector<16xf32>,
      %add3A_277 = arith.constant 2 : i32
      %add3A_278 = arith.addi %mul3A_166, %add3A_277 : i32
      %get3A_279 = arith.index_cast %add3A_278 : i32 to index
      %get3A_280 = arith.constant 0 : index
      %get3A_281 = tpu.vector_load %arg11[%get3A_279, %get3A_280] {strides = array<i32>} : memref<128x64xf32, #tpu.memory_space<vmem>>, vector<16xf32>,
      %mul3A_282 = arith.mulf %get3A_276, %get3A_281 : vector<16xf32>
      %mul3A_283 = arith.mulf %mul3A_282, %get3A_3 : vector<16xf32>
      %add3A_284 = arith.constant 2 : i32
      %add3A_285 = arith.addi %mul3A_166, %add3A_284 : i32
      %get3A_286 = arith.index_cast %add3A_285 : i32 to index
      %get3A_287 = arith.constant 16 : index
      %get3A_288 = tpu.vector_load %arg10[%get3A_286, %get3A_287] {strides = array<i32>} : memref<128x64xf32, #tpu.memory_space<vmem>>, vector<16xf32>,
      %add3A_289 = arith.constant 2 : i32
      %add3A_290 = arith.addi %mul3A_166, %add3A_289 : i32
      %get3A_291 = arith.index_cast %add3A_290 : i32 to index
      %get3A_292 = arith.constant 16 : index
      %get3A_293 = tpu.vector_load %arg11[%get3A_291, %get3A_292] {strides = array<i32>} : memref<128x64xf32, #tpu.memory_space<vmem>>, vector<16xf32>,
      %mul3A_294 = arith.mulf %get3A_288, %get3A_293 : vector<16xf32>
      %mul3A_295 = arith.mulf %mul3A_294, %get3A_5 : vector<16xf32>
      %add3A_296 = arith.addf %mul3A_283, %mul3A_295 : vector<16xf32>
      %add3A_297 = arith.constant 2 : i32
      %add3A_298 = arith.addi %mul3A_166, %add3A_297 : i32
      %get3A_299 = arith.index_cast %add3A_298 : i32 to index
      %get3A_300 = arith.constant 32 : index
      %get3A_301 = tpu.vector_load %arg10[%get3A_299, %get3A_300] {strides = array<i32>} : memref<128x64xf32, #tpu.memory_space<vmem>>, vector<16xf32>,
      %add3A_302 = arith.constant 2 : i32
      %add3A_303 = arith.addi %mul3A_166, %add3A_302 : i32
      %get3A_304 = arith.index_cast %add3A_303 : i32 to index
      %get3A_305 = arith.constant 32 : index
      %get3A_306 = tpu.vector_load %arg11[%get3A_304, %get3A_305] {strides = array<i32>} : memref<128x64xf32, #tpu.memory_space<vmem>>, vector<16xf32>,
      %mul3A_307 = arith.mulf %get3A_301, %get3A_306 : vector<16xf32>
      %mul3A_308 = arith.mulf %mul3A_307, %get3A_7 : vector<16xf32>
      %add3A_309 = arith.addf %add3A_296, %mul3A_308 : vector<16xf32>
      %add3A_310 = arith.constant 2 : i32
      %add3A_311 = arith.addi %mul3A_166, %add3A_310 : i32
      %get3A_312 = arith.index_cast %add3A_311 : i32 to index
      %get3A_313 = arith.constant 48 : index
      %get3A_314 = tpu.vector_load %arg10[%get3A_312, %get3A_313] {strides = array<i32>} : memref<128x64xf32, #tpu.memory_space<vmem>>, vector<16xf32>,
      %add3A_315 = arith.constant 2 : i32
      %add3A_316 = arith.addi %mul3A_166, %add3A_315 : i32
      %get3A_317 = arith.index_cast %add3A_316 : i32 to index
      %get3A_318 = arith.constant 48 : index
      %get3A_319 = tpu.vector_load %arg11[%get3A_317, %get3A_318] {strides = array<i32>} : memref<128x64xf32, #tpu.memory_space<vmem>>, vector<16xf32>,
      %mul3A_320 = arith.mulf %get3A_314, %get3A_319 : vector<16xf32>
      %mul3A_321 = arith.mulf %mul3A_320, %get3A_9 : vector<16xf32>
      %add3A_322 = arith.addf %add3A_309, %mul3A_321 : vector<16xf32>
      %swap3A_323 = arith.constant 32 : index
      %swap3A_324 = tpu.vector_load %arg13[%swap3A_323] {strides = array<i32>} : memref<256xf32, #tpu.memory_space<vmem>>, vector<16xf32>,
      tpu.vector_store %arg13[%swap3A_323], %add3A_322 {strides = array<i32>} : memref<256xf32, #tpu.memory_space<vmem>>, vector<16xf32>,
      %add3A_325 = arith.constant 3 : i32
      %add3A_326 = arith.addi %mul3A_166, %add3A_325 : i32
      %get3A_327 = arith.index_cast %add3A_326 : i32 to index
      %get3A_328 = arith.constant 0 : index
      %get3A_329 = tpu.vector_load %arg10[%get3A_327, %get3A_328] {strides = array<i32>} : memref<128x64xf32, #tpu.memory_space<vmem>>, vector<16xf32>,
      %add3A_330 = arith.constant 3 : i32
      %add3A_331 = arith.addi %mul3A_166, %add3A_330 : i32
      %get3A_332 = arith.index_cast %add3A_331 : i32 to index
      %get3A_333 = arith.constant 0 : index
      %get3A_334 = tpu.vector_load %arg11[%get3A_332, %get3A_333] {strides = array<i32>} : memref<128x64xf32, #tpu.memory_space<vmem>>, vector<16xf32>,
      %mul3A_335 = arith.mulf %get3A_329, %get3A_334 : vector<16xf32>
      %mul3A_336 = arith.mulf %mul3A_335, %get3A_3 : vector<16xf32>
      %add3A_337 = arith.constant 3 : i32
      %add3A_338 = arith.addi %mul3A_166, %add3A_337 : i32
      %get3A_339 = arith.index_cast %add3A_338 : i32 to index
      %get3A_340 = arith.constant 16 : index
      %get3A_341 = tpu.vector_load %arg10[%get3A_339, %get3A_340] {strides = array<i32>} : memref<128x64xf32, #tpu.memory_space<vmem>>, vector<16xf32>,
      %add3A_342 = arith.constant 3 : i32
      %add3A_343 = arith.addi %mul3A_166, %add3A_342 : i32
      %get3A_344 = arith.index_cast %add3A_343 : i32 to index
      %get3A_345 = arith.constant 16 : index
      %get3A_346 = tpu.vector_load %arg11[%get3A_344, %get3A_345] {strides = array<i32>} : memref<128x64xf32, #tpu.memory_space<vmem>>, vector<16xf32>,
      %mul3A_347 = arith.mulf %get3A_341, %get3A_346 : vector<16xf32>
      %mul3A_348 = arith.mulf %mul3A_347, %get3A_5 : vector<16xf32>
      %add3A_349 = arith.addf %mul3A_336, %mul3A_348 : vector<16xf32>
      %add3A_350 = arith.constant 3 : i32
      %add3A_351 = arith.addi %mul3A_166, %add3A_350 : i32
      %get3A_352 = arith.index_cast %add3A_351 : i32 to index
      %get3A_353 = arith.constant 32 : index
      %get3A_354 = tpu.vector_load %arg10[%get3A_352, %get3A_353] {strides = array<i32>} : memref<128x64xf32, #tpu.memory_space<vmem>>, vector<16xf32>,
      %add3A_355 = arith.constant 3 : i32
      %add3A_356 = arith.addi %mul3A_166, %add3A_355 : i32
      %get3A_357 = arith.index_cast %add3A_356 : i32 to index
      %get3A_358 = arith.constant 32 : index
      %get3A_359 = tpu.vector_load %arg11[%get3A_357, %get3A_358] {strides = array<i32>} : memref<128x64xf32, #tpu.memory_space<vmem>>, vector<16xf32>,
      %mul3A_360 = arith.mulf %get3A_354, %get3A_359 : vector<16xf32>
      %mul3A_361 = arith.mulf %mul3A_360, %get3A_7 : vector<16xf32>
      %add3A_362 = arith.addf %add3A_349, %mul3A_361 : vector<16xf32>
      %add3A_363 = arith.constant 3 : i32
      %add3A_364 = arith.addi %mul3A_166, %add3A_363 : i32
      %get3A_365 = arith.index_cast %add3A_364 : i32 to index
      %get3A_366 = arith.constant 48 : index
      %get3A_367 = tpu.vector_load %arg10[%get3A_365, %get3A_366] {strides = array<i32>} : memref<128x64xf32, #tpu.memory_space<vmem>>, vector<16xf32>,
      %add3A_368 = arith.constant 3 : i32
      %add3A_369 = arith.addi %mul3A_166, %add3A_368 : i32
      %get3A_370 = arith.index_cast %add3A_369 : i32 to index
      %get3A_371 = arith.constant 48 : index
      %get3A_372 = tpu.vector_load %arg11[%get3A_370, %get3A_371] {strides = array<i32>} : memref<128x64xf32, #tpu.memory_space<vmem>>, vector<16xf32>,
      %mul3A_373 = arith.mulf %get3A_367, %get3A_372 : vector<16xf32>
      %mul3A_374 = arith.mulf %mul3A_373, %get3A_9 : vector<16xf32>
      %add3A_375 = arith.addf %add3A_362, %mul3A_374 : vector<16xf32>
      %swap3A_376 = arith.constant 48 : index
      %swap3A_377 = tpu.vector_load %arg13[%swap3A_376] {strides = array<i32>} : memref<256xf32, #tpu.memory_space<vmem>>, vector<16xf32>,
      tpu.vector_store %arg13[%swap3A_376], %add3A_375 {strides = array<i32>} : memref<256xf32, #tpu.memory_space<vmem>>, vector<16xf32>,
      %add3A_378 = arith.constant 4 : i32
      %add3A_379 = arith.addi %mul3A_166, %add3A_378 : i32
      %get3A_380 = arith.index_cast %add3A_379 : i32 to index
      %get3A_381 = arith.constant 0 : index
      %get3A_382 = tpu.vector_load %arg10[%get3A_380, %get3A_381] {strides = array<i32>} : memref<128x64xf32, #tpu.memory_space<vmem>>, vector<16xf32>,
      %add3A_383 = arith.constant 4 : i32
      %add3A_384 = arith.addi %mul3A_166, %add3A_383 : i32
      %get3A_385 = arith.index_cast %add3A_384 : i32 to index
      %get3A_386 = arith.constant 0 : index
      %get3A_387 = tpu.vector_load %arg11[%get3A_385, %get3A_386] {strides = array<i32>} : memref<128x64xf32, #tpu.memory_space<vmem>>, vector<16xf32>,
      %mul3A_388 = arith.mulf %get3A_382, %get3A_387 : vector<16xf32>
      %mul3A_389 = arith.mulf %mul3A_388, %get3A_3 : vector<16xf32>
      %add3A_390 = arith.constant 4 : i32
      %add3A_391 = arith.addi %mul3A_166, %add3A_390 : i32
      %get3A_392 = arith.index_cast %add3A_391 : i32 to index
      %get3A_393 = arith.constant 16 : index
      %get3A_394 = tpu.vector_load %arg10[%get3A_392, %get3A_393] {strides = array<i32>} : memref<128x64xf32, #tpu.memory_space<vmem>>, vector<16xf32>,
      %add3A_395 = arith.constant 4 : i32
      %add3A_396 = arith.addi %mul3A_166, %add3A_395 : i32
      %get3A_397 = arith.index_cast %add3A_396 : i32 to index
      %get3A_398 = arith.constant 16 : index
      %get3A_399 = tpu.vector_load %arg11[%get3A_397, %get3A_398] {strides = array<i32>} : memref<128x64xf32, #tpu.memory_space<vmem>>, vector<16xf32>,
      %mul3A_400 = arith.mulf %get3A_394, %get3A_399 : vector<16xf32>
      %mul3A_401 = arith.mulf %mul3A_400, %get3A_5 : vector<16xf32>
      %add3A_402 = arith.addf %mul3A_389, %mul3A_401 : vector<16xf32>
      %add3A_403 = arith.constant 4 : i32
      %add3A_404 = arith.addi %mul3A_166, %add3A_403 : i32
      %get3A_405 = arith.index_cast %add3A_404 : i32 to index
      %get3A_406 = arith.constant 32 : index
      %get3A_407 = tpu.vector_load %arg10[%get3A_405, %get3A_406] {strides = array<i32>} : memref<128x64xf32, #tpu.memory_space<vmem>>, vector<16xf32>,
      %add3A_408 = arith.constant 4 : i32
      %add3A_409 = arith.addi %mul3A_166, %add3A_408 : i32
      %get3A_410 = arith.index_cast %add3A_409 : i32 to index
      %get3A_411 = arith.constant 32 : index
      %get3A_412 = tpu.vector_load %arg11[%get3A_410, %get3A_411] {strides = array<i32>} : memref<128x64xf32, #tpu.memory_space<vmem>>, vector<16xf32>,
      %mul3A_413 = arith.mulf %get3A_407, %get3A_412 : vector<16xf32>
      %mul3A_414 = arith.mulf %mul3A_413, %get3A_7 : vector<16xf32>
      %add3A_415 = arith.addf %add3A_402, %mul3A_414 : vector<16xf32>
      %add3A_416 = arith.constant 4 : i32
      %add3A_417 = arith.addi %mul3A_166, %add3A_416 : i32
      %get3A_418 = arith.index_cast %add3A_417 : i32 to index
      %get3A_419 = arith.constant 48 : index
      %get3A_420 = tpu.vector_load %arg10[%get3A_418, %get3A_419] {strides = array<i32>} : memref<128x64xf32, #tpu.memory_space<vmem>>, vector<16xf32>,
      %add3A_421 = arith.constant 4 : i32
      %add3A_422 = arith.addi %mul3A_166, %add3A_421 : i32
      %get3A_423 = arith.index_cast %add3A_422 : i32 to index
      %get3A_424 = arith.constant 48 : index
      %get3A_425 = tpu.vector_load %arg11[%get3A_423, %get3A_424] {strides = array<i32>} : memref<128x64xf32, #tpu.memory_space<vmem>>, vector<16xf32>,
      %mul3A_426 = arith.mulf %get3A_420, %get3A_425 : vector<16xf32>
      %mul3A_427 = arith.mulf %mul3A_426, %get3A_9 : vector<16xf32>
      %add3A_428 = arith.addf %add3A_415, %mul3A_427 : vector<16xf32>
      %swap3A_429 = arith.constant 64 : index
      %swap3A_430 = tpu.vector_load %arg13[%swap3A_429] {strides = array<i32>} : memref<256xf32, #tpu.memory_space<vmem>>, vector<16xf32>,
      tpu.vector_store %arg13[%swap3A_429], %add3A_428 {strides = array<i32>} : memref<256xf32, #tpu.memory_space<vmem>>, vector<16xf32>,
      %add3A_431 = arith.constant 5 : i32
      %add3A_432 = arith.addi %mul3A_166, %add3A_431 : i32
      %get3A_433 = arith.index_cast %add3A_432 : i32 to index
      %get3A_434 = arith.constant 0 : index
      %get3A_435 = tpu.vector_load %arg10[%get3A_433, %get3A_434] {strides = array<i32>} : memref<128x64xf32, #tpu.memory_space<vmem>>, vector<16xf32>,
      %add3A_436 = arith.constant 5 : i32
      %add3A_437 = arith.addi %mul3A_166, %add3A_436 : i32
      %get3A_438 = arith.index_cast %add3A_437 : i32 to index
      %get3A_439 = arith.constant 0 : index
      %get3A_440 = tpu.vector_load %arg11[%get3A_438, %get3A_439] {strides = array<i32>} : memref<128x64xf32, #tpu.memory_space<vmem>>, vector<16xf32>,
      %mul3A_441 = arith.mulf %get3A_435, %get3A_440 : vector<16xf32>
      %mul3A_442 = arith.mulf %mul3A_441, %get3A_3 : vector<16xf32>
      %add3A_443 = arith.constant 5 : i32
      %add3A_444 = arith.addi %mul3A_166, %add3A_443 : i32
      %get3A_445 = arith.index_cast %add3A_444 : i32 to index
      %get3A_446 = arith.constant 16 : index
      %get3A_447 = tpu.vector_load %arg10[%get3A_445, %get3A_446] {strides = array<i32>} : memref<128x64xf32, #tpu.memory_space<vmem>>, vector<16xf32>,
      %add3A_448 = arith.constant 5 : i32
      %add3A_449 = arith.addi %mul3A_166, %add3A_448 : i32
      %get3A_450 = arith.index_cast %add3A_449 : i32 to index
      %get3A_451 = arith.constant 16 : index
      %get3A_452 = tpu.vector_load %arg11[%get3A_450, %get3A_451] {strides = array<i32>} : memref<128x64xf32, #tpu.memory_space<vmem>>, vector<16xf32>,
      %mul3A_453 = arith.mulf %get3A_447, %get3A_452 : vector<16xf32>
      %mul3A_454 = arith.mulf %mul3A_453, %get3A_5 : vector<16xf32>
      %add3A_455 = arith.addf %mul3A_442, %mul3A_454 : vector<16xf32>
      %add3A_456 = arith.constant 5 : i32
      %add3A_457 = arith.addi %mul3A_166, %add3A_456 : i32
      %get3A_458 = arith.index_cast %add3A_457 : i32 to index
      %get3A_459 = arith.constant 32 : index
      %get3A_460 = tpu.vector_load %arg10[%get3A_458, %get3A_459] {strides = array<i32>} : memref<128x64xf32, #tpu.memory_space<vmem>>, vector<16xf32>,
      %add3A_461 = arith.constant 5 : i32
      %add3A_462 = arith.addi %mul3A_166, %add3A_461 : i32
      %get3A_463 = arith.index_cast %add3A_462 : i32 to index
      %get3A_464 = arith.constant 32 : index
      %get3A_465 = tpu.vector_load %arg11[%get3A_463, %get3A_464] {strides = array<i32>} : memref<128x64xf32, #tpu.memory_space<vmem>>, vector<16xf32>,
      %mul3A_466 = arith.mulf %get3A_460, %get3A_465 : vector<16xf32>
      %mul3A_467 = arith.mulf %mul3A_466, %get3A_7 : vector<16xf32>
      %add3A_468 = arith.addf %add3A_455, %mul3A_467 : vector<16xf32>
      %add3A_469 = arith.constant 5 : i32
      %add3A_470 = arith.addi %mul3A_166, %add3A_469 : i32
      %get3A_471 = arith.index_cast %add3A_470 : i32 to index
      %get3A_472 = arith.constant 48 : index
      %get3A_473 = tpu.vector_load %arg10[%get3A_471, %get3A_472] {strides = array<i32>} : memref<128x64xf32, #tpu.memory_space<vmem>>, vector<16xf32>,
      %add3A_474 = arith.constant 5 : i32
      %add3A_475 = arith.addi %mul3A_166, %add3A_474 : i32
      %get3A_476 = arith.index_cast %add3A_475 : i32 to index
      %get3A_477 = arith.constant 48 : index
      %get3A_478 = tpu.vector_load %arg11[%get3A_476, %get3A_477] {strides = array<i32>} : memref<128x64xf32, #tpu.memory_space<vmem>>, vector<16xf32>,
      %mul3A_479 = arith.mulf %get3A_473, %get3A_478 : vector<16xf32>
      %mul3A_480 = arith.mulf %mul3A_479, %get3A_9 : vector<16xf32>
      %add3A_481 = arith.addf %add3A_468, %mul3A_480 : vector<16xf32>
      %swap3A_482 = arith.constant 80 : index
      %swap3A_483 = tpu.vector_load %arg13[%swap3A_482] {strides = array<i32>} : memref<256xf32, #tpu.memory_space<vmem>>, vector<16xf32>,
      tpu.vector_store %arg13[%swap3A_482], %add3A_481 {strides = array<i32>} : memref<256xf32, #tpu.memory_space<vmem>>, vector<16xf32>,
      %add3A_484 = arith.constant 6 : i32
      %add3A_485 = arith.addi %mul3A_166, %add3A_484 : i32
      %get3A_486 = arith.index_cast %add3A_485 : i32 to index
      %get3A_487 = arith.constant 0 : index
      %get3A_488 = tpu.vector_load %arg10[%get3A_486, %get3A_487] {strides = array<i32>} : memref<128x64xf32, #tpu.memory_space<vmem>>, vector<16xf32>,
      %add3A_489 = arith.constant 6 : i32
      %add3A_490 = arith.addi %mul3A_166, %add3A_489 : i32
      %get3A_491 = arith.index_cast %add3A_490 : i32 to index
      %get3A_492 = arith.constant 0 : index
      %get3A_493 = tpu.vector_load %arg11[%get3A_491, %get3A_492] {strides = array<i32>} : memref<128x64xf32, #tpu.memory_space<vmem>>, vector<16xf32>,
      %mul3A_494 = arith.mulf %get3A_488, %get3A_493 : vector<16xf32>
      %mul3A_495 = arith.mulf %mul3A_494, %get3A_3 : vector<16xf32>
      %add3A_496 = arith.constant 6 : i32
      %add3A_497 = arith.addi %mul3A_166, %add3A_496 : i32
      %get3A_498 = arith.index_cast %add3A_497 : i32 to index
      %get3A_499 = arith.constant 16 : index
      %get3A_500 = tpu.vector_load %arg10[%get3A_498, %get3A_499] {strides = array<i32>} : memref<128x64xf32, #tpu.memory_space<vmem>>, vector<16xf32>,
      %add3A_501 = arith.constant 6 : i32
      %add3A_502 = arith.addi %mul3A_166, %add3A_501 : i32
      %get3A_503 = arith.index_cast %add3A_502 : i32 to index
      %get3A_504 = arith.constant 16 : index
      %get3A_505 = tpu.vector_load %arg11[%get3A_503, %get3A_504] {strides = array<i32>} : memref<128x64xf32, #tpu.memory_space<vmem>>, vector<16xf32>,
      %mul3A_506 = arith.mulf %get3A_500, %get3A_505 : vector<16xf32>
      %mul3A_507 = arith.mulf %mul3A_506, %get3A_5 : vector<16xf32>
      %add3A_508 = arith.addf %mul3A_495, %mul3A_507 : vector<16xf32>
      %add3A_509 = arith.constant 6 : i32
      %add3A_510 = arith.addi %mul3A_166, %add3A_509 : i32
      %get3A_511 = arith.index_cast %add3A_510 : i32 to index
      %get3A_512 = arith.constant 32 : index
      %get3A_513 = tpu.vector_load %arg10[%get3A_511, %get3A_512] {strides = array<i32>} : memref<128x64xf32, #tpu.memory_space<vmem>>, vector<16xf32>,
      %add3A_514 = arith.constant 6 : i32
      %add3A_515 = arith.addi %mul3A_166, %add3A_514 : i32
      %get3A_516 = arith.index_cast %add3A_515 : i32 to index
      %get3A_517 = arith.constant 32 : index
      %get3A_518 = tpu.vector_load %arg11[%get3A_516, %get3A_517] {strides = array<i32>} : memref<128x64xf32, #tpu.memory_space<vmem>>, vector<16xf32>,
      %mul3A_519 = arith.mulf %get3A_513, %get3A_518 : vector<16xf32>
      %mul3A_520 = arith.mulf %mul3A_519, %get3A_7 : vector<16xf32>
      %add3A_521 = arith.addf %add3A_508, %mul3A_520 : vector<16xf32>
      %add3A_522 = arith.constant 6 : i32
      %add3A_523 = arith.addi %mul3A_166, %add3A_522 : i32
      %get3A_524 = arith.index_cast %add3A_523 : i32 to index
      %get3A_525 = arith.constant 48 : index
      %get3A_526 = tpu.vector_load %arg10[%get3A_524, %get3A_525] {strides = array<i32>} : memref<128x64xf32, #tpu.memory_space<vmem>>, vector<16xf32>,
      %add3A_527 = arith.constant 6 : i32
      %add3A_528 = arith.addi %mul3A_166, %add3A_527 : i32
      %get3A_529 = arith.index_cast %add3A_528 : i32 to index
      %get3A_530 = arith.constant 48 : index
      %get3A_531 = tpu.vector_load %arg11[%get3A_529, %get3A_530] {strides = array<i32>} : memref<128x64xf32, #tpu.memory_space<vmem>>, vector<16xf32>,
      %mul3A_532 = arith.mulf %get3A_526, %get3A_531 : vector<16xf32>
      %mul3A_533 = arith.mulf %mul3A_532, %get3A_9 : vector<16xf32>
      %add3A_534 = arith.addf %add3A_521, %mul3A_533 : vector<16xf32>
      %swap3A_535 = arith.constant 96 : index
      %swap3A_536 = tpu.vector_load %arg13[%swap3A_535] {strides = array<i32>} : memref<256xf32, #tpu.memory_space<vmem>>, vector<16xf32>,
      tpu.vector_store %arg13[%swap3A_535], %add3A_534 {strides = array<i32>} : memref<256xf32, #tpu.memory_space<vmem>>, vector<16xf32>,
      %add3A_537 = arith.constant 7 : i32
      %add3A_538 = arith.addi %mul3A_166, %add3A_537 : i32
      %get3A_539 = arith.index_cast %add3A_538 : i32 to index
      %get3A_540 = arith.constant 0 : index
      %get3A_541 = tpu.vector_load %arg10[%get3A_539, %get3A_540] {strides = array<i32>} : memref<128x64xf32, #tpu.memory_space<vmem>>, vector<16xf32>,
      %add3A_542 = arith.constant 7 : i32
      %add3A_543 = arith.addi %mul3A_166, %add3A_542 : i32
      %get3A_544 = arith.index_cast %add3A_543 : i32 to index
      %get3A_545 = arith.constant 0 : index
      %get3A_546 = tpu.vector_load %arg11[%get3A_544, %get3A_545] {strides = array<i32>} : memref<128x64xf32, #tpu.memory_space<vmem>>, vector<16xf32>,
      %mul3A_547 = arith.mulf %get3A_541, %get3A_546 : vector<16xf32>
      %mul3A_548 = arith.mulf %mul3A_547, %get3A_3 : vector<16xf32>
      %add3A_549 = arith.constant 7 : i32
      %add3A_550 = arith.addi %mul3A_166, %add3A_549 : i32
      %get3A_551 = arith.index_cast %add3A_550 : i32 to index
      %get3A_552 = arith.constant 16 : index
      %get3A_553 = tpu.vector_load %arg10[%get3A_551, %get3A_552] {strides = array<i32>} : memref<128x64xf32, #tpu.memory_space<vmem>>, vector<16xf32>,
      %add3A_554 = arith.constant 7 : i32
      %add3A_555 = arith.addi %mul3A_166, %add3A_554 : i32
      %get3A_556 = arith.index_cast %add3A_555 : i32 to index
      %get3A_557 = arith.constant 16 : index
      %get3A_558 = tpu.vector_load %arg11[%get3A_556, %get3A_557] {strides = array<i32>} : memref<128x64xf32, #tpu.memory_space<vmem>>, vector<16xf32>,
      %mul3A_559 = arith.mulf %get3A_553, %get3A_558 : vector<16xf32>
      %mul3A_560 = arith.mulf %mul3A_559, %get3A_5 : vector<16xf32>
      %add3A_561 = arith.addf %mul3A_548, %mul3A_560 : vector<16xf32>
      %add3A_562 = arith.constant 7 : i32
      %add3A_563 = arith.addi %mul3A_166, %add3A_562 : i32
      %get3A_564 = arith.index_cast %add3A_563 : i32 to index
      %get3A_565 = arith.constant 32 : index
      %get3A_566 = tpu.vector_load %arg10[%get3A_564, %get3A_565] {strides = array<i32>} : memref<128x64xf32, #tpu.memory_space<vmem>>, vector<16xf32>,
      %add3A_567 = arith.constant 7 : i32
      %add3A_568 = arith.addi %mul3A_166, %add3A_567 : i32
      %get3A_569 = arith.index_cast %add3A_568 : i32 to index
      %get3A_570 = arith.constant 32 : index
      %get3A_571 = tpu.vector_load %arg11[%get3A_569, %get3A_570] {strides = array<i32>} : memref<128x64xf32, #tpu.memory_space<vmem>>, vector<16xf32>,
      %mul3A_572 = arith.mulf %get3A_566, %get3A_571 : vector<16xf32>
      %mul3A_573 = arith.mulf %mul3A_572, %get3A_7 : vector<16xf32>
      %add3A_574 = arith.addf %add3A_561, %mul3A_573 : vector<16xf32>
      %add3A_575 = arith.constant 7 : i32
      %add3A_576 = arith.addi %mul3A_166, %add3A_575 : i32
      %get3A_577 = arith.index_cast %add3A_576 : i32 to index
      %get3A_578 = arith.constant 48 : index
      %get3A_579 = tpu.vector_load %arg10[%get3A_577, %get3A_578] {strides = array<i32>} : memref<128x64xf32, #tpu.memory_space<vmem>>, vector<16xf32>,
      %add3A_580 = arith.constant 7 : i32
      %add3A_581 = arith.addi %mul3A_166, %add3A_580 : i32
      %get3A_582 = arith.index_cast %add3A_581 : i32 to index
      %get3A_583 = arith.constant 48 : index
      %get3A_584 = tpu.vector_load %arg11[%get3A_582, %get3A_583] {strides = array<i32>} : memref<128x64xf32, #tpu.memory_space<vmem>>, vector<16xf32>,
      %mul3A_585 = arith.mulf %get3A_579, %get3A_584 : vector<16xf32>
      %mul3A_586 = arith.mulf %mul3A_585, %get3A_9 : vector<16xf32>
      %add3A_587 = arith.addf %add3A_574, %mul3A_586 : vector<16xf32>
      %swap3A_588 = arith.constant 112 : index
      %swap3A_589 = tpu.vector_load %arg13[%swap3A_588] {strides = array<i32>} : memref<256xf32, #tpu.memory_space<vmem>>, vector<16xf32>,
      tpu.vector_store %arg13[%swap3A_588], %add3A_587 {strides = array<i32>} : memref<256xf32, #tpu.memory_space<vmem>>, vector<16xf32>,
      %add3A_590 = arith.constant 8 : i32
      %add3A_591 = arith.addi %mul3A_166, %add3A_590 : i32
      %get3A_592 = arith.index_cast %add3A_591 : i32 to index
      %get3A_593 = arith.constant 0 : index
      %get3A_594 = tpu.vector_load %arg10[%get3A_592, %get3A_593] {strides = array<i32>} : memref<128x64xf32, #tpu.memory_space<vmem>>, vector<16xf32>,
      %add3A_595 = arith.constant 8 : i32
      %add3A_596 = arith.addi %mul3A_166, %add3A_595 : i32
      %get3A_597 = arith.index_cast %add3A_596 : i32 to index
      %get3A_598 = arith.constant 0 : index
      %get3A_599 = tpu.vector_load %arg11[%get3A_597, %get3A_598] {strides = array<i32>} : memref<128x64xf32, #tpu.memory_space<vmem>>, vector<16xf32>,
      %mul3A_600 = arith.mulf %get3A_594, %get3A_599 : vector<16xf32>
      %mul3A_601 = arith.mulf %mul3A_600, %get3A_3 : vector<16xf32>
      %add3A_602 = arith.constant 8 : i32
      %add3A_603 = arith.addi %mul3A_166, %add3A_602 : i32
      %get3A_604 = arith.index_cast %add3A_603 : i32 to index
      %get3A_605 = arith.constant 16 : index
      %get3A_606 = tpu.vector_load %arg10[%get3A_604, %get3A_605] {strides = array<i32>} : memref<128x64xf32, #tpu.memory_space<vmem>>, vector<16xf32>,
      %add3A_607 = arith.constant 8 : i32
      %add3A_608 = arith.addi %mul3A_166, %add3A_607 : i32
      %get3A_609 = arith.index_cast %add3A_608 : i32 to index
      %get3A_610 = arith.constant 16 : index
      %get3A_611 = tpu.vector_load %arg11[%get3A_609, %get3A_610] {strides = array<i32>} : memref<128x64xf32, #tpu.memory_space<vmem>>, vector<16xf32>,
      %mul3A_612 = arith.mulf %get3A_606, %get3A_611 : vector<16xf32>
      %mul3A_613 = arith.mulf %mul3A_612, %get3A_5 : vector<16xf32>
      %add3A_614 = arith.addf %mul3A_601, %mul3A_613 : vector<16xf32>
      %add3A_615 = arith.constant 8 : i32
      %add3A_616 = arith.addi %mul3A_166, %add3A_615 : i32
      %get3A_617 = arith.index_cast %add3A_616 : i32 to index
      %get3A_618 = arith.constant 32 : index
      %get3A_619 = tpu.vector_load %arg10[%get3A_617, %get3A_618] {strides = array<i32>} : memref<128x64xf32, #tpu.memory_space<vmem>>, vector<16xf32>,
      %add3A_620 = arith.constant 8 : i32
      %add3A_621 = arith.addi %mul3A_166, %add3A_620 : i32
      %get3A_622 = arith.index_cast %add3A_621 : i32 to index
      %get3A_623 = arith.constant 32 : index
      %get3A_624 = tpu.vector_load %arg11[%get3A_622, %get3A_623] {strides = array<i32>} : memref<128x64xf32, #tpu.memory_space<vmem>>, vector<16xf32>,
      %mul3A_625 = arith.mulf %get3A_619, %get3A_624 : vector<16xf32>
      %mul3A_626 = arith.mulf %mul3A_625, %get3A_7 : vector<16xf32>
      %add3A_627 = arith.addf %add3A_614, %mul3A_626 : vector<16xf32>
      %add3A_628 = arith.constant 8 : i32
      %add3A_629 = arith.addi %mul3A_166, %add3A_628 : i32
      %get3A_630 = arith.index_cast %add3A_629 : i32 to index
      %get3A_631 = arith.constant 48 : index
      %get3A_632 = tpu.vector_load %arg10[%get3A_630, %get3A_631] {strides = array<i32>} : memref<128x64xf32, #tpu.memory_space<vmem>>, vector<16xf32>,
      %add3A_633 = arith.constant 8 : i32
      %add3A_634 = arith.addi %mul3A_166, %add3A_633 : i32
      %get3A_635 = arith.index_cast %add3A_634 : i32 to index
      %get3A_636 = arith.constant 48 : index
      %get3A_637 = tpu.vector_load %arg11[%get3A_635, %get3A_636] {strides = array<i32>} : memref<128x64xf32, #tpu.memory_space<vmem>>, vector<16xf32>,
      %mul3A_638 = arith.mulf %get3A_632, %get3A_637 : vector<16xf32>
      %mul3A_639 = arith.mulf %mul3A_638, %get3A_9 : vector<16xf32>
      %add3A_640 = arith.addf %add3A_627, %mul3A_639 : vector<16xf32>
      %swap3A_641 = arith.constant 128 : index
      %swap3A_642 = tpu.vector_load %arg13[%swap3A_641] {strides = array<i32>} : memref<256xf32, #tpu.memory_space<vmem>>, vector<16xf32>,
      tpu.vector_store %arg13[%swap3A_641], %add3A_640 {strides = array<i32>} : memref<256xf32, #tpu.memory_space<vmem>>, vector<16xf32>,
      %add3A_643 = arith.constant 9 : i32
      %add3A_644 = arith.addi %mul3A_166, %add3A_643 : i32
      %get3A_645 = arith.index_cast %add3A_644 : i32 to index
      %get3A_646 = arith.constant 0 : index
      %get3A_647 = tpu.vector_load %arg10[%get3A_645, %get3A_646] {strides = array<i32>} : memref<128x64xf32, #tpu.memory_space<vmem>>, vector<16xf32>,
      %add3A_648 = arith.constant 9 : i32
      %add3A_649 = arith.addi %mul3A_166, %add3A_648 : i32
      %get3A_650 = arith.index_cast %add3A_649 : i32 to index
      %get3A_651 = arith.constant 0 : index
      %get3A_652 = tpu.vector_load %arg11[%get3A_650, %get3A_651] {strides = array<i32>} : memref<128x64xf32, #tpu.memory_space<vmem>>, vector<16xf32>,
      %mul3A_653 = arith.mulf %get3A_647, %get3A_652 : vector<16xf32>
      %mul3A_654 = arith.mulf %mul3A_653, %get3A_3 : vector<16xf32>
      %add3A_655 = arith.constant 9 : i32
      %add3A_656 = arith.addi %mul3A_166, %add3A_655 : i32
      %get3A_657 = arith.index_cast %add3A_656 : i32 to index
      %get3A_658 = arith.constant 16 : index
      %get3A_659 = tpu.vector_load %arg10[%get3A_657, %get3A_658] {strides = array<i32>} : memref<128x64xf32, #tpu.memory_space<vmem>>, vector<16xf32>,
      %add3A_660 = arith.constant 9 : i32
      %add3A_661 = arith.addi %mul3A_166, %add3A_660 : i32
      %get3A_662 = arith.index_cast %add3A_661 : i32 to index
      %get3A_663 = arith.constant 16 : index
      %get3A_664 = tpu.vector_load %arg11[%get3A_662, %get3A_663] {strides = array<i32>} : memref<128x64xf32, #tpu.memory_space<vmem>>, vector<16xf32>,
      %mul3A_665 = arith.mulf %get3A_659, %get3A_664 : vector<16xf32>
      %mul3A_666 = arith.mulf %mul3A_665, %get3A_5 : vector<16xf32>
      %add3A_667 = arith.addf %mul3A_654, %mul3A_666 : vector<16xf32>
      %add3A_668 = arith.constant 9 : i32
      %add3A_669 = arith.addi %mul3A_166, %add3A_668 : i32
      %get3A_670 = arith.index_cast %add3A_669 : i32 to index
      %get3A_671 = arith.constant 32 : index
      %get3A_672 = tpu.vector_load %arg10[%get3A_670, %get3A_671] {strides = array<i32>} : memref<128x64xf32, #tpu.memory_space<vmem>>, vector<16xf32>,
      %add3A_673 = arith.constant 9 : i32
      %add3A_674 = arith.addi %mul3A_166, %add3A_673 : i32
      %get3A_675 = arith.index_cast %add3A_674 : i32 to index
      %get3A_676 = arith.constant 32 : index
      %get3A_677 = tpu.vector_load %arg11[%get3A_675, %get3A_676] {strides = array<i32>} : memref<128x64xf32, #tpu.memory_space<vmem>>, vector<16xf32>,
      %mul3A_678 = arith.mulf %get3A_672, %get3A_677 : vector<16xf32>
      %mul3A_679 = arith.mulf %mul3A_678, %get3A_7 : vector<16xf32>
      %add3A_680 = arith.addf %add3A_667, %mul3A_679 : vector<16xf32>
      %add3A_681 = arith.constant 9 : i32
      %add3A_682 = arith.addi %mul3A_166, %add3A_681 : i32
      %get3A_683 = arith.index_cast %add3A_682 : i32 to index
      %get3A_684 = arith.constant 48 : index
      %get3A_685 = tpu.vector_load %arg10[%get3A_683, %get3A_684] {strides = array<i32>} : memref<128x64xf32, #tpu.memory_space<vmem>>, vector<16xf32>,
      %add3A_686 = arith.constant 9 : i32
      %add3A_687 = arith.addi %mul3A_166, %add3A_686 : i32
      %get3A_688 = arith.index_cast %add3A_687 : i32 to index
      %get3A_689 = arith.constant 48 : index
      %get3A_690 = tpu.vector_load %arg11[%get3A_688, %get3A_689] {strides = array<i32>} : memref<128x64xf32, #tpu.memory_space<vmem>>, vector<16xf32>,
      %mul3A_691 = arith.mulf %get3A_685, %get3A_690 : vector<16xf32>
      %mul3A_692 = arith.mulf %mul3A_691, %get3A_9 : vector<16xf32>
      %add3A_693 = arith.addf %add3A_680, %mul3A_692 : vector<16xf32>
      %swap3A_694 = arith.constant 144 : index
      %swap3A_695 = tpu.vector_load %arg13[%swap3A_694] {strides = array<i32>} : memref<256xf32, #tpu.memory_space<vmem>>, vector<16xf32>,
      tpu.vector_store %arg13[%swap3A_694], %add3A_693 {strides = array<i32>} : memref<256xf32, #tpu.memory_space<vmem>>, vector<16xf32>,
      %add3A_696 = arith.constant 10 : i32
      %add3A_697 = arith.addi %mul3A_166, %add3A_696 : i32
      %get3A_698 = arith.index_cast %add3A_697 : i32 to index
      %get3A_699 = arith.constant 0 : index
      %get3A_700 = tpu.vector_load %arg10[%get3A_698, %get3A_699] {strides = array<i32>} : memref<128x64xf32, #tpu.memory_space<vmem>>, vector<16xf32>,
      %add3A_701 = arith.constant 10 : i32
      %add3A_702 = arith.addi %mul3A_166, %add3A_701 : i32
      %get3A_703 = arith.index_cast %add3A_702 : i32 to index
      %get3A_704 = arith.constant 0 : index
      %get3A_705 = tpu.vector_load %arg11[%get3A_703, %get3A_704] {strides = array<i32>} : memref<128x64xf32, #tpu.memory_space<vmem>>, vector<16xf32>,
      %mul3A_706 = arith.mulf %get3A_700, %get3A_705 : vector<16xf32>
      %mul3A_707 = arith.mulf %mul3A_706, %get3A_3 : vector<16xf32>
      %add3A_708 = arith.constant 10 : i32
      %add3A_709 = arith.addi %mul3A_166, %add3A_708 : i32
      %get3A_710 = arith.index_cast %add3A_709 : i32 to index
      %get3A_711 = arith.constant 16 : index
      %get3A_712 = tpu.vector_load %arg10[%get3A_710, %get3A_711] {strides = array<i32>} : memref<128x64xf32, #tpu.memory_space<vmem>>, vector<16xf32>,
      %add3A_713 = arith.constant 10 : i32
      %add3A_714 = arith.addi %mul3A_166, %add3A_713 : i32
      %get3A_715 = arith.index_cast %add3A_714 : i32 to index
      %get3A_716 = arith.constant 16 : index
      %get3A_717 = tpu.vector_load %arg11[%get3A_715, %get3A_716] {strides = array<i32>} : memref<128x64xf32, #tpu.memory_space<vmem>>, vector<16xf32>,
      %mul3A_718 = arith.mulf %get3A_712, %get3A_717 : vector<16xf32>
      %mul3A_719 = arith.mulf %mul3A_718, %get3A_5 : vector<16xf32>
      %add3A_720 = arith.addf %mul3A_707, %mul3A_719 : vector<16xf32>
      %add3A_721 = arith.constant 10 : i32
      %add3A_722 = arith.addi %mul3A_166, %add3A_721 : i32
      %get3A_723 = arith.index_cast %add3A_722 : i32 to index
      %get3A_724 = arith.constant 32 : index
      %get3A_725 = tpu.vector_load %arg10[%get3A_723, %get3A_724] {strides = array<i32>} : memref<128x64xf32, #tpu.memory_space<vmem>>, vector<16xf32>,
      %add3A_726 = arith.constant 10 : i32
      %add3A_727 = arith.addi %mul3A_166, %add3A_726 : i32
      %get3A_728 = arith.index_cast %add3A_727 : i32 to index
      %get3A_729 = arith.constant 32 : index
      %get3A_730 = tpu.vector_load %arg11[%get3A_728, %get3A_729] {strides = array<i32>} : memref<128x64xf32, #tpu.memory_space<vmem>>, vector<16xf32>,
      %mul3A_731 = arith.mulf %get3A_725, %get3A_730 : vector<16xf32>
      %mul3A_732 = arith.mulf %mul3A_731, %get3A_7 : vector<16xf32>
      %add3A_733 = arith.addf %add3A_720, %mul3A_732 : vector<16xf32>
      %add3A_734 = arith.constant 10 : i32
      %add3A_735 = arith.addi %mul3A_166, %add3A_734 : i32
      %get3A_736 = arith.index_cast %add3A_735 : i32 to index
      %get3A_737 = arith.constant 48 : index
      %get3A_738 = tpu.vector_load %arg10[%get3A_736, %get3A_737] {strides = array<i32>} : memref<128x64xf32, #tpu.memory_space<vmem>>, vector<16xf32>,
      %add3A_739 = arith.constant 10 : i32
      %add3A_740 = arith.addi %mul3A_166, %add3A_739 : i32
      %get3A_741 = arith.index_cast %add3A_740 : i32 to index
      %get3A_742 = arith.constant 48 : index
      %get3A_743 = tpu.vector_load %arg11[%get3A_741, %get3A_742] {strides = array<i32>} : memref<128x64xf32, #tpu.memory_space<vmem>>, vector<16xf32>,
      %mul3A_744 = arith.mulf %get3A_738, %get3A_743 : vector<16xf32>
      %mul3A_745 = arith.mulf %mul3A_744, %get3A_9 : vector<16xf32>
      %add3A_746 = arith.addf %add3A_733, %mul3A_745 : vector<16xf32>
      %swap3A_747 = arith.constant 160 : index
      %swap3A_748 = tpu.vector_load %arg13[%swap3A_747] {strides = array<i32>} : memref<256xf32, #tpu.memory_space<vmem>>, vector<16xf32>,
      tpu.vector_store %arg13[%swap3A_747], %add3A_746 {strides = array<i32>} : memref<256xf32, #tpu.memory_space<vmem>>, vector<16xf32>,
      %add3A_749 = arith.constant 11 : i32
      %add3A_750 = arith.addi %mul3A_166, %add3A_749 : i32
      %get3A_751 = arith.index_cast %add3A_750 : i32 to index
      %get3A_752 = arith.constant 0 : index
      %get3A_753 = tpu.vector_load %arg10[%get3A_751, %get3A_752] {strides = array<i32>} : memref<128x64xf32, #tpu.memory_space<vmem>>, vector<16xf32>,
      %add3A_754 = arith.constant 11 : i32
      %add3A_755 = arith.addi %mul3A_166, %add3A_754 : i32
      %get3A_756 = arith.index_cast %add3A_755 : i32 to index
      %get3A_757 = arith.constant 0 : index
      %get3A_758 = tpu.vector_load %arg11[%get3A_756, %get3A_757] {strides = array<i32>} : memref<128x64xf32, #tpu.memory_space<vmem>>, vector<16xf32>,
      %mul3A_759 = arith.mulf %get3A_753, %get3A_758 : vector<16xf32>
      %mul3A_760 = arith.mulf %mul3A_759, %get3A_3 : vector<16xf32>
      %add3A_761 = arith.constant 11 : i32
      %add3A_762 = arith.addi %mul3A_166, %add3A_761 : i32
      %get3A_763 = arith.index_cast %add3A_762 : i32 to index
      %get3A_764 = arith.constant 16 : index
      %get3A_765 = tpu.vector_load %arg10[%get3A_763, %get3A_764] {strides = array<i32>} : memref<128x64xf32, #tpu.memory_space<vmem>>, vector<16xf32>,
      %add3A_766 = arith.constant 11 : i32
      %add3A_767 = arith.addi %mul3A_166, %add3A_766 : i32
      %get3A_768 = arith.index_cast %add3A_767 : i32 to index
      %get3A_769 = arith.constant 16 : index
      %get3A_770 = tpu.vector_load %arg11[%get3A_768, %get3A_769] {strides = array<i32>} : memref<128x64xf32, #tpu.memory_space<vmem>>, vector<16xf32>,
      %mul3A_771 = arith.mulf %get3A_765, %get3A_770 : vector<16xf32>
      %mul3A_772 = arith.mulf %mul3A_771, %get3A_5 : vector<16xf32>
      %add3A_773 = arith.addf %mul3A_760, %mul3A_772 : vector<16xf32>
      %add3A_774 = arith.constant 11 : i32
      %add3A_775 = arith.addi %mul3A_166, %add3A_774 : i32
      %get3A_776 = arith.index_cast %add3A_775 : i32 to index
      %get3A_777 = arith.constant 32 : index
      %get3A_778 = tpu.vector_load %arg10[%get3A_776, %get3A_777] {strides = array<i32>} : memref<128x64xf32, #tpu.memory_space<vmem>>, vector<16xf32>,
      %add3A_779 = arith.constant 11 : i32
      %add3A_780 = arith.addi %mul3A_166, %add3A_779 : i32
      %get3A_781 = arith.index_cast %add3A_780 : i32 to index
      %get3A_782 = arith.constant 32 : index
      %get3A_783 = tpu.vector_load %arg11[%get3A_781, %get3A_782] {strides = array<i32>} : memref<128x64xf32, #tpu.memory_space<vmem>>, vector<16xf32>,
      %mul3A_784 = arith.mulf %get3A_778, %get3A_783 : vector<16xf32>
      %mul3A_785 = arith.mulf %mul3A_784, %get3A_7 : vector<16xf32>
      %add3A_786 = arith.addf %add3A_773, %mul3A_785 : vector<16xf32>
      %add3A_787 = arith.constant 11 : i32
      %add3A_788 = arith.addi %mul3A_166, %add3A_787 : i32
      %get3A_789 = arith.index_cast %add3A_788 : i32 to index
      %get3A_790 = arith.constant 48 : index
      %get3A_791 = tpu.vector_load %arg10[%get3A_789, %get3A_790] {strides = array<i32>} : memref<128x64xf32, #tpu.memory_space<vmem>>, vector<16xf32>,
      %add3A_792 = arith.constant 11 : i32
      %add3A_793 = arith.addi %mul3A_166, %add3A_792 : i32
      %get3A_794 = arith.index_cast %add3A_793 : i32 to index
      %get3A_795 = arith.constant 48 : index
      %get3A_796 = tpu.vector_load %arg11[%get3A_794, %get3A_795] {strides = array<i32>} : memref<128x64xf32, #tpu.memory_space<vmem>>, vector<16xf32>,
      %mul3A_797 = arith.mulf %get3A_791, %get3A_796 : vector<16xf32>
      %mul3A_798 = arith.mulf %mul3A_797, %get3A_9 : vector<16xf32>
      %add3A_799 = arith.addf %add3A_786, %mul3A_798 : vector<16xf32>
      %swap3A_800 = arith.constant 176 : index
      %swap3A_801 = tpu.vector_load %arg13[%swap3A_800] {strides = array<i32>} : memref<256xf32, #tpu.memory_space<vmem>>, vector<16xf32>,
      tpu.vector_store %arg13[%swap3A_800], %add3A_799 {strides = array<i32>} : memref<256xf32, #tpu.memory_space<vmem>>, vector<16xf32>,
      %add3A_802 = arith.constant 12 : i32
      %add3A_803 = arith.addi %mul3A_166, %add3A_802 : i32
      %get3A_804 = arith.index_cast %add3A_803 : i32 to index
      %get3A_805 = arith.constant 0 : index
      %get3A_806 = tpu.vector_load %arg10[%get3A_804, %get3A_805] {strides = array<i32>} : memref<128x64xf32, #tpu.memory_space<vmem>>, vector<16xf32>,
      %add3A_807 = arith.constant 12 : i32
      %add3A_808 = arith.addi %mul3A_166, %add3A_807 : i32
      %get3A_809 = arith.index_cast %add3A_808 : i32 to index
      %get3A_810 = arith.constant 0 : index
      %get3A_811 = tpu.vector_load %arg11[%get3A_809, %get3A_810] {strides = array<i32>} : memref<128x64xf32, #tpu.memory_space<vmem>>, vector<16xf32>,
      %mul3A_812 = arith.mulf %get3A_806, %get3A_811 : vector<16xf32>
      %mul3A_813 = arith.mulf %mul3A_812, %get3A_3 : vector<16xf32>
      %add3A_814 = arith.constant 12 : i32
      %add3A_815 = arith.addi %mul3A_166, %add3A_814 : i32
      %get3A_816 = arith.index_cast %add3A_815 : i32 to index
      %get3A_817 = arith.constant 16 : index
      %get3A_818 = tpu.vector_load %arg10[%get3A_816, %get3A_817] {strides = array<i32>} : memref<128x64xf32, #tpu.memory_space<vmem>>, vector<16xf32>,
      %add3A_819 = arith.constant 12 : i32
      %add3A_820 = arith.addi %mul3A_166, %add3A_819 : i32
      %get3A_821 = arith.index_cast %add3A_820 : i32 to index
      %get3A_822 = arith.constant 16 : index
      %get3A_823 = tpu.vector_load %arg11[%get3A_821, %get3A_822] {strides = array<i32>} : memref<128x64xf32, #tpu.memory_space<vmem>>, vector<16xf32>,
      %mul3A_824 = arith.mulf %get3A_818, %get3A_823 : vector<16xf32>
      %mul3A_825 = arith.mulf %mul3A_824, %get3A_5 : vector<16xf32>
      %add3A_826 = arith.addf %mul3A_813, %mul3A_825 : vector<16xf32>
      %add3A_827 = arith.constant 12 : i32
      %add3A_828 = arith.addi %mul3A_166, %add3A_827 : i32
      %get3A_829 = arith.index_cast %add3A_828 : i32 to index
      %get3A_830 = arith.constant 32 : index
      %get3A_831 = tpu.vector_load %arg10[%get3A_829, %get3A_830] {strides = array<i32>} : memref<128x64xf32, #tpu.memory_space<vmem>>, vector<16xf32>,
      %add3A_832 = arith.constant 12 : i32
      %add3A_833 = arith.addi %mul3A_166, %add3A_832 : i32
      %get3A_834 = arith.index_cast %add3A_833 : i32 to index
      %get3A_835 = arith.constant 32 : index
      %get3A_836 = tpu.vector_load %arg11[%get3A_834, %get3A_835] {strides = array<i32>} : memref<128x64xf32, #tpu.memory_space<vmem>>, vector<16xf32>,
      %mul3A_837 = arith.mulf %get3A_831, %get3A_836 : vector<16xf32>
      %mul3A_838 = arith.mulf %mul3A_837, %get3A_7 : vector<16xf32>
      %add3A_839 = arith.addf %add3A_826, %mul3A_838 : vector<16xf32>
      %add3A_840 = arith.constant 12 : i32
      %add3A_841 = arith.addi %mul3A_166, %add3A_840 : i32
      %get3A_842 = arith.index_cast %add3A_841 : i32 to index
      %get3A_843 = arith.constant 48 : index
      %get3A_844 = tpu.vector_load %arg10[%get3A_842, %get3A_843] {strides = array<i32>} : memref<128x64xf32, #tpu.memory_space<vmem>>, vector<16xf32>,
      %add3A_845 = arith.constant 12 : i32
      %add3A_846 = arith.addi %mul3A_166, %add3A_845 : i32
      %get3A_847 = arith.index_cast %add3A_846 : i32 to index
      %get3A_848 = arith.constant 48 : index
      %get3A_849 = tpu.vector_load %arg11[%get3A_847, %get3A_848] {strides = array<i32>} : memref<128x64xf32, #tpu.memory_space<vmem>>, vector<16xf32>,
      %mul3A_850 = arith.mulf %get3A_844, %get3A_849 : vector<16xf32>
      %mul3A_851 = arith.mulf %mul3A_850, %get3A_9 : vector<16xf32>
      %add3A_852 = arith.addf %add3A_839, %mul3A_851 : vector<16xf32>
      %swap3A_853 = arith.constant 192 : index
      %swap3A_854 = tpu.vector_load %arg13[%swap3A_853] {strides = array<i32>} : memref<256xf32, #tpu.memory_space<vmem>>, vector<16xf32>,
      tpu.vector_store %arg13[%swap3A_853], %add3A_852 {strides = array<i32>} : memref<256xf32, #tpu.memory_space<vmem>>, vector<16xf32>,
      %add3A_855 = arith.constant 13 : i32
      %add3A_856 = arith.addi %mul3A_166, %add3A_855 : i32
      %get3A_857 = arith.index_cast %add3A_856 : i32 to index
      %get3A_858 = arith.constant 0 : index
      %get3A_859 = tpu.vector_load %arg10[%get3A_857, %get3A_858] {strides = array<i32>} : memref<128x64xf32, #tpu.memory_space<vmem>>, vector<16xf32>,
      %add3A_860 = arith.constant 13 : i32
      %add3A_861 = arith.addi %mul3A_166, %add3A_860 : i32
      %get3A_862 = arith.index_cast %add3A_861 : i32 to index
      %get3A_863 = arith.constant 0 : index
      %get3A_864 = tpu.vector_load %arg11[%get3A_862, %get3A_863] {strides = array<i32>} : memref<128x64xf32, #tpu.memory_space<vmem>>, vector<16xf32>,
      %mul3A_865 = arith.mulf %get3A_859, %get3A_864 : vector<16xf32>
      %mul3A_866 = arith.mulf %mul3A_865, %get3A_3 : vector<16xf32>
      %add3A_867 = arith.constant 13 : i32
      %add3A_868 = arith.addi %mul3A_166, %add3A_867 : i32
      %get3A_869 = arith.index_cast %add3A_868 : i32 to index
      %get3A_870 = arith.constant 16 : index
      %get3A_871 = tpu.vector_load %arg10[%get3A_869, %get3A_870] {strides = array<i32>} : memref<128x64xf32, #tpu.memory_space<vmem>>, vector<16xf32>,
      %add3A_872 = arith.constant 13 : i32
      %add3A_873 = arith.addi %mul3A_166, %add3A_872 : i32
      %get3A_874 = arith.index_cast %add3A_873 : i32 to index
      %get3A_875 = arith.constant 16 : index
      %get3A_876 = tpu.vector_load %arg11[%get3A_874, %get3A_875] {strides = array<i32>} : memref<128x64xf32, #tpu.memory_space<vmem>>, vector<16xf32>,
      %mul3A_877 = arith.mulf %get3A_871, %get3A_876 : vector<16xf32>
      %mul3A_878 = arith.mulf %mul3A_877, %get3A_5 : vector<16xf32>
      %add3A_879 = arith.addf %mul3A_866, %mul3A_878 : vector<16xf32>
      %add3A_880 = arith.constant 13 : i32
      %add3A_881 = arith.addi %mul3A_166, %add3A_880 : i32
      %get3A_882 = arith.index_cast %add3A_881 : i32 to index
      %get3A_883 = arith.constant 32 : index
      %get3A_884 = tpu.vector_load %arg10[%get3A_882, %get3A_883] {strides = array<i32>} : memref<128x64xf32, #tpu.memory_space<vmem>>, vector<16xf32>,
      %add3A_885 = arith.constant 13 : i32
      %add3A_886 = arith.addi %mul3A_166, %add3A_885 : i32
      %get3A_887 = arith.index_cast %add3A_886 : i32 to index
      %get3A_888 = arith.constant 32 : index
      %get3A_889 = tpu.vector_load %arg11[%get3A_887, %get3A_888] {strides = array<i32>} : memref<128x64xf32, #tpu.memory_space<vmem>>, vector<16xf32>,
      %mul3A_890 = arith.mulf %get3A_884, %get3A_889 : vector<16xf32>
      %mul3A_891 = arith.mulf %mul3A_890, %get3A_7 : vector<16xf32>
      %add3A_892 = arith.addf %add3A_879, %mul3A_891 : vector<16xf32>
      %add3A_893 = arith.constant 13 : i32
      %add3A_894 = arith.addi %mul3A_166, %add3A_893 : i32
      %get3A_895 = arith.index_cast %add3A_894 : i32 to index
      %get3A_896 = arith.constant 48 : index
      %get3A_897 = tpu.vector_load %arg10[%get3A_895, %get3A_896] {strides = array<i32>} : memref<128x64xf32, #tpu.memory_space<vmem>>, vector<16xf32>,
      %add3A_898 = arith.constant 13 : i32
      %add3A_899 = arith.addi %mul3A_166, %add3A_898 : i32
      %get3A_900 = arith.index_cast %add3A_899 : i32 to index
      %get3A_901 = arith.constant 48 : index
      %get3A_902 = tpu.vector_load %arg11[%get3A_900, %get3A_901] {strides = array<i32>} : memref<128x64xf32, #tpu.memory_space<vmem>>, vector<16xf32>,
      %mul3A_903 = arith.mulf %get3A_897, %get3A_902 : vector<16xf32>
      %mul3A_904 = arith.mulf %mul3A_903, %get3A_9 : vector<16xf32>
      %add3A_905 = arith.addf %add3A_892, %mul3A_904 : vector<16xf32>
      %swap3A_906 = arith.constant 208 : index
      %swap3A_907 = tpu.vector_load %arg13[%swap3A_906] {strides = array<i32>} : memref<256xf32, #tpu.memory_space<vmem>>, vector<16xf32>,
      tpu.vector_store %arg13[%swap3A_906], %add3A_905 {strides = array<i32>} : memref<256xf32, #tpu.memory_space<vmem>>, vector<16xf32>,
      %add3A_908 = arith.constant 14 : i32
      %add3A_909 = arith.addi %mul3A_166, %add3A_908 : i32
      %get3A_910 = arith.index_cast %add3A_909 : i32 to index
      %get3A_911 = arith.constant 0 : index
      %get3A_912 = tpu.vector_load %arg10[%get3A_910, %get3A_911] {strides = array<i32>} : memref<128x64xf32, #tpu.memory_space<vmem>>, vector<16xf32>,
      %add3A_913 = arith.constant 14 : i32
      %add3A_914 = arith.addi %mul3A_166, %add3A_913 : i32
      %get3A_915 = arith.index_cast %add3A_914 : i32 to index
      %get3A_916 = arith.constant 0 : index
      %get3A_917 = tpu.vector_load %arg11[%get3A_915, %get3A_916] {strides = array<i32>} : memref<128x64xf32, #tpu.memory_space<vmem>>, vector<16xf32>,
      %mul3A_918 = arith.mulf %get3A_912, %get3A_917 : vector<16xf32>
      %mul3A_919 = arith.mulf %mul3A_918, %get3A_3 : vector<16xf32>
      %add3A_920 = arith.constant 14 : i32
      %add3A_921 = arith.addi %mul3A_166, %add3A_920 : i32
      %get3A_922 = arith.index_cast %add3A_921 : i32 to index
      %get3A_923 = arith.constant 16 : index
      %get3A_924 = tpu.vector_load %arg10[%get3A_922, %get3A_923] {strides = array<i32>} : memref<128x64xf32, #tpu.memory_space<vmem>>, vector<16xf32>,
      %add3A_925 = arith.constant 14 : i32
      %add3A_926 = arith.addi %mul3A_166, %add3A_925 : i32
      %get3A_927 = arith.index_cast %add3A_926 : i32 to index
      %get3A_928 = arith.constant 16 : index
      %get3A_929 = tpu.vector_load %arg11[%get3A_927, %get3A_928] {strides = array<i32>} : memref<128x64xf32, #tpu.memory_space<vmem>>, vector<16xf32>,
      %mul3A_930 = arith.mulf %get3A_924, %get3A_929 : vector<16xf32>
      %mul3A_931 = arith.mulf %mul3A_930, %get3A_5 : vector<16xf32>
      %add3A_932 = arith.addf %mul3A_919, %mul3A_931 : vector<16xf32>
      %add3A_933 = arith.constant 14 : i32
      %add3A_934 = arith.addi %mul3A_166, %add3A_933 : i32
      %get3A_935 = arith.index_cast %add3A_934 : i32 to index
      %get3A_936 = arith.constant 32 : index
      %get3A_937 = tpu.vector_load %arg10[%get3A_935, %get3A_936] {strides = array<i32>} : memref<128x64xf32, #tpu.memory_space<vmem>>, vector<16xf32>,
      %add3A_938 = arith.constant 14 : i32
      %add3A_939 = arith.addi %mul3A_166, %add3A_938 : i32
      %get3A_940 = arith.index_cast %add3A_939 : i32 to index
      %get3A_941 = arith.constant 32 : index
      %get3A_942 = tpu.vector_load %arg11[%get3A_940, %get3A_941] {strides = array<i32>} : memref<128x64xf32, #tpu.memory_space<vmem>>, vector<16xf32>,
      %mul3A_943 = arith.mulf %get3A_937, %get3A_942 : vector<16xf32>
      %mul3A_944 = arith.mulf %mul3A_943, %get3A_7 : vector<16xf32>
      %add3A_945 = arith.addf %add3A_932, %mul3A_944 : vector<16xf32>
      %add3A_946 = arith.constant 14 : i32
      %add3A_947 = arith.addi %mul3A_166, %add3A_946 : i32
      %get3A_948 = arith.index_cast %add3A_947 : i32 to index
      %get3A_949 = arith.constant 48 : index
      %get3A_950 = tpu.vector_load %arg10[%get3A_948, %get3A_949] {strides = array<i32>} : memref<128x64xf32, #tpu.memory_space<vmem>>, vector<16xf32>,
      %add3A_951 = arith.constant 14 : i32
      %add3A_952 = arith.addi %mul3A_166, %add3A_951 : i32
      %get3A_953 = arith.index_cast %add3A_952 : i32 to index
      %get3A_954 = arith.constant 48 : index
      %get3A_955 = tpu.vector_load %arg11[%get3A_953, %get3A_954] {strides = array<i32>} : memref<128x64xf32, #tpu.memory_space<vmem>>, vector<16xf32>,
      %mul3A_956 = arith.mulf %get3A_950, %get3A_955 : vector<16xf32>
      %mul3A_957 = arith.mulf %mul3A_956, %get3A_9 : vector<16xf32>
      %add3A_958 = arith.addf %add3A_945, %mul3A_957 : vector<16xf32>
      %swap3A_959 = arith.constant 224 : index
      %swap3A_960 = tpu.vector_load %arg13[%swap3A_959] {strides = array<i32>} : memref<256xf32, #tpu.memory_space<vmem>>, vector<16xf32>,
      tpu.vector_store %arg13[%swap3A_959], %add3A_958 {strides = array<i32>} : memref<256xf32, #tpu.memory_space<vmem>>, vector<16xf32>,
      %add3A_961 = arith.constant 15 : i32
      %add3A_962 = arith.addi %mul3A_166, %add3A_961 : i32
      %get3A_963 = arith.index_cast %add3A_962 : i32 to index
      %get3A_964 = arith.constant 0 : index
      %get3A_965 = tpu.vector_load %arg10[%get3A_963, %get3A_964] {strides = array<i32>} : memref<128x64xf32, #tpu.memory_space<vmem>>, vector<16xf32>,
      %add3A_966 = arith.constant 15 : i32
      %add3A_967 = arith.addi %mul3A_166, %add3A_966 : i32
      %get3A_968 = arith.index_cast %add3A_967 : i32 to index
      %get3A_969 = arith.constant 0 : index
      %get3A_970 = tpu.vector_load %arg11[%get3A_968, %get3A_969] {strides = array<i32>} : memref<128x64xf32, #tpu.memory_space<vmem>>, vector<16xf32>,
      %mul3A_971 = arith.mulf %get3A_965, %get3A_970 : vector<16xf32>
      %mul3A_972 = arith.mulf %mul3A_971, %get3A_3 : vector<16xf32>
      %add3A_973 = arith.constant 15 : i32
      %add3A_974 = arith.addi %mul3A_166, %add3A_973 : i32
      %get3A_975 = arith.index_cast %add3A_974 : i32 to index
      %get3A_976 = arith.constant 16 : index
      %get3A_977 = tpu.vector_load %arg10[%get3A_975, %get3A_976] {strides = array<i32>} : memref<128x64xf32, #tpu.memory_space<vmem>>, vector<16xf32>,
      %add3A_978 = arith.constant 15 : i32
      %add3A_979 = arith.addi %mul3A_166, %add3A_978 : i32
      %get3A_980 = arith.index_cast %add3A_979 : i32 to index
      %get3A_981 = arith.constant 16 : index
      %get3A_982 = tpu.vector_load %arg11[%get3A_980, %get3A_981] {strides = array<i32>} : memref<128x64xf32, #tpu.memory_space<vmem>>, vector<16xf32>,
      %mul3A_983 = arith.mulf %get3A_977, %get3A_982 : vector<16xf32>
      %mul3A_984 = arith.mulf %mul3A_983, %get3A_5 : vector<16xf32>
      %add3A_985 = arith.addf %mul3A_972, %mul3A_984 : vector<16xf32>
      %add3A_986 = arith.constant 15 : i32
      %add3A_987 = arith.addi %mul3A_166, %add3A_986 : i32
      %get3A_988 = arith.index_cast %add3A_987 : i32 to index
      %get3A_989 = arith.constant 32 : index
      %get3A_990 = tpu.vector_load %arg10[%get3A_988, %get3A_989] {strides = array<i32>} : memref<128x64xf32, #tpu.memory_space<vmem>>, vector<16xf32>,
      %add3A_991 = arith.constant 15 : i32
      %add3A_992 = arith.addi %mul3A_166, %add3A_991 : i32
      %get3A_993 = arith.index_cast %add3A_992 : i32 to index
      %get3A_994 = arith.constant 32 : index
      %get3A_995 = tpu.vector_load %arg11[%get3A_993, %get3A_994] {strides = array<i32>} : memref<128x64xf32, #tpu.memory_space<vmem>>, vector<16xf32>,
      %mul3A_996 = arith.mulf %get3A_990, %get3A_995 : vector<16xf32>
      %mul3A_997 = arith.mulf %mul3A_996, %get3A_7 : vector<16xf32>
      %add3A_998 = arith.addf %add3A_985, %mul3A_997 : vector<16xf32>
      %add3A_999 = arith.constant 15 : i32
      %add3A_1000 = arith.addi %mul3A_166, %add3A_999 : i32
      %get3A_1001 = arith.index_cast %add3A_1000 : i32 to index
      %get3A_1002 = arith.constant 48 : index
      %get3A_1003 = tpu.vector_load %arg10[%get3A_1001, %get3A_1002] {strides = array<i32>} : memref<128x64xf32, #tpu.memory_space<vmem>>, vector<16xf32>,
      %add3A_1004 = arith.constant 15 : i32
      %add3A_1005 = arith.addi %mul3A_166, %add3A_1004 : i32
      %get3A_1006 = arith.index_cast %add3A_1005 : i32 to index
      %get3A_1007 = arith.constant 48 : index
      %get3A_1008 = tpu.vector_load %arg11[%get3A_1006, %get3A_1007] {strides = array<i32>} : memref<128x64xf32, #tpu.memory_space<vmem>>, vector<16xf32>,
      %mul3A_1009 = arith.mulf %get3A_1003, %get3A_1008 : vector<16xf32>
      %mul3A_1010 = arith.mulf %mul3A_1009, %get3A_9 : vector<16xf32>
      %add3A_1011 = arith.addf %add3A_998, %mul3A_1010 : vector<16xf32>
      %swap3A_1012 = arith.constant 240 : index
      %swap3A_1013 = tpu.vector_load %arg13[%swap3A_1012] {strides = array<i32>} : memref<256xf32, #tpu.memory_space<vmem>>, vector<16xf32>,
      tpu.vector_store %arg13[%swap3A_1012], %add3A_1011 {strides = array<i32>} : memref<256xf32, #tpu.memory_space<vmem>>, vector<16xf32>,
      %gather3A = tpu.vector_load_idx %arg13[%add3A_17] : memref<256xf32, #tpu.memory_space<vmem>>[vector<16xi32>], vector<16xf32>,
      %gather3A_1014 = tpu.vector_load_idx %arg13[%add3A_20] : memref<256xf32, #tpu.memory_space<vmem>>[vector<16xi32>], vector<16xf32>,
      %gather3A_1015 = tpu.vector_load_idx %arg13[%add3A_23] : memref<256xf32, #tpu.memory_space<vmem>>[vector<16xi32>], vector<16xf32>,
      %gather3A_1016 = tpu.vector_load_idx %arg13[%add3A_26] : memref<256xf32, #tpu.memory_space<vmem>>[vector<16xi32>], vector<16xf32>,
      %gather3A_1017 = tpu.vector_load_idx %arg13[%add3A_29] : memref<256xf32, #tpu.memory_space<vmem>>[vector<16xi32>], vector<16xf32>,
      %gather3A_1018 = tpu.vector_load_idx %arg13[%add3A_32] : memref<256xf32, #tpu.memory_space<vmem>>[vector<16xi32>], vector<16xf32>,
      %gather3A_1019 = tpu.vector_load_idx %arg13[%add3A_35] : memref<256xf32, #tpu.memory_space<vmem>>[vector<16xi32>], vector<16xf32>,
      %gather3A_1020 = tpu.vector_load_idx %arg13[%add3A_38] : memref<256xf32, #tpu.memory_space<vmem>>[vector<16xi32>], vector<16xf32>,
      %gather3A_1021 = tpu.vector_load_idx %arg13[%add3A_41] : memref<256xf32, #tpu.memory_space<vmem>>[vector<16xi32>], vector<16xf32>,
      %gather3A_1022 = tpu.vector_load_idx %arg13[%add3A_44] : memref<256xf32, #tpu.memory_space<vmem>>[vector<16xi32>], vector<16xf32>,
      %gather3A_1023 = tpu.vector_load_idx %arg13[%add3A_47] : memref<256xf32, #tpu.memory_space<vmem>>[vector<16xi32>], vector<16xf32>,
      %gather3A_1024 = tpu.vector_load_idx %arg13[%add3A_50] : memref<256xf32, #tpu.memory_space<vmem>>[vector<16xi32>], vector<16xf32>,
      %gather3A_1025 = tpu.vector_load_idx %arg13[%add3A_53] : memref<256xf32, #tpu.memory_space<vmem>>[vector<16xi32>], vector<16xf32>,
      %gather3A_1026 = tpu.vector_load_idx %arg13[%add3A_56] : memref<256xf32, #tpu.memory_space<vmem>>[vector<16xi32>], vector<16xf32>,
      %gather3A_1027 = tpu.vector_load_idx %arg13[%add3A_59] : memref<256xf32, #tpu.memory_space<vmem>>[vector<16xi32>], vector<16xf32>,
      %gather3A_1028 = tpu.vector_load_idx %arg13[%add3A_62] : memref<256xf32, #tpu.memory_space<vmem>>[vector<16xi32>], vector<16xf32>,
      %add3A_1029 = arith.addf %gather3A, %gather3A_1014 : vector<16xf32>
      %add3A_1030 = arith.addf %gather3A_1015, %gather3A_1016 : vector<16xf32>
      %add3A_1031 = arith.addf %gather3A_1017, %gather3A_1018 : vector<16xf32>
      %add3A_1032 = arith.addf %gather3A_1019, %gather3A_1020 : vector<16xf32>
      %add3A_1033 = arith.addf %gather3A_1021, %gather3A_1022 : vector<16xf32>
      %add3A_1034 = arith.addf %gather3A_1023, %gather3A_1024 : vector<16xf32>
      %add3A_1035 = arith.addf %gather3A_1025, %gather3A_1026 : vector<16xf32>
      %add3A_1036 = arith.addf %gather3A_1027, %gather3A_1028 : vector<16xf32>
      %add3A_1037 = arith.addf %add3A_1029, %add3A_1030 : vector<16xf32>
      %add3A_1038 = arith.addf %add3A_1031, %add3A_1032 : vector<16xf32>
      %add3A_1039 = arith.addf %add3A_1033, %add3A_1034 : vector<16xf32>
      %add3A_1040 = arith.addf %add3A_1035, %add3A_1036 : vector<16xf32>
      %add3A_1041 = arith.addf %add3A_1037, %add3A_1038 : vector<16xf32>
      %add3A_1042 = arith.addf %add3A_1039, %add3A_1040 : vector<16xf32>
      %add3A_1043 = arith.addf %add3A_1041, %add3A_1042 : vector<16xf32>
      %add3A_1044 = arith.addf %add3A_1043, %get3A_11 : vector<16xf32>
      %neg3A = arith.constant 0.000000e+00 : f32
      %neg3A_1045 = vector.broadcast %neg3A : f32 to vector<16xf32>
      %neg3A_1046 = arith.subf %neg3A_1045, %add3A_1044 : vector<16xf32>
      %exp3A = math.exp %neg3A_1046 : vector<16xf32>
      %add3A_1047 = arith.constant 1.000000e+00 : f32
      %add3A_1048 = vector.broadcast %add3A_1047 : f32 to vector<16xf32>
      %add3A_1049 = arith.addf %add3A_1048, %exp3A : vector<16xf32>
      %div3A = arith.constant 1.000000e+00 : f32
      %div3A_1050 = vector.broadcast %div3A : f32 to vector<16xf32>
      %div3A_1051 = arith.divf %div3A_1050, %add3A_1049 : vector<16xf32>
      %add3A_1052 = arith.constant 128 : i32
      %add3A_1053 = arith.addi %add3A_1052, %mul3A_166 : i32
      %swap3A_1054 = arith.index_cast %add3A_1053 : i32 to index
      %swap3A_1055 = tpu.vector_load %arg12[%swap3A_1054] {strides = array<i32>} : memref<512xf32, #tpu.memory_space<vmem>>, vector<16xf32>,
      tpu.vector_store %arg12[%swap3A_1054], %div3A_1051 {strides = array<i32>} : memref<512xf32, #tpu.memory_space<vmem>>, vector<16xf32>,
    }
    %scan3A_111 = arith.constant 8 : i32
    %dma_start3A_112 = arith.constant 256 : i32
    %dma_start3A_113 = tpu.memref_slice %arg8[%dma_start3A_112] : memref<512xi32, #tpu.memory_space<vmem>> -> memref<128xi32, #tpu.memory_space<vmem>>
    %dma_start3A_114 = arith.constant 0 : i32
    %dma_start3A_115 = arith.constant 0 : i32
    %dma_start3A_116 = tpu.memref_slice %arg4[%dma_start3A_114, %dma_start3A_115] : memref<100000x64xf32, #tpu.memory_space<hbm>> -> memref<100000x64xf32, #tpu.memory_space<hbm>>
    tpu.enqueue_indirect_dma source(%dma_start3A_116 : memref<100000x64xf32, #tpu.memory_space<hbm>>) target(%arg10 : memref<128x64xf32, #tpu.memory_space<vmem>>) offsets(%dma_start3A_113 : memref<128xi32, #tpu.memory_space<vmem>>) semaphore(%arg15 : memref<!tpu.dma_semaphore, #tpu.memory_space<semaphore_mem>>)
    %dma_start3A_117 = arith.constant 256 : i32
    %dma_start3A_118 = tpu.memref_slice %arg9[%dma_start3A_117] : memref<512xi32, #tpu.memory_space<vmem>> -> memref<128xi32, #tpu.memory_space<vmem>>
    %dma_start3A_119 = arith.constant 0 : i32
    %dma_start3A_120 = arith.constant 0 : i32
    %dma_start3A_121 = tpu.memref_slice %arg5[%dma_start3A_119, %dma_start3A_120] : memref<100000x64xf32, #tpu.memory_space<hbm>> -> memref<100000x64xf32, #tpu.memory_space<hbm>>
    tpu.enqueue_indirect_dma source(%dma_start3A_121 : memref<100000x64xf32, #tpu.memory_space<hbm>>) target(%arg11 : memref<128x64xf32, #tpu.memory_space<vmem>>) offsets(%dma_start3A_118 : memref<128xi32, #tpu.memory_space<vmem>>) semaphore(%arg16 : memref<!tpu.dma_semaphore, #tpu.memory_space<semaphore_mem>>)
    %dma_wait3A_122 = arith.constant 256 : i32
    %dma_wait3A_123 = tpu.memref_slice %arg8[%dma_wait3A_122] : memref<512xi32, #tpu.memory_space<vmem>> -> memref<128xi32, #tpu.memory_space<vmem>>
    %dma_wait3A_124 = arith.constant 0 : i32
    %dma_wait3A_125 = arith.constant 0 : i32
    %dma_wait3A_126 = tpu.memref_slice %arg4[%dma_wait3A_124, %dma_wait3A_125] : memref<100000x64xf32, #tpu.memory_space<hbm>> -> memref<100000x64xf32, #tpu.memory_space<hbm>>
    tpu.wait_indirect_dma semaphore(%arg15 : memref<!tpu.dma_semaphore, #tpu.memory_space<semaphore_mem>>) src(%dma_wait3A_126 : memref<100000x64xf32, #tpu.memory_space<hbm>>) dst(%arg10 : memref<128x64xf32, #tpu.memory_space<vmem>>)
    %dma_wait3A_127 = arith.constant 256 : i32
    %dma_wait3A_128 = tpu.memref_slice %arg9[%dma_wait3A_127] : memref<512xi32, #tpu.memory_space<vmem>> -> memref<128xi32, #tpu.memory_space<vmem>>
    %dma_wait3A_129 = arith.constant 0 : i32
    %dma_wait3A_130 = arith.constant 0 : i32
    %dma_wait3A_131 = tpu.memref_slice %arg5[%dma_wait3A_129, %dma_wait3A_130] : memref<100000x64xf32, #tpu.memory_space<hbm>> -> memref<100000x64xf32, #tpu.memory_space<hbm>>
    tpu.wait_indirect_dma semaphore(%arg16 : memref<!tpu.dma_semaphore, #tpu.memory_space<semaphore_mem>>) src(%dma_wait3A_131 : memref<100000x64xf32, #tpu.memory_space<hbm>>) dst(%arg11 : memref<128x64xf32, #tpu.memory_space<vmem>>)
    %scan3A_132 = arith.constant 0 : i32
    %scan3A_133 = arith.constant 0 : i32
    %scan3A_134 = arith.constant 8 : i32
    %scan3A_135 = arith.addi %scan3A_133, %scan3A_134 : i32
    %scan3A_136 = arith.constant 1 : i32
    scf.for %scan3A_164 = %scan3A_133 to %scan3A_135 step %scan3A_136  : i32 {
      %mul3A_165 = arith.constant 16 : i32
      %mul3A_166 = arith.muli %scan3A_164, %mul3A_165 : i32
      %add3A_167 = arith.constant 0 : i32
      %add3A_168 = arith.addi %mul3A_166, %add3A_167 : i32
      %get3A_169 = arith.index_cast %add3A_168 : i32 to index
      %get3A_170 = arith.constant 0 : index
      %get3A_171 = tpu.vector_load %arg10[%get3A_169, %get3A_170] {strides = array<i32>} : memref<128x64xf32, #tpu.memory_space<vmem>>, vector<16xf32>,
      %add3A_172 = arith.constant 0 : i32
      %add3A_173 = arith.addi %mul3A_166, %add3A_172 : i32
      %get3A_174 = arith.index_cast %add3A_173 : i32 to index
      %get3A_175 = arith.constant 0 : index
      %get3A_176 = tpu.vector_load %arg11[%get3A_174, %get3A_175] {strides = array<i32>} : memref<128x64xf32, #tpu.memory_space<vmem>>, vector<16xf32>,
      %mul3A_177 = arith.mulf %get3A_171, %get3A_176 : vector<16xf32>
      %mul3A_178 = arith.mulf %mul3A_177, %get3A_3 : vector<16xf32>
      %add3A_179 = arith.constant 0 : i32
      %add3A_180 = arith.addi %mul3A_166, %add3A_179 : i32
      %get3A_181 = arith.index_cast %add3A_180 : i32 to index
      %get3A_182 = arith.constant 16 : index
      %get3A_183 = tpu.vector_load %arg10[%get3A_181, %get3A_182] {strides = array<i32>} : memref<128x64xf32, #tpu.memory_space<vmem>>, vector<16xf32>,
      %add3A_184 = arith.constant 0 : i32
      %add3A_185 = arith.addi %mul3A_166, %add3A_184 : i32
      %get3A_186 = arith.index_cast %add3A_185 : i32 to index
      %get3A_187 = arith.constant 16 : index
      %get3A_188 = tpu.vector_load %arg11[%get3A_186, %get3A_187] {strides = array<i32>} : memref<128x64xf32, #tpu.memory_space<vmem>>, vector<16xf32>,
      %mul3A_189 = arith.mulf %get3A_183, %get3A_188 : vector<16xf32>
      %mul3A_190 = arith.mulf %mul3A_189, %get3A_5 : vector<16xf32>
      %add3A_191 = arith.addf %mul3A_178, %mul3A_190 : vector<16xf32>
      %add3A_192 = arith.constant 0 : i32
      %add3A_193 = arith.addi %mul3A_166, %add3A_192 : i32
      %get3A_194 = arith.index_cast %add3A_193 : i32 to index
      %get3A_195 = arith.constant 32 : index
      %get3A_196 = tpu.vector_load %arg10[%get3A_194, %get3A_195] {strides = array<i32>} : memref<128x64xf32, #tpu.memory_space<vmem>>, vector<16xf32>,
      %add3A_197 = arith.constant 0 : i32
      %add3A_198 = arith.addi %mul3A_166, %add3A_197 : i32
      %get3A_199 = arith.index_cast %add3A_198 : i32 to index
      %get3A_200 = arith.constant 32 : index
      %get3A_201 = tpu.vector_load %arg11[%get3A_199, %get3A_200] {strides = array<i32>} : memref<128x64xf32, #tpu.memory_space<vmem>>, vector<16xf32>,
      %mul3A_202 = arith.mulf %get3A_196, %get3A_201 : vector<16xf32>
      %mul3A_203 = arith.mulf %mul3A_202, %get3A_7 : vector<16xf32>
      %add3A_204 = arith.addf %add3A_191, %mul3A_203 : vector<16xf32>
      %add3A_205 = arith.constant 0 : i32
      %add3A_206 = arith.addi %mul3A_166, %add3A_205 : i32
      %get3A_207 = arith.index_cast %add3A_206 : i32 to index
      %get3A_208 = arith.constant 48 : index
      %get3A_209 = tpu.vector_load %arg10[%get3A_207, %get3A_208] {strides = array<i32>} : memref<128x64xf32, #tpu.memory_space<vmem>>, vector<16xf32>,
      %add3A_210 = arith.constant 0 : i32
      %add3A_211 = arith.addi %mul3A_166, %add3A_210 : i32
      %get3A_212 = arith.index_cast %add3A_211 : i32 to index
      %get3A_213 = arith.constant 48 : index
      %get3A_214 = tpu.vector_load %arg11[%get3A_212, %get3A_213] {strides = array<i32>} : memref<128x64xf32, #tpu.memory_space<vmem>>, vector<16xf32>,
      %mul3A_215 = arith.mulf %get3A_209, %get3A_214 : vector<16xf32>
      %mul3A_216 = arith.mulf %mul3A_215, %get3A_9 : vector<16xf32>
      %add3A_217 = arith.addf %add3A_204, %mul3A_216 : vector<16xf32>
      %swap3A = arith.constant 0 : index
      %swap3A_218 = tpu.vector_load %arg13[%swap3A] {strides = array<i32>} : memref<256xf32, #tpu.memory_space<vmem>>, vector<16xf32>,
      tpu.vector_store %arg13[%swap3A], %add3A_217 {strides = array<i32>} : memref<256xf32, #tpu.memory_space<vmem>>, vector<16xf32>,
      %add3A_219 = arith.constant 1 : i32
      %add3A_220 = arith.addi %mul3A_166, %add3A_219 : i32
      %get3A_221 = arith.index_cast %add3A_220 : i32 to index
      %get3A_222 = arith.constant 0 : index
      %get3A_223 = tpu.vector_load %arg10[%get3A_221, %get3A_222] {strides = array<i32>} : memref<128x64xf32, #tpu.memory_space<vmem>>, vector<16xf32>,
      %add3A_224 = arith.constant 1 : i32
      %add3A_225 = arith.addi %mul3A_166, %add3A_224 : i32
      %get3A_226 = arith.index_cast %add3A_225 : i32 to index
      %get3A_227 = arith.constant 0 : index
      %get3A_228 = tpu.vector_load %arg11[%get3A_226, %get3A_227] {strides = array<i32>} : memref<128x64xf32, #tpu.memory_space<vmem>>, vector<16xf32>,
      %mul3A_229 = arith.mulf %get3A_223, %get3A_228 : vector<16xf32>
      %mul3A_230 = arith.mulf %mul3A_229, %get3A_3 : vector<16xf32>
      %add3A_231 = arith.constant 1 : i32
      %add3A_232 = arith.addi %mul3A_166, %add3A_231 : i32
      %get3A_233 = arith.index_cast %add3A_232 : i32 to index
      %get3A_234 = arith.constant 16 : index
      %get3A_235 = tpu.vector_load %arg10[%get3A_233, %get3A_234] {strides = array<i32>} : memref<128x64xf32, #tpu.memory_space<vmem>>, vector<16xf32>,
      %add3A_236 = arith.constant 1 : i32
      %add3A_237 = arith.addi %mul3A_166, %add3A_236 : i32
      %get3A_238 = arith.index_cast %add3A_237 : i32 to index
      %get3A_239 = arith.constant 16 : index
      %get3A_240 = tpu.vector_load %arg11[%get3A_238, %get3A_239] {strides = array<i32>} : memref<128x64xf32, #tpu.memory_space<vmem>>, vector<16xf32>,
      %mul3A_241 = arith.mulf %get3A_235, %get3A_240 : vector<16xf32>
      %mul3A_242 = arith.mulf %mul3A_241, %get3A_5 : vector<16xf32>
      %add3A_243 = arith.addf %mul3A_230, %mul3A_242 : vector<16xf32>
      %add3A_244 = arith.constant 1 : i32
      %add3A_245 = arith.addi %mul3A_166, %add3A_244 : i32
      %get3A_246 = arith.index_cast %add3A_245 : i32 to index
      %get3A_247 = arith.constant 32 : index
      %get3A_248 = tpu.vector_load %arg10[%get3A_246, %get3A_247] {strides = array<i32>} : memref<128x64xf32, #tpu.memory_space<vmem>>, vector<16xf32>,
      %add3A_249 = arith.constant 1 : i32
      %add3A_250 = arith.addi %mul3A_166, %add3A_249 : i32
      %get3A_251 = arith.index_cast %add3A_250 : i32 to index
      %get3A_252 = arith.constant 32 : index
      %get3A_253 = tpu.vector_load %arg11[%get3A_251, %get3A_252] {strides = array<i32>} : memref<128x64xf32, #tpu.memory_space<vmem>>, vector<16xf32>,
      %mul3A_254 = arith.mulf %get3A_248, %get3A_253 : vector<16xf32>
      %mul3A_255 = arith.mulf %mul3A_254, %get3A_7 : vector<16xf32>
      %add3A_256 = arith.addf %add3A_243, %mul3A_255 : vector<16xf32>
      %add3A_257 = arith.constant 1 : i32
      %add3A_258 = arith.addi %mul3A_166, %add3A_257 : i32
      %get3A_259 = arith.index_cast %add3A_258 : i32 to index
      %get3A_260 = arith.constant 48 : index
      %get3A_261 = tpu.vector_load %arg10[%get3A_259, %get3A_260] {strides = array<i32>} : memref<128x64xf32, #tpu.memory_space<vmem>>, vector<16xf32>,
      %add3A_262 = arith.constant 1 : i32
      %add3A_263 = arith.addi %mul3A_166, %add3A_262 : i32
      %get3A_264 = arith.index_cast %add3A_263 : i32 to index
      %get3A_265 = arith.constant 48 : index
      %get3A_266 = tpu.vector_load %arg11[%get3A_264, %get3A_265] {strides = array<i32>} : memref<128x64xf32, #tpu.memory_space<vmem>>, vector<16xf32>,
      %mul3A_267 = arith.mulf %get3A_261, %get3A_266 : vector<16xf32>
      %mul3A_268 = arith.mulf %mul3A_267, %get3A_9 : vector<16xf32>
      %add3A_269 = arith.addf %add3A_256, %mul3A_268 : vector<16xf32>
      %swap3A_270 = arith.constant 16 : index
      %swap3A_271 = tpu.vector_load %arg13[%swap3A_270] {strides = array<i32>} : memref<256xf32, #tpu.memory_space<vmem>>, vector<16xf32>,
      tpu.vector_store %arg13[%swap3A_270], %add3A_269 {strides = array<i32>} : memref<256xf32, #tpu.memory_space<vmem>>, vector<16xf32>,
      %add3A_272 = arith.constant 2 : i32
      %add3A_273 = arith.addi %mul3A_166, %add3A_272 : i32
      %get3A_274 = arith.index_cast %add3A_273 : i32 to index
      %get3A_275 = arith.constant 0 : index
      %get3A_276 = tpu.vector_load %arg10[%get3A_274, %get3A_275] {strides = array<i32>} : memref<128x64xf32, #tpu.memory_space<vmem>>, vector<16xf32>,
      %add3A_277 = arith.constant 2 : i32
      %add3A_278 = arith.addi %mul3A_166, %add3A_277 : i32
      %get3A_279 = arith.index_cast %add3A_278 : i32 to index
      %get3A_280 = arith.constant 0 : index
      %get3A_281 = tpu.vector_load %arg11[%get3A_279, %get3A_280] {strides = array<i32>} : memref<128x64xf32, #tpu.memory_space<vmem>>, vector<16xf32>,
      %mul3A_282 = arith.mulf %get3A_276, %get3A_281 : vector<16xf32>
      %mul3A_283 = arith.mulf %mul3A_282, %get3A_3 : vector<16xf32>
      %add3A_284 = arith.constant 2 : i32
      %add3A_285 = arith.addi %mul3A_166, %add3A_284 : i32
      %get3A_286 = arith.index_cast %add3A_285 : i32 to index
      %get3A_287 = arith.constant 16 : index
      %get3A_288 = tpu.vector_load %arg10[%get3A_286, %get3A_287] {strides = array<i32>} : memref<128x64xf32, #tpu.memory_space<vmem>>, vector<16xf32>,
      %add3A_289 = arith.constant 2 : i32
      %add3A_290 = arith.addi %mul3A_166, %add3A_289 : i32
      %get3A_291 = arith.index_cast %add3A_290 : i32 to index
      %get3A_292 = arith.constant 16 : index
      %get3A_293 = tpu.vector_load %arg11[%get3A_291, %get3A_292] {strides = array<i32>} : memref<128x64xf32, #tpu.memory_space<vmem>>, vector<16xf32>,
      %mul3A_294 = arith.mulf %get3A_288, %get3A_293 : vector<16xf32>
      %mul3A_295 = arith.mulf %mul3A_294, %get3A_5 : vector<16xf32>
      %add3A_296 = arith.addf %mul3A_283, %mul3A_295 : vector<16xf32>
      %add3A_297 = arith.constant 2 : i32
      %add3A_298 = arith.addi %mul3A_166, %add3A_297 : i32
      %get3A_299 = arith.index_cast %add3A_298 : i32 to index
      %get3A_300 = arith.constant 32 : index
      %get3A_301 = tpu.vector_load %arg10[%get3A_299, %get3A_300] {strides = array<i32>} : memref<128x64xf32, #tpu.memory_space<vmem>>, vector<16xf32>,
      %add3A_302 = arith.constant 2 : i32
      %add3A_303 = arith.addi %mul3A_166, %add3A_302 : i32
      %get3A_304 = arith.index_cast %add3A_303 : i32 to index
      %get3A_305 = arith.constant 32 : index
      %get3A_306 = tpu.vector_load %arg11[%get3A_304, %get3A_305] {strides = array<i32>} : memref<128x64xf32, #tpu.memory_space<vmem>>, vector<16xf32>,
      %mul3A_307 = arith.mulf %get3A_301, %get3A_306 : vector<16xf32>
      %mul3A_308 = arith.mulf %mul3A_307, %get3A_7 : vector<16xf32>
      %add3A_309 = arith.addf %add3A_296, %mul3A_308 : vector<16xf32>
      %add3A_310 = arith.constant 2 : i32
      %add3A_311 = arith.addi %mul3A_166, %add3A_310 : i32
      %get3A_312 = arith.index_cast %add3A_311 : i32 to index
      %get3A_313 = arith.constant 48 : index
      %get3A_314 = tpu.vector_load %arg10[%get3A_312, %get3A_313] {strides = array<i32>} : memref<128x64xf32, #tpu.memory_space<vmem>>, vector<16xf32>,
      %add3A_315 = arith.constant 2 : i32
      %add3A_316 = arith.addi %mul3A_166, %add3A_315 : i32
      %get3A_317 = arith.index_cast %add3A_316 : i32 to index
      %get3A_318 = arith.constant 48 : index
      %get3A_319 = tpu.vector_load %arg11[%get3A_317, %get3A_318] {strides = array<i32>} : memref<128x64xf32, #tpu.memory_space<vmem>>, vector<16xf32>,
      %mul3A_320 = arith.mulf %get3A_314, %get3A_319 : vector<16xf32>
      %mul3A_321 = arith.mulf %mul3A_320, %get3A_9 : vector<16xf32>
      %add3A_322 = arith.addf %add3A_309, %mul3A_321 : vector<16xf32>
      %swap3A_323 = arith.constant 32 : index
      %swap3A_324 = tpu.vector_load %arg13[%swap3A_323] {strides = array<i32>} : memref<256xf32, #tpu.memory_space<vmem>>, vector<16xf32>,
      tpu.vector_store %arg13[%swap3A_323], %add3A_322 {strides = array<i32>} : memref<256xf32, #tpu.memory_space<vmem>>, vector<16xf32>,
      %add3A_325 = arith.constant 3 : i32
      %add3A_326 = arith.addi %mul3A_166, %add3A_325 : i32
      %get3A_327 = arith.index_cast %add3A_326 : i32 to index
      %get3A_328 = arith.constant 0 : index
      %get3A_329 = tpu.vector_load %arg10[%get3A_327, %get3A_328] {strides = array<i32>} : memref<128x64xf32, #tpu.memory_space<vmem>>, vector<16xf32>,
      %add3A_330 = arith.constant 3 : i32
      %add3A_331 = arith.addi %mul3A_166, %add3A_330 : i32
      %get3A_332 = arith.index_cast %add3A_331 : i32 to index
      %get3A_333 = arith.constant 0 : index
      %get3A_334 = tpu.vector_load %arg11[%get3A_332, %get3A_333] {strides = array<i32>} : memref<128x64xf32, #tpu.memory_space<vmem>>, vector<16xf32>,
      %mul3A_335 = arith.mulf %get3A_329, %get3A_334 : vector<16xf32>
      %mul3A_336 = arith.mulf %mul3A_335, %get3A_3 : vector<16xf32>
      %add3A_337 = arith.constant 3 : i32
      %add3A_338 = arith.addi %mul3A_166, %add3A_337 : i32
      %get3A_339 = arith.index_cast %add3A_338 : i32 to index
      %get3A_340 = arith.constant 16 : index
      %get3A_341 = tpu.vector_load %arg10[%get3A_339, %get3A_340] {strides = array<i32>} : memref<128x64xf32, #tpu.memory_space<vmem>>, vector<16xf32>,
      %add3A_342 = arith.constant 3 : i32
      %add3A_343 = arith.addi %mul3A_166, %add3A_342 : i32
      %get3A_344 = arith.index_cast %add3A_343 : i32 to index
      %get3A_345 = arith.constant 16 : index
      %get3A_346 = tpu.vector_load %arg11[%get3A_344, %get3A_345] {strides = array<i32>} : memref<128x64xf32, #tpu.memory_space<vmem>>, vector<16xf32>,
      %mul3A_347 = arith.mulf %get3A_341, %get3A_346 : vector<16xf32>
      %mul3A_348 = arith.mulf %mul3A_347, %get3A_5 : vector<16xf32>
      %add3A_349 = arith.addf %mul3A_336, %mul3A_348 : vector<16xf32>
      %add3A_350 = arith.constant 3 : i32
      %add3A_351 = arith.addi %mul3A_166, %add3A_350 : i32
      %get3A_352 = arith.index_cast %add3A_351 : i32 to index
      %get3A_353 = arith.constant 32 : index
      %get3A_354 = tpu.vector_load %arg10[%get3A_352, %get3A_353] {strides = array<i32>} : memref<128x64xf32, #tpu.memory_space<vmem>>, vector<16xf32>,
      %add3A_355 = arith.constant 3 : i32
      %add3A_356 = arith.addi %mul3A_166, %add3A_355 : i32
      %get3A_357 = arith.index_cast %add3A_356 : i32 to index
      %get3A_358 = arith.constant 32 : index
      %get3A_359 = tpu.vector_load %arg11[%get3A_357, %get3A_358] {strides = array<i32>} : memref<128x64xf32, #tpu.memory_space<vmem>>, vector<16xf32>,
      %mul3A_360 = arith.mulf %get3A_354, %get3A_359 : vector<16xf32>
      %mul3A_361 = arith.mulf %mul3A_360, %get3A_7 : vector<16xf32>
      %add3A_362 = arith.addf %add3A_349, %mul3A_361 : vector<16xf32>
      %add3A_363 = arith.constant 3 : i32
      %add3A_364 = arith.addi %mul3A_166, %add3A_363 : i32
      %get3A_365 = arith.index_cast %add3A_364 : i32 to index
      %get3A_366 = arith.constant 48 : index
      %get3A_367 = tpu.vector_load %arg10[%get3A_365, %get3A_366] {strides = array<i32>} : memref<128x64xf32, #tpu.memory_space<vmem>>, vector<16xf32>,
      %add3A_368 = arith.constant 3 : i32
      %add3A_369 = arith.addi %mul3A_166, %add3A_368 : i32
      %get3A_370 = arith.index_cast %add3A_369 : i32 to index
      %get3A_371 = arith.constant 48 : index
      %get3A_372 = tpu.vector_load %arg11[%get3A_370, %get3A_371] {strides = array<i32>} : memref<128x64xf32, #tpu.memory_space<vmem>>, vector<16xf32>,
      %mul3A_373 = arith.mulf %get3A_367, %get3A_372 : vector<16xf32>
      %mul3A_374 = arith.mulf %mul3A_373, %get3A_9 : vector<16xf32>
      %add3A_375 = arith.addf %add3A_362, %mul3A_374 : vector<16xf32>
      %swap3A_376 = arith.constant 48 : index
      %swap3A_377 = tpu.vector_load %arg13[%swap3A_376] {strides = array<i32>} : memref<256xf32, #tpu.memory_space<vmem>>, vector<16xf32>,
      tpu.vector_store %arg13[%swap3A_376], %add3A_375 {strides = array<i32>} : memref<256xf32, #tpu.memory_space<vmem>>, vector<16xf32>,
      %add3A_378 = arith.constant 4 : i32
      %add3A_379 = arith.addi %mul3A_166, %add3A_378 : i32
      %get3A_380 = arith.index_cast %add3A_379 : i32 to index
      %get3A_381 = arith.constant 0 : index
      %get3A_382 = tpu.vector_load %arg10[%get3A_380, %get3A_381] {strides = array<i32>} : memref<128x64xf32, #tpu.memory_space<vmem>>, vector<16xf32>,
      %add3A_383 = arith.constant 4 : i32
      %add3A_384 = arith.addi %mul3A_166, %add3A_383 : i32
      %get3A_385 = arith.index_cast %add3A_384 : i32 to index
      %get3A_386 = arith.constant 0 : index
      %get3A_387 = tpu.vector_load %arg11[%get3A_385, %get3A_386] {strides = array<i32>} : memref<128x64xf32, #tpu.memory_space<vmem>>, vector<16xf32>,
      %mul3A_388 = arith.mulf %get3A_382, %get3A_387 : vector<16xf32>
      %mul3A_389 = arith.mulf %mul3A_388, %get3A_3 : vector<16xf32>
      %add3A_390 = arith.constant 4 : i32
      %add3A_391 = arith.addi %mul3A_166, %add3A_390 : i32
      %get3A_392 = arith.index_cast %add3A_391 : i32 to index
      %get3A_393 = arith.constant 16 : index
      %get3A_394 = tpu.vector_load %arg10[%get3A_392, %get3A_393] {strides = array<i32>} : memref<128x64xf32, #tpu.memory_space<vmem>>, vector<16xf32>,
      %add3A_395 = arith.constant 4 : i32
      %add3A_396 = arith.addi %mul3A_166, %add3A_395 : i32
      %get3A_397 = arith.index_cast %add3A_396 : i32 to index
      %get3A_398 = arith.constant 16 : index
      %get3A_399 = tpu.vector_load %arg11[%get3A_397, %get3A_398] {strides = array<i32>} : memref<128x64xf32, #tpu.memory_space<vmem>>, vector<16xf32>,
      %mul3A_400 = arith.mulf %get3A_394, %get3A_399 : vector<16xf32>
      %mul3A_401 = arith.mulf %mul3A_400, %get3A_5 : vector<16xf32>
      %add3A_402 = arith.addf %mul3A_389, %mul3A_401 : vector<16xf32>
      %add3A_403 = arith.constant 4 : i32
      %add3A_404 = arith.addi %mul3A_166, %add3A_403 : i32
      %get3A_405 = arith.index_cast %add3A_404 : i32 to index
      %get3A_406 = arith.constant 32 : index
      %get3A_407 = tpu.vector_load %arg10[%get3A_405, %get3A_406] {strides = array<i32>} : memref<128x64xf32, #tpu.memory_space<vmem>>, vector<16xf32>,
      %add3A_408 = arith.constant 4 : i32
      %add3A_409 = arith.addi %mul3A_166, %add3A_408 : i32
      %get3A_410 = arith.index_cast %add3A_409 : i32 to index
      %get3A_411 = arith.constant 32 : index
      %get3A_412 = tpu.vector_load %arg11[%get3A_410, %get3A_411] {strides = array<i32>} : memref<128x64xf32, #tpu.memory_space<vmem>>, vector<16xf32>,
      %mul3A_413 = arith.mulf %get3A_407, %get3A_412 : vector<16xf32>
      %mul3A_414 = arith.mulf %mul3A_413, %get3A_7 : vector<16xf32>
      %add3A_415 = arith.addf %add3A_402, %mul3A_414 : vector<16xf32>
      %add3A_416 = arith.constant 4 : i32
      %add3A_417 = arith.addi %mul3A_166, %add3A_416 : i32
      %get3A_418 = arith.index_cast %add3A_417 : i32 to index
      %get3A_419 = arith.constant 48 : index
      %get3A_420 = tpu.vector_load %arg10[%get3A_418, %get3A_419] {strides = array<i32>} : memref<128x64xf32, #tpu.memory_space<vmem>>, vector<16xf32>,
      %add3A_421 = arith.constant 4 : i32
      %add3A_422 = arith.addi %mul3A_166, %add3A_421 : i32
      %get3A_423 = arith.index_cast %add3A_422 : i32 to index
      %get3A_424 = arith.constant 48 : index
      %get3A_425 = tpu.vector_load %arg11[%get3A_423, %get3A_424] {strides = array<i32>} : memref<128x64xf32, #tpu.memory_space<vmem>>, vector<16xf32>,
      %mul3A_426 = arith.mulf %get3A_420, %get3A_425 : vector<16xf32>
      %mul3A_427 = arith.mulf %mul3A_426, %get3A_9 : vector<16xf32>
      %add3A_428 = arith.addf %add3A_415, %mul3A_427 : vector<16xf32>
      %swap3A_429 = arith.constant 64 : index
      %swap3A_430 = tpu.vector_load %arg13[%swap3A_429] {strides = array<i32>} : memref<256xf32, #tpu.memory_space<vmem>>, vector<16xf32>,
      tpu.vector_store %arg13[%swap3A_429], %add3A_428 {strides = array<i32>} : memref<256xf32, #tpu.memory_space<vmem>>, vector<16xf32>,
      %add3A_431 = arith.constant 5 : i32
      %add3A_432 = arith.addi %mul3A_166, %add3A_431 : i32
      %get3A_433 = arith.index_cast %add3A_432 : i32 to index
      %get3A_434 = arith.constant 0 : index
      %get3A_435 = tpu.vector_load %arg10[%get3A_433, %get3A_434] {strides = array<i32>} : memref<128x64xf32, #tpu.memory_space<vmem>>, vector<16xf32>,
      %add3A_436 = arith.constant 5 : i32
      %add3A_437 = arith.addi %mul3A_166, %add3A_436 : i32
      %get3A_438 = arith.index_cast %add3A_437 : i32 to index
      %get3A_439 = arith.constant 0 : index
      %get3A_440 = tpu.vector_load %arg11[%get3A_438, %get3A_439] {strides = array<i32>} : memref<128x64xf32, #tpu.memory_space<vmem>>, vector<16xf32>,
      %mul3A_441 = arith.mulf %get3A_435, %get3A_440 : vector<16xf32>
      %mul3A_442 = arith.mulf %mul3A_441, %get3A_3 : vector<16xf32>
      %add3A_443 = arith.constant 5 : i32
      %add3A_444 = arith.addi %mul3A_166, %add3A_443 : i32
      %get3A_445 = arith.index_cast %add3A_444 : i32 to index
      %get3A_446 = arith.constant 16 : index
      %get3A_447 = tpu.vector_load %arg10[%get3A_445, %get3A_446] {strides = array<i32>} : memref<128x64xf32, #tpu.memory_space<vmem>>, vector<16xf32>,
      %add3A_448 = arith.constant 5 : i32
      %add3A_449 = arith.addi %mul3A_166, %add3A_448 : i32
      %get3A_450 = arith.index_cast %add3A_449 : i32 to index
      %get3A_451 = arith.constant 16 : index
      %get3A_452 = tpu.vector_load %arg11[%get3A_450, %get3A_451] {strides = array<i32>} : memref<128x64xf32, #tpu.memory_space<vmem>>, vector<16xf32>,
      %mul3A_453 = arith.mulf %get3A_447, %get3A_452 : vector<16xf32>
      %mul3A_454 = arith.mulf %mul3A_453, %get3A_5 : vector<16xf32>
      %add3A_455 = arith.addf %mul3A_442, %mul3A_454 : vector<16xf32>
      %add3A_456 = arith.constant 5 : i32
      %add3A_457 = arith.addi %mul3A_166, %add3A_456 : i32
      %get3A_458 = arith.index_cast %add3A_457 : i32 to index
      %get3A_459 = arith.constant 32 : index
      %get3A_460 = tpu.vector_load %arg10[%get3A_458, %get3A_459] {strides = array<i32>} : memref<128x64xf32, #tpu.memory_space<vmem>>, vector<16xf32>,
      %add3A_461 = arith.constant 5 : i32
      %add3A_462 = arith.addi %mul3A_166, %add3A_461 : i32
      %get3A_463 = arith.index_cast %add3A_462 : i32 to index
      %get3A_464 = arith.constant 32 : index
      %get3A_465 = tpu.vector_load %arg11[%get3A_463, %get3A_464] {strides = array<i32>} : memref<128x64xf32, #tpu.memory_space<vmem>>, vector<16xf32>,
      %mul3A_466 = arith.mulf %get3A_460, %get3A_465 : vector<16xf32>
      %mul3A_467 = arith.mulf %mul3A_466, %get3A_7 : vector<16xf32>
      %add3A_468 = arith.addf %add3A_455, %mul3A_467 : vector<16xf32>
      %add3A_469 = arith.constant 5 : i32
      %add3A_470 = arith.addi %mul3A_166, %add3A_469 : i32
      %get3A_471 = arith.index_cast %add3A_470 : i32 to index
      %get3A_472 = arith.constant 48 : index
      %get3A_473 = tpu.vector_load %arg10[%get3A_471, %get3A_472] {strides = array<i32>} : memref<128x64xf32, #tpu.memory_space<vmem>>, vector<16xf32>,
      %add3A_474 = arith.constant 5 : i32
      %add3A_475 = arith.addi %mul3A_166, %add3A_474 : i32
      %get3A_476 = arith.index_cast %add3A_475 : i32 to index
      %get3A_477 = arith.constant 48 : index
      %get3A_478 = tpu.vector_load %arg11[%get3A_476, %get3A_477] {strides = array<i32>} : memref<128x64xf32, #tpu.memory_space<vmem>>, vector<16xf32>,
      %mul3A_479 = arith.mulf %get3A_473, %get3A_478 : vector<16xf32>
      %mul3A_480 = arith.mulf %mul3A_479, %get3A_9 : vector<16xf32>
      %add3A_481 = arith.addf %add3A_468, %mul3A_480 : vector<16xf32>
      %swap3A_482 = arith.constant 80 : index
      %swap3A_483 = tpu.vector_load %arg13[%swap3A_482] {strides = array<i32>} : memref<256xf32, #tpu.memory_space<vmem>>, vector<16xf32>,
      tpu.vector_store %arg13[%swap3A_482], %add3A_481 {strides = array<i32>} : memref<256xf32, #tpu.memory_space<vmem>>, vector<16xf32>,
      %add3A_484 = arith.constant 6 : i32
      %add3A_485 = arith.addi %mul3A_166, %add3A_484 : i32
      %get3A_486 = arith.index_cast %add3A_485 : i32 to index
      %get3A_487 = arith.constant 0 : index
      %get3A_488 = tpu.vector_load %arg10[%get3A_486, %get3A_487] {strides = array<i32>} : memref<128x64xf32, #tpu.memory_space<vmem>>, vector<16xf32>,
      %add3A_489 = arith.constant 6 : i32
      %add3A_490 = arith.addi %mul3A_166, %add3A_489 : i32
      %get3A_491 = arith.index_cast %add3A_490 : i32 to index
      %get3A_492 = arith.constant 0 : index
      %get3A_493 = tpu.vector_load %arg11[%get3A_491, %get3A_492] {strides = array<i32>} : memref<128x64xf32, #tpu.memory_space<vmem>>, vector<16xf32>,
      %mul3A_494 = arith.mulf %get3A_488, %get3A_493 : vector<16xf32>
      %mul3A_495 = arith.mulf %mul3A_494, %get3A_3 : vector<16xf32>
      %add3A_496 = arith.constant 6 : i32
      %add3A_497 = arith.addi %mul3A_166, %add3A_496 : i32
      %get3A_498 = arith.index_cast %add3A_497 : i32 to index
      %get3A_499 = arith.constant 16 : index
      %get3A_500 = tpu.vector_load %arg10[%get3A_498, %get3A_499] {strides = array<i32>} : memref<128x64xf32, #tpu.memory_space<vmem>>, vector<16xf32>,
      %add3A_501 = arith.constant 6 : i32
      %add3A_502 = arith.addi %mul3A_166, %add3A_501 : i32
      %get3A_503 = arith.index_cast %add3A_502 : i32 to index
      %get3A_504 = arith.constant 16 : index
      %get3A_505 = tpu.vector_load %arg11[%get3A_503, %get3A_504] {strides = array<i32>} : memref<128x64xf32, #tpu.memory_space<vmem>>, vector<16xf32>,
      %mul3A_506 = arith.mulf %get3A_500, %get3A_505 : vector<16xf32>
      %mul3A_507 = arith.mulf %mul3A_506, %get3A_5 : vector<16xf32>
      %add3A_508 = arith.addf %mul3A_495, %mul3A_507 : vector<16xf32>
      %add3A_509 = arith.constant 6 : i32
      %add3A_510 = arith.addi %mul3A_166, %add3A_509 : i32
      %get3A_511 = arith.index_cast %add3A_510 : i32 to index
      %get3A_512 = arith.constant 32 : index
      %get3A_513 = tpu.vector_load %arg10[%get3A_511, %get3A_512] {strides = array<i32>} : memref<128x64xf32, #tpu.memory_space<vmem>>, vector<16xf32>,
      %add3A_514 = arith.constant 6 : i32
      %add3A_515 = arith.addi %mul3A_166, %add3A_514 : i32
      %get3A_516 = arith.index_cast %add3A_515 : i32 to index
      %get3A_517 = arith.constant 32 : index
      %get3A_518 = tpu.vector_load %arg11[%get3A_516, %get3A_517] {strides = array<i32>} : memref<128x64xf32, #tpu.memory_space<vmem>>, vector<16xf32>,
      %mul3A_519 = arith.mulf %get3A_513, %get3A_518 : vector<16xf32>
      %mul3A_520 = arith.mulf %mul3A_519, %get3A_7 : vector<16xf32>
      %add3A_521 = arith.addf %add3A_508, %mul3A_520 : vector<16xf32>
      %add3A_522 = arith.constant 6 : i32
      %add3A_523 = arith.addi %mul3A_166, %add3A_522 : i32
      %get3A_524 = arith.index_cast %add3A_523 : i32 to index
      %get3A_525 = arith.constant 48 : index
      %get3A_526 = tpu.vector_load %arg10[%get3A_524, %get3A_525] {strides = array<i32>} : memref<128x64xf32, #tpu.memory_space<vmem>>, vector<16xf32>,
      %add3A_527 = arith.constant 6 : i32
      %add3A_528 = arith.addi %mul3A_166, %add3A_527 : i32
      %get3A_529 = arith.index_cast %add3A_528 : i32 to index
      %get3A_530 = arith.constant 48 : index
      %get3A_531 = tpu.vector_load %arg11[%get3A_529, %get3A_530] {strides = array<i32>} : memref<128x64xf32, #tpu.memory_space<vmem>>, vector<16xf32>,
      %mul3A_532 = arith.mulf %get3A_526, %get3A_531 : vector<16xf32>
      %mul3A_533 = arith.mulf %mul3A_532, %get3A_9 : vector<16xf32>
      %add3A_534 = arith.addf %add3A_521, %mul3A_533 : vector<16xf32>
      %swap3A_535 = arith.constant 96 : index
      %swap3A_536 = tpu.vector_load %arg13[%swap3A_535] {strides = array<i32>} : memref<256xf32, #tpu.memory_space<vmem>>, vector<16xf32>,
      tpu.vector_store %arg13[%swap3A_535], %add3A_534 {strides = array<i32>} : memref<256xf32, #tpu.memory_space<vmem>>, vector<16xf32>,
      %add3A_537 = arith.constant 7 : i32
      %add3A_538 = arith.addi %mul3A_166, %add3A_537 : i32
      %get3A_539 = arith.index_cast %add3A_538 : i32 to index
      %get3A_540 = arith.constant 0 : index
      %get3A_541 = tpu.vector_load %arg10[%get3A_539, %get3A_540] {strides = array<i32>} : memref<128x64xf32, #tpu.memory_space<vmem>>, vector<16xf32>,
      %add3A_542 = arith.constant 7 : i32
      %add3A_543 = arith.addi %mul3A_166, %add3A_542 : i32
      %get3A_544 = arith.index_cast %add3A_543 : i32 to index
      %get3A_545 = arith.constant 0 : index
      %get3A_546 = tpu.vector_load %arg11[%get3A_544, %get3A_545] {strides = array<i32>} : memref<128x64xf32, #tpu.memory_space<vmem>>, vector<16xf32>,
      %mul3A_547 = arith.mulf %get3A_541, %get3A_546 : vector<16xf32>
      %mul3A_548 = arith.mulf %mul3A_547, %get3A_3 : vector<16xf32>
      %add3A_549 = arith.constant 7 : i32
      %add3A_550 = arith.addi %mul3A_166, %add3A_549 : i32
      %get3A_551 = arith.index_cast %add3A_550 : i32 to index
      %get3A_552 = arith.constant 16 : index
      %get3A_553 = tpu.vector_load %arg10[%get3A_551, %get3A_552] {strides = array<i32>} : memref<128x64xf32, #tpu.memory_space<vmem>>, vector<16xf32>,
      %add3A_554 = arith.constant 7 : i32
      %add3A_555 = arith.addi %mul3A_166, %add3A_554 : i32
      %get3A_556 = arith.index_cast %add3A_555 : i32 to index
      %get3A_557 = arith.constant 16 : index
      %get3A_558 = tpu.vector_load %arg11[%get3A_556, %get3A_557] {strides = array<i32>} : memref<128x64xf32, #tpu.memory_space<vmem>>, vector<16xf32>,
      %mul3A_559 = arith.mulf %get3A_553, %get3A_558 : vector<16xf32>
      %mul3A_560 = arith.mulf %mul3A_559, %get3A_5 : vector<16xf32>
      %add3A_561 = arith.addf %mul3A_548, %mul3A_560 : vector<16xf32>
      %add3A_562 = arith.constant 7 : i32
      %add3A_563 = arith.addi %mul3A_166, %add3A_562 : i32
      %get3A_564 = arith.index_cast %add3A_563 : i32 to index
      %get3A_565 = arith.constant 32 : index
      %get3A_566 = tpu.vector_load %arg10[%get3A_564, %get3A_565] {strides = array<i32>} : memref<128x64xf32, #tpu.memory_space<vmem>>, vector<16xf32>,
      %add3A_567 = arith.constant 7 : i32
      %add3A_568 = arith.addi %mul3A_166, %add3A_567 : i32
      %get3A_569 = arith.index_cast %add3A_568 : i32 to index
      %get3A_570 = arith.constant 32 : index
      %get3A_571 = tpu.vector_load %arg11[%get3A_569, %get3A_570] {strides = array<i32>} : memref<128x64xf32, #tpu.memory_space<vmem>>, vector<16xf32>,
      %mul3A_572 = arith.mulf %get3A_566, %get3A_571 : vector<16xf32>
      %mul3A_573 = arith.mulf %mul3A_572, %get3A_7 : vector<16xf32>
      %add3A_574 = arith.addf %add3A_561, %mul3A_573 : vector<16xf32>
      %add3A_575 = arith.constant 7 : i32
      %add3A_576 = arith.addi %mul3A_166, %add3A_575 : i32
      %get3A_577 = arith.index_cast %add3A_576 : i32 to index
      %get3A_578 = arith.constant 48 : index
      %get3A_579 = tpu.vector_load %arg10[%get3A_577, %get3A_578] {strides = array<i32>} : memref<128x64xf32, #tpu.memory_space<vmem>>, vector<16xf32>,
      %add3A_580 = arith.constant 7 : i32
      %add3A_581 = arith.addi %mul3A_166, %add3A_580 : i32
      %get3A_582 = arith.index_cast %add3A_581 : i32 to index
      %get3A_583 = arith.constant 48 : index
      %get3A_584 = tpu.vector_load %arg11[%get3A_582, %get3A_583] {strides = array<i32>} : memref<128x64xf32, #tpu.memory_space<vmem>>, vector<16xf32>,
      %mul3A_585 = arith.mulf %get3A_579, %get3A_584 : vector<16xf32>
      %mul3A_586 = arith.mulf %mul3A_585, %get3A_9 : vector<16xf32>
      %add3A_587 = arith.addf %add3A_574, %mul3A_586 : vector<16xf32>
      %swap3A_588 = arith.constant 112 : index
      %swap3A_589 = tpu.vector_load %arg13[%swap3A_588] {strides = array<i32>} : memref<256xf32, #tpu.memory_space<vmem>>, vector<16xf32>,
      tpu.vector_store %arg13[%swap3A_588], %add3A_587 {strides = array<i32>} : memref<256xf32, #tpu.memory_space<vmem>>, vector<16xf32>,
      %add3A_590 = arith.constant 8 : i32
      %add3A_591 = arith.addi %mul3A_166, %add3A_590 : i32
      %get3A_592 = arith.index_cast %add3A_591 : i32 to index
      %get3A_593 = arith.constant 0 : index
      %get3A_594 = tpu.vector_load %arg10[%get3A_592, %get3A_593] {strides = array<i32>} : memref<128x64xf32, #tpu.memory_space<vmem>>, vector<16xf32>,
      %add3A_595 = arith.constant 8 : i32
      %add3A_596 = arith.addi %mul3A_166, %add3A_595 : i32
      %get3A_597 = arith.index_cast %add3A_596 : i32 to index
      %get3A_598 = arith.constant 0 : index
      %get3A_599 = tpu.vector_load %arg11[%get3A_597, %get3A_598] {strides = array<i32>} : memref<128x64xf32, #tpu.memory_space<vmem>>, vector<16xf32>,
      %mul3A_600 = arith.mulf %get3A_594, %get3A_599 : vector<16xf32>
      %mul3A_601 = arith.mulf %mul3A_600, %get3A_3 : vector<16xf32>
      %add3A_602 = arith.constant 8 : i32
      %add3A_603 = arith.addi %mul3A_166, %add3A_602 : i32
      %get3A_604 = arith.index_cast %add3A_603 : i32 to index
      %get3A_605 = arith.constant 16 : index
      %get3A_606 = tpu.vector_load %arg10[%get3A_604, %get3A_605] {strides = array<i32>} : memref<128x64xf32, #tpu.memory_space<vmem>>, vector<16xf32>,
      %add3A_607 = arith.constant 8 : i32
      %add3A_608 = arith.addi %mul3A_166, %add3A_607 : i32
      %get3A_609 = arith.index_cast %add3A_608 : i32 to index
      %get3A_610 = arith.constant 16 : index
      %get3A_611 = tpu.vector_load %arg11[%get3A_609, %get3A_610] {strides = array<i32>} : memref<128x64xf32, #tpu.memory_space<vmem>>, vector<16xf32>,
      %mul3A_612 = arith.mulf %get3A_606, %get3A_611 : vector<16xf32>
      %mul3A_613 = arith.mulf %mul3A_612, %get3A_5 : vector<16xf32>
      %add3A_614 = arith.addf %mul3A_601, %mul3A_613 : vector<16xf32>
      %add3A_615 = arith.constant 8 : i32
      %add3A_616 = arith.addi %mul3A_166, %add3A_615 : i32
      %get3A_617 = arith.index_cast %add3A_616 : i32 to index
      %get3A_618 = arith.constant 32 : index
      %get3A_619 = tpu.vector_load %arg10[%get3A_617, %get3A_618] {strides = array<i32>} : memref<128x64xf32, #tpu.memory_space<vmem>>, vector<16xf32>,
      %add3A_620 = arith.constant 8 : i32
      %add3A_621 = arith.addi %mul3A_166, %add3A_620 : i32
      %get3A_622 = arith.index_cast %add3A_621 : i32 to index
      %get3A_623 = arith.constant 32 : index
      %get3A_624 = tpu.vector_load %arg11[%get3A_622, %get3A_623] {strides = array<i32>} : memref<128x64xf32, #tpu.memory_space<vmem>>, vector<16xf32>,
      %mul3A_625 = arith.mulf %get3A_619, %get3A_624 : vector<16xf32>
      %mul3A_626 = arith.mulf %mul3A_625, %get3A_7 : vector<16xf32>
      %add3A_627 = arith.addf %add3A_614, %mul3A_626 : vector<16xf32>
      %add3A_628 = arith.constant 8 : i32
      %add3A_629 = arith.addi %mul3A_166, %add3A_628 : i32
      %get3A_630 = arith.index_cast %add3A_629 : i32 to index
      %get3A_631 = arith.constant 48 : index
      %get3A_632 = tpu.vector_load %arg10[%get3A_630, %get3A_631] {strides = array<i32>} : memref<128x64xf32, #tpu.memory_space<vmem>>, vector<16xf32>,
      %add3A_633 = arith.constant 8 : i32
      %add3A_634 = arith.addi %mul3A_166, %add3A_633 : i32
      %get3A_635 = arith.index_cast %add3A_634 : i32 to index
      %get3A_636 = arith.constant 48 : index
      %get3A_637 = tpu.vector_load %arg11[%get3A_635, %get3A_636] {strides = array<i32>} : memref<128x64xf32, #tpu.memory_space<vmem>>, vector<16xf32>,
      %mul3A_638 = arith.mulf %get3A_632, %get3A_637 : vector<16xf32>
      %mul3A_639 = arith.mulf %mul3A_638, %get3A_9 : vector<16xf32>
      %add3A_640 = arith.addf %add3A_627, %mul3A_639 : vector<16xf32>
      %swap3A_641 = arith.constant 128 : index
      %swap3A_642 = tpu.vector_load %arg13[%swap3A_641] {strides = array<i32>} : memref<256xf32, #tpu.memory_space<vmem>>, vector<16xf32>,
      tpu.vector_store %arg13[%swap3A_641], %add3A_640 {strides = array<i32>} : memref<256xf32, #tpu.memory_space<vmem>>, vector<16xf32>,
      %add3A_643 = arith.constant 9 : i32
      %add3A_644 = arith.addi %mul3A_166, %add3A_643 : i32
      %get3A_645 = arith.index_cast %add3A_644 : i32 to index
      %get3A_646 = arith.constant 0 : index
      %get3A_647 = tpu.vector_load %arg10[%get3A_645, %get3A_646] {strides = array<i32>} : memref<128x64xf32, #tpu.memory_space<vmem>>, vector<16xf32>,
      %add3A_648 = arith.constant 9 : i32
      %add3A_649 = arith.addi %mul3A_166, %add3A_648 : i32
      %get3A_650 = arith.index_cast %add3A_649 : i32 to index
      %get3A_651 = arith.constant 0 : index
      %get3A_652 = tpu.vector_load %arg11[%get3A_650, %get3A_651] {strides = array<i32>} : memref<128x64xf32, #tpu.memory_space<vmem>>, vector<16xf32>,
      %mul3A_653 = arith.mulf %get3A_647, %get3A_652 : vector<16xf32>
      %mul3A_654 = arith.mulf %mul3A_653, %get3A_3 : vector<16xf32>
      %add3A_655 = arith.constant 9 : i32
      %add3A_656 = arith.addi %mul3A_166, %add3A_655 : i32
      %get3A_657 = arith.index_cast %add3A_656 : i32 to index
      %get3A_658 = arith.constant 16 : index
      %get3A_659 = tpu.vector_load %arg10[%get3A_657, %get3A_658] {strides = array<i32>} : memref<128x64xf32, #tpu.memory_space<vmem>>, vector<16xf32>,
      %add3A_660 = arith.constant 9 : i32
      %add3A_661 = arith.addi %mul3A_166, %add3A_660 : i32
      %get3A_662 = arith.index_cast %add3A_661 : i32 to index
      %get3A_663 = arith.constant 16 : index
      %get3A_664 = tpu.vector_load %arg11[%get3A_662, %get3A_663] {strides = array<i32>} : memref<128x64xf32, #tpu.memory_space<vmem>>, vector<16xf32>,
      %mul3A_665 = arith.mulf %get3A_659, %get3A_664 : vector<16xf32>
      %mul3A_666 = arith.mulf %mul3A_665, %get3A_5 : vector<16xf32>
      %add3A_667 = arith.addf %mul3A_654, %mul3A_666 : vector<16xf32>
      %add3A_668 = arith.constant 9 : i32
      %add3A_669 = arith.addi %mul3A_166, %add3A_668 : i32
      %get3A_670 = arith.index_cast %add3A_669 : i32 to index
      %get3A_671 = arith.constant 32 : index
      %get3A_672 = tpu.vector_load %arg10[%get3A_670, %get3A_671] {strides = array<i32>} : memref<128x64xf32, #tpu.memory_space<vmem>>, vector<16xf32>,
      %add3A_673 = arith.constant 9 : i32
      %add3A_674 = arith.addi %mul3A_166, %add3A_673 : i32
      %get3A_675 = arith.index_cast %add3A_674 : i32 to index
      %get3A_676 = arith.constant 32 : index
      %get3A_677 = tpu.vector_load %arg11[%get3A_675, %get3A_676] {strides = array<i32>} : memref<128x64xf32, #tpu.memory_space<vmem>>, vector<16xf32>,
      %mul3A_678 = arith.mulf %get3A_672, %get3A_677 : vector<16xf32>
      %mul3A_679 = arith.mulf %mul3A_678, %get3A_7 : vector<16xf32>
      %add3A_680 = arith.addf %add3A_667, %mul3A_679 : vector<16xf32>
      %add3A_681 = arith.constant 9 : i32
      %add3A_682 = arith.addi %mul3A_166, %add3A_681 : i32
      %get3A_683 = arith.index_cast %add3A_682 : i32 to index
      %get3A_684 = arith.constant 48 : index
      %get3A_685 = tpu.vector_load %arg10[%get3A_683, %get3A_684] {strides = array<i32>} : memref<128x64xf32, #tpu.memory_space<vmem>>, vector<16xf32>,
      %add3A_686 = arith.constant 9 : i32
      %add3A_687 = arith.addi %mul3A_166, %add3A_686 : i32
      %get3A_688 = arith.index_cast %add3A_687 : i32 to index
      %get3A_689 = arith.constant 48 : index
      %get3A_690 = tpu.vector_load %arg11[%get3A_688, %get3A_689] {strides = array<i32>} : memref<128x64xf32, #tpu.memory_space<vmem>>, vector<16xf32>,
      %mul3A_691 = arith.mulf %get3A_685, %get3A_690 : vector<16xf32>
      %mul3A_692 = arith.mulf %mul3A_691, %get3A_9 : vector<16xf32>
      %add3A_693 = arith.addf %add3A_680, %mul3A_692 : vector<16xf32>
      %swap3A_694 = arith.constant 144 : index
      %swap3A_695 = tpu.vector_load %arg13[%swap3A_694] {strides = array<i32>} : memref<256xf32, #tpu.memory_space<vmem>>, vector<16xf32>,
      tpu.vector_store %arg13[%swap3A_694], %add3A_693 {strides = array<i32>} : memref<256xf32, #tpu.memory_space<vmem>>, vector<16xf32>,
      %add3A_696 = arith.constant 10 : i32
      %add3A_697 = arith.addi %mul3A_166, %add3A_696 : i32
      %get3A_698 = arith.index_cast %add3A_697 : i32 to index
      %get3A_699 = arith.constant 0 : index
      %get3A_700 = tpu.vector_load %arg10[%get3A_698, %get3A_699] {strides = array<i32>} : memref<128x64xf32, #tpu.memory_space<vmem>>, vector<16xf32>,
      %add3A_701 = arith.constant 10 : i32
      %add3A_702 = arith.addi %mul3A_166, %add3A_701 : i32
      %get3A_703 = arith.index_cast %add3A_702 : i32 to index
      %get3A_704 = arith.constant 0 : index
      %get3A_705 = tpu.vector_load %arg11[%get3A_703, %get3A_704] {strides = array<i32>} : memref<128x64xf32, #tpu.memory_space<vmem>>, vector<16xf32>,
      %mul3A_706 = arith.mulf %get3A_700, %get3A_705 : vector<16xf32>
      %mul3A_707 = arith.mulf %mul3A_706, %get3A_3 : vector<16xf32>
      %add3A_708 = arith.constant 10 : i32
      %add3A_709 = arith.addi %mul3A_166, %add3A_708 : i32
      %get3A_710 = arith.index_cast %add3A_709 : i32 to index
      %get3A_711 = arith.constant 16 : index
      %get3A_712 = tpu.vector_load %arg10[%get3A_710, %get3A_711] {strides = array<i32>} : memref<128x64xf32, #tpu.memory_space<vmem>>, vector<16xf32>,
      %add3A_713 = arith.constant 10 : i32
      %add3A_714 = arith.addi %mul3A_166, %add3A_713 : i32
      %get3A_715 = arith.index_cast %add3A_714 : i32 to index
      %get3A_716 = arith.constant 16 : index
      %get3A_717 = tpu.vector_load %arg11[%get3A_715, %get3A_716] {strides = array<i32>} : memref<128x64xf32, #tpu.memory_space<vmem>>, vector<16xf32>,
      %mul3A_718 = arith.mulf %get3A_712, %get3A_717 : vector<16xf32>
      %mul3A_719 = arith.mulf %mul3A_718, %get3A_5 : vector<16xf32>
      %add3A_720 = arith.addf %mul3A_707, %mul3A_719 : vector<16xf32>
      %add3A_721 = arith.constant 10 : i32
      %add3A_722 = arith.addi %mul3A_166, %add3A_721 : i32
      %get3A_723 = arith.index_cast %add3A_722 : i32 to index
      %get3A_724 = arith.constant 32 : index
      %get3A_725 = tpu.vector_load %arg10[%get3A_723, %get3A_724] {strides = array<i32>} : memref<128x64xf32, #tpu.memory_space<vmem>>, vector<16xf32>,
      %add3A_726 = arith.constant 10 : i32
      %add3A_727 = arith.addi %mul3A_166, %add3A_726 : i32
      %get3A_728 = arith.index_cast %add3A_727 : i32 to index
      %get3A_729 = arith.constant 32 : index
      %get3A_730 = tpu.vector_load %arg11[%get3A_728, %get3A_729] {strides = array<i32>} : memref<128x64xf32, #tpu.memory_space<vmem>>, vector<16xf32>,
      %mul3A_731 = arith.mulf %get3A_725, %get3A_730 : vector<16xf32>
      %mul3A_732 = arith.mulf %mul3A_731, %get3A_7 : vector<16xf32>
      %add3A_733 = arith.addf %add3A_720, %mul3A_732 : vector<16xf32>
      %add3A_734 = arith.constant 10 : i32
      %add3A_735 = arith.addi %mul3A_166, %add3A_734 : i32
      %get3A_736 = arith.index_cast %add3A_735 : i32 to index
      %get3A_737 = arith.constant 48 : index
      %get3A_738 = tpu.vector_load %arg10[%get3A_736, %get3A_737] {strides = array<i32>} : memref<128x64xf32, #tpu.memory_space<vmem>>, vector<16xf32>,
      %add3A_739 = arith.constant 10 : i32
      %add3A_740 = arith.addi %mul3A_166, %add3A_739 : i32
      %get3A_741 = arith.index_cast %add3A_740 : i32 to index
      %get3A_742 = arith.constant 48 : index
      %get3A_743 = tpu.vector_load %arg11[%get3A_741, %get3A_742] {strides = array<i32>} : memref<128x64xf32, #tpu.memory_space<vmem>>, vector<16xf32>,
      %mul3A_744 = arith.mulf %get3A_738, %get3A_743 : vector<16xf32>
      %mul3A_745 = arith.mulf %mul3A_744, %get3A_9 : vector<16xf32>
      %add3A_746 = arith.addf %add3A_733, %mul3A_745 : vector<16xf32>
      %swap3A_747 = arith.constant 160 : index
      %swap3A_748 = tpu.vector_load %arg13[%swap3A_747] {strides = array<i32>} : memref<256xf32, #tpu.memory_space<vmem>>, vector<16xf32>,
      tpu.vector_store %arg13[%swap3A_747], %add3A_746 {strides = array<i32>} : memref<256xf32, #tpu.memory_space<vmem>>, vector<16xf32>,
      %add3A_749 = arith.constant 11 : i32
      %add3A_750 = arith.addi %mul3A_166, %add3A_749 : i32
      %get3A_751 = arith.index_cast %add3A_750 : i32 to index
      %get3A_752 = arith.constant 0 : index
      %get3A_753 = tpu.vector_load %arg10[%get3A_751, %get3A_752] {strides = array<i32>} : memref<128x64xf32, #tpu.memory_space<vmem>>, vector<16xf32>,
      %add3A_754 = arith.constant 11 : i32
      %add3A_755 = arith.addi %mul3A_166, %add3A_754 : i32
      %get3A_756 = arith.index_cast %add3A_755 : i32 to index
      %get3A_757 = arith.constant 0 : index
      %get3A_758 = tpu.vector_load %arg11[%get3A_756, %get3A_757] {strides = array<i32>} : memref<128x64xf32, #tpu.memory_space<vmem>>, vector<16xf32>,
      %mul3A_759 = arith.mulf %get3A_753, %get3A_758 : vector<16xf32>
      %mul3A_760 = arith.mulf %mul3A_759, %get3A_3 : vector<16xf32>
      %add3A_761 = arith.constant 11 : i32
      %add3A_762 = arith.addi %mul3A_166, %add3A_761 : i32
      %get3A_763 = arith.index_cast %add3A_762 : i32 to index
      %get3A_764 = arith.constant 16 : index
      %get3A_765 = tpu.vector_load %arg10[%get3A_763, %get3A_764] {strides = array<i32>} : memref<128x64xf32, #tpu.memory_space<vmem>>, vector<16xf32>,
      %add3A_766 = arith.constant 11 : i32
      %add3A_767 = arith.addi %mul3A_166, %add3A_766 : i32
      %get3A_768 = arith.index_cast %add3A_767 : i32 to index
      %get3A_769 = arith.constant 16 : index
      %get3A_770 = tpu.vector_load %arg11[%get3A_768, %get3A_769] {strides = array<i32>} : memref<128x64xf32, #tpu.memory_space<vmem>>, vector<16xf32>,
      %mul3A_771 = arith.mulf %get3A_765, %get3A_770 : vector<16xf32>
      %mul3A_772 = arith.mulf %mul3A_771, %get3A_5 : vector<16xf32>
      %add3A_773 = arith.addf %mul3A_760, %mul3A_772 : vector<16xf32>
      %add3A_774 = arith.constant 11 : i32
      %add3A_775 = arith.addi %mul3A_166, %add3A_774 : i32
      %get3A_776 = arith.index_cast %add3A_775 : i32 to index
      %get3A_777 = arith.constant 32 : index
      %get3A_778 = tpu.vector_load %arg10[%get3A_776, %get3A_777] {strides = array<i32>} : memref<128x64xf32, #tpu.memory_space<vmem>>, vector<16xf32>,
      %add3A_779 = arith.constant 11 : i32
      %add3A_780 = arith.addi %mul3A_166, %add3A_779 : i32
      %get3A_781 = arith.index_cast %add3A_780 : i32 to index
      %get3A_782 = arith.constant 32 : index
      %get3A_783 = tpu.vector_load %arg11[%get3A_781, %get3A_782] {strides = array<i32>} : memref<128x64xf32, #tpu.memory_space<vmem>>, vector<16xf32>,
      %mul3A_784 = arith.mulf %get3A_778, %get3A_783 : vector<16xf32>
      %mul3A_785 = arith.mulf %mul3A_784, %get3A_7 : vector<16xf32>
      %add3A_786 = arith.addf %add3A_773, %mul3A_785 : vector<16xf32>
      %add3A_787 = arith.constant 11 : i32
      %add3A_788 = arith.addi %mul3A_166, %add3A_787 : i32
      %get3A_789 = arith.index_cast %add3A_788 : i32 to index
      %get3A_790 = arith.constant 48 : index
      %get3A_791 = tpu.vector_load %arg10[%get3A_789, %get3A_790] {strides = array<i32>} : memref<128x64xf32, #tpu.memory_space<vmem>>, vector<16xf32>,
      %add3A_792 = arith.constant 11 : i32
      %add3A_793 = arith.addi %mul3A_166, %add3A_792 : i32
      %get3A_794 = arith.index_cast %add3A_793 : i32 to index
      %get3A_795 = arith.constant 48 : index
      %get3A_796 = tpu.vector_load %arg11[%get3A_794, %get3A_795] {strides = array<i32>} : memref<128x64xf32, #tpu.memory_space<vmem>>, vector<16xf32>,
      %mul3A_797 = arith.mulf %get3A_791, %get3A_796 : vector<16xf32>
      %mul3A_798 = arith.mulf %mul3A_797, %get3A_9 : vector<16xf32>
      %add3A_799 = arith.addf %add3A_786, %mul3A_798 : vector<16xf32>
      %swap3A_800 = arith.constant 176 : index
      %swap3A_801 = tpu.vector_load %arg13[%swap3A_800] {strides = array<i32>} : memref<256xf32, #tpu.memory_space<vmem>>, vector<16xf32>,
      tpu.vector_store %arg13[%swap3A_800], %add3A_799 {strides = array<i32>} : memref<256xf32, #tpu.memory_space<vmem>>, vector<16xf32>,
      %add3A_802 = arith.constant 12 : i32
      %add3A_803 = arith.addi %mul3A_166, %add3A_802 : i32
      %get3A_804 = arith.index_cast %add3A_803 : i32 to index
      %get3A_805 = arith.constant 0 : index
      %get3A_806 = tpu.vector_load %arg10[%get3A_804, %get3A_805] {strides = array<i32>} : memref<128x64xf32, #tpu.memory_space<vmem>>, vector<16xf32>,
      %add3A_807 = arith.constant 12 : i32
      %add3A_808 = arith.addi %mul3A_166, %add3A_807 : i32
      %get3A_809 = arith.index_cast %add3A_808 : i32 to index
      %get3A_810 = arith.constant 0 : index
      %get3A_811 = tpu.vector_load %arg11[%get3A_809, %get3A_810] {strides = array<i32>} : memref<128x64xf32, #tpu.memory_space<vmem>>, vector<16xf32>,
      %mul3A_812 = arith.mulf %get3A_806, %get3A_811 : vector<16xf32>
      %mul3A_813 = arith.mulf %mul3A_812, %get3A_3 : vector<16xf32>
      %add3A_814 = arith.constant 12 : i32
      %add3A_815 = arith.addi %mul3A_166, %add3A_814 : i32
      %get3A_816 = arith.index_cast %add3A_815 : i32 to index
      %get3A_817 = arith.constant 16 : index
      %get3A_818 = tpu.vector_load %arg10[%get3A_816, %get3A_817] {strides = array<i32>} : memref<128x64xf32, #tpu.memory_space<vmem>>, vector<16xf32>,
      %add3A_819 = arith.constant 12 : i32
      %add3A_820 = arith.addi %mul3A_166, %add3A_819 : i32
      %get3A_821 = arith.index_cast %add3A_820 : i32 to index
      %get3A_822 = arith.constant 16 : index
      %get3A_823 = tpu.vector_load %arg11[%get3A_821, %get3A_822] {strides = array<i32>} : memref<128x64xf32, #tpu.memory_space<vmem>>, vector<16xf32>,
      %mul3A_824 = arith.mulf %get3A_818, %get3A_823 : vector<16xf32>
      %mul3A_825 = arith.mulf %mul3A_824, %get3A_5 : vector<16xf32>
      %add3A_826 = arith.addf %mul3A_813, %mul3A_825 : vector<16xf32>
      %add3A_827 = arith.constant 12 : i32
      %add3A_828 = arith.addi %mul3A_166, %add3A_827 : i32
      %get3A_829 = arith.index_cast %add3A_828 : i32 to index
      %get3A_830 = arith.constant 32 : index
      %get3A_831 = tpu.vector_load %arg10[%get3A_829, %get3A_830] {strides = array<i32>} : memref<128x64xf32, #tpu.memory_space<vmem>>, vector<16xf32>,
      %add3A_832 = arith.constant 12 : i32
      %add3A_833 = arith.addi %mul3A_166, %add3A_832 : i32
      %get3A_834 = arith.index_cast %add3A_833 : i32 to index
      %get3A_835 = arith.constant 32 : index
      %get3A_836 = tpu.vector_load %arg11[%get3A_834, %get3A_835] {strides = array<i32>} : memref<128x64xf32, #tpu.memory_space<vmem>>, vector<16xf32>,
      %mul3A_837 = arith.mulf %get3A_831, %get3A_836 : vector<16xf32>
      %mul3A_838 = arith.mulf %mul3A_837, %get3A_7 : vector<16xf32>
      %add3A_839 = arith.addf %add3A_826, %mul3A_838 : vector<16xf32>
      %add3A_840 = arith.constant 12 : i32
      %add3A_841 = arith.addi %mul3A_166, %add3A_840 : i32
      %get3A_842 = arith.index_cast %add3A_841 : i32 to index
      %get3A_843 = arith.constant 48 : index
      %get3A_844 = tpu.vector_load %arg10[%get3A_842, %get3A_843] {strides = array<i32>} : memref<128x64xf32, #tpu.memory_space<vmem>>, vector<16xf32>,
      %add3A_845 = arith.constant 12 : i32
      %add3A_846 = arith.addi %mul3A_166, %add3A_845 : i32
      %get3A_847 = arith.index_cast %add3A_846 : i32 to index
      %get3A_848 = arith.constant 48 : index
      %get3A_849 = tpu.vector_load %arg11[%get3A_847, %get3A_848] {strides = array<i32>} : memref<128x64xf32, #tpu.memory_space<vmem>>, vector<16xf32>,
      %mul3A_850 = arith.mulf %get3A_844, %get3A_849 : vector<16xf32>
      %mul3A_851 = arith.mulf %mul3A_850, %get3A_9 : vector<16xf32>
      %add3A_852 = arith.addf %add3A_839, %mul3A_851 : vector<16xf32>
      %swap3A_853 = arith.constant 192 : index
      %swap3A_854 = tpu.vector_load %arg13[%swap3A_853] {strides = array<i32>} : memref<256xf32, #tpu.memory_space<vmem>>, vector<16xf32>,
      tpu.vector_store %arg13[%swap3A_853], %add3A_852 {strides = array<i32>} : memref<256xf32, #tpu.memory_space<vmem>>, vector<16xf32>,
      %add3A_855 = arith.constant 13 : i32
      %add3A_856 = arith.addi %mul3A_166, %add3A_855 : i32
      %get3A_857 = arith.index_cast %add3A_856 : i32 to index
      %get3A_858 = arith.constant 0 : index
      %get3A_859 = tpu.vector_load %arg10[%get3A_857, %get3A_858] {strides = array<i32>} : memref<128x64xf32, #tpu.memory_space<vmem>>, vector<16xf32>,
      %add3A_860 = arith.constant 13 : i32
      %add3A_861 = arith.addi %mul3A_166, %add3A_860 : i32
      %get3A_862 = arith.index_cast %add3A_861 : i32 to index
      %get3A_863 = arith.constant 0 : index
      %get3A_864 = tpu.vector_load %arg11[%get3A_862, %get3A_863] {strides = array<i32>} : memref<128x64xf32, #tpu.memory_space<vmem>>, vector<16xf32>,
      %mul3A_865 = arith.mulf %get3A_859, %get3A_864 : vector<16xf32>
      %mul3A_866 = arith.mulf %mul3A_865, %get3A_3 : vector<16xf32>
      %add3A_867 = arith.constant 13 : i32
      %add3A_868 = arith.addi %mul3A_166, %add3A_867 : i32
      %get3A_869 = arith.index_cast %add3A_868 : i32 to index
      %get3A_870 = arith.constant 16 : index
      %get3A_871 = tpu.vector_load %arg10[%get3A_869, %get3A_870] {strides = array<i32>} : memref<128x64xf32, #tpu.memory_space<vmem>>, vector<16xf32>,
      %add3A_872 = arith.constant 13 : i32
      %add3A_873 = arith.addi %mul3A_166, %add3A_872 : i32
      %get3A_874 = arith.index_cast %add3A_873 : i32 to index
      %get3A_875 = arith.constant 16 : index
      %get3A_876 = tpu.vector_load %arg11[%get3A_874, %get3A_875] {strides = array<i32>} : memref<128x64xf32, #tpu.memory_space<vmem>>, vector<16xf32>,
      %mul3A_877 = arith.mulf %get3A_871, %get3A_876 : vector<16xf32>
      %mul3A_878 = arith.mulf %mul3A_877, %get3A_5 : vector<16xf32>
      %add3A_879 = arith.addf %mul3A_866, %mul3A_878 : vector<16xf32>
      %add3A_880 = arith.constant 13 : i32
      %add3A_881 = arith.addi %mul3A_166, %add3A_880 : i32
      %get3A_882 = arith.index_cast %add3A_881 : i32 to index
      %get3A_883 = arith.constant 32 : index
      %get3A_884 = tpu.vector_load %arg10[%get3A_882, %get3A_883] {strides = array<i32>} : memref<128x64xf32, #tpu.memory_space<vmem>>, vector<16xf32>,
      %add3A_885 = arith.constant 13 : i32
      %add3A_886 = arith.addi %mul3A_166, %add3A_885 : i32
      %get3A_887 = arith.index_cast %add3A_886 : i32 to index
      %get3A_888 = arith.constant 32 : index
      %get3A_889 = tpu.vector_load %arg11[%get3A_887, %get3A_888] {strides = array<i32>} : memref<128x64xf32, #tpu.memory_space<vmem>>, vector<16xf32>,
      %mul3A_890 = arith.mulf %get3A_884, %get3A_889 : vector<16xf32>
      %mul3A_891 = arith.mulf %mul3A_890, %get3A_7 : vector<16xf32>
      %add3A_892 = arith.addf %add3A_879, %mul3A_891 : vector<16xf32>
      %add3A_893 = arith.constant 13 : i32
      %add3A_894 = arith.addi %mul3A_166, %add3A_893 : i32
      %get3A_895 = arith.index_cast %add3A_894 : i32 to index
      %get3A_896 = arith.constant 48 : index
      %get3A_897 = tpu.vector_load %arg10[%get3A_895, %get3A_896] {strides = array<i32>} : memref<128x64xf32, #tpu.memory_space<vmem>>, vector<16xf32>,
      %add3A_898 = arith.constant 13 : i32
      %add3A_899 = arith.addi %mul3A_166, %add3A_898 : i32
      %get3A_900 = arith.index_cast %add3A_899 : i32 to index
      %get3A_901 = arith.constant 48 : index
      %get3A_902 = tpu.vector_load %arg11[%get3A_900, %get3A_901] {strides = array<i32>} : memref<128x64xf32, #tpu.memory_space<vmem>>, vector<16xf32>,
      %mul3A_903 = arith.mulf %get3A_897, %get3A_902 : vector<16xf32>
      %mul3A_904 = arith.mulf %mul3A_903, %get3A_9 : vector<16xf32>
      %add3A_905 = arith.addf %add3A_892, %mul3A_904 : vector<16xf32>
      %swap3A_906 = arith.constant 208 : index
      %swap3A_907 = tpu.vector_load %arg13[%swap3A_906] {strides = array<i32>} : memref<256xf32, #tpu.memory_space<vmem>>, vector<16xf32>,
      tpu.vector_store %arg13[%swap3A_906], %add3A_905 {strides = array<i32>} : memref<256xf32, #tpu.memory_space<vmem>>, vector<16xf32>,
      %add3A_908 = arith.constant 14 : i32
      %add3A_909 = arith.addi %mul3A_166, %add3A_908 : i32
      %get3A_910 = arith.index_cast %add3A_909 : i32 to index
      %get3A_911 = arith.constant 0 : index
      %get3A_912 = tpu.vector_load %arg10[%get3A_910, %get3A_911] {strides = array<i32>} : memref<128x64xf32, #tpu.memory_space<vmem>>, vector<16xf32>,
      %add3A_913 = arith.constant 14 : i32
      %add3A_914 = arith.addi %mul3A_166, %add3A_913 : i32
      %get3A_915 = arith.index_cast %add3A_914 : i32 to index
      %get3A_916 = arith.constant 0 : index
      %get3A_917 = tpu.vector_load %arg11[%get3A_915, %get3A_916] {strides = array<i32>} : memref<128x64xf32, #tpu.memory_space<vmem>>, vector<16xf32>,
      %mul3A_918 = arith.mulf %get3A_912, %get3A_917 : vector<16xf32>
      %mul3A_919 = arith.mulf %mul3A_918, %get3A_3 : vector<16xf32>
      %add3A_920 = arith.constant 14 : i32
      %add3A_921 = arith.addi %mul3A_166, %add3A_920 : i32
      %get3A_922 = arith.index_cast %add3A_921 : i32 to index
      %get3A_923 = arith.constant 16 : index
      %get3A_924 = tpu.vector_load %arg10[%get3A_922, %get3A_923] {strides = array<i32>} : memref<128x64xf32, #tpu.memory_space<vmem>>, vector<16xf32>,
      %add3A_925 = arith.constant 14 : i32
      %add3A_926 = arith.addi %mul3A_166, %add3A_925 : i32
      %get3A_927 = arith.index_cast %add3A_926 : i32 to index
      %get3A_928 = arith.constant 16 : index
      %get3A_929 = tpu.vector_load %arg11[%get3A_927, %get3A_928] {strides = array<i32>} : memref<128x64xf32, #tpu.memory_space<vmem>>, vector<16xf32>,
      %mul3A_930 = arith.mulf %get3A_924, %get3A_929 : vector<16xf32>
      %mul3A_931 = arith.mulf %mul3A_930, %get3A_5 : vector<16xf32>
      %add3A_932 = arith.addf %mul3A_919, %mul3A_931 : vector<16xf32>
      %add3A_933 = arith.constant 14 : i32
      %add3A_934 = arith.addi %mul3A_166, %add3A_933 : i32
      %get3A_935 = arith.index_cast %add3A_934 : i32 to index
      %get3A_936 = arith.constant 32 : index
      %get3A_937 = tpu.vector_load %arg10[%get3A_935, %get3A_936] {strides = array<i32>} : memref<128x64xf32, #tpu.memory_space<vmem>>, vector<16xf32>,
      %add3A_938 = arith.constant 14 : i32
      %add3A_939 = arith.addi %mul3A_166, %add3A_938 : i32
      %get3A_940 = arith.index_cast %add3A_939 : i32 to index
      %get3A_941 = arith.constant 32 : index
      %get3A_942 = tpu.vector_load %arg11[%get3A_940, %get3A_941] {strides = array<i32>} : memref<128x64xf32, #tpu.memory_space<vmem>>, vector<16xf32>,
      %mul3A_943 = arith.mulf %get3A_937, %get3A_942 : vector<16xf32>
      %mul3A_944 = arith.mulf %mul3A_943, %get3A_7 : vector<16xf32>
      %add3A_945 = arith.addf %add3A_932, %mul3A_944 : vector<16xf32>
      %add3A_946 = arith.constant 14 : i32
      %add3A_947 = arith.addi %mul3A_166, %add3A_946 : i32
      %get3A_948 = arith.index_cast %add3A_947 : i32 to index
      %get3A_949 = arith.constant 48 : index
      %get3A_950 = tpu.vector_load %arg10[%get3A_948, %get3A_949] {strides = array<i32>} : memref<128x64xf32, #tpu.memory_space<vmem>>, vector<16xf32>,
      %add3A_951 = arith.constant 14 : i32
      %add3A_952 = arith.addi %mul3A_166, %add3A_951 : i32
      %get3A_953 = arith.index_cast %add3A_952 : i32 to index
      %get3A_954 = arith.constant 48 : index
      %get3A_955 = tpu.vector_load %arg11[%get3A_953, %get3A_954] {strides = array<i32>} : memref<128x64xf32, #tpu.memory_space<vmem>>, vector<16xf32>,
      %mul3A_956 = arith.mulf %get3A_950, %get3A_955 : vector<16xf32>
      %mul3A_957 = arith.mulf %mul3A_956, %get3A_9 : vector<16xf32>
      %add3A_958 = arith.addf %add3A_945, %mul3A_957 : vector<16xf32>
      %swap3A_959 = arith.constant 224 : index
      %swap3A_960 = tpu.vector_load %arg13[%swap3A_959] {strides = array<i32>} : memref<256xf32, #tpu.memory_space<vmem>>, vector<16xf32>,
      tpu.vector_store %arg13[%swap3A_959], %add3A_958 {strides = array<i32>} : memref<256xf32, #tpu.memory_space<vmem>>, vector<16xf32>,
      %add3A_961 = arith.constant 15 : i32
      %add3A_962 = arith.addi %mul3A_166, %add3A_961 : i32
      %get3A_963 = arith.index_cast %add3A_962 : i32 to index
      %get3A_964 = arith.constant 0 : index
      %get3A_965 = tpu.vector_load %arg10[%get3A_963, %get3A_964] {strides = array<i32>} : memref<128x64xf32, #tpu.memory_space<vmem>>, vector<16xf32>,
      %add3A_966 = arith.constant 15 : i32
      %add3A_967 = arith.addi %mul3A_166, %add3A_966 : i32
      %get3A_968 = arith.index_cast %add3A_967 : i32 to index
      %get3A_969 = arith.constant 0 : index
      %get3A_970 = tpu.vector_load %arg11[%get3A_968, %get3A_969] {strides = array<i32>} : memref<128x64xf32, #tpu.memory_space<vmem>>, vector<16xf32>,
      %mul3A_971 = arith.mulf %get3A_965, %get3A_970 : vector<16xf32>
      %mul3A_972 = arith.mulf %mul3A_971, %get3A_3 : vector<16xf32>
      %add3A_973 = arith.constant 15 : i32
      %add3A_974 = arith.addi %mul3A_166, %add3A_973 : i32
      %get3A_975 = arith.index_cast %add3A_974 : i32 to index
      %get3A_976 = arith.constant 16 : index
      %get3A_977 = tpu.vector_load %arg10[%get3A_975, %get3A_976] {strides = array<i32>} : memref<128x64xf32, #tpu.memory_space<vmem>>, vector<16xf32>,
      %add3A_978 = arith.constant 15 : i32
      %add3A_979 = arith.addi %mul3A_166, %add3A_978 : i32
      %get3A_980 = arith.index_cast %add3A_979 : i32 to index
      %get3A_981 = arith.constant 16 : index
      %get3A_982 = tpu.vector_load %arg11[%get3A_980, %get3A_981] {strides = array<i32>} : memref<128x64xf32, #tpu.memory_space<vmem>>, vector<16xf32>,
      %mul3A_983 = arith.mulf %get3A_977, %get3A_982 : vector<16xf32>
      %mul3A_984 = arith.mulf %mul3A_983, %get3A_5 : vector<16xf32>
      %add3A_985 = arith.addf %mul3A_972, %mul3A_984 : vector<16xf32>
      %add3A_986 = arith.constant 15 : i32
      %add3A_987 = arith.addi %mul3A_166, %add3A_986 : i32
      %get3A_988 = arith.index_cast %add3A_987 : i32 to index
      %get3A_989 = arith.constant 32 : index
      %get3A_990 = tpu.vector_load %arg10[%get3A_988, %get3A_989] {strides = array<i32>} : memref<128x64xf32, #tpu.memory_space<vmem>>, vector<16xf32>,
      %add3A_991 = arith.constant 15 : i32
      %add3A_992 = arith.addi %mul3A_166, %add3A_991 : i32
      %get3A_993 = arith.index_cast %add3A_992 : i32 to index
      %get3A_994 = arith.constant 32 : index
      %get3A_995 = tpu.vector_load %arg11[%get3A_993, %get3A_994] {strides = array<i32>} : memref<128x64xf32, #tpu.memory_space<vmem>>, vector<16xf32>,
      %mul3A_996 = arith.mulf %get3A_990, %get3A_995 : vector<16xf32>
      %mul3A_997 = arith.mulf %mul3A_996, %get3A_7 : vector<16xf32>
      %add3A_998 = arith.addf %add3A_985, %mul3A_997 : vector<16xf32>
      %add3A_999 = arith.constant 15 : i32
      %add3A_1000 = arith.addi %mul3A_166, %add3A_999 : i32
      %get3A_1001 = arith.index_cast %add3A_1000 : i32 to index
      %get3A_1002 = arith.constant 48 : index
      %get3A_1003 = tpu.vector_load %arg10[%get3A_1001, %get3A_1002] {strides = array<i32>} : memref<128x64xf32, #tpu.memory_space<vmem>>, vector<16xf32>,
      %add3A_1004 = arith.constant 15 : i32
      %add3A_1005 = arith.addi %mul3A_166, %add3A_1004 : i32
      %get3A_1006 = arith.index_cast %add3A_1005 : i32 to index
      %get3A_1007 = arith.constant 48 : index
      %get3A_1008 = tpu.vector_load %arg11[%get3A_1006, %get3A_1007] {strides = array<i32>} : memref<128x64xf32, #tpu.memory_space<vmem>>, vector<16xf32>,
      %mul3A_1009 = arith.mulf %get3A_1003, %get3A_1008 : vector<16xf32>
      %mul3A_1010 = arith.mulf %mul3A_1009, %get3A_9 : vector<16xf32>
      %add3A_1011 = arith.addf %add3A_998, %mul3A_1010 : vector<16xf32>
      %swap3A_1012 = arith.constant 240 : index
      %swap3A_1013 = tpu.vector_load %arg13[%swap3A_1012] {strides = array<i32>} : memref<256xf32, #tpu.memory_space<vmem>>, vector<16xf32>,
      tpu.vector_store %arg13[%swap3A_1012], %add3A_1011 {strides = array<i32>} : memref<256xf32, #tpu.memory_space<vmem>>, vector<16xf32>,
      %gather3A = tpu.vector_load_idx %arg13[%add3A_17] : memref<256xf32, #tpu.memory_space<vmem>>[vector<16xi32>], vector<16xf32>,
      %gather3A_1014 = tpu.vector_load_idx %arg13[%add3A_20] : memref<256xf32, #tpu.memory_space<vmem>>[vector<16xi32>], vector<16xf32>,
      %gather3A_1015 = tpu.vector_load_idx %arg13[%add3A_23] : memref<256xf32, #tpu.memory_space<vmem>>[vector<16xi32>], vector<16xf32>,
      %gather3A_1016 = tpu.vector_load_idx %arg13[%add3A_26] : memref<256xf32, #tpu.memory_space<vmem>>[vector<16xi32>], vector<16xf32>,
      %gather3A_1017 = tpu.vector_load_idx %arg13[%add3A_29] : memref<256xf32, #tpu.memory_space<vmem>>[vector<16xi32>], vector<16xf32>,
      %gather3A_1018 = tpu.vector_load_idx %arg13[%add3A_32] : memref<256xf32, #tpu.memory_space<vmem>>[vector<16xi32>], vector<16xf32>,
      %gather3A_1019 = tpu.vector_load_idx %arg13[%add3A_35] : memref<256xf32, #tpu.memory_space<vmem>>[vector<16xi32>], vector<16xf32>,
      %gather3A_1020 = tpu.vector_load_idx %arg13[%add3A_38] : memref<256xf32, #tpu.memory_space<vmem>>[vector<16xi32>], vector<16xf32>,
      %gather3A_1021 = tpu.vector_load_idx %arg13[%add3A_41] : memref<256xf32, #tpu.memory_space<vmem>>[vector<16xi32>], vector<16xf32>,
      %gather3A_1022 = tpu.vector_load_idx %arg13[%add3A_44] : memref<256xf32, #tpu.memory_space<vmem>>[vector<16xi32>], vector<16xf32>,
      %gather3A_1023 = tpu.vector_load_idx %arg13[%add3A_47] : memref<256xf32, #tpu.memory_space<vmem>>[vector<16xi32>], vector<16xf32>,
      %gather3A_1024 = tpu.vector_load_idx %arg13[%add3A_50] : memref<256xf32, #tpu.memory_space<vmem>>[vector<16xi32>], vector<16xf32>,
      %gather3A_1025 = tpu.vector_load_idx %arg13[%add3A_53] : memref<256xf32, #tpu.memory_space<vmem>>[vector<16xi32>], vector<16xf32>,
      %gather3A_1026 = tpu.vector_load_idx %arg13[%add3A_56] : memref<256xf32, #tpu.memory_space<vmem>>[vector<16xi32>], vector<16xf32>,
      %gather3A_1027 = tpu.vector_load_idx %arg13[%add3A_59] : memref<256xf32, #tpu.memory_space<vmem>>[vector<16xi32>], vector<16xf32>,
      %gather3A_1028 = tpu.vector_load_idx %arg13[%add3A_62] : memref<256xf32, #tpu.memory_space<vmem>>[vector<16xi32>], vector<16xf32>,
      %add3A_1029 = arith.addf %gather3A, %gather3A_1014 : vector<16xf32>
      %add3A_1030 = arith.addf %gather3A_1015, %gather3A_1016 : vector<16xf32>
      %add3A_1031 = arith.addf %gather3A_1017, %gather3A_1018 : vector<16xf32>
      %add3A_1032 = arith.addf %gather3A_1019, %gather3A_1020 : vector<16xf32>
      %add3A_1033 = arith.addf %gather3A_1021, %gather3A_1022 : vector<16xf32>
      %add3A_1034 = arith.addf %gather3A_1023, %gather3A_1024 : vector<16xf32>
      %add3A_1035 = arith.addf %gather3A_1025, %gather3A_1026 : vector<16xf32>
      %add3A_1036 = arith.addf %gather3A_1027, %gather3A_1028 : vector<16xf32>
      %add3A_1037 = arith.addf %add3A_1029, %add3A_1030 : vector<16xf32>
      %add3A_1038 = arith.addf %add3A_1031, %add3A_1032 : vector<16xf32>
      %add3A_1039 = arith.addf %add3A_1033, %add3A_1034 : vector<16xf32>
      %add3A_1040 = arith.addf %add3A_1035, %add3A_1036 : vector<16xf32>
      %add3A_1041 = arith.addf %add3A_1037, %add3A_1038 : vector<16xf32>
      %add3A_1042 = arith.addf %add3A_1039, %add3A_1040 : vector<16xf32>
      %add3A_1043 = arith.addf %add3A_1041, %add3A_1042 : vector<16xf32>
      %add3A_1044 = arith.addf %add3A_1043, %get3A_11 : vector<16xf32>
      %neg3A = arith.constant 0.000000e+00 : f32
      %neg3A_1045 = vector.broadcast %neg3A : f32 to vector<16xf32>
      %neg3A_1046 = arith.subf %neg3A_1045, %add3A_1044 : vector<16xf32>
      %exp3A = math.exp %neg3A_1046 : vector<16xf32>
      %add3A_1047 = arith.constant 1.000000e+00 : f32
      %add3A_1048 = vector.broadcast %add3A_1047 : f32 to vector<16xf32>
      %add3A_1049 = arith.addf %add3A_1048, %exp3A : vector<16xf32>
      %div3A = arith.constant 1.000000e+00 : f32
      %div3A_1050 = vector.broadcast %div3A : f32 to vector<16xf32>
      %div3A_1051 = arith.divf %div3A_1050, %add3A_1049 : vector<16xf32>
      %add3A_1052 = arith.constant 256 : i32
      %add3A_1053 = arith.addi %add3A_1052, %mul3A_166 : i32
      %swap3A_1054 = arith.index_cast %add3A_1053 : i32 to index
      %swap3A_1055 = tpu.vector_load %arg12[%swap3A_1054] {strides = array<i32>} : memref<512xf32, #tpu.memory_space<vmem>>, vector<16xf32>,
      tpu.vector_store %arg12[%swap3A_1054], %div3A_1051 {strides = array<i32>} : memref<512xf32, #tpu.memory_space<vmem>>, vector<16xf32>,
    }
    %scan3A_137 = arith.constant 8 : i32
    %dma_start3A_138 = arith.constant 384 : i32
    %dma_start3A_139 = tpu.memref_slice %arg8[%dma_start3A_138] : memref<512xi32, #tpu.memory_space<vmem>> -> memref<128xi32, #tpu.memory_space<vmem>>
    %dma_start3A_140 = arith.constant 0 : i32
    %dma_start3A_141 = arith.constant 0 : i32
    %dma_start3A_142 = tpu.memref_slice %arg4[%dma_start3A_140, %dma_start3A_141] : memref<100000x64xf32, #tpu.memory_space<hbm>> -> memref<100000x64xf32, #tpu.memory_space<hbm>>
    tpu.enqueue_indirect_dma source(%dma_start3A_142 : memref<100000x64xf32, #tpu.memory_space<hbm>>) target(%arg10 : memref<128x64xf32, #tpu.memory_space<vmem>>) offsets(%dma_start3A_139 : memref<128xi32, #tpu.memory_space<vmem>>) semaphore(%arg15 : memref<!tpu.dma_semaphore, #tpu.memory_space<semaphore_mem>>)
    %dma_start3A_143 = arith.constant 384 : i32
    %dma_start3A_144 = tpu.memref_slice %arg9[%dma_start3A_143] : memref<512xi32, #tpu.memory_space<vmem>> -> memref<128xi32, #tpu.memory_space<vmem>>
    %dma_start3A_145 = arith.constant 0 : i32
    %dma_start3A_146 = arith.constant 0 : i32
    %dma_start3A_147 = tpu.memref_slice %arg5[%dma_start3A_145, %dma_start3A_146] : memref<100000x64xf32, #tpu.memory_space<hbm>> -> memref<100000x64xf32, #tpu.memory_space<hbm>>
    tpu.enqueue_indirect_dma source(%dma_start3A_147 : memref<100000x64xf32, #tpu.memory_space<hbm>>) target(%arg11 : memref<128x64xf32, #tpu.memory_space<vmem>>) offsets(%dma_start3A_144 : memref<128xi32, #tpu.memory_space<vmem>>) semaphore(%arg16 : memref<!tpu.dma_semaphore, #tpu.memory_space<semaphore_mem>>)
    %dma_wait3A_148 = arith.constant 384 : i32
    %dma_wait3A_149 = tpu.memref_slice %arg8[%dma_wait3A_148] : memref<512xi32, #tpu.memory_space<vmem>> -> memref<128xi32, #tpu.memory_space<vmem>>
    %dma_wait3A_150 = arith.constant 0 : i32
    %dma_wait3A_151 = arith.constant 0 : i32
    %dma_wait3A_152 = tpu.memref_slice %arg4[%dma_wait3A_150, %dma_wait3A_151] : memref<100000x64xf32, #tpu.memory_space<hbm>> -> memref<100000x64xf32, #tpu.memory_space<hbm>>
    tpu.wait_indirect_dma semaphore(%arg15 : memref<!tpu.dma_semaphore, #tpu.memory_space<semaphore_mem>>) src(%dma_wait3A_152 : memref<100000x64xf32, #tpu.memory_space<hbm>>) dst(%arg10 : memref<128x64xf32, #tpu.memory_space<vmem>>)
    %dma_wait3A_153 = arith.constant 384 : i32
    %dma_wait3A_154 = tpu.memref_slice %arg9[%dma_wait3A_153] : memref<512xi32, #tpu.memory_space<vmem>> -> memref<128xi32, #tpu.memory_space<vmem>>
    %dma_wait3A_155 = arith.constant 0 : i32
    %dma_wait3A_156 = arith.constant 0 : i32
    %dma_wait3A_157 = tpu.memref_slice %arg5[%dma_wait3A_155, %dma_wait3A_156] : memref<100000x64xf32, #tpu.memory_space<hbm>> -> memref<100000x64xf32, #tpu.memory_space<hbm>>
    tpu.wait_indirect_dma semaphore(%arg16 : memref<!tpu.dma_semaphore, #tpu.memory_space<semaphore_mem>>) src(%dma_wait3A_157 : memref<100000x64xf32, #tpu.memory_space<hbm>>) dst(%arg11 : memref<128x64xf32, #tpu.memory_space<vmem>>)
    %scan3A_158 = arith.constant 0 : i32
    %scan3A_159 = arith.constant 0 : i32
    %scan3A_160 = arith.constant 8 : i32
    %scan3A_161 = arith.addi %scan3A_159, %scan3A_160 : i32
    %scan3A_162 = arith.constant 1 : i32
    scf.for %scan3A_164 = %scan3A_159 to %scan3A_161 step %scan3A_162  : i32 {
      %mul3A_165 = arith.constant 16 : i32
      %mul3A_166 = arith.muli %scan3A_164, %mul3A_165 : i32
      %add3A_167 = arith.constant 0 : i32
      %add3A_168 = arith.addi %mul3A_166, %add3A_167 : i32
      %get3A_169 = arith.index_cast %add3A_168 : i32 to index
      %get3A_170 = arith.constant 0 : index
      %get3A_171 = tpu.vector_load %arg10[%get3A_169, %get3A_170] {strides = array<i32>} : memref<128x64xf32, #tpu.memory_space<vmem>>, vector<16xf32>,
      %add3A_172 = arith.constant 0 : i32
      %add3A_173 = arith.addi %mul3A_166, %add3A_172 : i32
      %get3A_174 = arith.index_cast %add3A_173 : i32 to index
      %get3A_175 = arith.constant 0 : index
      %get3A_176 = tpu.vector_load %arg11[%get3A_174, %get3A_175] {strides = array<i32>} : memref<128x64xf32, #tpu.memory_space<vmem>>, vector<16xf32>,
      %mul3A_177 = arith.mulf %get3A_171, %get3A_176 : vector<16xf32>
      %mul3A_178 = arith.mulf %mul3A_177, %get3A_3 : vector<16xf32>
      %add3A_179 = arith.constant 0 : i32
      %add3A_180 = arith.addi %mul3A_166, %add3A_179 : i32
      %get3A_181 = arith.index_cast %add3A_180 : i32 to index
      %get3A_182 = arith.constant 16 : index
      %get3A_183 = tpu.vector_load %arg10[%get3A_181, %get3A_182] {strides = array<i32>} : memref<128x64xf32, #tpu.memory_space<vmem>>, vector<16xf32>,
      %add3A_184 = arith.constant 0 : i32
      %add3A_185 = arith.addi %mul3A_166, %add3A_184 : i32
      %get3A_186 = arith.index_cast %add3A_185 : i32 to index
      %get3A_187 = arith.constant 16 : index
      %get3A_188 = tpu.vector_load %arg11[%get3A_186, %get3A_187] {strides = array<i32>} : memref<128x64xf32, #tpu.memory_space<vmem>>, vector<16xf32>,
      %mul3A_189 = arith.mulf %get3A_183, %get3A_188 : vector<16xf32>
      %mul3A_190 = arith.mulf %mul3A_189, %get3A_5 : vector<16xf32>
      %add3A_191 = arith.addf %mul3A_178, %mul3A_190 : vector<16xf32>
      %add3A_192 = arith.constant 0 : i32
      %add3A_193 = arith.addi %mul3A_166, %add3A_192 : i32
      %get3A_194 = arith.index_cast %add3A_193 : i32 to index
      %get3A_195 = arith.constant 32 : index
      %get3A_196 = tpu.vector_load %arg10[%get3A_194, %get3A_195] {strides = array<i32>} : memref<128x64xf32, #tpu.memory_space<vmem>>, vector<16xf32>,
      %add3A_197 = arith.constant 0 : i32
      %add3A_198 = arith.addi %mul3A_166, %add3A_197 : i32
      %get3A_199 = arith.index_cast %add3A_198 : i32 to index
      %get3A_200 = arith.constant 32 : index
      %get3A_201 = tpu.vector_load %arg11[%get3A_199, %get3A_200] {strides = array<i32>} : memref<128x64xf32, #tpu.memory_space<vmem>>, vector<16xf32>,
      %mul3A_202 = arith.mulf %get3A_196, %get3A_201 : vector<16xf32>
      %mul3A_203 = arith.mulf %mul3A_202, %get3A_7 : vector<16xf32>
      %add3A_204 = arith.addf %add3A_191, %mul3A_203 : vector<16xf32>
      %add3A_205 = arith.constant 0 : i32
      %add3A_206 = arith.addi %mul3A_166, %add3A_205 : i32
      %get3A_207 = arith.index_cast %add3A_206 : i32 to index
      %get3A_208 = arith.constant 48 : index
      %get3A_209 = tpu.vector_load %arg10[%get3A_207, %get3A_208] {strides = array<i32>} : memref<128x64xf32, #tpu.memory_space<vmem>>, vector<16xf32>,
      %add3A_210 = arith.constant 0 : i32
      %add3A_211 = arith.addi %mul3A_166, %add3A_210 : i32
      %get3A_212 = arith.index_cast %add3A_211 : i32 to index
      %get3A_213 = arith.constant 48 : index
      %get3A_214 = tpu.vector_load %arg11[%get3A_212, %get3A_213] {strides = array<i32>} : memref<128x64xf32, #tpu.memory_space<vmem>>, vector<16xf32>,
      %mul3A_215 = arith.mulf %get3A_209, %get3A_214 : vector<16xf32>
      %mul3A_216 = arith.mulf %mul3A_215, %get3A_9 : vector<16xf32>
      %add3A_217 = arith.addf %add3A_204, %mul3A_216 : vector<16xf32>
      %swap3A = arith.constant 0 : index
      %swap3A_218 = tpu.vector_load %arg13[%swap3A] {strides = array<i32>} : memref<256xf32, #tpu.memory_space<vmem>>, vector<16xf32>,
      tpu.vector_store %arg13[%swap3A], %add3A_217 {strides = array<i32>} : memref<256xf32, #tpu.memory_space<vmem>>, vector<16xf32>,
      %add3A_219 = arith.constant 1 : i32
      %add3A_220 = arith.addi %mul3A_166, %add3A_219 : i32
      %get3A_221 = arith.index_cast %add3A_220 : i32 to index
      %get3A_222 = arith.constant 0 : index
      %get3A_223 = tpu.vector_load %arg10[%get3A_221, %get3A_222] {strides = array<i32>} : memref<128x64xf32, #tpu.memory_space<vmem>>, vector<16xf32>,
      %add3A_224 = arith.constant 1 : i32
      %add3A_225 = arith.addi %mul3A_166, %add3A_224 : i32
      %get3A_226 = arith.index_cast %add3A_225 : i32 to index
      %get3A_227 = arith.constant 0 : index
      %get3A_228 = tpu.vector_load %arg11[%get3A_226, %get3A_227] {strides = array<i32>} : memref<128x64xf32, #tpu.memory_space<vmem>>, vector<16xf32>,
      %mul3A_229 = arith.mulf %get3A_223, %get3A_228 : vector<16xf32>
      %mul3A_230 = arith.mulf %mul3A_229, %get3A_3 : vector<16xf32>
      %add3A_231 = arith.constant 1 : i32
      %add3A_232 = arith.addi %mul3A_166, %add3A_231 : i32
      %get3A_233 = arith.index_cast %add3A_232 : i32 to index
      %get3A_234 = arith.constant 16 : index
      %get3A_235 = tpu.vector_load %arg10[%get3A_233, %get3A_234] {strides = array<i32>} : memref<128x64xf32, #tpu.memory_space<vmem>>, vector<16xf32>,
      %add3A_236 = arith.constant 1 : i32
      %add3A_237 = arith.addi %mul3A_166, %add3A_236 : i32
      %get3A_238 = arith.index_cast %add3A_237 : i32 to index
      %get3A_239 = arith.constant 16 : index
      %get3A_240 = tpu.vector_load %arg11[%get3A_238, %get3A_239] {strides = array<i32>} : memref<128x64xf32, #tpu.memory_space<vmem>>, vector<16xf32>,
      %mul3A_241 = arith.mulf %get3A_235, %get3A_240 : vector<16xf32>
      %mul3A_242 = arith.mulf %mul3A_241, %get3A_5 : vector<16xf32>
      %add3A_243 = arith.addf %mul3A_230, %mul3A_242 : vector<16xf32>
      %add3A_244 = arith.constant 1 : i32
      %add3A_245 = arith.addi %mul3A_166, %add3A_244 : i32
      %get3A_246 = arith.index_cast %add3A_245 : i32 to index
      %get3A_247 = arith.constant 32 : index
      %get3A_248 = tpu.vector_load %arg10[%get3A_246, %get3A_247] {strides = array<i32>} : memref<128x64xf32, #tpu.memory_space<vmem>>, vector<16xf32>,
      %add3A_249 = arith.constant 1 : i32
      %add3A_250 = arith.addi %mul3A_166, %add3A_249 : i32
      %get3A_251 = arith.index_cast %add3A_250 : i32 to index
      %get3A_252 = arith.constant 32 : index
      %get3A_253 = tpu.vector_load %arg11[%get3A_251, %get3A_252] {strides = array<i32>} : memref<128x64xf32, #tpu.memory_space<vmem>>, vector<16xf32>,
      %mul3A_254 = arith.mulf %get3A_248, %get3A_253 : vector<16xf32>
      %mul3A_255 = arith.mulf %mul3A_254, %get3A_7 : vector<16xf32>
      %add3A_256 = arith.addf %add3A_243, %mul3A_255 : vector<16xf32>
      %add3A_257 = arith.constant 1 : i32
      %add3A_258 = arith.addi %mul3A_166, %add3A_257 : i32
      %get3A_259 = arith.index_cast %add3A_258 : i32 to index
      %get3A_260 = arith.constant 48 : index
      %get3A_261 = tpu.vector_load %arg10[%get3A_259, %get3A_260] {strides = array<i32>} : memref<128x64xf32, #tpu.memory_space<vmem>>, vector<16xf32>,
      %add3A_262 = arith.constant 1 : i32
      %add3A_263 = arith.addi %mul3A_166, %add3A_262 : i32
      %get3A_264 = arith.index_cast %add3A_263 : i32 to index
      %get3A_265 = arith.constant 48 : index
      %get3A_266 = tpu.vector_load %arg11[%get3A_264, %get3A_265] {strides = array<i32>} : memref<128x64xf32, #tpu.memory_space<vmem>>, vector<16xf32>,
      %mul3A_267 = arith.mulf %get3A_261, %get3A_266 : vector<16xf32>
      %mul3A_268 = arith.mulf %mul3A_267, %get3A_9 : vector<16xf32>
      %add3A_269 = arith.addf %add3A_256, %mul3A_268 : vector<16xf32>
      %swap3A_270 = arith.constant 16 : index
      %swap3A_271 = tpu.vector_load %arg13[%swap3A_270] {strides = array<i32>} : memref<256xf32, #tpu.memory_space<vmem>>, vector<16xf32>,
      tpu.vector_store %arg13[%swap3A_270], %add3A_269 {strides = array<i32>} : memref<256xf32, #tpu.memory_space<vmem>>, vector<16xf32>,
      %add3A_272 = arith.constant 2 : i32
      %add3A_273 = arith.addi %mul3A_166, %add3A_272 : i32
      %get3A_274 = arith.index_cast %add3A_273 : i32 to index
      %get3A_275 = arith.constant 0 : index
      %get3A_276 = tpu.vector_load %arg10[%get3A_274, %get3A_275] {strides = array<i32>} : memref<128x64xf32, #tpu.memory_space<vmem>>, vector<16xf32>,
      %add3A_277 = arith.constant 2 : i32
      %add3A_278 = arith.addi %mul3A_166, %add3A_277 : i32
      %get3A_279 = arith.index_cast %add3A_278 : i32 to index
      %get3A_280 = arith.constant 0 : index
      %get3A_281 = tpu.vector_load %arg11[%get3A_279, %get3A_280] {strides = array<i32>} : memref<128x64xf32, #tpu.memory_space<vmem>>, vector<16xf32>,
      %mul3A_282 = arith.mulf %get3A_276, %get3A_281 : vector<16xf32>
      %mul3A_283 = arith.mulf %mul3A_282, %get3A_3 : vector<16xf32>
      %add3A_284 = arith.constant 2 : i32
      %add3A_285 = arith.addi %mul3A_166, %add3A_284 : i32
      %get3A_286 = arith.index_cast %add3A_285 : i32 to index
      %get3A_287 = arith.constant 16 : index
      %get3A_288 = tpu.vector_load %arg10[%get3A_286, %get3A_287] {strides = array<i32>} : memref<128x64xf32, #tpu.memory_space<vmem>>, vector<16xf32>,
      %add3A_289 = arith.constant 2 : i32
      %add3A_290 = arith.addi %mul3A_166, %add3A_289 : i32
      %get3A_291 = arith.index_cast %add3A_290 : i32 to index
      %get3A_292 = arith.constant 16 : index
      %get3A_293 = tpu.vector_load %arg11[%get3A_291, %get3A_292] {strides = array<i32>} : memref<128x64xf32, #tpu.memory_space<vmem>>, vector<16xf32>,
      %mul3A_294 = arith.mulf %get3A_288, %get3A_293 : vector<16xf32>
      %mul3A_295 = arith.mulf %mul3A_294, %get3A_5 : vector<16xf32>
      %add3A_296 = arith.addf %mul3A_283, %mul3A_295 : vector<16xf32>
      %add3A_297 = arith.constant 2 : i32
      %add3A_298 = arith.addi %mul3A_166, %add3A_297 : i32
      %get3A_299 = arith.index_cast %add3A_298 : i32 to index
      %get3A_300 = arith.constant 32 : index
      %get3A_301 = tpu.vector_load %arg10[%get3A_299, %get3A_300] {strides = array<i32>} : memref<128x64xf32, #tpu.memory_space<vmem>>, vector<16xf32>,
      %add3A_302 = arith.constant 2 : i32
      %add3A_303 = arith.addi %mul3A_166, %add3A_302 : i32
      %get3A_304 = arith.index_cast %add3A_303 : i32 to index
      %get3A_305 = arith.constant 32 : index
      %get3A_306 = tpu.vector_load %arg11[%get3A_304, %get3A_305] {strides = array<i32>} : memref<128x64xf32, #tpu.memory_space<vmem>>, vector<16xf32>,
      %mul3A_307 = arith.mulf %get3A_301, %get3A_306 : vector<16xf32>
      %mul3A_308 = arith.mulf %mul3A_307, %get3A_7 : vector<16xf32>
      %add3A_309 = arith.addf %add3A_296, %mul3A_308 : vector<16xf32>
      %add3A_310 = arith.constant 2 : i32
      %add3A_311 = arith.addi %mul3A_166, %add3A_310 : i32
      %get3A_312 = arith.index_cast %add3A_311 : i32 to index
      %get3A_313 = arith.constant 48 : index
      %get3A_314 = tpu.vector_load %arg10[%get3A_312, %get3A_313] {strides = array<i32>} : memref<128x64xf32, #tpu.memory_space<vmem>>, vector<16xf32>,
      %add3A_315 = arith.constant 2 : i32
      %add3A_316 = arith.addi %mul3A_166, %add3A_315 : i32
      %get3A_317 = arith.index_cast %add3A_316 : i32 to index
      %get3A_318 = arith.constant 48 : index
      %get3A_319 = tpu.vector_load %arg11[%get3A_317, %get3A_318] {strides = array<i32>} : memref<128x64xf32, #tpu.memory_space<vmem>>, vector<16xf32>,
      %mul3A_320 = arith.mulf %get3A_314, %get3A_319 : vector<16xf32>
      %mul3A_321 = arith.mulf %mul3A_320, %get3A_9 : vector<16xf32>
      %add3A_322 = arith.addf %add3A_309, %mul3A_321 : vector<16xf32>
      %swap3A_323 = arith.constant 32 : index
      %swap3A_324 = tpu.vector_load %arg13[%swap3A_323] {strides = array<i32>} : memref<256xf32, #tpu.memory_space<vmem>>, vector<16xf32>,
      tpu.vector_store %arg13[%swap3A_323], %add3A_322 {strides = array<i32>} : memref<256xf32, #tpu.memory_space<vmem>>, vector<16xf32>,
      %add3A_325 = arith.constant 3 : i32
      %add3A_326 = arith.addi %mul3A_166, %add3A_325 : i32
      %get3A_327 = arith.index_cast %add3A_326 : i32 to index
      %get3A_328 = arith.constant 0 : index
      %get3A_329 = tpu.vector_load %arg10[%get3A_327, %get3A_328] {strides = array<i32>} : memref<128x64xf32, #tpu.memory_space<vmem>>, vector<16xf32>,
      %add3A_330 = arith.constant 3 : i32
      %add3A_331 = arith.addi %mul3A_166, %add3A_330 : i32
      %get3A_332 = arith.index_cast %add3A_331 : i32 to index
      %get3A_333 = arith.constant 0 : index
      %get3A_334 = tpu.vector_load %arg11[%get3A_332, %get3A_333] {strides = array<i32>} : memref<128x64xf32, #tpu.memory_space<vmem>>, vector<16xf32>,
      %mul3A_335 = arith.mulf %get3A_329, %get3A_334 : vector<16xf32>
      %mul3A_336 = arith.mulf %mul3A_335, %get3A_3 : vector<16xf32>
      %add3A_337 = arith.constant 3 : i32
      %add3A_338 = arith.addi %mul3A_166, %add3A_337 : i32
      %get3A_339 = arith.index_cast %add3A_338 : i32 to index
      %get3A_340 = arith.constant 16 : index
      %get3A_341 = tpu.vector_load %arg10[%get3A_339, %get3A_340] {strides = array<i32>} : memref<128x64xf32, #tpu.memory_space<vmem>>, vector<16xf32>,
      %add3A_342 = arith.constant 3 : i32
      %add3A_343 = arith.addi %mul3A_166, %add3A_342 : i32
      %get3A_344 = arith.index_cast %add3A_343 : i32 to index
      %get3A_345 = arith.constant 16 : index
      %get3A_346 = tpu.vector_load %arg11[%get3A_344, %get3A_345] {strides = array<i32>} : memref<128x64xf32, #tpu.memory_space<vmem>>, vector<16xf32>,
      %mul3A_347 = arith.mulf %get3A_341, %get3A_346 : vector<16xf32>
      %mul3A_348 = arith.mulf %mul3A_347, %get3A_5 : vector<16xf32>
      %add3A_349 = arith.addf %mul3A_336, %mul3A_348 : vector<16xf32>
      %add3A_350 = arith.constant 3 : i32
      %add3A_351 = arith.addi %mul3A_166, %add3A_350 : i32
      %get3A_352 = arith.index_cast %add3A_351 : i32 to index
      %get3A_353 = arith.constant 32 : index
      %get3A_354 = tpu.vector_load %arg10[%get3A_352, %get3A_353] {strides = array<i32>} : memref<128x64xf32, #tpu.memory_space<vmem>>, vector<16xf32>,
      %add3A_355 = arith.constant 3 : i32
      %add3A_356 = arith.addi %mul3A_166, %add3A_355 : i32
      %get3A_357 = arith.index_cast %add3A_356 : i32 to index
      %get3A_358 = arith.constant 32 : index
      %get3A_359 = tpu.vector_load %arg11[%get3A_357, %get3A_358] {strides = array<i32>} : memref<128x64xf32, #tpu.memory_space<vmem>>, vector<16xf32>,
      %mul3A_360 = arith.mulf %get3A_354, %get3A_359 : vector<16xf32>
      %mul3A_361 = arith.mulf %mul3A_360, %get3A_7 : vector<16xf32>
      %add3A_362 = arith.addf %add3A_349, %mul3A_361 : vector<16xf32>
      %add3A_363 = arith.constant 3 : i32
      %add3A_364 = arith.addi %mul3A_166, %add3A_363 : i32
      %get3A_365 = arith.index_cast %add3A_364 : i32 to index
      %get3A_366 = arith.constant 48 : index
      %get3A_367 = tpu.vector_load %arg10[%get3A_365, %get3A_366] {strides = array<i32>} : memref<128x64xf32, #tpu.memory_space<vmem>>, vector<16xf32>,
      %add3A_368 = arith.constant 3 : i32
      %add3A_369 = arith.addi %mul3A_166, %add3A_368 : i32
      %get3A_370 = arith.index_cast %add3A_369 : i32 to index
      %get3A_371 = arith.constant 48 : index
      %get3A_372 = tpu.vector_load %arg11[%get3A_370, %get3A_371] {strides = array<i32>} : memref<128x64xf32, #tpu.memory_space<vmem>>, vector<16xf32>,
      %mul3A_373 = arith.mulf %get3A_367, %get3A_372 : vector<16xf32>
      %mul3A_374 = arith.mulf %mul3A_373, %get3A_9 : vector<16xf32>
      %add3A_375 = arith.addf %add3A_362, %mul3A_374 : vector<16xf32>
      %swap3A_376 = arith.constant 48 : index
      %swap3A_377 = tpu.vector_load %arg13[%swap3A_376] {strides = array<i32>} : memref<256xf32, #tpu.memory_space<vmem>>, vector<16xf32>,
      tpu.vector_store %arg13[%swap3A_376], %add3A_375 {strides = array<i32>} : memref<256xf32, #tpu.memory_space<vmem>>, vector<16xf32>,
      %add3A_378 = arith.constant 4 : i32
      %add3A_379 = arith.addi %mul3A_166, %add3A_378 : i32
      %get3A_380 = arith.index_cast %add3A_379 : i32 to index
      %get3A_381 = arith.constant 0 : index
      %get3A_382 = tpu.vector_load %arg10[%get3A_380, %get3A_381] {strides = array<i32>} : memref<128x64xf32, #tpu.memory_space<vmem>>, vector<16xf32>,
      %add3A_383 = arith.constant 4 : i32
      %add3A_384 = arith.addi %mul3A_166, %add3A_383 : i32
      %get3A_385 = arith.index_cast %add3A_384 : i32 to index
      %get3A_386 = arith.constant 0 : index
      %get3A_387 = tpu.vector_load %arg11[%get3A_385, %get3A_386] {strides = array<i32>} : memref<128x64xf32, #tpu.memory_space<vmem>>, vector<16xf32>,
      %mul3A_388 = arith.mulf %get3A_382, %get3A_387 : vector<16xf32>
      %mul3A_389 = arith.mulf %mul3A_388, %get3A_3 : vector<16xf32>
      %add3A_390 = arith.constant 4 : i32
      %add3A_391 = arith.addi %mul3A_166, %add3A_390 : i32
      %get3A_392 = arith.index_cast %add3A_391 : i32 to index
      %get3A_393 = arith.constant 16 : index
      %get3A_394 = tpu.vector_load %arg10[%get3A_392, %get3A_393] {strides = array<i32>} : memref<128x64xf32, #tpu.memory_space<vmem>>, vector<16xf32>,
      %add3A_395 = arith.constant 4 : i32
      %add3A_396 = arith.addi %mul3A_166, %add3A_395 : i32
      %get3A_397 = arith.index_cast %add3A_396 : i32 to index
      %get3A_398 = arith.constant 16 : index
      %get3A_399 = tpu.vector_load %arg11[%get3A_397, %get3A_398] {strides = array<i32>} : memref<128x64xf32, #tpu.memory_space<vmem>>, vector<16xf32>,
      %mul3A_400 = arith.mulf %get3A_394, %get3A_399 : vector<16xf32>
      %mul3A_401 = arith.mulf %mul3A_400, %get3A_5 : vector<16xf32>
      %add3A_402 = arith.addf %mul3A_389, %mul3A_401 : vector<16xf32>
      %add3A_403 = arith.constant 4 : i32
      %add3A_404 = arith.addi %mul3A_166, %add3A_403 : i32
      %get3A_405 = arith.index_cast %add3A_404 : i32 to index
      %get3A_406 = arith.constant 32 : index
      %get3A_407 = tpu.vector_load %arg10[%get3A_405, %get3A_406] {strides = array<i32>} : memref<128x64xf32, #tpu.memory_space<vmem>>, vector<16xf32>,
      %add3A_408 = arith.constant 4 : i32
      %add3A_409 = arith.addi %mul3A_166, %add3A_408 : i32
      %get3A_410 = arith.index_cast %add3A_409 : i32 to index
      %get3A_411 = arith.constant 32 : index
      %get3A_412 = tpu.vector_load %arg11[%get3A_410, %get3A_411] {strides = array<i32>} : memref<128x64xf32, #tpu.memory_space<vmem>>, vector<16xf32>,
      %mul3A_413 = arith.mulf %get3A_407, %get3A_412 : vector<16xf32>
      %mul3A_414 = arith.mulf %mul3A_413, %get3A_7 : vector<16xf32>
      %add3A_415 = arith.addf %add3A_402, %mul3A_414 : vector<16xf32>
      %add3A_416 = arith.constant 4 : i32
      %add3A_417 = arith.addi %mul3A_166, %add3A_416 : i32
      %get3A_418 = arith.index_cast %add3A_417 : i32 to index
      %get3A_419 = arith.constant 48 : index
      %get3A_420 = tpu.vector_load %arg10[%get3A_418, %get3A_419] {strides = array<i32>} : memref<128x64xf32, #tpu.memory_space<vmem>>, vector<16xf32>,
      %add3A_421 = arith.constant 4 : i32
      %add3A_422 = arith.addi %mul3A_166, %add3A_421 : i32
      %get3A_423 = arith.index_cast %add3A_422 : i32 to index
      %get3A_424 = arith.constant 48 : index
      %get3A_425 = tpu.vector_load %arg11[%get3A_423, %get3A_424] {strides = array<i32>} : memref<128x64xf32, #tpu.memory_space<vmem>>, vector<16xf32>,
      %mul3A_426 = arith.mulf %get3A_420, %get3A_425 : vector<16xf32>
      %mul3A_427 = arith.mulf %mul3A_426, %get3A_9 : vector<16xf32>
      %add3A_428 = arith.addf %add3A_415, %mul3A_427 : vector<16xf32>
      %swap3A_429 = arith.constant 64 : index
      %swap3A_430 = tpu.vector_load %arg13[%swap3A_429] {strides = array<i32>} : memref<256xf32, #tpu.memory_space<vmem>>, vector<16xf32>,
      tpu.vector_store %arg13[%swap3A_429], %add3A_428 {strides = array<i32>} : memref<256xf32, #tpu.memory_space<vmem>>, vector<16xf32>,
      %add3A_431 = arith.constant 5 : i32
      %add3A_432 = arith.addi %mul3A_166, %add3A_431 : i32
      %get3A_433 = arith.index_cast %add3A_432 : i32 to index
      %get3A_434 = arith.constant 0 : index
      %get3A_435 = tpu.vector_load %arg10[%get3A_433, %get3A_434] {strides = array<i32>} : memref<128x64xf32, #tpu.memory_space<vmem>>, vector<16xf32>,
      %add3A_436 = arith.constant 5 : i32
      %add3A_437 = arith.addi %mul3A_166, %add3A_436 : i32
      %get3A_438 = arith.index_cast %add3A_437 : i32 to index
      %get3A_439 = arith.constant 0 : index
      %get3A_440 = tpu.vector_load %arg11[%get3A_438, %get3A_439] {strides = array<i32>} : memref<128x64xf32, #tpu.memory_space<vmem>>, vector<16xf32>,
      %mul3A_441 = arith.mulf %get3A_435, %get3A_440 : vector<16xf32>
      %mul3A_442 = arith.mulf %mul3A_441, %get3A_3 : vector<16xf32>
      %add3A_443 = arith.constant 5 : i32
      %add3A_444 = arith.addi %mul3A_166, %add3A_443 : i32
      %get3A_445 = arith.index_cast %add3A_444 : i32 to index
      %get3A_446 = arith.constant 16 : index
      %get3A_447 = tpu.vector_load %arg10[%get3A_445, %get3A_446] {strides = array<i32>} : memref<128x64xf32, #tpu.memory_space<vmem>>, vector<16xf32>,
      %add3A_448 = arith.constant 5 : i32
      %add3A_449 = arith.addi %mul3A_166, %add3A_448 : i32
      %get3A_450 = arith.index_cast %add3A_449 : i32 to index
      %get3A_451 = arith.constant 16 : index
      %get3A_452 = tpu.vector_load %arg11[%get3A_450, %get3A_451] {strides = array<i32>} : memref<128x64xf32, #tpu.memory_space<vmem>>, vector<16xf32>,
      %mul3A_453 = arith.mulf %get3A_447, %get3A_452 : vector<16xf32>
      %mul3A_454 = arith.mulf %mul3A_453, %get3A_5 : vector<16xf32>
      %add3A_455 = arith.addf %mul3A_442, %mul3A_454 : vector<16xf32>
      %add3A_456 = arith.constant 5 : i32
      %add3A_457 = arith.addi %mul3A_166, %add3A_456 : i32
      %get3A_458 = arith.index_cast %add3A_457 : i32 to index
      %get3A_459 = arith.constant 32 : index
      %get3A_460 = tpu.vector_load %arg10[%get3A_458, %get3A_459] {strides = array<i32>} : memref<128x64xf32, #tpu.memory_space<vmem>>, vector<16xf32>,
      %add3A_461 = arith.constant 5 : i32
      %add3A_462 = arith.addi %mul3A_166, %add3A_461 : i32
      %get3A_463 = arith.index_cast %add3A_462 : i32 to index
      %get3A_464 = arith.constant 32 : index
      %get3A_465 = tpu.vector_load %arg11[%get3A_463, %get3A_464] {strides = array<i32>} : memref<128x64xf32, #tpu.memory_space<vmem>>, vector<16xf32>,
      %mul3A_466 = arith.mulf %get3A_460, %get3A_465 : vector<16xf32>
      %mul3A_467 = arith.mulf %mul3A_466, %get3A_7 : vector<16xf32>
      %add3A_468 = arith.addf %add3A_455, %mul3A_467 : vector<16xf32>
      %add3A_469 = arith.constant 5 : i32
      %add3A_470 = arith.addi %mul3A_166, %add3A_469 : i32
      %get3A_471 = arith.index_cast %add3A_470 : i32 to index
      %get3A_472 = arith.constant 48 : index
      %get3A_473 = tpu.vector_load %arg10[%get3A_471, %get3A_472] {strides = array<i32>} : memref<128x64xf32, #tpu.memory_space<vmem>>, vector<16xf32>,
      %add3A_474 = arith.constant 5 : i32
      %add3A_475 = arith.addi %mul3A_166, %add3A_474 : i32
      %get3A_476 = arith.index_cast %add3A_475 : i32 to index
      %get3A_477 = arith.constant 48 : index
      %get3A_478 = tpu.vector_load %arg11[%get3A_476, %get3A_477] {strides = array<i32>} : memref<128x64xf32, #tpu.memory_space<vmem>>, vector<16xf32>,
      %mul3A_479 = arith.mulf %get3A_473, %get3A_478 : vector<16xf32>
      %mul3A_480 = arith.mulf %mul3A_479, %get3A_9 : vector<16xf32>
      %add3A_481 = arith.addf %add3A_468, %mul3A_480 : vector<16xf32>
      %swap3A_482 = arith.constant 80 : index
      %swap3A_483 = tpu.vector_load %arg13[%swap3A_482] {strides = array<i32>} : memref<256xf32, #tpu.memory_space<vmem>>, vector<16xf32>,
      tpu.vector_store %arg13[%swap3A_482], %add3A_481 {strides = array<i32>} : memref<256xf32, #tpu.memory_space<vmem>>, vector<16xf32>,
      %add3A_484 = arith.constant 6 : i32
      %add3A_485 = arith.addi %mul3A_166, %add3A_484 : i32
      %get3A_486 = arith.index_cast %add3A_485 : i32 to index
      %get3A_487 = arith.constant 0 : index
      %get3A_488 = tpu.vector_load %arg10[%get3A_486, %get3A_487] {strides = array<i32>} : memref<128x64xf32, #tpu.memory_space<vmem>>, vector<16xf32>,
      %add3A_489 = arith.constant 6 : i32
      %add3A_490 = arith.addi %mul3A_166, %add3A_489 : i32
      %get3A_491 = arith.index_cast %add3A_490 : i32 to index
      %get3A_492 = arith.constant 0 : index
      %get3A_493 = tpu.vector_load %arg11[%get3A_491, %get3A_492] {strides = array<i32>} : memref<128x64xf32, #tpu.memory_space<vmem>>, vector<16xf32>,
      %mul3A_494 = arith.mulf %get3A_488, %get3A_493 : vector<16xf32>
      %mul3A_495 = arith.mulf %mul3A_494, %get3A_3 : vector<16xf32>
      %add3A_496 = arith.constant 6 : i32
      %add3A_497 = arith.addi %mul3A_166, %add3A_496 : i32
      %get3A_498 = arith.index_cast %add3A_497 : i32 to index
      %get3A_499 = arith.constant 16 : index
      %get3A_500 = tpu.vector_load %arg10[%get3A_498, %get3A_499] {strides = array<i32>} : memref<128x64xf32, #tpu.memory_space<vmem>>, vector<16xf32>,
      %add3A_501 = arith.constant 6 : i32
      %add3A_502 = arith.addi %mul3A_166, %add3A_501 : i32
      %get3A_503 = arith.index_cast %add3A_502 : i32 to index
      %get3A_504 = arith.constant 16 : index
      %get3A_505 = tpu.vector_load %arg11[%get3A_503, %get3A_504] {strides = array<i32>} : memref<128x64xf32, #tpu.memory_space<vmem>>, vector<16xf32>,
      %mul3A_506 = arith.mulf %get3A_500, %get3A_505 : vector<16xf32>
      %mul3A_507 = arith.mulf %mul3A_506, %get3A_5 : vector<16xf32>
      %add3A_508 = arith.addf %mul3A_495, %mul3A_507 : vector<16xf32>
      %add3A_509 = arith.constant 6 : i32
      %add3A_510 = arith.addi %mul3A_166, %add3A_509 : i32
      %get3A_511 = arith.index_cast %add3A_510 : i32 to index
      %get3A_512 = arith.constant 32 : index
      %get3A_513 = tpu.vector_load %arg10[%get3A_511, %get3A_512] {strides = array<i32>} : memref<128x64xf32, #tpu.memory_space<vmem>>, vector<16xf32>,
      %add3A_514 = arith.constant 6 : i32
      %add3A_515 = arith.addi %mul3A_166, %add3A_514 : i32
      %get3A_516 = arith.index_cast %add3A_515 : i32 to index
      %get3A_517 = arith.constant 32 : index
      %get3A_518 = tpu.vector_load %arg11[%get3A_516, %get3A_517] {strides = array<i32>} : memref<128x64xf32, #tpu.memory_space<vmem>>, vector<16xf32>,
      %mul3A_519 = arith.mulf %get3A_513, %get3A_518 : vector<16xf32>
      %mul3A_520 = arith.mulf %mul3A_519, %get3A_7 : vector<16xf32>
      %add3A_521 = arith.addf %add3A_508, %mul3A_520 : vector<16xf32>
      %add3A_522 = arith.constant 6 : i32
      %add3A_523 = arith.addi %mul3A_166, %add3A_522 : i32
      %get3A_524 = arith.index_cast %add3A_523 : i32 to index
      %get3A_525 = arith.constant 48 : index
      %get3A_526 = tpu.vector_load %arg10[%get3A_524, %get3A_525] {strides = array<i32>} : memref<128x64xf32, #tpu.memory_space<vmem>>, vector<16xf32>,
      %add3A_527 = arith.constant 6 : i32
      %add3A_528 = arith.addi %mul3A_166, %add3A_527 : i32
      %get3A_529 = arith.index_cast %add3A_528 : i32 to index
      %get3A_530 = arith.constant 48 : index
      %get3A_531 = tpu.vector_load %arg11[%get3A_529, %get3A_530] {strides = array<i32>} : memref<128x64xf32, #tpu.memory_space<vmem>>, vector<16xf32>,
      %mul3A_532 = arith.mulf %get3A_526, %get3A_531 : vector<16xf32>
      %mul3A_533 = arith.mulf %mul3A_532, %get3A_9 : vector<16xf32>
      %add3A_534 = arith.addf %add3A_521, %mul3A_533 : vector<16xf32>
      %swap3A_535 = arith.constant 96 : index
      %swap3A_536 = tpu.vector_load %arg13[%swap3A_535] {strides = array<i32>} : memref<256xf32, #tpu.memory_space<vmem>>, vector<16xf32>,
      tpu.vector_store %arg13[%swap3A_535], %add3A_534 {strides = array<i32>} : memref<256xf32, #tpu.memory_space<vmem>>, vector<16xf32>,
      %add3A_537 = arith.constant 7 : i32
      %add3A_538 = arith.addi %mul3A_166, %add3A_537 : i32
      %get3A_539 = arith.index_cast %add3A_538 : i32 to index
      %get3A_540 = arith.constant 0 : index
      %get3A_541 = tpu.vector_load %arg10[%get3A_539, %get3A_540] {strides = array<i32>} : memref<128x64xf32, #tpu.memory_space<vmem>>, vector<16xf32>,
      %add3A_542 = arith.constant 7 : i32
      %add3A_543 = arith.addi %mul3A_166, %add3A_542 : i32
      %get3A_544 = arith.index_cast %add3A_543 : i32 to index
      %get3A_545 = arith.constant 0 : index
      %get3A_546 = tpu.vector_load %arg11[%get3A_544, %get3A_545] {strides = array<i32>} : memref<128x64xf32, #tpu.memory_space<vmem>>, vector<16xf32>,
      %mul3A_547 = arith.mulf %get3A_541, %get3A_546 : vector<16xf32>
      %mul3A_548 = arith.mulf %mul3A_547, %get3A_3 : vector<16xf32>
      %add3A_549 = arith.constant 7 : i32
      %add3A_550 = arith.addi %mul3A_166, %add3A_549 : i32
      %get3A_551 = arith.index_cast %add3A_550 : i32 to index
      %get3A_552 = arith.constant 16 : index
      %get3A_553 = tpu.vector_load %arg10[%get3A_551, %get3A_552] {strides = array<i32>} : memref<128x64xf32, #tpu.memory_space<vmem>>, vector<16xf32>,
      %add3A_554 = arith.constant 7 : i32
      %add3A_555 = arith.addi %mul3A_166, %add3A_554 : i32
      %get3A_556 = arith.index_cast %add3A_555 : i32 to index
      %get3A_557 = arith.constant 16 : index
      %get3A_558 = tpu.vector_load %arg11[%get3A_556, %get3A_557] {strides = array<i32>} : memref<128x64xf32, #tpu.memory_space<vmem>>, vector<16xf32>,
      %mul3A_559 = arith.mulf %get3A_553, %get3A_558 : vector<16xf32>
      %mul3A_560 = arith.mulf %mul3A_559, %get3A_5 : vector<16xf32>
      %add3A_561 = arith.addf %mul3A_548, %mul3A_560 : vector<16xf32>
      %add3A_562 = arith.constant 7 : i32
      %add3A_563 = arith.addi %mul3A_166, %add3A_562 : i32
      %get3A_564 = arith.index_cast %add3A_563 : i32 to index
      %get3A_565 = arith.constant 32 : index
      %get3A_566 = tpu.vector_load %arg10[%get3A_564, %get3A_565] {strides = array<i32>} : memref<128x64xf32, #tpu.memory_space<vmem>>, vector<16xf32>,
      %add3A_567 = arith.constant 7 : i32
      %add3A_568 = arith.addi %mul3A_166, %add3A_567 : i32
      %get3A_569 = arith.index_cast %add3A_568 : i32 to index
      %get3A_570 = arith.constant 32 : index
      %get3A_571 = tpu.vector_load %arg11[%get3A_569, %get3A_570] {strides = array<i32>} : memref<128x64xf32, #tpu.memory_space<vmem>>, vector<16xf32>,
      %mul3A_572 = arith.mulf %get3A_566, %get3A_571 : vector<16xf32>
      %mul3A_573 = arith.mulf %mul3A_572, %get3A_7 : vector<16xf32>
      %add3A_574 = arith.addf %add3A_561, %mul3A_573 : vector<16xf32>
      %add3A_575 = arith.constant 7 : i32
      %add3A_576 = arith.addi %mul3A_166, %add3A_575 : i32
      %get3A_577 = arith.index_cast %add3A_576 : i32 to index
      %get3A_578 = arith.constant 48 : index
      %get3A_579 = tpu.vector_load %arg10[%get3A_577, %get3A_578] {strides = array<i32>} : memref<128x64xf32, #tpu.memory_space<vmem>>, vector<16xf32>,
      %add3A_580 = arith.constant 7 : i32
      %add3A_581 = arith.addi %mul3A_166, %add3A_580 : i32
      %get3A_582 = arith.index_cast %add3A_581 : i32 to index
      %get3A_583 = arith.constant 48 : index
      %get3A_584 = tpu.vector_load %arg11[%get3A_582, %get3A_583] {strides = array<i32>} : memref<128x64xf32, #tpu.memory_space<vmem>>, vector<16xf32>,
      %mul3A_585 = arith.mulf %get3A_579, %get3A_584 : vector<16xf32>
      %mul3A_586 = arith.mulf %mul3A_585, %get3A_9 : vector<16xf32>
      %add3A_587 = arith.addf %add3A_574, %mul3A_586 : vector<16xf32>
      %swap3A_588 = arith.constant 112 : index
      %swap3A_589 = tpu.vector_load %arg13[%swap3A_588] {strides = array<i32>} : memref<256xf32, #tpu.memory_space<vmem>>, vector<16xf32>,
      tpu.vector_store %arg13[%swap3A_588], %add3A_587 {strides = array<i32>} : memref<256xf32, #tpu.memory_space<vmem>>, vector<16xf32>,
      %add3A_590 = arith.constant 8 : i32
      %add3A_591 = arith.addi %mul3A_166, %add3A_590 : i32
      %get3A_592 = arith.index_cast %add3A_591 : i32 to index
      %get3A_593 = arith.constant 0 : index
      %get3A_594 = tpu.vector_load %arg10[%get3A_592, %get3A_593] {strides = array<i32>} : memref<128x64xf32, #tpu.memory_space<vmem>>, vector<16xf32>,
      %add3A_595 = arith.constant 8 : i32
      %add3A_596 = arith.addi %mul3A_166, %add3A_595 : i32
      %get3A_597 = arith.index_cast %add3A_596 : i32 to index
      %get3A_598 = arith.constant 0 : index
      %get3A_599 = tpu.vector_load %arg11[%get3A_597, %get3A_598] {strides = array<i32>} : memref<128x64xf32, #tpu.memory_space<vmem>>, vector<16xf32>,
      %mul3A_600 = arith.mulf %get3A_594, %get3A_599 : vector<16xf32>
      %mul3A_601 = arith.mulf %mul3A_600, %get3A_3 : vector<16xf32>
      %add3A_602 = arith.constant 8 : i32
      %add3A_603 = arith.addi %mul3A_166, %add3A_602 : i32
      %get3A_604 = arith.index_cast %add3A_603 : i32 to index
      %get3A_605 = arith.constant 16 : index
      %get3A_606 = tpu.vector_load %arg10[%get3A_604, %get3A_605] {strides = array<i32>} : memref<128x64xf32, #tpu.memory_space<vmem>>, vector<16xf32>,
      %add3A_607 = arith.constant 8 : i32
      %add3A_608 = arith.addi %mul3A_166, %add3A_607 : i32
      %get3A_609 = arith.index_cast %add3A_608 : i32 to index
      %get3A_610 = arith.constant 16 : index
      %get3A_611 = tpu.vector_load %arg11[%get3A_609, %get3A_610] {strides = array<i32>} : memref<128x64xf32, #tpu.memory_space<vmem>>, vector<16xf32>,
      %mul3A_612 = arith.mulf %get3A_606, %get3A_611 : vector<16xf32>
      %mul3A_613 = arith.mulf %mul3A_612, %get3A_5 : vector<16xf32>
      %add3A_614 = arith.addf %mul3A_601, %mul3A_613 : vector<16xf32>
      %add3A_615 = arith.constant 8 : i32
      %add3A_616 = arith.addi %mul3A_166, %add3A_615 : i32
      %get3A_617 = arith.index_cast %add3A_616 : i32 to index
      %get3A_618 = arith.constant 32 : index
      %get3A_619 = tpu.vector_load %arg10[%get3A_617, %get3A_618] {strides = array<i32>} : memref<128x64xf32, #tpu.memory_space<vmem>>, vector<16xf32>,
      %add3A_620 = arith.constant 8 : i32
      %add3A_621 = arith.addi %mul3A_166, %add3A_620 : i32
      %get3A_622 = arith.index_cast %add3A_621 : i32 to index
      %get3A_623 = arith.constant 32 : index
      %get3A_624 = tpu.vector_load %arg11[%get3A_622, %get3A_623] {strides = array<i32>} : memref<128x64xf32, #tpu.memory_space<vmem>>, vector<16xf32>,
      %mul3A_625 = arith.mulf %get3A_619, %get3A_624 : vector<16xf32>
      %mul3A_626 = arith.mulf %mul3A_625, %get3A_7 : vector<16xf32>
      %add3A_627 = arith.addf %add3A_614, %mul3A_626 : vector<16xf32>
      %add3A_628 = arith.constant 8 : i32
      %add3A_629 = arith.addi %mul3A_166, %add3A_628 : i32
      %get3A_630 = arith.index_cast %add3A_629 : i32 to index
      %get3A_631 = arith.constant 48 : index
      %get3A_632 = tpu.vector_load %arg10[%get3A_630, %get3A_631] {strides = array<i32>} : memref<128x64xf32, #tpu.memory_space<vmem>>, vector<16xf32>,
      %add3A_633 = arith.constant 8 : i32
      %add3A_634 = arith.addi %mul3A_166, %add3A_633 : i32
      %get3A_635 = arith.index_cast %add3A_634 : i32 to index
      %get3A_636 = arith.constant 48 : index
      %get3A_637 = tpu.vector_load %arg11[%get3A_635, %get3A_636] {strides = array<i32>} : memref<128x64xf32, #tpu.memory_space<vmem>>, vector<16xf32>,
      %mul3A_638 = arith.mulf %get3A_632, %get3A_637 : vector<16xf32>
      %mul3A_639 = arith.mulf %mul3A_638, %get3A_9 : vector<16xf32>
      %add3A_640 = arith.addf %add3A_627, %mul3A_639 : vector<16xf32>
      %swap3A_641 = arith.constant 128 : index
      %swap3A_642 = tpu.vector_load %arg13[%swap3A_641] {strides = array<i32>} : memref<256xf32, #tpu.memory_space<vmem>>, vector<16xf32>,
      tpu.vector_store %arg13[%swap3A_641], %add3A_640 {strides = array<i32>} : memref<256xf32, #tpu.memory_space<vmem>>, vector<16xf32>,
      %add3A_643 = arith.constant 9 : i32
      %add3A_644 = arith.addi %mul3A_166, %add3A_643 : i32
      %get3A_645 = arith.index_cast %add3A_644 : i32 to index
      %get3A_646 = arith.constant 0 : index
      %get3A_647 = tpu.vector_load %arg10[%get3A_645, %get3A_646] {strides = array<i32>} : memref<128x64xf32, #tpu.memory_space<vmem>>, vector<16xf32>,
      %add3A_648 = arith.constant 9 : i32
      %add3A_649 = arith.addi %mul3A_166, %add3A_648 : i32
      %get3A_650 = arith.index_cast %add3A_649 : i32 to index
      %get3A_651 = arith.constant 0 : index
      %get3A_652 = tpu.vector_load %arg11[%get3A_650, %get3A_651] {strides = array<i32>} : memref<128x64xf32, #tpu.memory_space<vmem>>, vector<16xf32>,
      %mul3A_653 = arith.mulf %get3A_647, %get3A_652 : vector<16xf32>
      %mul3A_654 = arith.mulf %mul3A_653, %get3A_3 : vector<16xf32>
      %add3A_655 = arith.constant 9 : i32
      %add3A_656 = arith.addi %mul3A_166, %add3A_655 : i32
      %get3A_657 = arith.index_cast %add3A_656 : i32 to index
      %get3A_658 = arith.constant 16 : index
      %get3A_659 = tpu.vector_load %arg10[%get3A_657, %get3A_658] {strides = array<i32>} : memref<128x64xf32, #tpu.memory_space<vmem>>, vector<16xf32>,
      %add3A_660 = arith.constant 9 : i32
      %add3A_661 = arith.addi %mul3A_166, %add3A_660 : i32
      %get3A_662 = arith.index_cast %add3A_661 : i32 to index
      %get3A_663 = arith.constant 16 : index
      %get3A_664 = tpu.vector_load %arg11[%get3A_662, %get3A_663] {strides = array<i32>} : memref<128x64xf32, #tpu.memory_space<vmem>>, vector<16xf32>,
      %mul3A_665 = arith.mulf %get3A_659, %get3A_664 : vector<16xf32>
      %mul3A_666 = arith.mulf %mul3A_665, %get3A_5 : vector<16xf32>
      %add3A_667 = arith.addf %mul3A_654, %mul3A_666 : vector<16xf32>
      %add3A_668 = arith.constant 9 : i32
      %add3A_669 = arith.addi %mul3A_166, %add3A_668 : i32
      %get3A_670 = arith.index_cast %add3A_669 : i32 to index
      %get3A_671 = arith.constant 32 : index
      %get3A_672 = tpu.vector_load %arg10[%get3A_670, %get3A_671] {strides = array<i32>} : memref<128x64xf32, #tpu.memory_space<vmem>>, vector<16xf32>,
      %add3A_673 = arith.constant 9 : i32
      %add3A_674 = arith.addi %mul3A_166, %add3A_673 : i32
      %get3A_675 = arith.index_cast %add3A_674 : i32 to index
      %get3A_676 = arith.constant 32 : index
      %get3A_677 = tpu.vector_load %arg11[%get3A_675, %get3A_676] {strides = array<i32>} : memref<128x64xf32, #tpu.memory_space<vmem>>, vector<16xf32>,
      %mul3A_678 = arith.mulf %get3A_672, %get3A_677 : vector<16xf32>
      %mul3A_679 = arith.mulf %mul3A_678, %get3A_7 : vector<16xf32>
      %add3A_680 = arith.addf %add3A_667, %mul3A_679 : vector<16xf32>
      %add3A_681 = arith.constant 9 : i32
      %add3A_682 = arith.addi %mul3A_166, %add3A_681 : i32
      %get3A_683 = arith.index_cast %add3A_682 : i32 to index
      %get3A_684 = arith.constant 48 : index
      %get3A_685 = tpu.vector_load %arg10[%get3A_683, %get3A_684] {strides = array<i32>} : memref<128x64xf32, #tpu.memory_space<vmem>>, vector<16xf32>,
      %add3A_686 = arith.constant 9 : i32
      %add3A_687 = arith.addi %mul3A_166, %add3A_686 : i32
      %get3A_688 = arith.index_cast %add3A_687 : i32 to index
      %get3A_689 = arith.constant 48 : index
      %get3A_690 = tpu.vector_load %arg11[%get3A_688, %get3A_689] {strides = array<i32>} : memref<128x64xf32, #tpu.memory_space<vmem>>, vector<16xf32>,
      %mul3A_691 = arith.mulf %get3A_685, %get3A_690 : vector<16xf32>
      %mul3A_692 = arith.mulf %mul3A_691, %get3A_9 : vector<16xf32>
      %add3A_693 = arith.addf %add3A_680, %mul3A_692 : vector<16xf32>
      %swap3A_694 = arith.constant 144 : index
      %swap3A_695 = tpu.vector_load %arg13[%swap3A_694] {strides = array<i32>} : memref<256xf32, #tpu.memory_space<vmem>>, vector<16xf32>,
      tpu.vector_store %arg13[%swap3A_694], %add3A_693 {strides = array<i32>} : memref<256xf32, #tpu.memory_space<vmem>>, vector<16xf32>,
      %add3A_696 = arith.constant 10 : i32
      %add3A_697 = arith.addi %mul3A_166, %add3A_696 : i32
      %get3A_698 = arith.index_cast %add3A_697 : i32 to index
      %get3A_699 = arith.constant 0 : index
      %get3A_700 = tpu.vector_load %arg10[%get3A_698, %get3A_699] {strides = array<i32>} : memref<128x64xf32, #tpu.memory_space<vmem>>, vector<16xf32>,
      %add3A_701 = arith.constant 10 : i32
      %add3A_702 = arith.addi %mul3A_166, %add3A_701 : i32
      %get3A_703 = arith.index_cast %add3A_702 : i32 to index
      %get3A_704 = arith.constant 0 : index
      %get3A_705 = tpu.vector_load %arg11[%get3A_703, %get3A_704] {strides = array<i32>} : memref<128x64xf32, #tpu.memory_space<vmem>>, vector<16xf32>,
      %mul3A_706 = arith.mulf %get3A_700, %get3A_705 : vector<16xf32>
      %mul3A_707 = arith.mulf %mul3A_706, %get3A_3 : vector<16xf32>
      %add3A_708 = arith.constant 10 : i32
      %add3A_709 = arith.addi %mul3A_166, %add3A_708 : i32
      %get3A_710 = arith.index_cast %add3A_709 : i32 to index
      %get3A_711 = arith.constant 16 : index
      %get3A_712 = tpu.vector_load %arg10[%get3A_710, %get3A_711] {strides = array<i32>} : memref<128x64xf32, #tpu.memory_space<vmem>>, vector<16xf32>,
      %add3A_713 = arith.constant 10 : i32
      %add3A_714 = arith.addi %mul3A_166, %add3A_713 : i32
      %get3A_715 = arith.index_cast %add3A_714 : i32 to index
      %get3A_716 = arith.constant 16 : index
      %get3A_717 = tpu.vector_load %arg11[%get3A_715, %get3A_716] {strides = array<i32>} : memref<128x64xf32, #tpu.memory_space<vmem>>, vector<16xf32>,
      %mul3A_718 = arith.mulf %get3A_712, %get3A_717 : vector<16xf32>
      %mul3A_719 = arith.mulf %mul3A_718, %get3A_5 : vector<16xf32>
      %add3A_720 = arith.addf %mul3A_707, %mul3A_719 : vector<16xf32>
      %add3A_721 = arith.constant 10 : i32
      %add3A_722 = arith.addi %mul3A_166, %add3A_721 : i32
      %get3A_723 = arith.index_cast %add3A_722 : i32 to index
      %get3A_724 = arith.constant 32 : index
      %get3A_725 = tpu.vector_load %arg10[%get3A_723, %get3A_724] {strides = array<i32>} : memref<128x64xf32, #tpu.memory_space<vmem>>, vector<16xf32>,
      %add3A_726 = arith.constant 10 : i32
      %add3A_727 = arith.addi %mul3A_166, %add3A_726 : i32
      %get3A_728 = arith.index_cast %add3A_727 : i32 to index
      %get3A_729 = arith.constant 32 : index
      %get3A_730 = tpu.vector_load %arg11[%get3A_728, %get3A_729] {strides = array<i32>} : memref<128x64xf32, #tpu.memory_space<vmem>>, vector<16xf32>,
      %mul3A_731 = arith.mulf %get3A_725, %get3A_730 : vector<16xf32>
      %mul3A_732 = arith.mulf %mul3A_731, %get3A_7 : vector<16xf32>
      %add3A_733 = arith.addf %add3A_720, %mul3A_732 : vector<16xf32>
      %add3A_734 = arith.constant 10 : i32
      %add3A_735 = arith.addi %mul3A_166, %add3A_734 : i32
      %get3A_736 = arith.index_cast %add3A_735 : i32 to index
      %get3A_737 = arith.constant 48 : index
      %get3A_738 = tpu.vector_load %arg10[%get3A_736, %get3A_737] {strides = array<i32>} : memref<128x64xf32, #tpu.memory_space<vmem>>, vector<16xf32>,
      %add3A_739 = arith.constant 10 : i32
      %add3A_740 = arith.addi %mul3A_166, %add3A_739 : i32
      %get3A_741 = arith.index_cast %add3A_740 : i32 to index
      %get3A_742 = arith.constant 48 : index
      %get3A_743 = tpu.vector_load %arg11[%get3A_741, %get3A_742] {strides = array<i32>} : memref<128x64xf32, #tpu.memory_space<vmem>>, vector<16xf32>,
      %mul3A_744 = arith.mulf %get3A_738, %get3A_743 : vector<16xf32>
      %mul3A_745 = arith.mulf %mul3A_744, %get3A_9 : vector<16xf32>
      %add3A_746 = arith.addf %add3A_733, %mul3A_745 : vector<16xf32>
      %swap3A_747 = arith.constant 160 : index
      %swap3A_748 = tpu.vector_load %arg13[%swap3A_747] {strides = array<i32>} : memref<256xf32, #tpu.memory_space<vmem>>, vector<16xf32>,
      tpu.vector_store %arg13[%swap3A_747], %add3A_746 {strides = array<i32>} : memref<256xf32, #tpu.memory_space<vmem>>, vector<16xf32>,
      %add3A_749 = arith.constant 11 : i32
      %add3A_750 = arith.addi %mul3A_166, %add3A_749 : i32
      %get3A_751 = arith.index_cast %add3A_750 : i32 to index
      %get3A_752 = arith.constant 0 : index
      %get3A_753 = tpu.vector_load %arg10[%get3A_751, %get3A_752] {strides = array<i32>} : memref<128x64xf32, #tpu.memory_space<vmem>>, vector<16xf32>,
      %add3A_754 = arith.constant 11 : i32
      %add3A_755 = arith.addi %mul3A_166, %add3A_754 : i32
      %get3A_756 = arith.index_cast %add3A_755 : i32 to index
      %get3A_757 = arith.constant 0 : index
      %get3A_758 = tpu.vector_load %arg11[%get3A_756, %get3A_757] {strides = array<i32>} : memref<128x64xf32, #tpu.memory_space<vmem>>, vector<16xf32>,
      %mul3A_759 = arith.mulf %get3A_753, %get3A_758 : vector<16xf32>
      %mul3A_760 = arith.mulf %mul3A_759, %get3A_3 : vector<16xf32>
      %add3A_761 = arith.constant 11 : i32
      %add3A_762 = arith.addi %mul3A_166, %add3A_761 : i32
      %get3A_763 = arith.index_cast %add3A_762 : i32 to index
      %get3A_764 = arith.constant 16 : index
      %get3A_765 = tpu.vector_load %arg10[%get3A_763, %get3A_764] {strides = array<i32>} : memref<128x64xf32, #tpu.memory_space<vmem>>, vector<16xf32>,
      %add3A_766 = arith.constant 11 : i32
      %add3A_767 = arith.addi %mul3A_166, %add3A_766 : i32
      %get3A_768 = arith.index_cast %add3A_767 : i32 to index
      %get3A_769 = arith.constant 16 : index
      %get3A_770 = tpu.vector_load %arg11[%get3A_768, %get3A_769] {strides = array<i32>} : memref<128x64xf32, #tpu.memory_space<vmem>>, vector<16xf32>,
      %mul3A_771 = arith.mulf %get3A_765, %get3A_770 : vector<16xf32>
      %mul3A_772 = arith.mulf %mul3A_771, %get3A_5 : vector<16xf32>
      %add3A_773 = arith.addf %mul3A_760, %mul3A_772 : vector<16xf32>
      %add3A_774 = arith.constant 11 : i32
      %add3A_775 = arith.addi %mul3A_166, %add3A_774 : i32
      %get3A_776 = arith.index_cast %add3A_775 : i32 to index
      %get3A_777 = arith.constant 32 : index
      %get3A_778 = tpu.vector_load %arg10[%get3A_776, %get3A_777] {strides = array<i32>} : memref<128x64xf32, #tpu.memory_space<vmem>>, vector<16xf32>,
      %add3A_779 = arith.constant 11 : i32
      %add3A_780 = arith.addi %mul3A_166, %add3A_779 : i32
      %get3A_781 = arith.index_cast %add3A_780 : i32 to index
      %get3A_782 = arith.constant 32 : index
      %get3A_783 = tpu.vector_load %arg11[%get3A_781, %get3A_782] {strides = array<i32>} : memref<128x64xf32, #tpu.memory_space<vmem>>, vector<16xf32>,
      %mul3A_784 = arith.mulf %get3A_778, %get3A_783 : vector<16xf32>
      %mul3A_785 = arith.mulf %mul3A_784, %get3A_7 : vector<16xf32>
      %add3A_786 = arith.addf %add3A_773, %mul3A_785 : vector<16xf32>
      %add3A_787 = arith.constant 11 : i32
      %add3A_788 = arith.addi %mul3A_166, %add3A_787 : i32
      %get3A_789 = arith.index_cast %add3A_788 : i32 to index
      %get3A_790 = arith.constant 48 : index
      %get3A_791 = tpu.vector_load %arg10[%get3A_789, %get3A_790] {strides = array<i32>} : memref<128x64xf32, #tpu.memory_space<vmem>>, vector<16xf32>,
      %add3A_792 = arith.constant 11 : i32
      %add3A_793 = arith.addi %mul3A_166, %add3A_792 : i32
      %get3A_794 = arith.index_cast %add3A_793 : i32 to index
      %get3A_795 = arith.constant 48 : index
      %get3A_796 = tpu.vector_load %arg11[%get3A_794, %get3A_795] {strides = array<i32>} : memref<128x64xf32, #tpu.memory_space<vmem>>, vector<16xf32>,
      %mul3A_797 = arith.mulf %get3A_791, %get3A_796 : vector<16xf32>
      %mul3A_798 = arith.mulf %mul3A_797, %get3A_9 : vector<16xf32>
      %add3A_799 = arith.addf %add3A_786, %mul3A_798 : vector<16xf32>
      %swap3A_800 = arith.constant 176 : index
      %swap3A_801 = tpu.vector_load %arg13[%swap3A_800] {strides = array<i32>} : memref<256xf32, #tpu.memory_space<vmem>>, vector<16xf32>,
      tpu.vector_store %arg13[%swap3A_800], %add3A_799 {strides = array<i32>} : memref<256xf32, #tpu.memory_space<vmem>>, vector<16xf32>,
      %add3A_802 = arith.constant 12 : i32
      %add3A_803 = arith.addi %mul3A_166, %add3A_802 : i32
      %get3A_804 = arith.index_cast %add3A_803 : i32 to index
      %get3A_805 = arith.constant 0 : index
      %get3A_806 = tpu.vector_load %arg10[%get3A_804, %get3A_805] {strides = array<i32>} : memref<128x64xf32, #tpu.memory_space<vmem>>, vector<16xf32>,
      %add3A_807 = arith.constant 12 : i32
      %add3A_808 = arith.addi %mul3A_166, %add3A_807 : i32
      %get3A_809 = arith.index_cast %add3A_808 : i32 to index
      %get3A_810 = arith.constant 0 : index
      %get3A_811 = tpu.vector_load %arg11[%get3A_809, %get3A_810] {strides = array<i32>} : memref<128x64xf32, #tpu.memory_space<vmem>>, vector<16xf32>,
      %mul3A_812 = arith.mulf %get3A_806, %get3A_811 : vector<16xf32>
      %mul3A_813 = arith.mulf %mul3A_812, %get3A_3 : vector<16xf32>
      %add3A_814 = arith.constant 12 : i32
      %add3A_815 = arith.addi %mul3A_166, %add3A_814 : i32
      %get3A_816 = arith.index_cast %add3A_815 : i32 to index
      %get3A_817 = arith.constant 16 : index
      %get3A_818 = tpu.vector_load %arg10[%get3A_816, %get3A_817] {strides = array<i32>} : memref<128x64xf32, #tpu.memory_space<vmem>>, vector<16xf32>,
      %add3A_819 = arith.constant 12 : i32
      %add3A_820 = arith.addi %mul3A_166, %add3A_819 : i32
      %get3A_821 = arith.index_cast %add3A_820 : i32 to index
      %get3A_822 = arith.constant 16 : index
      %get3A_823 = tpu.vector_load %arg11[%get3A_821, %get3A_822] {strides = array<i32>} : memref<128x64xf32, #tpu.memory_space<vmem>>, vector<16xf32>,
      %mul3A_824 = arith.mulf %get3A_818, %get3A_823 : vector<16xf32>
      %mul3A_825 = arith.mulf %mul3A_824, %get3A_5 : vector<16xf32>
      %add3A_826 = arith.addf %mul3A_813, %mul3A_825 : vector<16xf32>
      %add3A_827 = arith.constant 12 : i32
      %add3A_828 = arith.addi %mul3A_166, %add3A_827 : i32
      %get3A_829 = arith.index_cast %add3A_828 : i32 to index
      %get3A_830 = arith.constant 32 : index
      %get3A_831 = tpu.vector_load %arg10[%get3A_829, %get3A_830] {strides = array<i32>} : memref<128x64xf32, #tpu.memory_space<vmem>>, vector<16xf32>,
      %add3A_832 = arith.constant 12 : i32
      %add3A_833 = arith.addi %mul3A_166, %add3A_832 : i32
      %get3A_834 = arith.index_cast %add3A_833 : i32 to index
      %get3A_835 = arith.constant 32 : index
      %get3A_836 = tpu.vector_load %arg11[%get3A_834, %get3A_835] {strides = array<i32>} : memref<128x64xf32, #tpu.memory_space<vmem>>, vector<16xf32>,
      %mul3A_837 = arith.mulf %get3A_831, %get3A_836 : vector<16xf32>
      %mul3A_838 = arith.mulf %mul3A_837, %get3A_7 : vector<16xf32>
      %add3A_839 = arith.addf %add3A_826, %mul3A_838 : vector<16xf32>
      %add3A_840 = arith.constant 12 : i32
      %add3A_841 = arith.addi %mul3A_166, %add3A_840 : i32
      %get3A_842 = arith.index_cast %add3A_841 : i32 to index
      %get3A_843 = arith.constant 48 : index
      %get3A_844 = tpu.vector_load %arg10[%get3A_842, %get3A_843] {strides = array<i32>} : memref<128x64xf32, #tpu.memory_space<vmem>>, vector<16xf32>,
      %add3A_845 = arith.constant 12 : i32
      %add3A_846 = arith.addi %mul3A_166, %add3A_845 : i32
      %get3A_847 = arith.index_cast %add3A_846 : i32 to index
      %get3A_848 = arith.constant 48 : index
      %get3A_849 = tpu.vector_load %arg11[%get3A_847, %get3A_848] {strides = array<i32>} : memref<128x64xf32, #tpu.memory_space<vmem>>, vector<16xf32>,
      %mul3A_850 = arith.mulf %get3A_844, %get3A_849 : vector<16xf32>
      %mul3A_851 = arith.mulf %mul3A_850, %get3A_9 : vector<16xf32>
      %add3A_852 = arith.addf %add3A_839, %mul3A_851 : vector<16xf32>
      %swap3A_853 = arith.constant 192 : index
      %swap3A_854 = tpu.vector_load %arg13[%swap3A_853] {strides = array<i32>} : memref<256xf32, #tpu.memory_space<vmem>>, vector<16xf32>,
      tpu.vector_store %arg13[%swap3A_853], %add3A_852 {strides = array<i32>} : memref<256xf32, #tpu.memory_space<vmem>>, vector<16xf32>,
      %add3A_855 = arith.constant 13 : i32
      %add3A_856 = arith.addi %mul3A_166, %add3A_855 : i32
      %get3A_857 = arith.index_cast %add3A_856 : i32 to index
      %get3A_858 = arith.constant 0 : index
      %get3A_859 = tpu.vector_load %arg10[%get3A_857, %get3A_858] {strides = array<i32>} : memref<128x64xf32, #tpu.memory_space<vmem>>, vector<16xf32>,
      %add3A_860 = arith.constant 13 : i32
      %add3A_861 = arith.addi %mul3A_166, %add3A_860 : i32
      %get3A_862 = arith.index_cast %add3A_861 : i32 to index
      %get3A_863 = arith.constant 0 : index
      %get3A_864 = tpu.vector_load %arg11[%get3A_862, %get3A_863] {strides = array<i32>} : memref<128x64xf32, #tpu.memory_space<vmem>>, vector<16xf32>,
      %mul3A_865 = arith.mulf %get3A_859, %get3A_864 : vector<16xf32>
      %mul3A_866 = arith.mulf %mul3A_865, %get3A_3 : vector<16xf32>
      %add3A_867 = arith.constant 13 : i32
      %add3A_868 = arith.addi %mul3A_166, %add3A_867 : i32
      %get3A_869 = arith.index_cast %add3A_868 : i32 to index
      %get3A_870 = arith.constant 16 : index
      %get3A_871 = tpu.vector_load %arg10[%get3A_869, %get3A_870] {strides = array<i32>} : memref<128x64xf32, #tpu.memory_space<vmem>>, vector<16xf32>,
      %add3A_872 = arith.constant 13 : i32
      %add3A_873 = arith.addi %mul3A_166, %add3A_872 : i32
      %get3A_874 = arith.index_cast %add3A_873 : i32 to index
      %get3A_875 = arith.constant 16 : index
      %get3A_876 = tpu.vector_load %arg11[%get3A_874, %get3A_875] {strides = array<i32>} : memref<128x64xf32, #tpu.memory_space<vmem>>, vector<16xf32>,
      %mul3A_877 = arith.mulf %get3A_871, %get3A_876 : vector<16xf32>
      %mul3A_878 = arith.mulf %mul3A_877, %get3A_5 : vector<16xf32>
      %add3A_879 = arith.addf %mul3A_866, %mul3A_878 : vector<16xf32>
      %add3A_880 = arith.constant 13 : i32
      %add3A_881 = arith.addi %mul3A_166, %add3A_880 : i32
      %get3A_882 = arith.index_cast %add3A_881 : i32 to index
      %get3A_883 = arith.constant 32 : index
      %get3A_884 = tpu.vector_load %arg10[%get3A_882, %get3A_883] {strides = array<i32>} : memref<128x64xf32, #tpu.memory_space<vmem>>, vector<16xf32>,
      %add3A_885 = arith.constant 13 : i32
      %add3A_886 = arith.addi %mul3A_166, %add3A_885 : i32
      %get3A_887 = arith.index_cast %add3A_886 : i32 to index
      %get3A_888 = arith.constant 32 : index
      %get3A_889 = tpu.vector_load %arg11[%get3A_887, %get3A_888] {strides = array<i32>} : memref<128x64xf32, #tpu.memory_space<vmem>>, vector<16xf32>,
      %mul3A_890 = arith.mulf %get3A_884, %get3A_889 : vector<16xf32>
      %mul3A_891 = arith.mulf %mul3A_890, %get3A_7 : vector<16xf32>
      %add3A_892 = arith.addf %add3A_879, %mul3A_891 : vector<16xf32>
      %add3A_893 = arith.constant 13 : i32
      %add3A_894 = arith.addi %mul3A_166, %add3A_893 : i32
      %get3A_895 = arith.index_cast %add3A_894 : i32 to index
      %get3A_896 = arith.constant 48 : index
      %get3A_897 = tpu.vector_load %arg10[%get3A_895, %get3A_896] {strides = array<i32>} : memref<128x64xf32, #tpu.memory_space<vmem>>, vector<16xf32>,
      %add3A_898 = arith.constant 13 : i32
      %add3A_899 = arith.addi %mul3A_166, %add3A_898 : i32
      %get3A_900 = arith.index_cast %add3A_899 : i32 to index
      %get3A_901 = arith.constant 48 : index
      %get3A_902 = tpu.vector_load %arg11[%get3A_900, %get3A_901] {strides = array<i32>} : memref<128x64xf32, #tpu.memory_space<vmem>>, vector<16xf32>,
      %mul3A_903 = arith.mulf %get3A_897, %get3A_902 : vector<16xf32>
      %mul3A_904 = arith.mulf %mul3A_903, %get3A_9 : vector<16xf32>
      %add3A_905 = arith.addf %add3A_892, %mul3A_904 : vector<16xf32>
      %swap3A_906 = arith.constant 208 : index
      %swap3A_907 = tpu.vector_load %arg13[%swap3A_906] {strides = array<i32>} : memref<256xf32, #tpu.memory_space<vmem>>, vector<16xf32>,
      tpu.vector_store %arg13[%swap3A_906], %add3A_905 {strides = array<i32>} : memref<256xf32, #tpu.memory_space<vmem>>, vector<16xf32>,
      %add3A_908 = arith.constant 14 : i32
      %add3A_909 = arith.addi %mul3A_166, %add3A_908 : i32
      %get3A_910 = arith.index_cast %add3A_909 : i32 to index
      %get3A_911 = arith.constant 0 : index
      %get3A_912 = tpu.vector_load %arg10[%get3A_910, %get3A_911] {strides = array<i32>} : memref<128x64xf32, #tpu.memory_space<vmem>>, vector<16xf32>,
      %add3A_913 = arith.constant 14 : i32
      %add3A_914 = arith.addi %mul3A_166, %add3A_913 : i32
      %get3A_915 = arith.index_cast %add3A_914 : i32 to index
      %get3A_916 = arith.constant 0 : index
      %get3A_917 = tpu.vector_load %arg11[%get3A_915, %get3A_916] {strides = array<i32>} : memref<128x64xf32, #tpu.memory_space<vmem>>, vector<16xf32>,
      %mul3A_918 = arith.mulf %get3A_912, %get3A_917 : vector<16xf32>
      %mul3A_919 = arith.mulf %mul3A_918, %get3A_3 : vector<16xf32>
      %add3A_920 = arith.constant 14 : i32
      %add3A_921 = arith.addi %mul3A_166, %add3A_920 : i32
      %get3A_922 = arith.index_cast %add3A_921 : i32 to index
      %get3A_923 = arith.constant 16 : index
      %get3A_924 = tpu.vector_load %arg10[%get3A_922, %get3A_923] {strides = array<i32>} : memref<128x64xf32, #tpu.memory_space<vmem>>, vector<16xf32>,
      %add3A_925 = arith.constant 14 : i32
      %add3A_926 = arith.addi %mul3A_166, %add3A_925 : i32
      %get3A_927 = arith.index_cast %add3A_926 : i32 to index
      %get3A_928 = arith.constant 16 : index
      %get3A_929 = tpu.vector_load %arg11[%get3A_927, %get3A_928] {strides = array<i32>} : memref<128x64xf32, #tpu.memory_space<vmem>>, vector<16xf32>,
      %mul3A_930 = arith.mulf %get3A_924, %get3A_929 : vector<16xf32>
      %mul3A_931 = arith.mulf %mul3A_930, %get3A_5 : vector<16xf32>
      %add3A_932 = arith.addf %mul3A_919, %mul3A_931 : vector<16xf32>
      %add3A_933 = arith.constant 14 : i32
      %add3A_934 = arith.addi %mul3A_166, %add3A_933 : i32
      %get3A_935 = arith.index_cast %add3A_934 : i32 to index
      %get3A_936 = arith.constant 32 : index
      %get3A_937 = tpu.vector_load %arg10[%get3A_935, %get3A_936] {strides = array<i32>} : memref<128x64xf32, #tpu.memory_space<vmem>>, vector<16xf32>,
      %add3A_938 = arith.constant 14 : i32
      %add3A_939 = arith.addi %mul3A_166, %add3A_938 : i32
      %get3A_940 = arith.index_cast %add3A_939 : i32 to index
      %get3A_941 = arith.constant 32 : index
      %get3A_942 = tpu.vector_load %arg11[%get3A_940, %get3A_941] {strides = array<i32>} : memref<128x64xf32, #tpu.memory_space<vmem>>, vector<16xf32>,
      %mul3A_943 = arith.mulf %get3A_937, %get3A_942 : vector<16xf32>
      %mul3A_944 = arith.mulf %mul3A_943, %get3A_7 : vector<16xf32>
      %add3A_945 = arith.addf %add3A_932, %mul3A_944 : vector<16xf32>
      %add3A_946 = arith.constant 14 : i32
      %add3A_947 = arith.addi %mul3A_166, %add3A_946 : i32
      %get3A_948 = arith.index_cast %add3A_947 : i32 to index
      %get3A_949 = arith.constant 48 : index
      %get3A_950 = tpu.vector_load %arg10[%get3A_948, %get3A_949] {strides = array<i32>} : memref<128x64xf32, #tpu.memory_space<vmem>>, vector<16xf32>,
      %add3A_951 = arith.constant 14 : i32
      %add3A_952 = arith.addi %mul3A_166, %add3A_951 : i32
      %get3A_953 = arith.index_cast %add3A_952 : i32 to index
      %get3A_954 = arith.constant 48 : index
      %get3A_955 = tpu.vector_load %arg11[%get3A_953, %get3A_954] {strides = array<i32>} : memref<128x64xf32, #tpu.memory_space<vmem>>, vector<16xf32>,
      %mul3A_956 = arith.mulf %get3A_950, %get3A_955 : vector<16xf32>
      %mul3A_957 = arith.mulf %mul3A_956, %get3A_9 : vector<16xf32>
      %add3A_958 = arith.addf %add3A_945, %mul3A_957 : vector<16xf32>
      %swap3A_959 = arith.constant 224 : index
      %swap3A_960 = tpu.vector_load %arg13[%swap3A_959] {strides = array<i32>} : memref<256xf32, #tpu.memory_space<vmem>>, vector<16xf32>,
      tpu.vector_store %arg13[%swap3A_959], %add3A_958 {strides = array<i32>} : memref<256xf32, #tpu.memory_space<vmem>>, vector<16xf32>,
      %add3A_961 = arith.constant 15 : i32
      %add3A_962 = arith.addi %mul3A_166, %add3A_961 : i32
      %get3A_963 = arith.index_cast %add3A_962 : i32 to index
      %get3A_964 = arith.constant 0 : index
      %get3A_965 = tpu.vector_load %arg10[%get3A_963, %get3A_964] {strides = array<i32>} : memref<128x64xf32, #tpu.memory_space<vmem>>, vector<16xf32>,
      %add3A_966 = arith.constant 15 : i32
      %add3A_967 = arith.addi %mul3A_166, %add3A_966 : i32
      %get3A_968 = arith.index_cast %add3A_967 : i32 to index
      %get3A_969 = arith.constant 0 : index
      %get3A_970 = tpu.vector_load %arg11[%get3A_968, %get3A_969] {strides = array<i32>} : memref<128x64xf32, #tpu.memory_space<vmem>>, vector<16xf32>,
      %mul3A_971 = arith.mulf %get3A_965, %get3A_970 : vector<16xf32>
      %mul3A_972 = arith.mulf %mul3A_971, %get3A_3 : vector<16xf32>
      %add3A_973 = arith.constant 15 : i32
      %add3A_974 = arith.addi %mul3A_166, %add3A_973 : i32
      %get3A_975 = arith.index_cast %add3A_974 : i32 to index
      %get3A_976 = arith.constant 16 : index
      %get3A_977 = tpu.vector_load %arg10[%get3A_975, %get3A_976] {strides = array<i32>} : memref<128x64xf32, #tpu.memory_space<vmem>>, vector<16xf32>,
      %add3A_978 = arith.constant 15 : i32
      %add3A_979 = arith.addi %mul3A_166, %add3A_978 : i32
      %get3A_980 = arith.index_cast %add3A_979 : i32 to index
      %get3A_981 = arith.constant 16 : index
      %get3A_982 = tpu.vector_load %arg11[%get3A_980, %get3A_981] {strides = array<i32>} : memref<128x64xf32, #tpu.memory_space<vmem>>, vector<16xf32>,
      %mul3A_983 = arith.mulf %get3A_977, %get3A_982 : vector<16xf32>
      %mul3A_984 = arith.mulf %mul3A_983, %get3A_5 : vector<16xf32>
      %add3A_985 = arith.addf %mul3A_972, %mul3A_984 : vector<16xf32>
      %add3A_986 = arith.constant 15 : i32
      %add3A_987 = arith.addi %mul3A_166, %add3A_986 : i32
      %get3A_988 = arith.index_cast %add3A_987 : i32 to index
      %get3A_989 = arith.constant 32 : index
      %get3A_990 = tpu.vector_load %arg10[%get3A_988, %get3A_989] {strides = array<i32>} : memref<128x64xf32, #tpu.memory_space<vmem>>, vector<16xf32>,
      %add3A_991 = arith.constant 15 : i32
      %add3A_992 = arith.addi %mul3A_166, %add3A_991 : i32
      %get3A_993 = arith.index_cast %add3A_992 : i32 to index
      %get3A_994 = arith.constant 32 : index
      %get3A_995 = tpu.vector_load %arg11[%get3A_993, %get3A_994] {strides = array<i32>} : memref<128x64xf32, #tpu.memory_space<vmem>>, vector<16xf32>,
      %mul3A_996 = arith.mulf %get3A_990, %get3A_995 : vector<16xf32>
      %mul3A_997 = arith.mulf %mul3A_996, %get3A_7 : vector<16xf32>
      %add3A_998 = arith.addf %add3A_985, %mul3A_997 : vector<16xf32>
      %add3A_999 = arith.constant 15 : i32
      %add3A_1000 = arith.addi %mul3A_166, %add3A_999 : i32
      %get3A_1001 = arith.index_cast %add3A_1000 : i32 to index
      %get3A_1002 = arith.constant 48 : index
      %get3A_1003 = tpu.vector_load %arg10[%get3A_1001, %get3A_1002] {strides = array<i32>} : memref<128x64xf32, #tpu.memory_space<vmem>>, vector<16xf32>,
      %add3A_1004 = arith.constant 15 : i32
      %add3A_1005 = arith.addi %mul3A_166, %add3A_1004 : i32
      %get3A_1006 = arith.index_cast %add3A_1005 : i32 to index
      %get3A_1007 = arith.constant 48 : index
      %get3A_1008 = tpu.vector_load %arg11[%get3A_1006, %get3A_1007] {strides = array<i32>} : memref<128x64xf32, #tpu.memory_space<vmem>>, vector<16xf32>,
      %mul3A_1009 = arith.mulf %get3A_1003, %get3A_1008 : vector<16xf32>
      %mul3A_1010 = arith.mulf %mul3A_1009, %get3A_9 : vector<16xf32>
      %add3A_1011 = arith.addf %add3A_998, %mul3A_1010 : vector<16xf32>
      %swap3A_1012 = arith.constant 240 : index
      %swap3A_1013 = tpu.vector_load %arg13[%swap3A_1012] {strides = array<i32>} : memref<256xf32, #tpu.memory_space<vmem>>, vector<16xf32>,
      tpu.vector_store %arg13[%swap3A_1012], %add3A_1011 {strides = array<i32>} : memref<256xf32, #tpu.memory_space<vmem>>, vector<16xf32>,
      %gather3A = tpu.vector_load_idx %arg13[%add3A_17] : memref<256xf32, #tpu.memory_space<vmem>>[vector<16xi32>], vector<16xf32>,
      %gather3A_1014 = tpu.vector_load_idx %arg13[%add3A_20] : memref<256xf32, #tpu.memory_space<vmem>>[vector<16xi32>], vector<16xf32>,
      %gather3A_1015 = tpu.vector_load_idx %arg13[%add3A_23] : memref<256xf32, #tpu.memory_space<vmem>>[vector<16xi32>], vector<16xf32>,
      %gather3A_1016 = tpu.vector_load_idx %arg13[%add3A_26] : memref<256xf32, #tpu.memory_space<vmem>>[vector<16xi32>], vector<16xf32>,
      %gather3A_1017 = tpu.vector_load_idx %arg13[%add3A_29] : memref<256xf32, #tpu.memory_space<vmem>>[vector<16xi32>], vector<16xf32>,
      %gather3A_1018 = tpu.vector_load_idx %arg13[%add3A_32] : memref<256xf32, #tpu.memory_space<vmem>>[vector<16xi32>], vector<16xf32>,
      %gather3A_1019 = tpu.vector_load_idx %arg13[%add3A_35] : memref<256xf32, #tpu.memory_space<vmem>>[vector<16xi32>], vector<16xf32>,
      %gather3A_1020 = tpu.vector_load_idx %arg13[%add3A_38] : memref<256xf32, #tpu.memory_space<vmem>>[vector<16xi32>], vector<16xf32>,
      %gather3A_1021 = tpu.vector_load_idx %arg13[%add3A_41] : memref<256xf32, #tpu.memory_space<vmem>>[vector<16xi32>], vector<16xf32>,
      %gather3A_1022 = tpu.vector_load_idx %arg13[%add3A_44] : memref<256xf32, #tpu.memory_space<vmem>>[vector<16xi32>], vector<16xf32>,
      %gather3A_1023 = tpu.vector_load_idx %arg13[%add3A_47] : memref<256xf32, #tpu.memory_space<vmem>>[vector<16xi32>], vector<16xf32>,
      %gather3A_1024 = tpu.vector_load_idx %arg13[%add3A_50] : memref<256xf32, #tpu.memory_space<vmem>>[vector<16xi32>], vector<16xf32>,
      %gather3A_1025 = tpu.vector_load_idx %arg13[%add3A_53] : memref<256xf32, #tpu.memory_space<vmem>>[vector<16xi32>], vector<16xf32>,
      %gather3A_1026 = tpu.vector_load_idx %arg13[%add3A_56] : memref<256xf32, #tpu.memory_space<vmem>>[vector<16xi32>], vector<16xf32>,
      %gather3A_1027 = tpu.vector_load_idx %arg13[%add3A_59] : memref<256xf32, #tpu.memory_space<vmem>>[vector<16xi32>], vector<16xf32>,
      %gather3A_1028 = tpu.vector_load_idx %arg13[%add3A_62] : memref<256xf32, #tpu.memory_space<vmem>>[vector<16xi32>], vector<16xf32>,
      %add3A_1029 = arith.addf %gather3A, %gather3A_1014 : vector<16xf32>
      %add3A_1030 = arith.addf %gather3A_1015, %gather3A_1016 : vector<16xf32>
      %add3A_1031 = arith.addf %gather3A_1017, %gather3A_1018 : vector<16xf32>
      %add3A_1032 = arith.addf %gather3A_1019, %gather3A_1020 : vector<16xf32>
      %add3A_1033 = arith.addf %gather3A_1021, %gather3A_1022 : vector<16xf32>
      %add3A_1034 = arith.addf %gather3A_1023, %gather3A_1024 : vector<16xf32>
      %add3A_1035 = arith.addf %gather3A_1025, %gather3A_1026 : vector<16xf32>
      %add3A_1036 = arith.addf %gather3A_1027, %gather3A_1028 : vector<16xf32>
      %add3A_1037 = arith.addf %add3A_1029, %add3A_1030 : vector<16xf32>
      %add3A_1038 = arith.addf %add3A_1031, %add3A_1032 : vector<16xf32>
      %add3A_1039 = arith.addf %add3A_1033, %add3A_1034 : vector<16xf32>
      %add3A_1040 = arith.addf %add3A_1035, %add3A_1036 : vector<16xf32>
      %add3A_1041 = arith.addf %add3A_1037, %add3A_1038 : vector<16xf32>
      %add3A_1042 = arith.addf %add3A_1039, %add3A_1040 : vector<16xf32>
      %add3A_1043 = arith.addf %add3A_1041, %add3A_1042 : vector<16xf32>
      %add3A_1044 = arith.addf %add3A_1043, %get3A_11 : vector<16xf32>
      %neg3A = arith.constant 0.000000e+00 : f32
      %neg3A_1045 = vector.broadcast %neg3A : f32 to vector<16xf32>
      %neg3A_1046 = arith.subf %neg3A_1045, %add3A_1044 : vector<16xf32>
      %exp3A = math.exp %neg3A_1046 : vector<16xf32>
      %add3A_1047 = arith.constant 1.000000e+00 : f32
      %add3A_1048 = vector.broadcast %add3A_1047 : f32 to vector<16xf32>
      %add3A_1049 = arith.addf %add3A_1048, %exp3A : vector<16xf32>
      %div3A = arith.constant 1.000000e+00 : f32
      %div3A_1050 = vector.broadcast %div3A : f32 to vector<16xf32>
      %div3A_1051 = arith.divf %div3A_1050, %add3A_1049 : vector<16xf32>
      %add3A_1052 = arith.constant 384 : i32
      %add3A_1053 = arith.addi %add3A_1052, %mul3A_166 : i32
      %swap3A_1054 = arith.index_cast %add3A_1053 : i32 to index
      %swap3A_1055 = tpu.vector_load %arg12[%swap3A_1054] {strides = array<i32>} : memref<512xf32, #tpu.memory_space<vmem>>, vector<16xf32>,
      tpu.vector_store %arg12[%swap3A_1054], %div3A_1051 {strides = array<i32>} : memref<512xf32, #tpu.memory_space<vmem>>, vector<16xf32>,
    }
    %scan3A_163 = arith.constant 8 : i32
    "tpu.region"() ({
      %run_scoped3A = tpu.sem_alloc : memref<!tpu.dma_semaphore, #tpu.memory_space<semaphore_mem>>
      %dma_start3A_164 = tpu.memref_slice %arg7[%mul3A_2] : memref<16384xf32, #tpu.memory_space<hbm>> -> memref<512xf32, #tpu.memory_space<hbm>>
      %dma_start3A_165 = tpu.memref_slice %arg7[%mul3A_2] : memref<16384xf32, #tpu.memory_space<hbm>> -> memref<512xf32, #tpu.memory_space<hbm>>
      tpu.enqueue_dma source(%arg12 : memref<512xf32, #tpu.memory_space<vmem>>) target(%dma_start3A_165 : memref<512xf32, #tpu.memory_space<hbm>>) target_semaphore(%run_scoped3A : memref<!tpu.dma_semaphore, #tpu.memory_space<semaphore_mem>>)
      %dma_wait3A_166 = tpu.memref_slice %arg7[%mul3A_2] : memref<16384xf32, #tpu.memory_space<hbm>> -> memref<512xf32, #tpu.memory_space<hbm>>
      %dma_wait3A_167 = tpu.memref_slice %arg7[%mul3A_2] : memref<16384xf32, #tpu.memory_space<hbm>> -> memref<512xf32, #tpu.memory_space<hbm>>
      tpu.wait_dma2 semaphore(%run_scoped3A : memref<!tpu.dma_semaphore, #tpu.memory_space<semaphore_mem>>) src(%arg12 : memref<512xf32, #tpu.memory_space<vmem>>) dst(%dma_wait3A_167 : memref<512xf32, #tpu.memory_space<hbm>>)
      tpu.yield
    }) : () -> ()
    return
  }
}

</mosaic_0001>

<sc_bundles>
// kernel: kernel.3.cloned.1.call-start
scs
__scs_entry_jumppad:
0x0: {  	(pc) =	sbr.rel $0x88, $3  }
0x1: {  	(tag) =	ssettag $0x0;
	lr =	simm.s32 $0x1  }
0x2: {  	[smem:$0x3F9C] =	sst lr;
	_ =	strace $0xD0000000  }
0x3: {  	_ = 	snop  }
0x4: {  	_ = 	snop  }
0x5: {  	_ = 	snop  }
0x6: {  	_ = 	snop  }
0x7: {  	_ = 	snop  }
__scs_overlays_trampoline_lowered:
0x8: {  	[smem:$0x3FAB] =	sst s0  }
0x9: {  	[smem:$0x3FAC] =	sst s1  }
0xa: {  	[smem:$0x3FAD] =	sst s2  }
0xb: {  	[smem:$0x3FAE] =	sst s3  }
0xc: {  	[smem:$0x3FAF] =	sst s4  }
0xd: {  	[smem:$0x3FB0] =	sst s5  }
0xe: {  	[smem:$0x3FB1] =	sst s6  }
0xf: {  	[smem:$0x3FB2] =	sst s7  }
0x10: {  	[smem:$0x3FB3] =	sst s8  }
0x11: {  	[smem:$0x3FB4] =	sst s9;
	s0 =	simm.s32 @!p0 $0x0  }
0x12: {  	s1 =	sld [smem:$0x3F9A];
	s0 =	simm.s32 @p0 $0x1  }
0x13: {  	[smem:$0x3FB5] =	sst s0;
	s0 =	simm.s32 @!p1 $0x0  }
0x14: {  	s2 =	sld [smem:$0x3F99];
	s0 =	simm.s32 @p1 $0x1  }
0x15: {  	[smem:$0x3FB6] =	sst s0;
	s0 =	simm.s32 @!p2 $0x0  }
0x16: {  	s3 =	sld [smem:$0x3FDB];
	s0 =	simm.s32 @p2 $0x1  }
0x17: {  	s4 =	simm.s32 $0x1BF5;
	[smem:$0x3FB8] =	sst s0  }
0x18: {  	s0 =	sld [smem:$0x3F9B];
	_ =	swait.ge [sflag:s4], $0x0  }
0x19: {  	s7 =	sld [smem:$0x3F9C]  }
0x1a: {  	s8 =	sadd.s32 $0xFFFFE003, lr  }
0x1b: {  	s9 =	sadd.s32 $0xFFFFFEF7, lr;
	s5 =	simm.s32 $0xFFFFFFFF;
	p2 =	slt.u32 s8, $0xFFFFF086  }
0x1c: {  	p1 =	slt.u32 s9, $0xF7A;
	s5 =	simm.s32 @!p2 $0x0  }
0x1d: {  	s5 =	simm.s32 @p1 $0x1;
	p0 =	seq.s32 s7, s2  }
0x1e: {  	s7 =	smul.u32 @!p0 $0xF7A, s2;
	p2 =	seq.s32 @!p0 s5, $0x0  }
0x1f: {  	s9 =	smul.u32 $0xF7A, s1;
	s8 =	simm.s32 @!p0 $0x1BF5;
	p2 =	por !p2, p0  }
0x20: {  	[sflag:s8] =	ssyncset.s32 @!p0 $0xFFFFF086;
	s6 =	sadd.s32 @!p0 s3, s7;
	s7 =	simm.s32 @!p0 $0x108  }
0x21: {  	s3 =	sadd.s32 s3, s9;
	s6 =	sadd.s32 @!p0 $0x88, s6;
	s7 =	simm.s32 @p2 $0x1082  }
0x22: {  	[simem:s7], [sflag:s8] =	dma.local @!p0 [hbm:s6], $0xF7A  }
0x23: {  	s9 =	sor.u32 $0xD0000000, s2;
	s6 =	simm.s32 $0x108;
	_ =	swait.ge @!p0 [sflag:s8], $0x0  }
0x24: {  	s3 =	sadd.s32 $0x88, s3;
	s6 =	simm.s32 @!p1 $0x1082;
	[sflag:s4] =	ssyncset.s32 $0xFFFFF086  }
0x25: {  	[simem:s6], [sflag:s4] =	dma.local [hbm:s3], $0xF7A  }
0x26: {  	[smem:$0x3F9C] =	sst s1;
	(tag) =	ssettag s2;
	_ =	strace s9  }
0x27: {  	s1 =	sld [smem:$0x3FAC]  }
0x28: {  	s2 =	sld [smem:$0x3FAD]  }
0x29: {  	s4 =	sld [smem:$0x3FAF]  }
0x2a: {  	p0 =	seq.s32 s5, $0x0;
	s5 =	sld [smem:$0x3FB0]  }
0x2b: {  	s6 =	sld [smem:$0x3FB1]  }
0x2c: {  	s7 =	sld [smem:$0x3FB2]  }
0x2d: {  	s3 =	simm.s32 $0x108;
	s8 =	sld [smem:$0x3FB3]  }
0x2e: {  	s3 =	simm.s32 @!p0 $0x1082;
	s9 =	sld [smem:$0x3FB4]  }
0x2f: {  	lr =	sadd.s32 s0, s3;
	s0 =	sld [smem:$0x3FAB]  }
0x30: {  	s3 =	sld [smem:$0x3FAE]  }
0x31: {  	[smem:$0x3FB7] =	sst s10  }
0x32: {  	s10 =	sld [smem:$0x3FB5];
	_ =	sdelay $0x3  }
0x33: {  	p0 =	seq.s32 s10, $0x1;
	s10 =	sld [smem:$0x3FB7];
	_ =	sdelay $0x3  }
0x34: {  	[smem:$0x3FB7] =	sst s10  }
0x35: {  	s10 =	sld [smem:$0x3FB6];
	_ =	sdelay $0x3  }
0x36: {  	p1 =	seq.s32 s10, $0x1;
	s10 =	sld [smem:$0x3FB7];
	_ =	sdelay $0x3  }
0x37: {  	[smem:$0x3FB7] =	sst s10  }
0x38: {  	s10 =	sld [smem:$0x3FB8]  }
0x39: {  	_ = 	snop;
	(pc) =	sbr.ind lr, $3  }
0x3a: {  	_ = 	snop  }
0x3b: {  	_ = 	snop  }
0x3c: {  	p2 =	seq.s32 s10, $0x1;
	s10 =	sld [smem:$0x3FB7]  }
0x3d: {  	_ =	shalt  }
0x3e: {  	_ =	shalt  }
0x3f: {  	_ =	shalt  }
0x40: {  	_ =	shalt  }
0x41: {  	_ =	shalt  }
0x42: {  	_ =	shalt  }
0x43: {  	_ =	shalt  }
0x44: {  	_ =	shalt  }
0x45: {  	_ =	shalt  }
0x46: {  	_ =	shalt  }
0x47: {  	_ =	shalt  }
0x48: {  	_ =	shalt  }
0x49: {  	_ =	shalt  }
0x4a: {  	_ =	shalt  }
0x4b: {  	_ =	shalt  }
0x4c: {  	_ =	shalt  }
0x4d: {  	_ =	shalt  }
0x4e: {  	_ =	shalt  }
0x4f: {  	_ =	shalt  }
0x50: {  	_ =	shalt  }
0x51: {  	_ =	shalt  }
0x52: {  	_ =	shalt  }
0x53: {  	_ =	shalt  }
0x54: {  	_ =	shalt  }
0x55: {  	_ =	shalt  }
0x56: {  	_ =	shalt  }
0x57: {  	_ =	shalt  }
0x58: {  	_ =	shalt  }
0x59: {  	_ =	shalt  }
0x5a: {  	_ =	shalt  }
0x5b: {  	_ =	shalt  }
0x5c: {  	_ =	shalt  }
0x5d: {  	_ =	shalt  }
0x5e: {  	_ =	shalt  }
0x5f: {  	_ =	shalt  }
0x60: {  	_ =	shalt  }
0x61: {  	_ =	shalt  }
0x62: {  	_ =	shalt  }
0x63: {  	_ =	shalt  }
0x64: {  	_ =	shalt  }
0x65: {  	_ =	shalt  }
0x66: {  	_ =	shalt  }
0x67: {  	_ =	shalt  }
0x68: {  	_ =	shalt  }
0x69: {  	_ =	shalt  }
0x6a: {  	_ =	shalt  }
0x6b: {  	_ =	shalt  }
0x6c: {  	_ =	shalt  }
0x6d: {  	_ =	shalt  }
0x6e: {  	_ =	shalt  }
0x6f: {  	_ =	shalt  }
0x70: {  	_ =	shalt  }
0x71: {  	_ =	shalt  }
0x72: {  	_ =	shalt  }
0x73: {  	_ =	shalt  }
0x74: {  	_ =	shalt  }
0x75: {  	_ =	shalt  }
0x76: {  	_ =	shalt  }
0x77: {  	_ =	shalt  }
0x78: {  	_ =	shalt  }
0x79: {  	_ =	shalt  }
0x7a: {  	_ =	shalt  }
0x7b: {  	_ =	shalt  }
0x7c: {  	_ =	shalt  }
0x7d: {  	_ =	shalt  }
0x7e: {  	_ =	shalt  }
0x7f: {  	_ =	shalt  }
0x80: {  	_ =	shalt  }
0x81: {  	_ =	shalt  }
0x82: {  	_ =	shalt  }
0x83: {  	_ =	shalt  }
0x84: {  	_ =	shalt  }
0x85: {  	_ =	shalt  }
0x86: {  	_ =	shalt  }
0x87: {  	_ =	shalt  }
.Lfunc_end0:
.L_simem_size_0:
called_computation_lowered:
.L_overlay_start_0:
0x88: {  	s2 =	sld [smem:$0x3FD9]  }
0x89: {  	s3 =	sld [smem:$0x3FFE];
	_ =	sdelay $0x1  }
0x8a: {  	s1 =	srdreg.scid  }
0x8b: {  	s0 =	sand.u32 $0x1, s1  }
0x8c: {  	s17 =	sshll.u32 s0, $0xA;
	s2 =	sadd.s32 s3, s2  }
0x8d: {  	s2 =	sadd.s32 s2, s17  }
0x8e: {  	[smem:$0x3FC3] =	sst s2  }
0x8f: {  	_ = 	snop  }
0x90: {  	s2 =	sld [smem:$0x3FD0];
	(tm) =	ssettm $0x1  }
0x91: {  	s18 =	sld [smem:$0x3FFB];
	_ =	sdelay $0x3  }
0x92: {  	_ =	strace s18  }
0x93: {  	s3 =	sld [smem:$0x3FFC];
	_ =	sdelay $0x3  }
0x94: {  	_ =	strace s3  }
0x95: {  	s3 =	sld [smem:$0x3FFD];
	_ =	sdelay $0x3  }
0x96: {  	_ =	strace s3  }
0x97: {  	_ =	strace $0x8FFFFFFF  }
0x98: {  	s19 =	sld [smem:$0x3FDB];
	_ =	sdelay $0x1  }
0x99: {  	s4 =	simm.s32 $_scs_section_size  }
0x9a: {  	s5 =	simm.s32 $_size__tile_overlayer_lowered;
	s6 =	simm.s32 $_tile_overlayer_lowered  }
0x9b: {  	s22 =	simm.s32 $0x1BFF;
	s21 =	sshll.u32 s6, $0x1;
	s3 =	sadd.s32 s4, s19  }
0x9c: {  	s7 =	simm.s32 $0x0;
	s20 =	sshll.u32 s5, $0x1;
	s5 =	sadd.s32 s21, s3  }
0x9d: {  	[timem:s7], [sflag:s22] =	dma.local [hbm:s5], s20  }
0x9e: {  	_ =	swait.ge [sflag:s22], s20  }
0x9f: {  	s4 =	ssub.s32 $0x0, s20;
	[sflag:s22] =	ssyncset.done $0x0  }
0xa0: {  	[sflag:s22] =	ssyncadd.s32 s4;
	_ =	sdelay $0x1  }
0xa1: {  	s23 =	simm.s32 $0x1B8B  }
0xa2: {  	_ =	swait.ge [sflag:s23], $0x1  }
0xa3: {  	[sflag:s23] =	ssyncset.done $0x0  }
0xa4: {  	s25 =	simm.s32 $0x1B8E;
	s24 =	sld [smem:$0x3FFE];
	[sflag:s23] =	ssyncadd.s32 $0xFFFFFFFF  }
0xa5: {  	s26 =	simm.s32 $execute0_lowered;
	[smem:$0x3FD2] =	sst s25  }
0xa6: {  	s5 =	sshll.u32 s26, $0x1;
	_ =	strace $0x80000046;
	[dreg:$0x1] =	wrdreg $0xFFFFFFFF  }
0xa7: {  	s28 =	simm.s32 $_size_execute0_lowered;
	s3 =	sadd.s32 s3, s5;
	[dreg:$0x0] =	wrdreg $0x0  }
0xa8: {  	s5 =	sshll.u32 s28, $0x1;
	[dreg:$0x2] =	wrdreg s3  }
0xa9: {  	[dreg:$0x3] =	wrdreg s5  }
0xaa: {  	[dreg:$0x4] =	wrdreg $0xC0  }
0xab: {  	_ =	task [dreg:s7], $0x5FFFF  }
0xac: {  	[dreg:$0x1] =	wrdreg $0xFFFFFFFF  }
0xad: {  	[dreg:$0x0] =	wrdreg $0x60  }
0xae: {  	[dreg:$0x2] =	wrdreg s24  }
0xaf: {  	[dreg:$0x3] =	wrdreg s2  }
0xb0: {  	[dreg:$0x4] =	wrdreg $0x9  }
0xb1: {  	_ =	task.clear_ibuf [dreg:s7], $0x5FFFF;
	_ =	strace $0x90000046  }
0xb2: {  	s29 =	simm.s32 $0x9;
	_ =	strace $0x80000048  }
0xb3: {  	_ =	swait.ge [sflag:s29], $0x1  }
0xb4: {  	[sflag:s29] =	ssyncadd.s32 $0xFFFFFFFF  }
0xb5: {  	_ =	strace $0x90000048  }
0xb6: {  	_ =	sfence  }
0xb7: {  	s30 =	sld [smem:$0x0];
	_ =	sdelay $0x2  }
0xb8: {  	s31 =	sshll.u32 s1, $0xD;
	s1 =	sshrl.u32 s1, $0x2  }
0xb9: {  	s3 =	sand.u32 $0x4000, s31;
	s1 =	sadd.s32 s1, s30  }
0xba: {  	s0 =	sor.u32 s3, s0;
	s1 =	sshll.u32 s1, $0x11  }
0xbb: {  	s0 =	sor.u32 s1, s0  }
0xbc: {  	s0 =	sadd.s32 $0x8F2B, s0  }
0xbd: {  	[sflag:s0] =	ssyncadd.remote.s32 $0x1  }
0xbe: {  	_ =	sfence.sel $0xFFFF  }
0xbf: {  	[dreg:$0x0] =	wrdreg $0xFFFFFFFF;
	(pc) =	sbr.abs _section_cstart, $3  }
0xc0: {  	[dreg:$0x1] =	wrdreg $0xFFFFFFFF  }
0xc1: {  	_ =	task.clear_ibuf [dreg:s7], $0x2FFFF;
	_ =	strace $0x9FFFFFFF  }
0xc2: {  	(tm) =	ssettm $0x7FFFFFFF  }
0xc3: {  	_ =	shalt  }
tec
execute0_lowered:
.L_overlay_start_1:
0x0: {  	(tag) =	ssettag $0x1  }
0x1: {  	s5 =	rddreg [dreg:$0x0]  }
0x2: {  	s8 =	rddreg [dreg:$0x1]  }
0x3: {  	s0 =	rddreg [dreg:$0x2]  }
0x4: {  	s3 =	srdreg.scid;
	s2 =	simm.s32 $0x0;
	s1 =	stileid.u32  }
0x5: {  	s11 =	simm.s32 $0x200;
	s12 =	simm.s32 $0x4700;
	s13 =	simm.s32 $0x80  }
0x6: {  	s14 =	simm.s32 $0x400;
	s15 =	simm.s32 $0x2400;
	s16 =	simm.s32 $0x1  }
0x7: {  	s17 =	simm.s32 $0x2;
	s18 =	simm.s32 $0x4600;
	s19 =	simm.s32 $0x280  }
0x8: {  	v0 =	vlaneseq.u32;
	s20 =	simm.s32 $0x100;
	s21 =	simm.s32 $0x300;
	s22 =	simm.s32 $0x180  }
0x9: {  	s23 =	simm.s32 $0x380;
	s24 =	simm.s32 $0x4400;
	s25 =	simm.s32 $0x0;
	v0 =	vmul.u32 $0x10, v0  }
0xa: {  	s4 =	sand.u32 $0x1, s3;
	[smem:$0x7FF] =	sst s2;
	s30 =	sshll.u32 s1, $0x7  }
0xb: {  	s3 =	sadd.s32 $0x24D400, s5;
	s6 =	sshll.u32 s4, $0x6;
	_ =	strace $0x80000047;
	v1 =	vor.u32 $0x1, v0;
	v2 =	vor.u32 $0x2, v0;
	v3 =	vor.u32 $0x3, v0  }
0xc: {  	s31 =	ssub.s32 $0x2, s4;
	s4 =	sadd.s32 $0x189E00, s5;
	s9 =	sor.u32 s6, s30;
	v4 =	vor.u32 $0x4, v0;
	v5 =	vor.u32 $0x5, v0;
	v6 =	vor.u32 $0x6, v0  }
0xd: {  	s10 =	sshrl.u32 s31, $0x1;
	v7 =	vor.u32 $0x7, v0;
	v8 =	vor.u32 $0x8, v0;
	v9 =	vor.u32 $0x9, v0;
	s7 =	sadd.s32 s9, s5;
	s5 =	sadd.s32 $0x3400, s5  }
0xe: {  	v10 =	vor.u32 $0xA, v0;
	v11 =	vor.u32 $0xB, v0;
	v12 =	vor.u32 $0xC, v0;
	s10 =	ssub.s32 s31, s10;
	s8 =	sadd.s32 s8, s9;
	s6 =	sadd.s32 $0x2C00, s7  }
0xf: {  	v13 =	vor.u32 $0xD, v0;
	v14 =	vor.u32 $0xE, v0;
	v15 =	vor.u32 $0xF, v0;
	s7 =	sadd.s32 $0x2400, s7;
	s9 =	smax.u32 s10, $0x1;
	s10 =	simm.s32 $0x3  }
.LBB2_1:
0x10: {  	[tilespmem:s2], [sflag:$0x3] =	stream.linear.gather [hbm4b:s6+s2], $0x200, $0x38;
	[tilespmem:$0x4750] =	vst v63  }
0x11: {  	_ =	swait.ge [sflag:s10], $0x200  }
0x12: {  	[sflag:s10] =	ssyncset.done $0x0  }
0x13: {  	[sflag:s10] =	ssyncadd.s32 $0xFFFFFE00  }
0x14: {  	[tilespmem:s11], [sflag:$0x3] =	stream.linear.gather [hbm4b:s7+s2], $0x200, $0x38;
	[tilespmem:$0x4750] =	vst v63  }
0x15: {  	_ =	swait.ge [sflag:s10], $0x200  }
0x16: {  	[sflag:s10] =	ssyncset.done $0x0  }
0x17: {  	[sflag:s10] =	ssyncadd.s32 $0xFFFFFE00  }
0x18: {  	[tilespmem:s12], [sflag:$0x3] =	stream.linear.gather [hbm4b:s5+s2], $0x50, $0x38;
	[tilespmem:$0x4750] =	vst v63  }
0x19: {  	_ =	swait.ge [sflag:s10], $0x50  }
0x1a: {  	[sflag:s10] =	ssyncset.done $0x0  }
0x1b: {  	[sflag:s10] =	ssyncadd.s32 $0xFFFFFFB0  }
0x1c: {  	v16 =	vld [tilespmem:$0x4700]  }
0x1d: {  	v17 =	vld [tilespmem:$0x4710]  }
0x1e: {  	v18 =	vld [tilespmem:$0x4720]  }
0x1f: {  	v19 =	vld [tilespmem:$0x4730]  }
0x20: {  	v20 =	vld [tilespmem:$0x4740];
	[tilespmem:s14], [sflag:$0x1] =	stream.indirect.gather [hbm4b:s3+s13], $0x40, s2, s13, $0xb8  }
0x21: {  	_ = 	snop  }
0x22: {  	[tilespmem:s15], [sflag:$0x2] =	stream.indirect.gather [hbm4b:s4+s13], $0x40, s11, s13, $0xb8;
	[tilespmem:$0x4750] =	vst v63  }
0x23: {  	_ =	swait.ge [sflag:s16], $0x2000  }
0x24: {  	[sflag:s16] =	ssyncset.done $0x0  }
0x25: {  	[sflag:s16] =	ssyncadd.s32 $0xFFFFE000  }
0x26: {  	_ =	swait.ge [sflag:s17], $0x2000  }
0x27: {  	[sflag:s17] =	ssyncset.done $0x0  }
0x28: {  	s26 =	simm.s32 $0x4400;
	s28 =	simm.s32 $0x0;
	[sflag:s17] =	ssyncadd.s32 $0xFFFFE000  }
.LBB2_2:
0x29: {  	s29 =	sshra.s32 s28, $0x2  }
0x2a: {  	v21 =	vld [tilespmem:s29+$0x400]  }
0x2b: {  	v22 =	vld [tilespmem:s29+$0x2400]  }
0x2c: {  	v23 =	vld [tilespmem:s29+$0x410]  }
0x2d: {  	v24 =	vld [tilespmem:s29+$0x2410]  }
0x2e: {  	v25 =	vld [tilespmem:s29+$0x420]  }
0x2f: {  	v26 =	vld [tilespmem:s29+$0x2420];
	_ =	sdelay $0x1  }
0x30: {  	v27 =	vld [tilespmem:s29+$0x430]  }
0x31: {  	v21 =	vmul.f32 v22, v21;
	v22 =	vld [tilespmem:s29+$0x2430]  }
0x32: {  	v23 =	vmul.f32 v24, v23  }
0x33: {  	v46 =	vmul.f32 v26, v25  }
0x34: {  	v21 =	vmul.f32 v21, v16;
	v23 =	vmul.f32 v23, v17;
	_ =	sdelay $0x1  }
0x35: {  	v21 =	vadd.f32 v23, v21;
	v23 =	vmul.f32 v46, v18;
	v22 =	vmul.f32 v22, v27;
	_ =	sdelay $0x1  }
0x36: {  	v21 =	vadd.f32 v23, v21;
	v22 =	vmul.f32 v22, v19;
	_ =	sdelay $0x1  }
0x37: {  	v21 =	vadd.f32 v22, v21;
	_ =	sdelay $0x1  }
0x38: {  	[tilespmem:$0x4600] =	vst v21  }
0x39: {  	v21 =	vld [tilespmem:s29+$0x440]  }
0x3a: {  	v22 =	vld [tilespmem:s29+$0x2440]  }
0x3b: {  	v23 =	vld [tilespmem:s29+$0x450]  }
0x3c: {  	v47 =	vld [tilespmem:s29+$0x2450]  }
0x3d: {  	v48 =	vld [tilespmem:s29+$0x460]  }
0x3e: {  	v49 =	vld [tilespmem:s29+$0x2460];
	_ =	sdelay $0x1  }
0x3f: {  	v50 =	vld [tilespmem:s29+$0x470]  }
0x40: {  	v21 =	vmul.f32 v22, v21;
	v22 =	vld [tilespmem:s29+$0x2470]  }
0x41: {  	v23 =	vmul.f32 v47, v23  }
0x42: {  	v51 =	vmul.f32 v49, v48  }
0x43: {  	v21 =	vmul.f32 v21, v16;
	v23 =	vmul.f32 v23, v17;
	_ =	sdelay $0x1  }
0x44: {  	v21 =	vadd.f32 v23, v21;
	v23 =	vmul.f32 v51, v18;
	v22 =	vmul.f32 v22, v50;
	_ =	sdelay $0x1  }
0x45: {  	v21 =	vadd.f32 v23, v21;
	v22 =	vmul.f32 v22, v19;
	_ =	sdelay $0x1  }
0x46: {  	v21 =	vadd.f32 v22, v21;
	_ =	sdelay $0x1  }
0x47: {  	[tilespmem:$0x4610] =	vst v21  }
0x48: {  	v21 =	vld [tilespmem:s29+$0x480]  }
0x49: {  	v22 =	vld [tilespmem:s29+$0x2480]  }
0x4a: {  	v23 =	vld [tilespmem:s29+$0x490]  }
0x4b: {  	v52 =	vld [tilespmem:s29+$0x2490]  }
0x4c: {  	v53 =	vld [tilespmem:s29+$0x4A0]  }
0x4d: {  	v54 =	vld [tilespmem:s29+$0x24A0];
	_ =	sdelay $0x1  }
0x4e: {  	v55 =	vld [tilespmem:s29+$0x4B0]  }
0x4f: {  	v21 =	vmul.f32 v22, v21;
	v22 =	vld [tilespmem:s29+$0x24B0]  }
0x50: {  	v23 =	vmul.f32 v52, v23  }
0x51: {  	v56 =	vmul.f32 v54, v53  }
0x52: {  	v21 =	vmul.f32 v21, v16;
	v23 =	vmul.f32 v23, v17;
	_ =	sdelay $0x1  }
0x53: {  	v21 =	vadd.f32 v23, v21;
	v23 =	vmul.f32 v56, v18;
	v22 =	vmul.f32 v22, v55;
	_ =	sdelay $0x1  }
0x54: {  	v21 =	vadd.f32 v23, v21;
	v22 =	vmul.f32 v22, v19;
	_ =	sdelay $0x1  }
0x55: {  	v21 =	vadd.f32 v22, v21;
	_ =	sdelay $0x1  }
0x56: {  	[tilespmem:$0x4620] =	vst v21  }
0x57: {  	v21 =	vld [tilespmem:s29+$0x4C0]  }
0x58: {  	v22 =	vld [tilespmem:s29+$0x24C0]  }
0x59: {  	v23 =	vld [tilespmem:s29+$0x4D0]  }
0x5a: {  	v57 =	vld [tilespmem:s29+$0x24D0]  }
0x5b: {  	v58 =	vld [tilespmem:s29+$0x4E0]  }
0x5c: {  	v59 =	vld [tilespmem:s29+$0x24E0];
	_ =	sdelay $0x1  }
0x5d: {  	v60 =	vld [tilespmem:s29+$0x4F0]  }
0x5e: {  	v21 =	vmul.f32 v22, v21;
	v22 =	vld [tilespmem:s29+$0x24F0]  }
0x5f: {  	v23 =	vmul.f32 v57, v23  }
0x60: {  	v61 =	vmul.f32 v59, v58  }
0x61: {  	v21 =	vmul.f32 v21, v16;
	v23 =	vmul.f32 v23, v17;
	_ =	sdelay $0x1  }
0x62: {  	v21 =	vadd.f32 v23, v21;
	v23 =	vmul.f32 v61, v18;
	v22 =	vmul.f32 v22, v60;
	_ =	sdelay $0x1  }
0x63: {  	v21 =	vadd.f32 v23, v21;
	v22 =	vmul.f32 v22, v19;
	_ =	sdelay $0x1  }
0x64: {  	v21 =	vadd.f32 v22, v21;
	_ =	sdelay $0x1  }
0x65: {  	[tilespmem:$0x4630] =	vst v21  }
0x66: {  	v21 =	vld [tilespmem:s29+$0x500]  }
0x67: {  	v22 =	vld [tilespmem:s29+$0x2500]  }
0x68: {  	v23 =	vld [tilespmem:s29+$0x510]  }
0x69: {  	v62 =	vld [tilespmem:s29+$0x2510]  }
0x6a: {  	v63 =	vld [tilespmem:s29+$0x520]  }
0x6b: {  	v30 =	vld [tilespmem:s29+$0x2520];
	_ =	sdelay $0x1  }
0x6c: {  	v31 =	vld [tilespmem:s29+$0x530]  }
0x6d: {  	v21 =	vmul.f32 v22, v21;
	v22 =	vld [tilespmem:s29+$0x2530]  }
0x6e: {  	v23 =	vmul.f32 v62, v23  }
0x6f: {  	v32 =	vmul.f32 v30, v63  }
0x70: {  	v21 =	vmul.f32 v21, v16;
	v23 =	vmul.f32 v23, v17;
	_ =	sdelay $0x1  }
0x71: {  	v21 =	vadd.f32 v23, v21;
	v23 =	vmul.f32 v32, v18;
	v22 =	vmul.f32 v22, v31;
	_ =	sdelay $0x1  }
0x72: {  	v21 =	vadd.f32 v23, v21;
	v22 =	vmul.f32 v22, v19;
	_ =	sdelay $0x1  }
0x73: {  	v21 =	vadd.f32 v22, v21;
	_ =	sdelay $0x1  }
0x74: {  	[tilespmem:$0x4640] =	vst v21  }
0x75: {  	v21 =	vld [tilespmem:s29+$0x540]  }
0x76: {  	v22 =	vld [tilespmem:s29+$0x2540]  }
0x77: {  	v23 =	vld [tilespmem:s29+$0x550]  }
0x78: {  	v33 =	vld [tilespmem:s29+$0x2550]  }
0x79: {  	v34 =	vld [tilespmem:s29+$0x560]  }
0x7a: {  	v35 =	vld [tilespmem:s29+$0x2560];
	_ =	sdelay $0x1  }
0x7b: {  	v36 =	vld [tilespmem:s29+$0x570]  }
0x7c: {  	v21 =	vmul.f32 v22, v21;
	v22 =	vld [tilespmem:s29+$0x2570]  }
0x7d: {  	v23 =	vmul.f32 v33, v23  }
0x7e: {  	v37 =	vmul.f32 v35, v34  }
0x7f: {  	v21 =	vmul.f32 v21, v16;
	v23 =	vmul.f32 v23, v17;
	_ =	sdelay $0x1  }
0x80: {  	v21 =	vadd.f32 v23, v21;
	v23 =	vmul.f32 v37, v18;
	v22 =	vmul.f32 v22, v36;
	_ =	sdelay $0x1  }
0x81: {  	v21 =	vadd.f32 v23, v21;
	v22 =	vmul.f32 v22, v19;
	_ =	sdelay $0x1  }
0x82: {  	v21 =	vadd.f32 v22, v21;
	_ =	sdelay $0x1  }
0x83: {  	[tilespmem:$0x4650] =	vst v21  }
0x84: {  	v21 =	vld [tilespmem:s29+$0x580]  }
0x85: {  	v22 =	vld [tilespmem:s29+$0x2580]  }
0x86: {  	v23 =	vld [tilespmem:s29+$0x590]  }
0x87: {  	v38 =	vld [tilespmem:s29+$0x2590]  }
0x88: {  	v39 =	vld [tilespmem:s29+$0x5A0]  }
0x89: {  	v40 =	vld [tilespmem:s29+$0x25A0];
	_ =	sdelay $0x1  }
0x8a: {  	v41 =	vld [tilespmem:s29+$0x5B0]  }
0x8b: {  	v21 =	vmul.f32 v22, v21;
	v22 =	vld [tilespmem:s29+$0x25B0]  }
0x8c: {  	v23 =	vmul.f32 v38, v23  }
0x8d: {  	v42 =	vmul.f32 v40, v39  }
0x8e: {  	v21 =	vmul.f32 v21, v16;
	v23 =	vmul.f32 v23, v17;
	_ =	sdelay $0x1  }
0x8f: {  	v21 =	vadd.f32 v23, v21;
	v23 =	vmul.f32 v42, v18;
	v22 =	vmul.f32 v22, v41;
	_ =	sdelay $0x1  }
0x90: {  	v21 =	vadd.f32 v23, v21;
	v22 =	vmul.f32 v22, v19;
	_ =	sdelay $0x1  }
0x91: {  	v21 =	vadd.f32 v22, v21;
	_ =	sdelay $0x1  }
0x92: {  	[tilespmem:$0x4660] =	vst v21  }
0x93: {  	v21 =	vld [tilespmem:s29+$0x5C0]  }
0x94: {  	v22 =	vld [tilespmem:s29+$0x25C0]  }
0x95: {  	v23 =	vld [tilespmem:s29+$0x5D0]  }
0x96: {  	v43 =	vld [tilespmem:s29+$0x25D0]  }
0x97: {  	v44 =	vld [tilespmem:s29+$0x5E0]  }
0x98: {  	v45 =	vld [tilespmem:s29+$0x25E0];
	_ =	sdelay $0x1  }
0x99: {  	v46 =	vld [tilespmem:s29+$0x5F0]  }
0x9a: {  	v21 =	vmul.f32 v22, v21;
	v22 =	vld [tilespmem:s29+$0x25F0]  }
0x9b: {  	v23 =	vmul.f32 v43, v23  }
0x9c: {  	v47 =	vmul.f32 v45, v44  }
0x9d: {  	v21 =	vmul.f32 v21, v16;
	v23 =	vmul.f32 v23, v17;
	_ =	sdelay $0x1  }
0x9e: {  	v21 =	vadd.f32 v23, v21;
	v23 =	vmul.f32 v47, v18;
	v22 =	vmul.f32 v22, v46;
	_ =	sdelay $0x1  }
0x9f: {  	v21 =	vadd.f32 v23, v21;
	v22 =	vmul.f32 v22, v19;
	_ =	sdelay $0x1  }
0xa0: {  	v21 =	vadd.f32 v22, v21;
	_ =	sdelay $0x1  }
0xa1: {  	[tilespmem:$0x4670] =	vst v21  }
0xa2: {  	v21 =	vld [tilespmem:s29+$0x600]  }
0xa3: {  	v22 =	vld [tilespmem:s29+$0x2600]  }
0xa4: {  	v23 =	vld [tilespmem:s29+$0x610]  }
0xa5: {  	v48 =	vld [tilespmem:s29+$0x2610]  }
0xa6: {  	v49 =	vld [tilespmem:s29+$0x620]  }
0xa7: {  	v50 =	vld [tilespmem:s29+$0x2620];
	_ =	sdelay $0x1  }
0xa8: {  	v51 =	vld [tilespmem:s29+$0x630]  }
0xa9: {  	v21 =	vmul.f32 v22, v21;
	v22 =	vld [tilespmem:s29+$0x2630]  }
0xaa: {  	v23 =	vmul.f32 v48, v23  }
0xab: {  	v52 =	vmul.f32 v50, v49  }
0xac: {  	v21 =	vmul.f32 v21, v16;
	v23 =	vmul.f32 v23, v17;
	_ =	sdelay $0x1  }
0xad: {  	v21 =	vadd.f32 v23, v21;
	v23 =	vmul.f32 v52, v18;
	v22 =	vmul.f32 v22, v51;
	_ =	sdelay $0x1  }
0xae: {  	v21 =	vadd.f32 v23, v21;
	v22 =	vmul.f32 v22, v19;
	_ =	sdelay $0x1  }
0xaf: {  	v21 =	vadd.f32 v22, v21;
	_ =	sdelay $0x1  }
0xb0: {  	[tilespmem:$0x4680] =	vst v21  }
0xb1: {  	v21 =	vld [tilespmem:s29+$0x640]  }
0xb2: {  	v22 =	vld [tilespmem:s29+$0x2640]  }
0xb3: {  	v23 =	vld [tilespmem:s29+$0x650]  }
0xb4: {  	v53 =	vld [tilespmem:s29+$0x2650]  }
0xb5: {  	v54 =	vld [tilespmem:s29+$0x660]  }
0xb6: {  	v55 =	vld [tilespmem:s29+$0x2660];
	_ =	sdelay $0x1  }
0xb7: {  	v56 =	vld [tilespmem:s29+$0x670]  }
0xb8: {  	v21 =	vmul.f32 v22, v21;
	v22 =	vld [tilespmem:s29+$0x2670]  }
0xb9: {  	v23 =	vmul.f32 v53, v23  }
0xba: {  	v57 =	vmul.f32 v55, v54  }
0xbb: {  	v21 =	vmul.f32 v21, v16;
	v23 =	vmul.f32 v23, v17;
	_ =	sdelay $0x1  }
0xbc: {  	v21 =	vadd.f32 v23, v21;
	v23 =	vmul.f32 v57, v18;
	v22 =	vmul.f32 v22, v56;
	_ =	sdelay $0x1  }
0xbd: {  	v21 =	vadd.f32 v23, v21;
	v22 =	vmul.f32 v22, v19;
	_ =	sdelay $0x1  }
0xbe: {  	v21 =	vadd.f32 v22, v21;
	_ =	sdelay $0x1  }
0xbf: {  	[tilespmem:$0x4690] =	vst v21  }
0xc0: {  	v21 =	vld [tilespmem:s29+$0x680]  }
0xc1: {  	v22 =	vld [tilespmem:s29+$0x2680]  }
0xc2: {  	v23 =	vld [tilespmem:s29+$0x690]  }
0xc3: {  	v58 =	vld [tilespmem:s29+$0x2690]  }
0xc4: {  	v59 =	vld [tilespmem:s29+$0x6A0]  }
0xc5: {  	v60 =	vld [tilespmem:s29+$0x26A0];
	_ =	sdelay $0x1  }
0xc6: {  	v61 =	vld [tilespmem:s29+$0x6B0]  }
0xc7: {  	v21 =	vmul.f32 v22, v21;
	v22 =	vld [tilespmem:s29+$0x26B0]  }
0xc8: {  	v23 =	vmul.f32 v58, v23  }
0xc9: {  	v62 =	vmul.f32 v60, v59  }
0xca: {  	v21 =	vmul.f32 v21, v16;
	v23 =	vmul.f32 v23, v17;
	_ =	sdelay $0x1  }
0xcb: {  	v21 =	vadd.f32 v23, v21;
	v23 =	vmul.f32 v62, v18;
	v22 =	vmul.f32 v22, v61;
	_ =	sdelay $0x1  }
0xcc: {  	v21 =	vadd.f32 v23, v21;
	v22 =	vmul.f32 v22, v19;
	_ =	sdelay $0x1  }
0xcd: {  	v21 =	vadd.f32 v22, v21;
	_ =	sdelay $0x1  }
0xce: {  	[tilespmem:$0x46A0] =	vst v21  }
0xcf: {  	v21 =	vld [tilespmem:s29+$0x6C0]  }
0xd0: {  	v22 =	vld [tilespmem:s29+$0x26C0]  }
0xd1: {  	v23 =	vld [tilespmem:s29+$0x6D0]  }
0xd2: {  	v63 =	vld [tilespmem:s29+$0x26D0]  }
0xd3: {  	v30 =	vld [tilespmem:s29+$0x6E0]  }
0xd4: {  	v31 =	vld [tilespmem:s29+$0x26E0];
	_ =	sdelay $0x1  }
0xd5: {  	v32 =	vld [tilespmem:s29+$0x6F0]  }
0xd6: {  	v21 =	vmul.f32 v22, v21;
	v22 =	vld [tilespmem:s29+$0x26F0]  }
0xd7: {  	v23 =	vmul.f32 v63, v23  }
0xd8: {  	v33 =	vmul.f32 v31, v30  }
0xd9: {  	v21 =	vmul.f32 v21, v16;
	v23 =	vmul.f32 v23, v17;
	_ =	sdelay $0x1  }
0xda: {  	v21 =	vadd.f32 v23, v21;
	v23 =	vmul.f32 v33, v18;
	v22 =	vmul.f32 v22, v32;
	_ =	sdelay $0x1  }
0xdb: {  	v21 =	vadd.f32 v23, v21;
	v22 =	vmul.f32 v22, v19;
	_ =	sdelay $0x1  }
0xdc: {  	v21 =	vadd.f32 v22, v21;
	_ =	sdelay $0x1  }
0xdd: {  	[tilespmem:$0x46B0] =	vst v21  }
0xde: {  	v21 =	vld [tilespmem:s29+$0x700]  }
0xdf: {  	v22 =	vld [tilespmem:s29+$0x2700]  }
0xe0: {  	v23 =	vld [tilespmem:s29+$0x710]  }
0xe1: {  	v34 =	vld [tilespmem:s29+$0x2710]  }
0xe2: {  	v35 =	vld [tilespmem:s29+$0x720]  }
0xe3: {  	v36 =	vld [tilespmem:s29+$0x2720];
	_ =	sdelay $0x1  }
0xe4: {  	v37 =	vld [tilespmem:s29+$0x730]  }
0xe5: {  	v21 =	vmul.f32 v22, v21;
	v22 =	vld [tilespmem:s29+$0x2730]  }
0xe6: {  	v23 =	vmul.f32 v34, v23  }
0xe7: {  	v38 =	vmul.f32 v36, v35  }
0xe8: {  	v21 =	vmul.f32 v21, v16;
	v23 =	vmul.f32 v23, v17;
	_ =	sdelay $0x1  }
0xe9: {  	v21 =	vadd.f32 v23, v21;
	v23 =	vmul.f32 v38, v18;
	v22 =	vmul.f32 v22, v37;
	_ =	sdelay $0x1  }
0xea: {  	v21 =	vadd.f32 v23, v21;
	v22 =	vmul.f32 v22, v19;
	_ =	sdelay $0x1  }
0xeb: {  	v21 =	vadd.f32 v22, v21;
	_ =	sdelay $0x1  }
0xec: {  	[tilespmem:$0x46C0] =	vst v21  }
0xed: {  	v21 =	vld [tilespmem:s29+$0x740]  }
0xee: {  	v22 =	vld [tilespmem:s29+$0x2740]  }
0xef: {  	v23 =	vld [tilespmem:s29+$0x750]  }
0xf0: {  	v39 =	vld [tilespmem:s29+$0x2750]  }
0xf1: {  	v40 =	vld [tilespmem:s29+$0x760]  }
0xf2: {  	v41 =	vld [tilespmem:s29+$0x2760];
	_ =	sdelay $0x1  }
0xf3: {  	v42 =	vld [tilespmem:s29+$0x770]  }
0xf4: {  	v21 =	vmul.f32 v22, v21;
	v22 =	vld [tilespmem:s29+$0x2770]  }
0xf5: {  	v23 =	vmul.f32 v39, v23  }
0xf6: {  	v43 =	vmul.f32 v41, v40  }
0xf7: {  	v21 =	vmul.f32 v21, v16;
	v23 =	vmul.f32 v23, v17;
	_ =	sdelay $0x1  }
0xf8: {  	v21 =	vadd.f32 v23, v21;
	v23 =	vmul.f32 v43, v18;
	v22 =	vmul.f32 v22, v42;
	_ =	sdelay $0x1  }
0xf9: {  	v21 =	vadd.f32 v23, v21;
	v22 =	vmul.f32 v22, v19;
	_ =	sdelay $0x1  }
0xfa: {  	v21 =	vadd.f32 v22, v21;
	_ =	sdelay $0x1  }
0xfb: {  	[tilespmem:$0x46D0] =	vst v21  }
0xfc: {  	v21 =	vld [tilespmem:s29+$0x780]  }
0xfd: {  	v22 =	vld [tilespmem:s29+$0x2780]  }
0xfe: {  	v23 =	vld [tilespmem:s29+$0x790]  }
0xff: {  	v44 =	vld [tilespmem:s29+$0x2790]  }
0x100: {  	v45 =	vld [tilespmem:s29+$0x7A0]  }
0x101: {  	v46 =	vld [tilespmem:s29+$0x27A0];
	_ =	sdelay $0x1  }
0x102: {  	v47 =	vld [tilespmem:s29+$0x7B0]  }
0x103: {  	v21 =	vmul.f32 v22, v21;
	v22 =	vld [tilespmem:s29+$0x27B0]  }
0x104: {  	v23 =	vmul.f32 v44, v23  }
0x105: {  	v48 =	vmul.f32 v46, v45  }
0x106: {  	v21 =	vmul.f32 v21, v16;
	v23 =	vmul.f32 v23, v17;
	_ =	sdelay $0x1  }
0x107: {  	v21 =	vadd.f32 v23, v21;
	v23 =	vmul.f32 v48, v18;
	v22 =	vmul.f32 v22, v47;
	_ =	sdelay $0x1  }
0x108: {  	v21 =	vadd.f32 v23, v21;
	v22 =	vmul.f32 v22, v19;
	_ =	sdelay $0x1  }
0x109: {  	v21 =	vadd.f32 v22, v21;
	_ =	sdelay $0x1  }
0x10a: {  	[tilespmem:$0x46E0] =	vst v21  }
0x10b: {  	v21 =	vld [tilespmem:s29+$0x7C0]  }
0x10c: {  	v22 =	vld [tilespmem:s29+$0x27C0]  }
0x10d: {  	v23 =	vld [tilespmem:s29+$0x7D0]  }
0x10e: {  	v49 =	vld [tilespmem:s29+$0x27D0]  }
0x10f: {  	v50 =	vld [tilespmem:s29+$0x7E0]  }
0x110: {  	v51 =	vld [tilespmem:s29+$0x27E0];
	_ =	sdelay $0x1  }
0x111: {  	v52 =	vld [tilespmem:s29+$0x7F0]  }
0x112: {  	v21 =	vmul.f32 v22, v21;
	v22 =	vld [tilespmem:s29+$0x27F0]  }
0x113: {  	v23 =	vmul.f32 v49, v23  }
0x114: {  	v53 =	vmul.f32 v51, v50  }
0x115: {  	v21 =	vmul.f32 v21, v16;
	v23 =	vmul.f32 v23, v17;
	_ =	sdelay $0x1  }
0x116: {  	v21 =	vadd.f32 v23, v21;
	v23 =	vmul.f32 v53, v18;
	v22 =	vmul.f32 v22, v52;
	_ =	sdelay $0x1  }
0x117: {  	v21 =	vadd.f32 v23, v21;
	v22 =	vmul.f32 v22, v19;
	_ =	sdelay $0x1  }
0x118: {  	v21 =	vadd.f32 v22, v21;
	_ =	sdelay $0x1  }
0x119: {  	[tilespmem:$0x46F0] =	vst v21  }
0x11a: {  	v21 =	vld.idx.msk [tilespmem:v0+s18+$0x0], $0xffff  }
0x11b: {  	v22 =	vld.idx.msk [tilespmem:v1+s18+$0x0], $0xffff  }
0x11c: {  	v23 =	vld.idx.msk [tilespmem:v2+s18+$0x0], $0xffff  }
0x11d: {  	v54 =	vld.idx.msk [tilespmem:v3+s18+$0x0], $0xffff  }
0x11e: {  	v55 =	vld.idx.msk [tilespmem:v4+s18+$0x0], $0xffff  }
0x11f: {  	v56 =	vld.idx.msk [tilespmem:v5+s18+$0x0], $0xffff  }
0x120: {  	v57 =	vld.idx.msk [tilespmem:v6+s18+$0x0], $0xffff  }
0x121: {  	v28 =	vld.idx.msk [tilespmem:v7+s18+$0x0], $0xffff  }
0x122: {  	v29 =	vld.idx.msk [tilespmem:v8+s18+$0x0], $0xffff  }
0x123: {  	v30 =	vld.idx.msk [tilespmem:v9+s18+$0x0], $0xffff  }
0x124: {  	v31 =	vld.idx.msk [tilespmem:v10+s18+$0x0], $0xffff  }
0x125: {  	v32 =	vld.idx.msk [tilespmem:v11+s18+$0x0], $0xffff  }
0x126: {  	v33 =	vld.idx.msk [tilespmem:v12+s18+$0x0], $0xffff  }
0x127: {  	v34 =	vld.idx.msk [tilespmem:v13+s18+$0x0], $0xffff  }
0x128: {  	v35 =	vld.idx.msk [tilespmem:v14+s18+$0x0], $0xffff  }
0x129: {  	v36 =	vld.idx.msk [tilespmem:v15+s18+$0x0], $0xffff;
	_ =	sdelay $0x1  }
0x12a: {  	v21 =	vadd.f32 v22, v21;
	v22 =	vadd.f32 v54, v23  }
0x12b: {  	v23 =	vadd.f32 v56, v55;
	v58 =	vadd.f32 v28, v57  }
0x12c: {  	v59 =	vadd.f32 v30, v29;
	v60 =	vadd.f32 v32, v31  }
0x12d: {  	v61 =	vadd.f32 v34, v33;
	v62 =	vadd.f32 v36, v35  }
0x12e: {  	v21 =	vadd.f32 v22, v21;
	v22 =	vadd.f32 v58, v23  }
0x12f: {  	v23 =	vadd.f32 v60, v59;
	v63 =	vadd.f32 v62, v61;
	_ =	sdelay $0x1  }
0x130: {  	v21 =	vadd.f32 v22, v21;
	v22 =	vadd.f32 v63, v23;
	_ =	sdelay $0x1  }
0x131: {  	v21 =	vadd.f32 v22, v21;
	_ =	sdelay $0x1  }
0x132: {  	v21 =	vadd.f32 v21, v20;
	_ =	sdelay $0x1  }
0x133: {  	v21 =	vsub.f32 $0.0e+00, v21;
	_ =	sdelay $0x1  }
0x134: {  	v21 =	vmul.f32 $1.442695020e+00, v21;
	_ =	sdelay $0x1  }
0x135: {  	(erf) = vpow2.f32 v21;
	_ =	sdelay $0x8  }
0x136: {  	v21 =	vpop (erf)  }
0x137: {  	v21 =	vadd.f32 $1.000000000e+00, v21;
	_ =	sdelay $0x1  }
0x138: {  	(erf) = vrcp.f32 v21;
	_ =	sdelay $0x4  }
0x139: {  	p0 =	sne.s32 s28, $0x7000  }
.Ltmp0:
0x13a: {  	_ = 	snop;
	(pc) =	sbr.rel @p0 .LBB2_2-.Ltmp0, $3  }
0x13b: {  	_ =	sdelay $0x1  }
0x13c: {  	v21 =	vpop (erf)  }
0x13d: {  	s28 =	sadd.s32 $0x1000, s28;
	[tilespmem:s26+$0x0] =	vst v21;
	s26 =	sadd.s32 $0x10, s26  }
0x13e: {  	[tilespmem:s14], [sflag:$0x1] =	stream.indirect.gather [hbm4b:s3+s13], $0x40, s13, s13, $0xb8;
	[tilespmem:$0x4750] =	vst v63  }
0x13f: {  	_ = 	snop  }
0x140: {  	[tilespmem:s15], [sflag:$0x2] =	stream.indirect.gather [hbm4b:s4+s13], $0x40, s19, s13, $0xb8;
	[tilespmem:$0x4750] =	vst v63  }
0x141: {  	_ =	swait.ge [sflag:s16], $0x2000  }
0x142: {  	[sflag:s16] =	ssyncset.done $0x0  }
0x143: {  	[sflag:s16] =	ssyncadd.s32 $0xFFFFE000  }
0x144: {  	_ =	swait.ge [sflag:s17], $0x2000  }
0x145: {  	[sflag:s17] =	ssyncset.done $0x0  }
0x146: {  	s26 =	simm.s32 $0x0;
	s28 =	simm.s32 $0x4480;
	[sflag:s17] =	ssyncadd.s32 $0xFFFFE000  }
.LBB2_4:
0x147: {  	s29 =	sshra.s32 s26, $0x2  }
0x148: {  	v21 =	vld [tilespmem:s29+$0x400]  }
0x149: {  	v22 =	vld [tilespmem:s29+$0x2400]  }
0x14a: {  	v23 =	vld [tilespmem:s29+$0x410]  }
0x14b: {  	v24 =	vld [tilespmem:s29+$0x2410]  }
0x14c: {  	v25 =	vld [tilespmem:s29+$0x420]  }
0x14d: {  	v26 =	vld [tilespmem:s29+$0x2420];
	_ =	sdelay $0x1  }
0x14e: {  	v27 =	vld [tilespmem:s29+$0x430]  }
0x14f: {  	v21 =	vmul.f32 v22, v21;
	v22 =	vld [tilespmem:s29+$0x2430]  }
0x150: {  	v23 =	vmul.f32 v24, v23  }
0x151: {  	v46 =	vmul.f32 v26, v25  }
0x152: {  	v21 =	vmul.f32 v21, v16;
	v23 =	vmul.f32 v23, v17;
	_ =	sdelay $0x1  }
0x153: {  	v21 =	vadd.f32 v23, v21;
	v23 =	vmul.f32 v46, v18;
	v22 =	vmul.f32 v22, v27;
	_ =	sdelay $0x1  }
0x154: {  	v21 =	vadd.f32 v23, v21;
	v22 =	vmul.f32 v22, v19;
	_ =	sdelay $0x1  }
0x155: {  	v21 =	vadd.f32 v22, v21;
	_ =	sdelay $0x1  }
0x156: {  	[tilespmem:$0x4600] =	vst v21  }
0x157: {  	v21 =	vld [tilespmem:s29+$0x440]  }
0x158: {  	v22 =	vld [tilespmem:s29+$0x2440]  }
0x159: {  	v23 =	vld [tilespmem:s29+$0x450]  }
0x15a: {  	v47 =	vld [tilespmem:s29+$0x2450]  }
0x15b: {  	v48 =	vld [tilespmem:s29+$0x460]  }
0x15c: {  	v49 =	vld [tilespmem:s29+$0x2460];
	_ =	sdelay $0x1  }
0x15d: {  	v50 =	vld [tilespmem:s29+$0x470]  }
0x15e: {  	v21 =	vmul.f32 v22, v21;
	v22 =	vld [tilespmem:s29+$0x2470]  }
0x15f: {  	v23 =	vmul.f32 v47, v23  }
0x160: {  	v51 =	vmul.f32 v49, v48  }
0x161: {  	v21 =	vmul.f32 v21, v16;
	v23 =	vmul.f32 v23, v17;
	_ =	sdelay $0x1  }
0x162: {  	v21 =	vadd.f32 v23, v21;
	v23 =	vmul.f32 v51, v18;
	v22 =	vmul.f32 v22, v50;
	_ =	sdelay $0x1  }
0x163: {  	v21 =	vadd.f32 v23, v21;
	v22 =	vmul.f32 v22, v19;
	_ =	sdelay $0x1  }
0x164: {  	v21 =	vadd.f32 v22, v21;
	_ =	sdelay $0x1  }
0x165: {  	[tilespmem:$0x4610] =	vst v21  }
0x166: {  	v21 =	vld [tilespmem:s29+$0x480]  }
0x167: {  	v22 =	vld [tilespmem:s29+$0x2480]  }
0x168: {  	v23 =	vld [tilespmem:s29+$0x490]  }
0x169: {  	v52 =	vld [tilespmem:s29+$0x2490]  }
0x16a: {  	v53 =	vld [tilespmem:s29+$0x4A0]  }
0x16b: {  	v54 =	vld [tilespmem:s29+$0x24A0];
	_ =	sdelay $0x1  }
0x16c: {  	v55 =	vld [tilespmem:s29+$0x4B0]  }
0x16d: {  	v21 =	vmul.f32 v22, v21;
	v22 =	vld [tilespmem:s29+$0x24B0]  }
0x16e: {  	v23 =	vmul.f32 v52, v23  }
0x16f: {  	v56 =	vmul.f32 v54, v53  }
0x170: {  	v21 =	vmul.f32 v21, v16;
	v23 =	vmul.f32 v23, v17;
	_ =	sdelay $0x1  }
0x171: {  	v21 =	vadd.f32 v23, v21;
	v23 =	vmul.f32 v56, v18;
	v22 =	vmul.f32 v22, v55;
	_ =	sdelay $0x1  }
0x172: {  	v21 =	vadd.f32 v23, v21;
	v22 =	vmul.f32 v22, v19;
	_ =	sdelay $0x1  }
0x173: {  	v21 =	vadd.f32 v22, v21;
	_ =	sdelay $0x1  }
0x174: {  	[tilespmem:$0x4620] =	vst v21  }
0x175: {  	v21 =	vld [tilespmem:s29+$0x4C0]  }
0x176: {  	v22 =	vld [tilespmem:s29+$0x24C0]  }
0x177: {  	v23 =	vld [tilespmem:s29+$0x4D0]  }
0x178: {  	v57 =	vld [tilespmem:s29+$0x24D0]  }
0x179: {  	v58 =	vld [tilespmem:s29+$0x4E0]  }
0x17a: {  	v59 =	vld [tilespmem:s29+$0x24E0];
	_ =	sdelay $0x1  }
0x17b: {  	v60 =	vld [tilespmem:s29+$0x4F0]  }
0x17c: {  	v21 =	vmul.f32 v22, v21;
	v22 =	vld [tilespmem:s29+$0x24F0]  }
0x17d: {  	v23 =	vmul.f32 v57, v23  }
0x17e: {  	v61 =	vmul.f32 v59, v58  }
0x17f: {  	v21 =	vmul.f32 v21, v16;
	v23 =	vmul.f32 v23, v17;
	_ =	sdelay $0x1  }
0x180: {  	v21 =	vadd.f32 v23, v21;
	v23 =	vmul.f32 v61, v18;
	v22 =	vmul.f32 v22, v60;
	_ =	sdelay $0x1  }
0x181: {  	v21 =	vadd.f32 v23, v21;
	v22 =	vmul.f32 v22, v19;
	_ =	sdelay $0x1  }
0x182: {  	v21 =	vadd.f32 v22, v21;
	_ =	sdelay $0x1  }
0x183: {  	[tilespmem:$0x4630] =	vst v21  }
0x184: {  	v21 =	vld [tilespmem:s29+$0x500]  }
0x185: {  	v22 =	vld [tilespmem:s29+$0x2500]  }
0x186: {  	v23 =	vld [tilespmem:s29+$0x510]  }
0x187: {  	v62 =	vld [tilespmem:s29+$0x2510]  }
0x188: {  	v63 =	vld [tilespmem:s29+$0x520]  }
0x189: {  	v30 =	vld [tilespmem:s29+$0x2520];
	_ =	sdelay $0x1  }
0x18a: {  	v31 =	vld [tilespmem:s29+$0x530]  }
0x18b: {  	v21 =	vmul.f32 v22, v21;
	v22 =	vld [tilespmem:s29+$0x2530]  }
0x18c: {  	v23 =	vmul.f32 v62, v23  }
0x18d: {  	v32 =	vmul.f32 v30, v63  }
0x18e: {  	v21 =	vmul.f32 v21, v16;
	v23 =	vmul.f32 v23, v17;
	_ =	sdelay $0x1  }
0x18f: {  	v21 =	vadd.f32 v23, v21;
	v23 =	vmul.f32 v32, v18;
	v22 =	vmul.f32 v22, v31;
	_ =	sdelay $0x1  }
0x190: {  	v21 =	vadd.f32 v23, v21;
	v22 =	vmul.f32 v22, v19;
	_ =	sdelay $0x1  }
0x191: {  	v21 =	vadd.f32 v22, v21;
	_ =	sdelay $0x1  }
0x192: {  	[tilespmem:$0x4640] =	vst v21  }
0x193: {  	v21 =	vld [tilespmem:s29+$0x540]  }
0x194: {  	v22 =	vld [tilespmem:s29+$0x2540]  }
0x195: {  	v23 =	vld [tilespmem:s29+$0x550]  }
0x196: {  	v33 =	vld [tilespmem:s29+$0x2550]  }
0x197: {  	v34 =	vld [tilespmem:s29+$0x560]  }
0x198: {  	v35 =	vld [tilespmem:s29+$0x2560];
	_ =	sdelay $0x1  }
0x199: {  	v36 =	vld [tilespmem:s29+$0x570]  }
0x19a: {  	v21 =	vmul.f32 v22, v21;
	v22 =	vld [tilespmem:s29+$0x2570]  }
0x19b: {  	v23 =	vmul.f32 v33, v23  }
0x19c: {  	v37 =	vmul.f32 v35, v34  }
0x19d: {  	v21 =	vmul.f32 v21, v16;
	v23 =	vmul.f32 v23, v17;
	_ =	sdelay $0x1  }
0x19e: {  	v21 =	vadd.f32 v23, v21;
	v23 =	vmul.f32 v37, v18;
	v22 =	vmul.f32 v22, v36;
	_ =	sdelay $0x1  }
0x19f: {  	v21 =	vadd.f32 v23, v21;
	v22 =	vmul.f32 v22, v19;
	_ =	sdelay $0x1  }
0x1a0: {  	v21 =	vadd.f32 v22, v21;
	_ =	sdelay $0x1  }
0x1a1: {  	[tilespmem:$0x4650] =	vst v21  }
0x1a2: {  	v21 =	vld [tilespmem:s29+$0x580]  }
0x1a3: {  	v22 =	vld [tilespmem:s29+$0x2580]  }
0x1a4: {  	v23 =	vld [tilespmem:s29+$0x590]  }
0x1a5: {  	v38 =	vld [tilespmem:s29+$0x2590]  }
0x1a6: {  	v39 =	vld [tilespmem:s29+$0x5A0]  }
0x1a7: {  	v40 =	vld [tilespmem:s29+$0x25A0];
	_ =	sdelay $0x1  }
0x1a8: {  	v41 =	vld [tilespmem:s29+$0x5B0]  }
0x1a9: {  	v21 =	vmul.f32 v22, v21;
	v22 =	vld [tilespmem:s29+$0x25B0]  }
0x1aa: {  	v23 =	vmul.f32 v38, v23  }
0x1ab: {  	v42 =	vmul.f32 v40, v39  }
0x1ac: {  	v21 =	vmul.f32 v21, v16;
	v23 =	vmul.f32 v23, v17;
	_ =	sdelay $0x1  }
0x1ad: {  	v21 =	vadd.f32 v23, v21;
	v23 =	vmul.f32 v42, v18;
	v22 =	vmul.f32 v22, v41;
	_ =	sdelay $0x1  }
0x1ae: {  	v21 =	vadd.f32 v23, v21;
	v22 =	vmul.f32 v22, v19;
	_ =	sdelay $0x1  }
0x1af: {  	v21 =	vadd.f32 v22, v21;
	_ =	sdelay $0x1  }
0x1b0: {  	[tilespmem:$0x4660] =	vst v21  }
0x1b1: {  	v21 =	vld [tilespmem:s29+$0x5C0]  }
0x1b2: {  	v22 =	vld [tilespmem:s29+$0x25C0]  }
0x1b3: {  	v23 =	vld [tilespmem:s29+$0x5D0]  }
0x1b4: {  	v43 =	vld [tilespmem:s29+$0x25D0]  }
0x1b5: {  	v44 =	vld [tilespmem:s29+$0x5E0]  }
0x1b6: {  	v45 =	vld [tilespmem:s29+$0x25E0];
	_ =	sdelay $0x1  }
0x1b7: {  	v46 =	vld [tilespmem:s29+$0x5F0]  }
0x1b8: {  	v21 =	vmul.f32 v22, v21;
	v22 =	vld [tilespmem:s29+$0x25F0]  }
0x1b9: {  	v23 =	vmul.f32 v43, v23  }
0x1ba: {  	v47 =	vmul.f32 v45, v44  }
0x1bb: {  	v21 =	vmul.f32 v21, v16;
	v23 =	vmul.f32 v23, v17;
	_ =	sdelay $0x1  }
0x1bc: {  	v21 =	vadd.f32 v23, v21;
	v23 =	vmul.f32 v47, v18;
	v22 =	vmul.f32 v22, v46;
	_ =	sdelay $0x1  }
0x1bd: {  	v21 =	vadd.f32 v23, v21;
	v22 =	vmul.f32 v22, v19;
	_ =	sdelay $0x1  }
0x1be: {  	v21 =	vadd.f32 v22, v21;
	_ =	sdelay $0x1  }
0x1bf: {  	[tilespmem:$0x4670] =	vst v21  }
0x1c0: {  	v21 =	vld [tilespmem:s29+$0x600]  }
0x1c1: {  	v22 =	vld [tilespmem:s29+$0x2600]  }
0x1c2: {  	v23 =	vld [tilespmem:s29+$0x610]  }
0x1c3: {  	v48 =	vld [tilespmem:s29+$0x2610]  }
0x1c4: {  	v49 =	vld [tilespmem:s29+$0x620]  }
0x1c5: {  	v50 =	vld [tilespmem:s29+$0x2620];
	_ =	sdelay $0x1  }
0x1c6: {  	v51 =	vld [tilespmem:s29+$0x630]  }
0x1c7: {  	v21 =	vmul.f32 v22, v21;
	v22 =	vld [tilespmem:s29+$0x2630]  }
0x1c8: {  	v23 =	vmul.f32 v48, v23  }
0x1c9: {  	v52 =	vmul.f32 v50, v49  }
0x1ca: {  	v21 =	vmul.f32 v21, v16;
	v23 =	vmul.f32 v23, v17;
	_ =	sdelay $0x1  }
0x1cb: {  	v21 =	vadd.f32 v23, v21;
	v23 =	vmul.f32 v52, v18;
	v22 =	vmul.f32 v22, v51;
	_ =	sdelay $0x1  }
0x1cc: {  	v21 =	vadd.f32 v23, v21;
	v22 =	vmul.f32 v22, v19;
	_ =	sdelay $0x1  }
0x1cd: {  	v21 =	vadd.f32 v22, v21;
	_ =	sdelay $0x1  }
0x1ce: {  	[tilespmem:$0x4680] =	vst v21  }
0x1cf: {  	v21 =	vld [tilespmem:s29+$0x640]  }
0x1d0: {  	v22 =	vld [tilespmem:s29+$0x2640]  }
0x1d1: {  	v23 =	vld [tilespmem:s29+$0x650]  }
0x1d2: {  	v53 =	vld [tilespmem:s29+$0x2650]  }
0x1d3: {  	v54 =	vld [tilespmem:s29+$0x660]  }
0x1d4: {  	v55 =	vld [tilespmem:s29+$0x2660];
	_ =	sdelay $0x1  }
0x1d5: {  	v56 =	vld [tilespmem:s29+$0x670]  }
0x1d6: {  	v21 =	vmul.f32 v22, v21;
	v22 =	vld [tilespmem:s29+$0x2670]  }
0x1d7: {  	v23 =	vmul.f32 v53, v23  }
0x1d8: {  	v57 =	vmul.f32 v55, v54  }
0x1d9: {  	v21 =	vmul.f32 v21, v16;
	v23 =	vmul.f32 v23, v17;
	_ =	sdelay $0x1  }
0x1da: {  	v21 =	vadd.f32 v23, v21;
	v23 =	vmul.f32 v57, v18;
	v22 =	vmul.f32 v22, v56;
	_ =	sdelay $0x1  }
0x1db: {  	v21 =	vadd.f32 v23, v21;
	v22 =	vmul.f32 v22, v19;
	_ =	sdelay $0x1  }
0x1dc: {  	v21 =	vadd.f32 v22, v21;
	_ =	sdelay $0x1  }
0x1dd: {  	[tilespmem:$0x4690] =	vst v21  }
0x1de: {  	v21 =	vld [tilespmem:s29+$0x680]  }
0x1df: {  	v22 =	vld [tilespmem:s29+$0x2680]  }
0x1e0: {  	v23 =	vld [tilespmem:s29+$0x690]  }
0x1e1: {  	v58 =	vld [tilespmem:s29+$0x2690]  }
0x1e2: {  	v59 =	vld [tilespmem:s29+$0x6A0]  }
0x1e3: {  	v60 =	vld [tilespmem:s29+$0x26A0];
	_ =	sdelay $0x1  }
0x1e4: {  	v61 =	vld [tilespmem:s29+$0x6B0]  }
0x1e5: {  	v21 =	vmul.f32 v22, v21;
	v22 =	vld [tilespmem:s29+$0x26B0]  }
0x1e6: {  	v23 =	vmul.f32 v58, v23  }
0x1e7: {  	v62 =	vmul.f32 v60, v59  }
0x1e8: {  	v21 =	vmul.f32 v21, v16;
	v23 =	vmul.f32 v23, v17;
	_ =	sdelay $0x1  }
0x1e9: {  	v21 =	vadd.f32 v23, v21;
	v23 =	vmul.f32 v62, v18;
	v22 =	vmul.f32 v22, v61;
	_ =	sdelay $0x1  }
0x1ea: {  	v21 =	vadd.f32 v23, v21;
	v22 =	vmul.f32 v22, v19;
	_ =	sdelay $0x1  }
0x1eb: {  	v21 =	vadd.f32 v22, v21;
	_ =	sdelay $0x1  }
0x1ec: {  	[tilespmem:$0x46A0] =	vst v21  }
0x1ed: {  	v21 =	vld [tilespmem:s29+$0x6C0]  }
0x1ee: {  	v22 =	vld [tilespmem:s29+$0x26C0]  }
0x1ef: {  	v23 =	vld [tilespmem:s29+$0x6D0]  }
0x1f0: {  	v63 =	vld [tilespmem:s29+$0x26D0]  }
0x1f1: {  	v30 =	vld [tilespmem:s29+$0x6E0]  }
0x1f2: {  	v31 =	vld [tilespmem:s29+$0x26E0];
	_ =	sdelay $0x1  }
0x1f3: {  	v32 =	vld [tilespmem:s29+$0x6F0]  }
0x1f4: {  	v21 =	vmul.f32 v22, v21;
	v22 =	vld [tilespmem:s29+$0x26F0]  }
0x1f5: {  	v23 =	vmul.f32 v63, v23  }
0x1f6: {  	v33 =	vmul.f32 v31, v30  }
0x1f7: {  	v21 =	vmul.f32 v21, v16;
	v23 =	vmul.f32 v23, v17;
	_ =	sdelay $0x1  }
0x1f8: {  	v21 =	vadd.f32 v23, v21;
	v23 =	vmul.f32 v33, v18;
	v22 =	vmul.f32 v22, v32;
	_ =	sdelay $0x1  }
0x1f9: {  	v21 =	vadd.f32 v23, v21;
	v22 =	vmul.f32 v22, v19;
	_ =	sdelay $0x1  }
0x1fa: {  	v21 =	vadd.f32 v22, v21;
	_ =	sdelay $0x1  }
0x1fb: {  	[tilespmem:$0x46B0] =	vst v21  }
0x1fc: {  	v21 =	vld [tilespmem:s29+$0x700]  }
0x1fd: {  	v22 =	vld [tilespmem:s29+$0x2700]  }
0x1fe: {  	v23 =	vld [tilespmem:s29+$0x710]  }
0x1ff: {  	v34 =	vld [tilespmem:s29+$0x2710]  }
0x200: {  	v35 =	vld [tilespmem:s29+$0x720]  }
0x201: {  	v36 =	vld [tilespmem:s29+$0x2720];
	_ =	sdelay $0x1  }
0x202: {  	v37 =	vld [tilespmem:s29+$0x730]  }
0x203: {  	v21 =	vmul.f32 v22, v21;
	v22 =	vld [tilespmem:s29+$0x2730]  }
0x204: {  	v23 =	vmul.f32 v34, v23  }
0x205: {  	v38 =	vmul.f32 v36, v35  }
0x206: {  	v21 =	vmul.f32 v21, v16;
	v23 =	vmul.f32 v23, v17;
	_ =	sdelay $0x1  }
0x207: {  	v21 =	vadd.f32 v23, v21;
	v23 =	vmul.f32 v38, v18;
	v22 =	vmul.f32 v22, v37;
	_ =	sdelay $0x1  }
0x208: {  	v21 =	vadd.f32 v23, v21;
	v22 =	vmul.f32 v22, v19;
	_ =	sdelay $0x1  }
0x209: {  	v21 =	vadd.f32 v22, v21;
	_ =	sdelay $0x1  }
0x20a: {  	[tilespmem:$0x46C0] =	vst v21  }
0x20b: {  	v21 =	vld [tilespmem:s29+$0x740]  }
0x20c: {  	v22 =	vld [tilespmem:s29+$0x2740]  }
0x20d: {  	v23 =	vld [tilespmem:s29+$0x750]  }
0x20e: {  	v39 =	vld [tilespmem:s29+$0x2750]  }
0x20f: {  	v40 =	vld [tilespmem:s29+$0x760]  }
0x210: {  	v41 =	vld [tilespmem:s29+$0x2760];
	_ =	sdelay $0x1  }
0x211: {  	v42 =	vld [tilespmem:s29+$0x770]  }
0x212: {  	v21 =	vmul.f32 v22, v21;
	v22 =	vld [tilespmem:s29+$0x2770]  }
0x213: {  	v23 =	vmul.f32 v39, v23  }
0x214: {  	v43 =	vmul.f32 v41, v40  }
0x215: {  	v21 =	vmul.f32 v21, v16;
	v23 =	vmul.f32 v23, v17;
	_ =	sdelay $0x1  }
0x216: {  	v21 =	vadd.f32 v23, v21;
	v23 =	vmul.f32 v43, v18;
	v22 =	vmul.f32 v22, v42;
	_ =	sdelay $0x1  }
0x217: {  	v21 =	vadd.f32 v23, v21;
	v22 =	vmul.f32 v22, v19;
	_ =	sdelay $0x1  }
0x218: {  	v21 =	vadd.f32 v22, v21;
	_ =	sdelay $0x1  }
0x219: {  	[tilespmem:$0x46D0] =	vst v21  }
0x21a: {  	v21 =	vld [tilespmem:s29+$0x780]  }
0x21b: {  	v22 =	vld [tilespmem:s29+$0x2780]  }
0x21c: {  	v23 =	vld [tilespmem:s29+$0x790]  }
0x21d: {  	v44 =	vld [tilespmem:s29+$0x2790]  }
0x21e: {  	v45 =	vld [tilespmem:s29+$0x7A0]  }
0x21f: {  	v46 =	vld [tilespmem:s29+$0x27A0];
	_ =	sdelay $0x1  }
0x220: {  	v47 =	vld [tilespmem:s29+$0x7B0]  }
0x221: {  	v21 =	vmul.f32 v22, v21;
	v22 =	vld [tilespmem:s29+$0x27B0]  }
0x222: {  	v23 =	vmul.f32 v44, v23  }
0x223: {  	v48 =	vmul.f32 v46, v45  }
0x224: {  	v21 =	vmul.f32 v21, v16;
	v23 =	vmul.f32 v23, v17;
	_ =	sdelay $0x1  }
0x225: {  	v21 =	vadd.f32 v23, v21;
	v23 =	vmul.f32 v48, v18;
	v22 =	vmul.f32 v22, v47;
	_ =	sdelay $0x1  }
0x226: {  	v21 =	vadd.f32 v23, v21;
	v22 =	vmul.f32 v22, v19;
	_ =	sdelay $0x1  }
0x227: {  	v21 =	vadd.f32 v22, v21;
	_ =	sdelay $0x1  }
0x228: {  	[tilespmem:$0x46E0] =	vst v21  }
0x229: {  	v21 =	vld [tilespmem:s29+$0x7C0]  }
0x22a: {  	v22 =	vld [tilespmem:s29+$0x27C0]  }
0x22b: {  	v23 =	vld [tilespmem:s29+$0x7D0]  }
0x22c: {  	v49 =	vld [tilespmem:s29+$0x27D0]  }
0x22d: {  	v50 =	vld [tilespmem:s29+$0x7E0]  }
0x22e: {  	v51 =	vld [tilespmem:s29+$0x27E0];
	_ =	sdelay $0x1  }
0x22f: {  	v52 =	vld [tilespmem:s29+$0x7F0]  }
0x230: {  	v21 =	vmul.f32 v22, v21;
	v22 =	vld [tilespmem:s29+$0x27F0]  }
0x231: {  	v23 =	vmul.f32 v49, v23  }
0x232: {  	v53 =	vmul.f32 v51, v50  }
0x233: {  	v21 =	vmul.f32 v21, v16;
	v23 =	vmul.f32 v23, v17;
	_ =	sdelay $0x1  }
0x234: {  	v21 =	vadd.f32 v23, v21;
	v23 =	vmul.f32 v53, v18;
	v22 =	vmul.f32 v22, v52;
	_ =	sdelay $0x1  }
0x235: {  	v21 =	vadd.f32 v23, v21;
	v22 =	vmul.f32 v22, v19;
	_ =	sdelay $0x1  }
0x236: {  	v21 =	vadd.f32 v22, v21;
	_ =	sdelay $0x1  }
0x237: {  	[tilespmem:$0x46F0] =	vst v21  }
0x238: {  	v21 =	vld.idx.msk [tilespmem:v0+s18+$0x0], $0xffff  }
0x239: {  	v22 =	vld.idx.msk [tilespmem:v1+s18+$0x0], $0xffff  }
0x23a: {  	v23 =	vld.idx.msk [tilespmem:v2+s18+$0x0], $0xffff  }
0x23b: {  	v54 =	vld.idx.msk [tilespmem:v3+s18+$0x0], $0xffff  }
0x23c: {  	v55 =	vld.idx.msk [tilespmem:v4+s18+$0x0], $0xffff  }
0x23d: {  	v56 =	vld.idx.msk [tilespmem:v5+s18+$0x0], $0xffff  }
0x23e: {  	v57 =	vld.idx.msk [tilespmem:v6+s18+$0x0], $0xffff  }
0x23f: {  	v28 =	vld.idx.msk [tilespmem:v7+s18+$0x0], $0xffff  }
0x240: {  	v29 =	vld.idx.msk [tilespmem:v8+s18+$0x0], $0xffff  }
0x241: {  	v30 =	vld.idx.msk [tilespmem:v9+s18+$0x0], $0xffff  }
0x242: {  	v31 =	vld.idx.msk [tilespmem:v10+s18+$0x0], $0xffff  }
0x243: {  	v32 =	vld.idx.msk [tilespmem:v11+s18+$0x0], $0xffff  }
0x244: {  	v33 =	vld.idx.msk [tilespmem:v12+s18+$0x0], $0xffff  }
0x245: {  	v34 =	vld.idx.msk [tilespmem:v13+s18+$0x0], $0xffff  }
0x246: {  	v35 =	vld.idx.msk [tilespmem:v14+s18+$0x0], $0xffff  }
0x247: {  	v36 =	vld.idx.msk [tilespmem:v15+s18+$0x0], $0xffff;
	_ =	sdelay $0x1  }
0x248: {  	v21 =	vadd.f32 v22, v21;
	v22 =	vadd.f32 v54, v23  }
0x249: {  	v23 =	vadd.f32 v56, v55;
	v58 =	vadd.f32 v28, v57  }
0x24a: {  	v59 =	vadd.f32 v30, v29;
	v60 =	vadd.f32 v32, v31  }
0x24b: {  	v61 =	vadd.f32 v34, v33;
	v62 =	vadd.f32 v36, v35  }
0x24c: {  	v21 =	vadd.f32 v22, v21;
	v22 =	vadd.f32 v58, v23  }
0x24d: {  	v23 =	vadd.f32 v60, v59;
	v63 =	vadd.f32 v62, v61;
	_ =	sdelay $0x1  }
0x24e: {  	v21 =	vadd.f32 v22, v21;
	v22 =	vadd.f32 v63, v23;
	_ =	sdelay $0x1  }
0x24f: {  	v21 =	vadd.f32 v22, v21;
	_ =	sdelay $0x1  }
0x250: {  	v21 =	vadd.f32 v21, v20;
	_ =	sdelay $0x1  }
0x251: {  	v21 =	vsub.f32 $0.0e+00, v21;
	_ =	sdelay $0x1  }
0x252: {  	v21 =	vmul.f32 $1.442695020e+00, v21;
	_ =	sdelay $0x1  }
0x253: {  	(erf) = vpow2.f32 v21;
	_ =	sdelay $0x8  }
0x254: {  	v21 =	vpop (erf)  }
0x255: {  	v21 =	vadd.f32 $1.000000000e+00, v21;
	_ =	sdelay $0x1  }
0x256: {  	(erf) = vrcp.f32 v21;
	_ =	sdelay $0x4  }
0x257: {  	p0 =	sne.s32 s26, $0x7000  }
.Ltmp1:
0x258: {  	_ = 	snop;
	(pc) =	sbr.rel @p0 .LBB2_4-.Ltmp1, $3  }
0x259: {  	_ =	sdelay $0x1  }
0x25a: {  	v21 =	vpop (erf)  }
0x25b: {  	s26 =	sadd.s32 $0x1000, s26;
	[tilespmem:s28+$0x0] =	vst v21;
	s28 =	sadd.s32 $0x10, s28  }
0x25c: {  	[tilespmem:s14], [sflag:$0x1] =	stream.indirect.gather [hbm4b:s3+s13], $0x40, s20, s13, $0xb8;
	[tilespmem:$0x4750] =	vst v63  }
0x25d: {  	_ = 	snop  }
0x25e: {  	[tilespmem:s15], [sflag:$0x2] =	stream.indirect.gather [hbm4b:s4+s13], $0x40, s21, s13, $0xb8;
	[tilespmem:$0x4750] =	vst v63  }
0x25f: {  	_ =	swait.ge [sflag:s16], $0x2000  }
0x260: {  	[sflag:s16] =	ssyncset.done $0x0  }
0x261: {  	[sflag:s16] =	ssyncadd.s32 $0xFFFFE000  }
0x262: {  	_ =	swait.ge [sflag:s17], $0x2000  }
0x263: {  	[sflag:s17] =	ssyncset.done $0x0  }
0x264: {  	s26 =	simm.s32 $0x0;
	s28 =	simm.s32 $0x4500;
	[sflag:s17] =	ssyncadd.s32 $0xFFFFE000  }
.LBB2_6:
0x265: {  	s29 =	sshra.s32 s26, $0x2  }
0x266: {  	v21 =	vld [tilespmem:s29+$0x400]  }
0x267: {  	v22 =	vld [tilespmem:s29+$0x2400]  }
0x268: {  	v23 =	vld [tilespmem:s29+$0x410]  }
0x269: {  	v24 =	vld [tilespmem:s29+$0x2410]  }
0x26a: {  	v25 =	vld [tilespmem:s29+$0x420]  }
0x26b: {  	v26 =	vld [tilespmem:s29+$0x2420];
	_ =	sdelay $0x1  }
0x26c: {  	v27 =	vld [tilespmem:s29+$0x430]  }
0x26d: {  	v21 =	vmul.f32 v22, v21;
	v22 =	vld [tilespmem:s29+$0x2430]  }
0x26e: {  	v23 =	vmul.f32 v24, v23  }
0x26f: {  	v46 =	vmul.f32 v26, v25  }
0x270: {  	v21 =	vmul.f32 v21, v16;
	v23 =	vmul.f32 v23, v17;
	_ =	sdelay $0x1  }
0x271: {  	v21 =	vadd.f32 v23, v21;
	v23 =	vmul.f32 v46, v18;
	v22 =	vmul.f32 v22, v27;
	_ =	sdelay $0x1  }
0x272: {  	v21 =	vadd.f32 v23, v21;
	v22 =	vmul.f32 v22, v19;
	_ =	sdelay $0x1  }
0x273: {  	v21 =	vadd.f32 v22, v21;
	_ =	sdelay $0x1  }
0x274: {  	[tilespmem:$0x4600] =	vst v21  }
0x275: {  	v21 =	vld [tilespmem:s29+$0x440]  }
0x276: {  	v22 =	vld [tilespmem:s29+$0x2440]  }
0x277: {  	v23 =	vld [tilespmem:s29+$0x450]  }
0x278: {  	v47 =	vld [tilespmem:s29+$0x2450]  }
0x279: {  	v48 =	vld [tilespmem:s29+$0x460]  }
0x27a: {  	v49 =	vld [tilespmem:s29+$0x2460];
	_ =	sdelay $0x1  }
0x27b: {  	v50 =	vld [tilespmem:s29+$0x470]  }
0x27c: {  	v21 =	vmul.f32 v22, v21;
	v22 =	vld [tilespmem:s29+$0x2470]  }
0x27d: {  	v23 =	vmul.f32 v47, v23  }
0x27e: {  	v51 =	vmul.f32 v49, v48  }
0x27f: {  	v21 =	vmul.f32 v21, v16;
	v23 =	vmul.f32 v23, v17;
	_ =	sdelay $0x1  }
0x280: {  	v21 =	vadd.f32 v23, v21;
	v23 =	vmul.f32 v51, v18;
	v22 =	vmul.f32 v22, v50;
	_ =	sdelay $0x1  }
0x281: {  	v21 =	vadd.f32 v23, v21;
	v22 =	vmul.f32 v22, v19;
	_ =	sdelay $0x1  }
0x282: {  	v21 =	vadd.f32 v22, v21;
	_ =	sdelay $0x1  }
0x283: {  	[tilespmem:$0x4610] =	vst v21  }
0x284: {  	v21 =	vld [tilespmem:s29+$0x480]  }
0x285: {  	v22 =	vld [tilespmem:s29+$0x2480]  }
0x286: {  	v23 =	vld [tilespmem:s29+$0x490]  }
0x287: {  	v52 =	vld [tilespmem:s29+$0x2490]  }
0x288: {  	v53 =	vld [tilespmem:s29+$0x4A0]  }
0x289: {  	v54 =	vld [tilespmem:s29+$0x24A0];
	_ =	sdelay $0x1  }
0x28a: {  	v55 =	vld [tilespmem:s29+$0x4B0]  }
0x28b: {  	v21 =	vmul.f32 v22, v21;
	v22 =	vld [tilespmem:s29+$0x24B0]  }
0x28c: {  	v23 =	vmul.f32 v52, v23  }
0x28d: {  	v56 =	vmul.f32 v54, v53  }
0x28e: {  	v21 =	vmul.f32 v21, v16;
	v23 =	vmul.f32 v23, v17;
	_ =	sdelay $0x1  }
0x28f: {  	v21 =	vadd.f32 v23, v21;
	v23 =	vmul.f32 v56, v18;
	v22 =	vmul.f32 v22, v55;
	_ =	sdelay $0x1  }
0x290: {  	v21 =	vadd.f32 v23, v21;
	v22 =	vmul.f32 v22, v19;
	_ =	sdelay $0x1  }
0x291: {  	v21 =	vadd.f32 v22, v21;
	_ =	sdelay $0x1  }
0x292: {  	[tilespmem:$0x4620] =	vst v21  }
0x293: {  	v21 =	vld [tilespmem:s29+$0x4C0]  }
0x294: {  	v22 =	vld [tilespmem:s29+$0x24C0]  }
0x295: {  	v23 =	vld [tilespmem:s29+$0x4D0]  }
0x296: {  	v57 =	vld [tilespmem:s29+$0x24D0]  }
0x297: {  	v58 =	vld [tilespmem:s29+$0x4E0]  }
0x298: {  	v59 =	vld [tilespmem:s29+$0x24E0];
	_ =	sdelay $0x1  }
0x299: {  	v60 =	vld [tilespmem:s29+$0x4F0]  }
0x29a: {  	v21 =	vmul.f32 v22, v21;
	v22 =	vld [tilespmem:s29+$0x24F0]  }
0x29b: {  	v23 =	vmul.f32 v57, v23  }
0x29c: {  	v61 =	vmul.f32 v59, v58  }
0x29d: {  	v21 =	vmul.f32 v21, v16;
	v23 =	vmul.f32 v23, v17;
	_ =	sdelay $0x1  }
0x29e: {  	v21 =	vadd.f32 v23, v21;
	v23 =	vmul.f32 v61, v18;
	v22 =	vmul.f32 v22, v60;
	_ =	sdelay $0x1  }
0x29f: {  	v21 =	vadd.f32 v23, v21;
	v22 =	vmul.f32 v22, v19;
	_ =	sdelay $0x1  }
0x2a0: {  	v21 =	vadd.f32 v22, v21;
	_ =	sdelay $0x1  }
0x2a1: {  	[tilespmem:$0x4630] =	vst v21  }
0x2a2: {  	v21 =	vld [tilespmem:s29+$0x500]  }
0x2a3: {  	v22 =	vld [tilespmem:s29+$0x2500]  }
0x2a4: {  	v23 =	vld [tilespmem:s29+$0x510]  }
0x2a5: {  	v62 =	vld [tilespmem:s29+$0x2510]  }
0x2a6: {  	v63 =	vld [tilespmem:s29+$0x520]  }
0x2a7: {  	v30 =	vld [tilespmem:s29+$0x2520];
	_ =	sdelay $0x1  }
0x2a8: {  	v31 =	vld [tilespmem:s29+$0x530]  }
0x2a9: {  	v21 =	vmul.f32 v22, v21;
	v22 =	vld [tilespmem:s29+$0x2530]  }
0x2aa: {  	v23 =	vmul.f32 v62, v23  }
0x2ab: {  	v32 =	vmul.f32 v30, v63  }
0x2ac: {  	v21 =	vmul.f32 v21, v16;
	v23 =	vmul.f32 v23, v17;
	_ =	sdelay $0x1  }
0x2ad: {  	v21 =	vadd.f32 v23, v21;
	v23 =	vmul.f32 v32, v18;
	v22 =	vmul.f32 v22, v31;
	_ =	sdelay $0x1  }
0x2ae: {  	v21 =	vadd.f32 v23, v21;
	v22 =	vmul.f32 v22, v19;
	_ =	sdelay $0x1  }
0x2af: {  	v21 =	vadd.f32 v22, v21;
	_ =	sdelay $0x1  }
0x2b0: {  	[tilespmem:$0x4640] =	vst v21  }
0x2b1: {  	v21 =	vld [tilespmem:s29+$0x540]  }
0x2b2: {  	v22 =	vld [tilespmem:s29+$0x2540]  }
0x2b3: {  	v23 =	vld [tilespmem:s29+$0x550]  }
0x2b4: {  	v33 =	vld [tilespmem:s29+$0x2550]  }
0x2b5: {  	v34 =	vld [tilespmem:s29+$0x560]  }
0x2b6: {  	v35 =	vld [tilespmem:s29+$0x2560];
	_ =	sdelay $0x1  }
0x2b7: {  	v36 =	vld [tilespmem:s29+$0x570]  }
0x2b8: {  	v21 =	vmul.f32 v22, v21;
	v22 =	vld [tilespmem:s29+$0x2570]  }
0x2b9: {  	v23 =	vmul.f32 v33, v23  }
0x2ba: {  	v37 =	vmul.f32 v35, v34  }
0x2bb: {  	v21 =	vmul.f32 v21, v16;
	v23 =	vmul.f32 v23, v17;
	_ =	sdelay $0x1  }
0x2bc: {  	v21 =	vadd.f32 v23, v21;
	v23 =	vmul.f32 v37, v18;
	v22 =	vmul.f32 v22, v36;
	_ =	sdelay $0x1  }
0x2bd: {  	v21 =	vadd.f32 v23, v21;
	v22 =	vmul.f32 v22, v19;
	_ =	sdelay $0x1  }
0x2be: {  	v21 =	vadd.f32 v22, v21;
	_ =	sdelay $0x1  }
0x2bf: {  	[tilespmem:$0x4650] =	vst v21  }
0x2c0: {  	v21 =	vld [tilespmem:s29+$0x580]  }
0x2c1: {  	v22 =	vld [tilespmem:s29+$0x2580]  }
0x2c2: {  	v23 =	vld [tilespmem:s29+$0x590]  }
0x2c3: {  	v38 =	vld [tilespmem:s29+$0x2590]  }
0x2c4: {  	v39 =	vld [tilespmem:s29+$0x5A0]  }
0x2c5: {  	v40 =	vld [tilespmem:s29+$0x25A0];
	_ =	sdelay $0x1  }
0x2c6: {  	v41 =	vld [tilespmem:s29+$0x5B0]  }
0x2c7: {  	v21 =	vmul.f32 v22, v21;
	v22 =	vld [tilespmem:s29+$0x25B0]  }
0x2c8: {  	v23 =	vmul.f32 v38, v23  }
0x2c9: {  	v42 =	vmul.f32 v40, v39  }
0x2ca: {  	v21 =	vmul.f32 v21, v16;
	v23 =	vmul.f32 v23, v17;
	_ =	sdelay $0x1  }
0x2cb: {  	v21 =	vadd.f32 v23, v21;
	v23 =	vmul.f32 v42, v18;
	v22 =	vmul.f32 v22, v41;
	_ =	sdelay $0x1  }
0x2cc: {  	v21 =	vadd.f32 v23, v21;
	v22 =	vmul.f32 v22, v19;
	_ =	sdelay $0x1  }
0x2cd: {  	v21 =	vadd.f32 v22, v21;
	_ =	sdelay $0x1  }
0x2ce: {  	[tilespmem:$0x4660] =	vst v21  }
0x2cf: {  	v21 =	vld [tilespmem:s29+$0x5C0]  }
0x2d0: {  	v22 =	vld [tilespmem:s29+$0x25C0]  }
0x2d1: {  	v23 =	vld [tilespmem:s29+$0x5D0]  }
0x2d2: {  	v43 =	vld [tilespmem:s29+$0x25D0]  }
0x2d3: {  	v44 =	vld [tilespmem:s29+$0x5E0]  }
0x2d4: {  	v45 =	vld [tilespmem:s29+$0x25E0];
	_ =	sdelay $0x1  }
0x2d5: {  	v46 =	vld [tilespmem:s29+$0x5F0]  }
0x2d6: {  	v21 =	vmul.f32 v22, v21;
	v22 =	vld [tilespmem:s29+$0x25F0]  }
0x2d7: {  	v23 =	vmul.f32 v43, v23  }
0x2d8: {  	v47 =	vmul.f32 v45, v44  }
0x2d9: {  	v21 =	vmul.f32 v21, v16;
	v23 =	vmul.f32 v23, v17;
	_ =	sdelay $0x1  }
0x2da: {  	v21 =	vadd.f32 v23, v21;
	v23 =	vmul.f32 v47, v18;
	v22 =	vmul.f32 v22, v46;
	_ =	sdelay $0x1  }
0x2db: {  	v21 =	vadd.f32 v23, v21;
	v22 =	vmul.f32 v22, v19;
	_ =	sdelay $0x1  }
0x2dc: {  	v21 =	vadd.f32 v22, v21;
	_ =	sdelay $0x1  }
0x2dd: {  	[tilespmem:$0x4670] =	vst v21  }
0x2de: {  	v21 =	vld [tilespmem:s29+$0x600]  }
0x2df: {  	v22 =	vld [tilespmem:s29+$0x2600]  }
0x2e0: {  	v23 =	vld [tilespmem:s29+$0x610]  }
0x2e1: {  	v48 =	vld [tilespmem:s29+$0x2610]  }
0x2e2: {  	v49 =	vld [tilespmem:s29+$0x620]  }
0x2e3: {  	v50 =	vld [tilespmem:s29+$0x2620];
	_ =	sdelay $0x1  }
0x2e4: {  	v51 =	vld [tilespmem:s29+$0x630]  }
0x2e5: {  	v21 =	vmul.f32 v22, v21;
	v22 =	vld [tilespmem:s29+$0x2630]  }
0x2e6: {  	v23 =	vmul.f32 v48, v23  }
0x2e7: {  	v52 =	vmul.f32 v50, v49  }
0x2e8: {  	v21 =	vmul.f32 v21, v16;
	v23 =	vmul.f32 v23, v17;
	_ =	sdelay $0x1  }
0x2e9: {  	v21 =	vadd.f32 v23, v21;
	v23 =	vmul.f32 v52, v18;
	v22 =	vmul.f32 v22, v51;
	_ =	sdelay $0x1  }
0x2ea: {  	v21 =	vadd.f32 v23, v21;
	v22 =	vmul.f32 v22, v19;
	_ =	sdelay $0x1  }
0x2eb: {  	v21 =	vadd.f32 v22, v21;
	_ =	sdelay $0x1  }
0x2ec: {  	[tilespmem:$0x4680] =	vst v21  }
0x2ed: {  	v21 =	vld [tilespmem:s29+$0x640]  }
0x2ee: {  	v22 =	vld [tilespmem:s29+$0x2640]  }
0x2ef: {  	v23 =	vld [tilespmem:s29+$0x650]  }
0x2f0: {  	v53 =	vld [tilespmem:s29+$0x2650]  }
0x2f1: {  	v54 =	vld [tilespmem:s29+$0x660]  }
0x2f2: {  	v55 =	vld [tilespmem:s29+$0x2660];
	_ =	sdelay $0x1  }
0x2f3: {  	v56 =	vld [tilespmem:s29+$0x670]  }
0x2f4: {  	v21 =	vmul.f32 v22, v21;
	v22 =	vld [tilespmem:s29+$0x2670]  }
0x2f5: {  	v23 =	vmul.f32 v53, v23  }
0x2f6: {  	v57 =	vmul.f32 v55, v54  }
0x2f7: {  	v21 =	vmul.f32 v21, v16;
	v23 =	vmul.f32 v23, v17;
	_ =	sdelay $0x1  }
0x2f8: {  	v21 =	vadd.f32 v23, v21;
	v23 =	vmul.f32 v57, v18;
	v22 =	vmul.f32 v22, v56;
	_ =	sdelay $0x1  }
0x2f9: {  	v21 =	vadd.f32 v23, v21;
	v22 =	vmul.f32 v22, v19;
	_ =	sdelay $0x1  }
0x2fa: {  	v21 =	vadd.f32 v22, v21;
	_ =	sdelay $0x1  }
0x2fb: {  	[tilespmem:$0x4690] =	vst v21  }
0x2fc: {  	v21 =	vld [tilespmem:s29+$0x680]  }
0x2fd: {  	v22 =	vld [tilespmem:s29+$0x2680]  }
0x2fe: {  	v23 =	vld [tilespmem:s29+$0x690]  }
0x2ff: {  	v58 =	vld [tilespmem:s29+$0x2690]  }
0x300: {  	v59 =	vld [tilespmem:s29+$0x6A0]  }
0x301: {  	v60 =	vld [tilespmem:s29+$0x26A0];
	_ =	sdelay $0x1  }
0x302: {  	v61 =	vld [tilespmem:s29+$0x6B0]  }
0x303: {  	v21 =	vmul.f32 v22, v21;
	v22 =	vld [tilespmem:s29+$0x26B0]  }
0x304: {  	v23 =	vmul.f32 v58, v23  }
0x305: {  	v62 =	vmul.f32 v60, v59  }
0x306: {  	v21 =	vmul.f32 v21, v16;
	v23 =	vmul.f32 v23, v17;
	_ =	sdelay $0x1  }
0x307: {  	v21 =	vadd.f32 v23, v21;
	v23 =	vmul.f32 v62, v18;
	v22 =	vmul.f32 v22, v61;
	_ =	sdelay $0x1  }
0x308: {  	v21 =	vadd.f32 v23, v21;
	v22 =	vmul.f32 v22, v19;
	_ =	sdelay $0x1  }
0x309: {  	v21 =	vadd.f32 v22, v21;
	_ =	sdelay $0x1  }
0x30a: {  	[tilespmem:$0x46A0] =	vst v21  }
0x30b: {  	v21 =	vld [tilespmem:s29+$0x6C0]  }
0x30c: {  	v22 =	vld [tilespmem:s29+$0x26C0]  }
0x30d: {  	v23 =	vld [tilespmem:s29+$0x6D0]  }
0x30e: {  	v63 =	vld [tilespmem:s29+$0x26D0]  }
0x30f: {  	v30 =	vld [tilespmem:s29+$0x6E0]  }
0x310: {  	v31 =	vld [tilespmem:s29+$0x26E0];
	_ =	sdelay $0x1  }
0x311: {  	v32 =	vld [tilespmem:s29+$0x6F0]  }
0x312: {  	v21 =	vmul.f32 v22, v21;
	v22 =	vld [tilespmem:s29+$0x26F0]  }
0x313: {  	v23 =	vmul.f32 v63, v23  }
0x314: {  	v33 =	vmul.f32 v31, v30  }
0x315: {  	v21 =	vmul.f32 v21, v16;
	v23 =	vmul.f32 v23, v17;
	_ =	sdelay $0x1  }
0x316: {  	v21 =	vadd.f32 v23, v21;
	v23 =	vmul.f32 v33, v18;
	v22 =	vmul.f32 v22, v32;
	_ =	sdelay $0x1  }
0x317: {  	v21 =	vadd.f32 v23, v21;
	v22 =	vmul.f32 v22, v19;
	_ =	sdelay $0x1  }
0x318: {  	v21 =	vadd.f32 v22, v21;
	_ =	sdelay $0x1  }
0x319: {  	[tilespmem:$0x46B0] =	vst v21  }
0x31a: {  	v21 =	vld [tilespmem:s29+$0x700]  }
0x31b: {  	v22 =	vld [tilespmem:s29+$0x2700]  }
0x31c: {  	v23 =	vld [tilespmem:s29+$0x710]  }
0x31d: {  	v34 =	vld [tilespmem:s29+$0x2710]  }
0x31e: {  	v35 =	vld [tilespmem:s29+$0x720]  }
0x31f: {  	v36 =	vld [tilespmem:s29+$0x2720];
	_ =	sdelay $0x1  }
0x320: {  	v37 =	vld [tilespmem:s29+$0x730]  }
0x321: {  	v21 =	vmul.f32 v22, v21;
	v22 =	vld [tilespmem:s29+$0x2730]  }
0x322: {  	v23 =	vmul.f32 v34, v23  }
0x323: {  	v38 =	vmul.f32 v36, v35  }
0x324: {  	v21 =	vmul.f32 v21, v16;
	v23 =	vmul.f32 v23, v17;
	_ =	sdelay $0x1  }
0x325: {  	v21 =	vadd.f32 v23, v21;
	v23 =	vmul.f32 v38, v18;
	v22 =	vmul.f32 v22, v37;
	_ =	sdelay $0x1  }
0x326: {  	v21 =	vadd.f32 v23, v21;
	v22 =	vmul.f32 v22, v19;
	_ =	sdelay $0x1  }
0x327: {  	v21 =	vadd.f32 v22, v21;
	_ =	sdelay $0x1  }
0x328: {  	[tilespmem:$0x46C0] =	vst v21  }
0x329: {  	v21 =	vld [tilespmem:s29+$0x740]  }
0x32a: {  	v22 =	vld [tilespmem:s29+$0x2740]  }
0x32b: {  	v23 =	vld [tilespmem:s29+$0x750]  }
0x32c: {  	v39 =	vld [tilespmem:s29+$0x2750]  }
0x32d: {  	v40 =	vld [tilespmem:s29+$0x760]  }
0x32e: {  	v41 =	vld [tilespmem:s29+$0x2760];
	_ =	sdelay $0x1  }
0x32f: {  	v42 =	vld [tilespmem:s29+$0x770]  }
0x330: {  	v21 =	vmul.f32 v22, v21;
	v22 =	vld [tilespmem:s29+$0x2770]  }
0x331: {  	v23 =	vmul.f32 v39, v23  }
0x332: {  	v43 =	vmul.f32 v41, v40  }
0x333: {  	v21 =	vmul.f32 v21, v16;
	v23 =	vmul.f32 v23, v17;
	_ =	sdelay $0x1  }
0x334: {  	v21 =	vadd.f32 v23, v21;
	v23 =	vmul.f32 v43, v18;
	v22 =	vmul.f32 v22, v42;
	_ =	sdelay $0x1  }
0x335: {  	v21 =	vadd.f32 v23, v21;
	v22 =	vmul.f32 v22, v19;
	_ =	sdelay $0x1  }
0x336: {  	v21 =	vadd.f32 v22, v21;
	_ =	sdelay $0x1  }
0x337: {  	[tilespmem:$0x46D0] =	vst v21  }
0x338: {  	v21 =	vld [tilespmem:s29+$0x780]  }
0x339: {  	v22 =	vld [tilespmem:s29+$0x2780]  }
0x33a: {  	v23 =	vld [tilespmem:s29+$0x790]  }
0x33b: {  	v44 =	vld [tilespmem:s29+$0x2790]  }
0x33c: {  	v45 =	vld [tilespmem:s29+$0x7A0]  }
0x33d: {  	v46 =	vld [tilespmem:s29+$0x27A0];
	_ =	sdelay $0x1  }
0x33e: {  	v47 =	vld [tilespmem:s29+$0x7B0]  }
0x33f: {  	v21 =	vmul.f32 v22, v21;
	v22 =	vld [tilespmem:s29+$0x27B0]  }
0x340: {  	v23 =	vmul.f32 v44, v23  }
0x341: {  	v48 =	vmul.f32 v46, v45  }
0x342: {  	v21 =	vmul.f32 v21, v16;
	v23 =	vmul.f32 v23, v17;
	_ =	sdelay $0x1  }
0x343: {  	v21 =	vadd.f32 v23, v21;
	v23 =	vmul.f32 v48, v18;
	v22 =	vmul.f32 v22, v47;
	_ =	sdelay $0x1  }
0x344: {  	v21 =	vadd.f32 v23, v21;
	v22 =	vmul.f32 v22, v19;
	_ =	sdelay $0x1  }
0x345: {  	v21 =	vadd.f32 v22, v21;
	_ =	sdelay $0x1  }
0x346: {  	[tilespmem:$0x46E0] =	vst v21  }
0x347: {  	v21 =	vld [tilespmem:s29+$0x7C0]  }
0x348: {  	v22 =	vld [tilespmem:s29+$0x27C0]  }
0x349: {  	v23 =	vld [tilespmem:s29+$0x7D0]  }
0x34a: {  	v49 =	vld [tilespmem:s29+$0x27D0]  }
0x34b: {  	v50 =	vld [tilespmem:s29+$0x7E0]  }
0x34c: {  	v51 =	vld [tilespmem:s29+$0x27E0];
	_ =	sdelay $0x1  }
0x34d: {  	v52 =	vld [tilespmem:s29+$0x7F0]  }
0x34e: {  	v21 =	vmul.f32 v22, v21;
	v22 =	vld [tilespmem:s29+$0x27F0]  }
0x34f: {  	v23 =	vmul.f32 v49, v23  }
0x350: {  	v53 =	vmul.f32 v51, v50  }
0x351: {  	v21 =	vmul.f32 v21, v16;
	v23 =	vmul.f32 v23, v17;
	_ =	sdelay $0x1  }
0x352: {  	v21 =	vadd.f32 v23, v21;
	v23 =	vmul.f32 v53, v18;
	v22 =	vmul.f32 v22, v52;
	_ =	sdelay $0x1  }
0x353: {  	v21 =	vadd.f32 v23, v21;
	v22 =	vmul.f32 v22, v19;
	_ =	sdelay $0x1  }
0x354: {  	v21 =	vadd.f32 v22, v21;
	_ =	sdelay $0x1  }
0x355: {  	[tilespmem:$0x46F0] =	vst v21  }
0x356: {  	v21 =	vld.idx.msk [tilespmem:v0+s18+$0x0], $0xffff  }
0x357: {  	v22 =	vld.idx.msk [tilespmem:v1+s18+$0x0], $0xffff  }
0x358: {  	v23 =	vld.idx.msk [tilespmem:v2+s18+$0x0], $0xffff  }
0x359: {  	v54 =	vld.idx.msk [tilespmem:v3+s18+$0x0], $0xffff  }
0x35a: {  	v55 =	vld.idx.msk [tilespmem:v4+s18+$0x0], $0xffff  }
0x35b: {  	v56 =	vld.idx.msk [tilespmem:v5+s18+$0x0], $0xffff  }
0x35c: {  	v57 =	vld.idx.msk [tilespmem:v6+s18+$0x0], $0xffff  }
0x35d: {  	v28 =	vld.idx.msk [tilespmem:v7+s18+$0x0], $0xffff  }
0x35e: {  	v29 =	vld.idx.msk [tilespmem:v8+s18+$0x0], $0xffff  }
0x35f: {  	v30 =	vld.idx.msk [tilespmem:v9+s18+$0x0], $0xffff  }
0x360: {  	v31 =	vld.idx.msk [tilespmem:v10+s18+$0x0], $0xffff  }
0x361: {  	v32 =	vld.idx.msk [tilespmem:v11+s18+$0x0], $0xffff  }
0x362: {  	v33 =	vld.idx.msk [tilespmem:v12+s18+$0x0], $0xffff  }
0x363: {  	v34 =	vld.idx.msk [tilespmem:v13+s18+$0x0], $0xffff  }
0x364: {  	v35 =	vld.idx.msk [tilespmem:v14+s18+$0x0], $0xffff  }
0x365: {  	v36 =	vld.idx.msk [tilespmem:v15+s18+$0x0], $0xffff;
	_ =	sdelay $0x1  }
0x366: {  	v21 =	vadd.f32 v22, v21;
	v22 =	vadd.f32 v54, v23  }
0x367: {  	v23 =	vadd.f32 v56, v55;
	v58 =	vadd.f32 v28, v57  }
0x368: {  	v59 =	vadd.f32 v30, v29;
	v60 =	vadd.f32 v32, v31  }
0x369: {  	v61 =	vadd.f32 v34, v33;
	v62 =	vadd.f32 v36, v35  }
0x36a: {  	v21 =	vadd.f32 v22, v21;
	v22 =	vadd.f32 v58, v23  }
0x36b: {  	v23 =	vadd.f32 v60, v59;
	v63 =	vadd.f32 v62, v61;
	_ =	sdelay $0x1  }
0x36c: {  	v21 =	vadd.f32 v22, v21;
	v22 =	vadd.f32 v63, v23;
	_ =	sdelay $0x1  }
0x36d: {  	v21 =	vadd.f32 v22, v21;
	_ =	sdelay $0x1  }
0x36e: {  	v21 =	vadd.f32 v21, v20;
	_ =	sdelay $0x1  }
0x36f: {  	v21 =	vsub.f32 $0.0e+00, v21;
	_ =	sdelay $0x1  }
0x370: {  	v21 =	vmul.f32 $1.442695020e+00, v21;
	_ =	sdelay $0x1  }
0x371: {  	(erf) = vpow2.f32 v21;
	_ =	sdelay $0x8  }
0x372: {  	v21 =	vpop (erf)  }
0x373: {  	v21 =	vadd.f32 $1.000000000e+00, v21;
	_ =	sdelay $0x1  }
0x374: {  	(erf) = vrcp.f32 v21;
	_ =	sdelay $0x4  }
0x375: {  	p0 =	sne.s32 s26, $0x7000  }
.Ltmp2:
0x376: {  	_ = 	snop;
	(pc) =	sbr.rel @p0 .LBB2_6-.Ltmp2, $3  }
0x377: {  	_ =	sdelay $0x1  }
0x378: {  	v21 =	vpop (erf)  }
0x379: {  	s26 =	sadd.s32 $0x1000, s26;
	[tilespmem:s28+$0x0] =	vst v21;
	s28 =	sadd.s32 $0x10, s28  }
0x37a: {  	[tilespmem:s14], [sflag:$0x1] =	stream.indirect.gather [hbm4b:s3+s13], $0x40, s22, s13, $0xb8;
	[tilespmem:$0x4750] =	vst v63  }
0x37b: {  	_ = 	snop  }
0x37c: {  	[tilespmem:s15], [sflag:$0x2] =	stream.indirect.gather [hbm4b:s4+s13], $0x40, s23, s13, $0xb8;
	[tilespmem:$0x4750] =	vst v63  }
0x37d: {  	_ =	swait.ge [sflag:s16], $0x2000  }
0x37e: {  	[sflag:s16] =	ssyncset.done $0x0  }
0x37f: {  	[sflag:s16] =	ssyncadd.s32 $0xFFFFE000  }
0x380: {  	_ =	swait.ge [sflag:s17], $0x2000  }
0x381: {  	[sflag:s17] =	ssyncset.done $0x0  }
0x382: {  	s26 =	simm.s32 $0x0;
	s28 =	simm.s32 $0x4580;
	[sflag:s17] =	ssyncadd.s32 $0xFFFFE000  }
.LBB2_8:
0x383: {  	s29 =	sshra.s32 s26, $0x2  }
0x384: {  	v21 =	vld [tilespmem:s29+$0x400]  }
0x385: {  	v22 =	vld [tilespmem:s29+$0x2400]  }
0x386: {  	v23 =	vld [tilespmem:s29+$0x410]  }
0x387: {  	v24 =	vld [tilespmem:s29+$0x2410]  }
0x388: {  	v25 =	vld [tilespmem:s29+$0x420]  }
0x389: {  	v26 =	vld [tilespmem:s29+$0x2420];
	_ =	sdelay $0x1  }
0x38a: {  	v27 =	vld [tilespmem:s29+$0x430]  }
0x38b: {  	v21 =	vmul.f32 v22, v21;
	v22 =	vld [tilespmem:s29+$0x2430]  }
0x38c: {  	v23 =	vmul.f32 v24, v23  }
0x38d: {  	v46 =	vmul.f32 v26, v25  }
0x38e: {  	v21 =	vmul.f32 v21, v16;
	v23 =	vmul.f32 v23, v17;
	_ =	sdelay $0x1  }
0x38f: {  	v21 =	vadd.f32 v23, v21;
	v23 =	vmul.f32 v46, v18;
	v22 =	vmul.f32 v22, v27;
	_ =	sdelay $0x1  }
0x390: {  	v21 =	vadd.f32 v23, v21;
	v22 =	vmul.f32 v22, v19;
	_ =	sdelay $0x1  }
0x391: {  	v21 =	vadd.f32 v22, v21;
	_ =	sdelay $0x1  }
0x392: {  	[tilespmem:$0x4600] =	vst v21  }
0x393: {  	v21 =	vld [tilespmem:s29+$0x440]  }
0x394: {  	v22 =	vld [tilespmem:s29+$0x2440]  }
0x395: {  	v23 =	vld [tilespmem:s29+$0x450]  }
0x396: {  	v47 =	vld [tilespmem:s29+$0x2450]  }
0x397: {  	v48 =	vld [tilespmem:s29+$0x460]  }
0x398: {  	v49 =	vld [tilespmem:s29+$0x2460];
	_ =	sdelay $0x1  }
0x399: {  	v50 =	vld [tilespmem:s29+$0x470]  }
0x39a: {  	v21 =	vmul.f32 v22, v21;
	v22 =	vld [tilespmem:s29+$0x2470]  }
0x39b: {  	v23 =	vmul.f32 v47, v23  }
0x39c: {  	v51 =	vmul.f32 v49, v48  }
0x39d: {  	v21 =	vmul.f32 v21, v16;
	v23 =	vmul.f32 v23, v17;
	_ =	sdelay $0x1  }
0x39e: {  	v21 =	vadd.f32 v23, v21;
	v23 =	vmul.f32 v51, v18;
	v22 =	vmul.f32 v22, v50;
	_ =	sdelay $0x1  }
0x39f: {  	v21 =	vadd.f32 v23, v21;
	v22 =	vmul.f32 v22, v19;
	_ =	sdelay $0x1  }
0x3a0: {  	v21 =	vadd.f32 v22, v21;
	_ =	sdelay $0x1  }
0x3a1: {  	[tilespmem:$0x4610] =	vst v21  }
0x3a2: {  	v21 =	vld [tilespmem:s29+$0x480]  }
0x3a3: {  	v22 =	vld [tilespmem:s29+$0x2480]  }
0x3a4: {  	v23 =	vld [tilespmem:s29+$0x490]  }
0x3a5: {  	v52 =	vld [tilespmem:s29+$0x2490]  }
0x3a6: {  	v53 =	vld [tilespmem:s29+$0x4A0]  }
0x3a7: {  	v54 =	vld [tilespmem:s29+$0x24A0];
	_ =	sdelay $0x1  }
0x3a8: {  	v55 =	vld [tilespmem:s29+$0x4B0]  }
0x3a9: {  	v21 =	vmul.f32 v22, v21;
	v22 =	vld [tilespmem:s29+$0x24B0]  }
0x3aa: {  	v23 =	vmul.f32 v52, v23  }
0x3ab: {  	v56 =	vmul.f32 v54, v53  }
0x3ac: {  	v21 =	vmul.f32 v21, v16;
	v23 =	vmul.f32 v23, v17;
	_ =	sdelay $0x1  }
0x3ad: {  	v21 =	vadd.f32 v23, v21;
	v23 =	vmul.f32 v56, v18;
	v22 =	vmul.f32 v22, v55;
	_ =	sdelay $0x1  }
0x3ae: {  	v21 =	vadd.f32 v23, v21;
	v22 =	vmul.f32 v22, v19;
	_ =	sdelay $0x1  }
0x3af: {  	v21 =	vadd.f32 v22, v21;
	_ =	sdelay $0x1  }
0x3b0: {  	[tilespmem:$0x4620] =	vst v21  }
0x3b1: {  	v21 =	vld [tilespmem:s29+$0x4C0]  }
0x3b2: {  	v22 =	vld [tilespmem:s29+$0x24C0]  }
0x3b3: {  	v23 =	vld [tilespmem:s29+$0x4D0]  }
0x3b4: {  	v57 =	vld [tilespmem:s29+$0x24D0]  }
0x3b5: {  	v58 =	vld [tilespmem:s29+$0x4E0]  }
0x3b6: {  	v59 =	vld [tilespmem:s29+$0x24E0];
	_ =	sdelay $0x1  }
0x3b7: {  	v60 =	vld [tilespmem:s29+$0x4F0]  }
0x3b8: {  	v21 =	vmul.f32 v22, v21;
	v22 =	vld [tilespmem:s29+$0x24F0]  }
0x3b9: {  	v23 =	vmul.f32 v57, v23  }
0x3ba: {  	v61 =	vmul.f32 v59, v58  }
0x3bb: {  	v21 =	vmul.f32 v21, v16;
	v23 =	vmul.f32 v23, v17;
	_ =	sdelay $0x1  }
0x3bc: {  	v21 =	vadd.f32 v23, v21;
	v23 =	vmul.f32 v61, v18;
	v22 =	vmul.f32 v22, v60;
	_ =	sdelay $0x1  }
0x3bd: {  	v21 =	vadd.f32 v23, v21;
	v22 =	vmul.f32 v22, v19;
	_ =	sdelay $0x1  }
0x3be: {  	v21 =	vadd.f32 v22, v21;
	_ =	sdelay $0x1  }
0x3bf: {  	[tilespmem:$0x4630] =	vst v21  }
0x3c0: {  	v21 =	vld [tilespmem:s29+$0x500]  }
0x3c1: {  	v22 =	vld [tilespmem:s29+$0x2500]  }
0x3c2: {  	v23 =	vld [tilespmem:s29+$0x510]  }
0x3c3: {  	v62 =	vld [tilespmem:s29+$0x2510]  }
0x3c4: {  	v63 =	vld [tilespmem:s29+$0x520]  }
0x3c5: {  	v30 =	vld [tilespmem:s29+$0x2520];
	_ =	sdelay $0x1  }
0x3c6: {  	v31 =	vld [tilespmem:s29+$0x530]  }
0x3c7: {  	v21 =	vmul.f32 v22, v21;
	v22 =	vld [tilespmem:s29+$0x2530]  }
0x3c8: {  	v23 =	vmul.f32 v62, v23  }
0x3c9: {  	v32 =	vmul.f32 v30, v63  }
0x3ca: {  	v21 =	vmul.f32 v21, v16;
	v23 =	vmul.f32 v23, v17;
	_ =	sdelay $0x1  }
0x3cb: {  	v21 =	vadd.f32 v23, v21;
	v23 =	vmul.f32 v32, v18;
	v22 =	vmul.f32 v22, v31;
	_ =	sdelay $0x1  }
0x3cc: {  	v21 =	vadd.f32 v23, v21;
	v22 =	vmul.f32 v22, v19;
	_ =	sdelay $0x1  }
0x3cd: {  	v21 =	vadd.f32 v22, v21;
	_ =	sdelay $0x1  }
0x3ce: {  	[tilespmem:$0x4640] =	vst v21  }
0x3cf: {  	v21 =	vld [tilespmem:s29+$0x540]  }
0x3d0: {  	v22 =	vld [tilespmem:s29+$0x2540]  }
0x3d1: {  	v23 =	vld [tilespmem:s29+$0x550]  }
0x3d2: {  	v33 =	vld [tilespmem:s29+$0x2550]  }
0x3d3: {  	v34 =	vld [tilespmem:s29+$0x560]  }
0x3d4: {  	v35 =	vld [tilespmem:s29+$0x2560];
	_ =	sdelay $0x1  }
0x3d5: {  	v36 =	vld [tilespmem:s29+$0x570]  }
0x3d6: {  	v21 =	vmul.f32 v22, v21;
	v22 =	vld [tilespmem:s29+$0x2570]  }
0x3d7: {  	v23 =	vmul.f32 v33, v23  }
0x3d8: {  	v37 =	vmul.f32 v35, v34  }
0x3d9: {  	v21 =	vmul.f32 v21, v16;
	v23 =	vmul.f32 v23, v17;
	_ =	sdelay $0x1  }
0x3da: {  	v21 =	vadd.f32 v23, v21;
	v23 =	vmul.f32 v37, v18;
	v22 =	vmul.f32 v22, v36;
	_ =	sdelay $0x1  }
0x3db: {  	v21 =	vadd.f32 v23, v21;
	v22 =	vmul.f32 v22, v19;
	_ =	sdelay $0x1  }
0x3dc: {  	v21 =	vadd.f32 v22, v21;
	_ =	sdelay $0x1  }
0x3dd: {  	[tilespmem:$0x4650] =	vst v21  }
0x3de: {  	v21 =	vld [tilespmem:s29+$0x580]  }
0x3df: {  	v22 =	vld [tilespmem:s29+$0x2580]  }
0x3e0: {  	v23 =	vld [tilespmem:s29+$0x590]  }
0x3e1: {  	v38 =	vld [tilespmem:s29+$0x2590]  }
0x3e2: {  	v39 =	vld [tilespmem:s29+$0x5A0]  }
0x3e3: {  	v40 =	vld [tilespmem:s29+$0x25A0];
	_ =	sdelay $0x1  }
0x3e4: {  	v41 =	vld [tilespmem:s29+$0x5B0]  }
0x3e5: {  	v21 =	vmul.f32 v22, v21;
	v22 =	vld [tilespmem:s29+$0x25B0]  }
0x3e6: {  	v23 =	vmul.f32 v38, v23  }
0x3e7: {  	v42 =	vmul.f32 v40, v39  }
0x3e8: {  	v21 =	vmul.f32 v21, v16;
	v23 =	vmul.f32 v23, v17;
	_ =	sdelay $0x1  }
0x3e9: {  	v21 =	vadd.f32 v23, v21;
	v23 =	vmul.f32 v42, v18;
	v22 =	vmul.f32 v22, v41;
	_ =	sdelay $0x1  }
0x3ea: {  	v21 =	vadd.f32 v23, v21;
	v22 =	vmul.f32 v22, v19;
	_ =	sdelay $0x1  }
0x3eb: {  	v21 =	vadd.f32 v22, v21;
	_ =	sdelay $0x1  }
0x3ec: {  	[tilespmem:$0x4660] =	vst v21  }
0x3ed: {  	v21 =	vld [tilespmem:s29+$0x5C0]  }
0x3ee: {  	v22 =	vld [tilespmem:s29+$0x25C0]  }
0x3ef: {  	v23 =	vld [tilespmem:s29+$0x5D0]  }
0x3f0: {  	v43 =	vld [tilespmem:s29+$0x25D0]  }
0x3f1: {  	v44 =	vld [tilespmem:s29+$0x5E0]  }
0x3f2: {  	v45 =	vld [tilespmem:s29+$0x25E0];
	_ =	sdelay $0x1  }
0x3f3: {  	v46 =	vld [tilespmem:s29+$0x5F0]  }
0x3f4: {  	v21 =	vmul.f32 v22, v21;
	v22 =	vld [tilespmem:s29+$0x25F0]  }
0x3f5: {  	v23 =	vmul.f32 v43, v23  }
0x3f6: {  	v47 =	vmul.f32 v45, v44  }
0x3f7: {  	v21 =	vmul.f32 v21, v16;
	v23 =	vmul.f32 v23, v17;
	_ =	sdelay $0x1  }
0x3f8: {  	v21 =	vadd.f32 v23, v21;
	v23 =	vmul.f32 v47, v18;
	v22 =	vmul.f32 v22, v46;
	_ =	sdelay $0x1  }
0x3f9: {  	v21 =	vadd.f32 v23, v21;
	v22 =	vmul.f32 v22, v19;
	_ =	sdelay $0x1  }
0x3fa: {  	v21 =	vadd.f32 v22, v21;
	_ =	sdelay $0x1  }
0x3fb: {  	[tilespmem:$0x4670] =	vst v21  }
0x3fc: {  	v21 =	vld [tilespmem:s29+$0x600]  }
0x3fd: {  	v22 =	vld [tilespmem:s29+$0x2600]  }
0x3fe: {  	v23 =	vld [tilespmem:s29+$0x610]  }
0x3ff: {  	v48 =	vld [tilespmem:s29+$0x2610]  }
0x400: {  	v49 =	vld [tilespmem:s29+$0x620]  }
0x401: {  	v50 =	vld [tilespmem:s29+$0x2620];
	_ =	sdelay $0x1  }
0x402: {  	v51 =	vld [tilespmem:s29+$0x630]  }
0x403: {  	v21 =	vmul.f32 v22, v21;
	v22 =	vld [tilespmem:s29+$0x2630]  }
0x404: {  	v23 =	vmul.f32 v48, v23  }
0x405: {  	v52 =	vmul.f32 v50, v49  }
0x406: {  	v21 =	vmul.f32 v21, v16;
	v23 =	vmul.f32 v23, v17;
	_ =	sdelay $0x1  }
0x407: {  	v21 =	vadd.f32 v23, v21;
	v23 =	vmul.f32 v52, v18;
	v22 =	vmul.f32 v22, v51;
	_ =	sdelay $0x1  }
0x408: {  	v21 =	vadd.f32 v23, v21;
	v22 =	vmul.f32 v22, v19;
	_ =	sdelay $0x1  }
0x409: {  	v21 =	vadd.f32 v22, v21;
	_ =	sdelay $0x1  }
0x40a: {  	[tilespmem:$0x4680] =	vst v21  }
0x40b: {  	v21 =	vld [tilespmem:s29+$0x640]  }
0x40c: {  	v22 =	vld [tilespmem:s29+$0x2640]  }
0x40d: {  	v23 =	vld [tilespmem:s29+$0x650]  }
0x40e: {  	v53 =	vld [tilespmem:s29+$0x2650]  }
0x40f: {  	v54 =	vld [tilespmem:s29+$0x660]  }
0x410: {  	v55 =	vld [tilespmem:s29+$0x2660];
	_ =	sdelay $0x1  }
0x411: {  	v56 =	vld [tilespmem:s29+$0x670]  }
0x412: {  	v21 =	vmul.f32 v22, v21;
	v22 =	vld [tilespmem:s29+$0x2670]  }
0x413: {  	v23 =	vmul.f32 v53, v23  }
0x414: {  	v57 =	vmul.f32 v55, v54  }
0x415: {  	v21 =	vmul.f32 v21, v16;
	v23 =	vmul.f32 v23, v17;
	_ =	sdelay $0x1  }
0x416: {  	v21 =	vadd.f32 v23, v21;
	v23 =	vmul.f32 v57, v18;
	v22 =	vmul.f32 v22, v56;
	_ =	sdelay $0x1  }
0x417: {  	v21 =	vadd.f32 v23, v21;
	v22 =	vmul.f32 v22, v19;
	_ =	sdelay $0x1  }
0x418: {  	v21 =	vadd.f32 v22, v21;
	_ =	sdelay $0x1  }
0x419: {  	[tilespmem:$0x4690] =	vst v21  }
0x41a: {  	v21 =	vld [tilespmem:s29+$0x680]  }
0x41b: {  	v22 =	vld [tilespmem:s29+$0x2680]  }
0x41c: {  	v23 =	vld [tilespmem:s29+$0x690]  }
0x41d: {  	v58 =	vld [tilespmem:s29+$0x2690]  }
0x41e: {  	v59 =	vld [tilespmem:s29+$0x6A0]  }
0x41f: {  	v60 =	vld [tilespmem:s29+$0x26A0];
	_ =	sdelay $0x1  }
0x420: {  	v61 =	vld [tilespmem:s29+$0x6B0]  }
0x421: {  	v21 =	vmul.f32 v22, v21;
	v22 =	vld [tilespmem:s29+$0x26B0]  }
0x422: {  	v23 =	vmul.f32 v58, v23  }
0x423: {  	v62 =	vmul.f32 v60, v59  }
0x424: {  	v21 =	vmul.f32 v21, v16;
	v23 =	vmul.f32 v23, v17;
	_ =	sdelay $0x1  }
0x425: {  	v21 =	vadd.f32 v23, v21;
	v23 =	vmul.f32 v62, v18;
	v22 =	vmul.f32 v22, v61;
	_ =	sdelay $0x1  }
0x426: {  	v21 =	vadd.f32 v23, v21;
	v22 =	vmul.f32 v22, v19;
	_ =	sdelay $0x1  }
0x427: {  	v21 =	vadd.f32 v22, v21;
	_ =	sdelay $0x1  }
0x428: {  	[tilespmem:$0x46A0] =	vst v21  }
0x429: {  	v21 =	vld [tilespmem:s29+$0x6C0]  }
0x42a: {  	v22 =	vld [tilespmem:s29+$0x26C0]  }
0x42b: {  	v23 =	vld [tilespmem:s29+$0x6D0]  }
0x42c: {  	v63 =	vld [tilespmem:s29+$0x26D0]  }
0x42d: {  	v30 =	vld [tilespmem:s29+$0x6E0]  }
0x42e: {  	v31 =	vld [tilespmem:s29+$0x26E0];
	_ =	sdelay $0x1  }
0x42f: {  	v32 =	vld [tilespmem:s29+$0x6F0]  }
0x430: {  	v21 =	vmul.f32 v22, v21;
	v22 =	vld [tilespmem:s29+$0x26F0]  }
0x431: {  	v23 =	vmul.f32 v63, v23  }
0x432: {  	v33 =	vmul.f32 v31, v30  }
0x433: {  	v21 =	vmul.f32 v21, v16;
	v23 =	vmul.f32 v23, v17;
	_ =	sdelay $0x1  }
0x434: {  	v21 =	vadd.f32 v23, v21;
	v23 =	vmul.f32 v33, v18;
	v22 =	vmul.f32 v22, v32;
	_ =	sdelay $0x1  }
0x435: {  	v21 =	vadd.f32 v23, v21;
	v22 =	vmul.f32 v22, v19;
	_ =	sdelay $0x1  }
0x436: {  	v21 =	vadd.f32 v22, v21;
	_ =	sdelay $0x1  }
0x437: {  	[tilespmem:$0x46B0] =	vst v21  }
0x438: {  	v21 =	vld [tilespmem:s29+$0x700]  }
0x439: {  	v22 =	vld [tilespmem:s29+$0x2700]  }
0x43a: {  	v23 =	vld [tilespmem:s29+$0x710]  }
0x43b: {  	v34 =	vld [tilespmem:s29+$0x2710]  }
0x43c: {  	v35 =	vld [tilespmem:s29+$0x720]  }
0x43d: {  	v36 =	vld [tilespmem:s29+$0x2720];
	_ =	sdelay $0x1  }
0x43e: {  	v37 =	vld [tilespmem:s29+$0x730]  }
0x43f: {  	v21 =	vmul.f32 v22, v21;
	v22 =	vld [tilespmem:s29+$0x2730]  }
0x440: {  	v23 =	vmul.f32 v34, v23  }
0x441: {  	v38 =	vmul.f32 v36, v35  }
0x442: {  	v21 =	vmul.f32 v21, v16;
	v23 =	vmul.f32 v23, v17;
	_ =	sdelay $0x1  }
0x443: {  	v21 =	vadd.f32 v23, v21;
	v23 =	vmul.f32 v38, v18;
	v22 =	vmul.f32 v22, v37;
	_ =	sdelay $0x1  }
0x444: {  	v21 =	vadd.f32 v23, v21;
	v22 =	vmul.f32 v22, v19;
	_ =	sdelay $0x1  }
0x445: {  	v21 =	vadd.f32 v22, v21;
	_ =	sdelay $0x1  }
0x446: {  	[tilespmem:$0x46C0] =	vst v21  }
0x447: {  	v21 =	vld [tilespmem:s29+$0x740]  }
0x448: {  	v22 =	vld [tilespmem:s29+$0x2740]  }
0x449: {  	v23 =	vld [tilespmem:s29+$0x750]  }
0x44a: {  	v39 =	vld [tilespmem:s29+$0x2750]  }
0x44b: {  	v40 =	vld [tilespmem:s29+$0x760]  }
0x44c: {  	v41 =	vld [tilespmem:s29+$0x2760];
	_ =	sdelay $0x1  }
0x44d: {  	v42 =	vld [tilespmem:s29+$0x770]  }
0x44e: {  	v21 =	vmul.f32 v22, v21;
	v22 =	vld [tilespmem:s29+$0x2770]  }
0x44f: {  	v23 =	vmul.f32 v39, v23  }
0x450: {  	v43 =	vmul.f32 v41, v40  }
0x451: {  	v21 =	vmul.f32 v21, v16;
	v23 =	vmul.f32 v23, v17;
	_ =	sdelay $0x1  }
0x452: {  	v21 =	vadd.f32 v23, v21;
	v23 =	vmul.f32 v43, v18;
	v22 =	vmul.f32 v22, v42;
	_ =	sdelay $0x1  }
0x453: {  	v21 =	vadd.f32 v23, v21;
	v22 =	vmul.f32 v22, v19;
	_ =	sdelay $0x1  }
0x454: {  	v21 =	vadd.f32 v22, v21;
	_ =	sdelay $0x1  }
0x455: {  	[tilespmem:$0x46D0] =	vst v21  }
0x456: {  	v21 =	vld [tilespmem:s29+$0x780]  }
0x457: {  	v22 =	vld [tilespmem:s29+$0x2780]  }
0x458: {  	v23 =	vld [tilespmem:s29+$0x790]  }
0x459: {  	v44 =	vld [tilespmem:s29+$0x2790]  }
0x45a: {  	v45 =	vld [tilespmem:s29+$0x7A0]  }
0x45b: {  	v46 =	vld [tilespmem:s29+$0x27A0];
	_ =	sdelay $0x1  }
0x45c: {  	v47 =	vld [tilespmem:s29+$0x7B0]  }
0x45d: {  	v21 =	vmul.f32 v22, v21;
	v22 =	vld [tilespmem:s29+$0x27B0]  }
0x45e: {  	v23 =	vmul.f32 v44, v23  }
0x45f: {  	v48 =	vmul.f32 v46, v45  }
0x460: {  	v21 =	vmul.f32 v21, v16;
	v23 =	vmul.f32 v23, v17;
	_ =	sdelay $0x1  }
0x461: {  	v21 =	vadd.f32 v23, v21;
	v23 =	vmul.f32 v48, v18;
	v22 =	vmul.f32 v22, v47;
	_ =	sdelay $0x1  }
0x462: {  	v21 =	vadd.f32 v23, v21;
	v22 =	vmul.f32 v22, v19;
	_ =	sdelay $0x1  }
0x463: {  	v21 =	vadd.f32 v22, v21;
	_ =	sdelay $0x1  }
0x464: {  	[tilespmem:$0x46E0] =	vst v21  }
0x465: {  	v21 =	vld [tilespmem:s29+$0x7C0]  }
0x466: {  	v22 =	vld [tilespmem:s29+$0x27C0]  }
0x467: {  	v23 =	vld [tilespmem:s29+$0x7D0]  }
0x468: {  	v49 =	vld [tilespmem:s29+$0x27D0]  }
0x469: {  	v50 =	vld [tilespmem:s29+$0x7E0]  }
0x46a: {  	v51 =	vld [tilespmem:s29+$0x27E0];
	_ =	sdelay $0x1  }
0x46b: {  	v52 =	vld [tilespmem:s29+$0x7F0]  }
0x46c: {  	v21 =	vmul.f32 v22, v21;
	v22 =	vld [tilespmem:s29+$0x27F0]  }
0x46d: {  	v23 =	vmul.f32 v49, v23  }
0x46e: {  	v53 =	vmul.f32 v51, v50  }
0x46f: {  	v21 =	vmul.f32 v21, v16;
	v23 =	vmul.f32 v23, v17;
	_ =	sdelay $0x1  }
0x470: {  	v21 =	vadd.f32 v23, v21;
	v23 =	vmul.f32 v53, v18;
	v22 =	vmul.f32 v22, v52;
	_ =	sdelay $0x1  }
0x471: {  	v21 =	vadd.f32 v23, v21;
	v22 =	vmul.f32 v22, v19;
	_ =	sdelay $0x1  }
0x472: {  	v21 =	vadd.f32 v22, v21;
	_ =	sdelay $0x1  }
0x473: {  	[tilespmem:$0x46F0] =	vst v21  }
0x474: {  	v21 =	vld.idx.msk [tilespmem:v0+s18+$0x0], $0xffff  }
0x475: {  	v22 =	vld.idx.msk [tilespmem:v1+s18+$0x0], $0xffff  }
0x476: {  	v23 =	vld.idx.msk [tilespmem:v2+s18+$0x0], $0xffff  }
0x477: {  	v54 =	vld.idx.msk [tilespmem:v3+s18+$0x0], $0xffff  }
0x478: {  	v55 =	vld.idx.msk [tilespmem:v4+s18+$0x0], $0xffff  }
0x479: {  	v56 =	vld.idx.msk [tilespmem:v5+s18+$0x0], $0xffff  }
0x47a: {  	v57 =	vld.idx.msk [tilespmem:v6+s18+$0x0], $0xffff  }
0x47b: {  	v28 =	vld.idx.msk [tilespmem:v7+s18+$0x0], $0xffff  }
0x47c: {  	v29 =	vld.idx.msk [tilespmem:v8+s18+$0x0], $0xffff  }
0x47d: {  	v30 =	vld.idx.msk [tilespmem:v9+s18+$0x0], $0xffff  }
0x47e: {  	v31 =	vld.idx.msk [tilespmem:v10+s18+$0x0], $0xffff  }
0x47f: {  	v32 =	vld.idx.msk [tilespmem:v11+s18+$0x0], $0xffff  }
0x480: {  	v33 =	vld.idx.msk [tilespmem:v12+s18+$0x0], $0xffff  }
0x481: {  	v34 =	vld.idx.msk [tilespmem:v13+s18+$0x0], $0xffff  }
0x482: {  	v35 =	vld.idx.msk [tilespmem:v14+s18+$0x0], $0xffff  }
0x483: {  	v36 =	vld.idx.msk [tilespmem:v15+s18+$0x0], $0xffff;
	_ =	sdelay $0x1  }
0x484: {  	v21 =	vadd.f32 v22, v21;
	v22 =	vadd.f32 v54, v23  }
0x485: {  	v23 =	vadd.f32 v56, v55;
	v58 =	vadd.f32 v28, v57  }
0x486: {  	v59 =	vadd.f32 v30, v29;
	v60 =	vadd.f32 v32, v31  }
0x487: {  	v61 =	vadd.f32 v34, v33;
	v62 =	vadd.f32 v36, v35  }
0x488: {  	v21 =	vadd.f32 v22, v21;
	v22 =	vadd.f32 v58, v23  }
0x489: {  	v23 =	vadd.f32 v60, v59;
	v63 =	vadd.f32 v62, v61;
	_ =	sdelay $0x1  }
0x48a: {  	v21 =	vadd.f32 v22, v21;
	v22 =	vadd.f32 v63, v23;
	_ =	sdelay $0x1  }
0x48b: {  	v21 =	vadd.f32 v22, v21;
	_ =	sdelay $0x1  }
0x48c: {  	v21 =	vadd.f32 v21, v20;
	_ =	sdelay $0x1  }
0x48d: {  	v21 =	vsub.f32 $0.0e+00, v21;
	_ =	sdelay $0x1  }
0x48e: {  	v21 =	vmul.f32 $1.442695020e+00, v21;
	_ =	sdelay $0x1  }
0x48f: {  	(erf) = vpow2.f32 v21;
	_ =	sdelay $0x8  }
0x490: {  	v21 =	vpop (erf)  }
0x491: {  	v21 =	vadd.f32 $1.000000000e+00, v21;
	_ =	sdelay $0x1  }
0x492: {  	(erf) = vrcp.f32 v21;
	_ =	sdelay $0x4  }
0x493: {  	p0 =	sne.s32 s26, $0x7000  }
.Ltmp3:
0x494: {  	_ = 	snop;
	(pc) =	sbr.rel @p0 .LBB2_8-.Ltmp3, $3  }
0x495: {  	_ =	sdelay $0x1  }
0x496: {  	v21 =	vpop (erf)  }
0x497: {  	s26 =	sadd.s32 $0x1000, s26;
	[tilespmem:s28+$0x0] =	vst v21;
	s28 =	sadd.s32 $0x10, s28  }
0x498: {  	s25 =	sadd.s32 $0x1, s25  }
0x499: {  	p0 =	sne.s32 s25, s9  }
.Ltmp4:
0x49a: {  	_ = 	snop;
	(pc) =	sbr.rel @p0 .LBB2_1-.Ltmp4, $4  }
0x49b: {  	[hbm4b:s8+s2] =	stream.linear.scatter [tilespmem:s24], [sflag:$0x3], $0x200, $0x38;
	[tilespmem:$0x4750] =	vst v63  }
0x49c: {  	_ =	swait.ge [sflag:s10], $0x200  }
0x49d: {  	[sflag:s10] =	ssyncset.done $0x0  }
0x49e: {  	[sflag:s10] =	ssyncadd.s32 $0xFFFFFE00  }
0x49f: {  	_ =	sfence.sel $0x180000  }
0x4a0: {  	[bflag:$0x0] =	sbarrier.arrive $0xFFFF  }
0x4a1: {  	p0 =	sne.s32 s1, $0x0;
	_ =	strace $0x90000047  }
0x4a2: {  	s0 =	sadd.s32 @!p0 $0x100000, s0;
	[bflag:$0x2] =	sbarrier.arrive $0xFFFF  }
0x4a3: {  	[sflag:s0] =	ssyncadd.tile.s32 @!p0 $0x1;
	_ =	shalt  }
.Lfunc_end2:
_tile_overlayer_lowered:
.L_overlay_start_2:
0x4a4: {  	(tag) =	ssettag $0x2  }
0x4a5: {  	s0 =	rddreg [dreg:$0x0];
	s2 =	stileid.u32  }
0x4a6: {  	s1 =	rddreg [dreg:$0x1];
	p0 =	sne.s32 s2, $0x0  }
0x4a7: {  	s3 =	rddreg [dreg:$0x2];
	[bflag:$0x3] =	sbarrier.arrive $0xFFFF;
	s2 =	simm.s32 @!p0 $0x1C03  }
0x4a8: {  	[timem:s3], [sflag:s2] =	dma.local @!p0 [hbm:s0], s1  }
0x4a9: {  	s0 =	simm.s32 @!p0 $0x3  }
0x4aa: {  	_ =	swait.ge @!p0 [sflag:s0], s1  }
0x4ab: {  	s1 =	ssub.s32 @!p0 $0x0, s1;
	[sflag:s0] =	ssyncset.done @!p0 $0x0  }
0x4ac: {  	[sflag:s0] =	ssyncadd.s32 @!p0 s1  }
0x4ad: {  	[bflag:$0x3] =	sbarrier.arrive $0xFFFF  }
0x4ae: {  	_ =	shalt  }

</sc_bundles>
